<compile_context>
chip_gen: v7x
topology: tpu7x:2x2x1
jax: 0.10.2.dev20260603
libtpu: 0.0.44.dev20260713+nightly
codegen_flags: <defaults>
</compile_context>

<pallas_src>
import functools
import math

import jax
import jax.numpy as jnp
from jax import lax
from jax.experimental import pallas as pl
from jax.experimental.pallas import tpu as pltpu
from jax.experimental.pallas import tpu_sc as plsc

VOCAB = 1000000
D = 64
BATCH = 16384
HIST = 50
SCALE = math.sqrt(D)

NC = 2
NS = 16
NW = NC * NS

BPW = BATCH // NW
NB = 4
NGB = 4
STEPS = BPW // NB


def _sc_body(table_hbm, x_hbm, out_hbm,
             idx_v, ga, gb, gc, gd, sa, sb,
             gsem_a, gsem_b, gsem_c, gsem_d, ssem_a, ssem_b):
    wid = lax.axis_index("s") * NC + lax.axis_index("c")
    b0 = wid * BPW

    pltpu.sync_copy(x_hbm.at[pl.ds(b0, BPW)], idx_v)

    tail_mult = jnp.where(lax.iota(jnp.int32, 16) >= 14, 2, 1)

    @plsc.parallel_loop(0, BPW, unroll=4)
    def dbl(r):
        for j in range(HIST // 16):
            sl = pl.ds(16 * j, 16)
            idx_v[r, sl] = idx_v[r, sl] * 2
        tl = pl.ds(HIST - 16, 16)
        idx_v[r, tl] = idx_v[r, tl] * tail_mult

    gbufs = (ga, gb, gc, gd)
    sbufs = (sa, sb)
    gsems = (gsem_a, gsem_b, gsem_c, gsem_d)
    ssems = (ssem_a, ssem_b)

    def gather_start(s, b):
        for n in range(NB):
            pltpu.async_copy(
                table_hbm.at[idx_v.at[s * NB + n]], gbufs[b].at[n], gsems[b])

    def gather_wait(s, b):
        for n in range(NB):
            pltpu.make_async_copy(
                table_hbm.at[idx_v.at[s * NB + n]], gbufs[b].at[n],
                gsems[b]).wait()

    for b in range(NGB):
        gather_start(b, b)

    def quad(i, _):
        for b in range(NGB):
            s = NGB * i + b
            sb_ = b & 1
            gather_wait(s, b)

            @pl.when(s >= 2)
            def _():
                pltpu.make_async_copy(
                    sbufs[sb_], out_hbm.at[pl.ds(b0 + (s - 2) * NB, NB)],
                    ssems[sb_]).wait()

            for n in range(NB):

                @plsc.parallel_loop(0, HIST, unroll=5)
                def row(r, n=n):
                    for j in range(D // 16):
                        sl = pl.ds(16 * j, 16)
                        sbufs[sb_][n, r, sl] = gbufs[b][n, r, sl] * SCALE

            pltpu.async_copy(
                sbufs[sb_], out_hbm.at[pl.ds(b0 + s * NB, NB)], ssems[sb_])

            @pl.when(i < STEPS // NGB - 1)
            def _():
                gather_start(s + NGB, b)
        return _

    lax.fori_loop(0, STEPS // NGB, quad, None)

    for sb_ in range(2):
        s = STEPS - 2 + sb_
        pltpu.make_async_copy(
            sbufs[s & 1], out_hbm.at[pl.ds(b0 + s * NB, NB)],
            ssems[s & 1]).wait()


@jax.jit
def kernel(x, table):
    mesh = plsc.VectorSubcoreMesh(
        core_axis_name="c", subcore_axis_name="s",
        num_cores=NC, num_subcores=NS)
    run = pl.kernel(
        _sc_body,
        out_type=jax.ShapeDtypeStruct((BATCH, HIST, D), jnp.float32),
        mesh=mesh,
        scratch_types=[
            pltpu.VMEM((BPW, HIST), jnp.int32),
            pltpu.VMEM((NB, HIST, D), jnp.float32),
            pltpu.VMEM((NB, HIST, D), jnp.float32),
            pltpu.VMEM((NB, HIST, D), jnp.float32),
            pltpu.VMEM((NB, HIST, D), jnp.float32),
            pltpu.VMEM((NB, HIST, D), jnp.float32),
            pltpu.VMEM((NB, HIST, D), jnp.float32),
            pltpu.SemaphoreType.DMA,
            pltpu.SemaphoreType.DMA,
            pltpu.SemaphoreType.DMA,
            pltpu.SemaphoreType.DMA,
            pltpu.SemaphoreType.DMA,
            pltpu.SemaphoreType.DMA,
        ],
        compiler_params=pltpu.CompilerParams(use_tc_tiling_on_sc=False),
    )
    tp = jnp.pad(table, ((0, 0), (0, D))).reshape(2 * VOCAB, D)
    return run(tp, x)

# --- scband reference (transcript-rebuilt; emitter-appended) ---
"""Pipeline reference for scband-scaled-embedding-80925773791287 (READ-ONLY COPY).

The authoritative reference and input builder live on the scoring server;
editing this copy changes nothing except your own understanding.
"""

import jax, jax.numpy as jnp
import numpy as np
import math

VOCAB = 1000000
D_MODEL = 64
BATCH = 16384
HIST = 50

def setup_inputs(seed: int = 0) -> dict:
    key = jax.random.key(seed)
    k1, k2 = jax.random.split(key)
    x = jax.random.randint(k1, (BATCH, HIST), 0, VOCAB, dtype=jnp.int64 if jax.config.jax_enable_x64 else jnp.int32)
    table = jax.random.normal(k2, (VOCAB, D_MODEL), dtype=jnp.float32) * 0.02
    return {"x": x, "table": table}

def reference(x, table):
    # nn.Embedding lookup followed by sqrt(d_model) scaling
    emb = jnp.take(table, x, axis=0)
    return emb * math.sqrt(D_MODEL)

if __name__ == "__main__":
    import jax
    _d = setup_inputs()
    print(jax.jit(kernel)(*tuple(_d.values())))

</pallas_src>

<mosaic_0001>
#map = affine_map<(d0, d1) -> (0, 0)>
#map1 = affine_map<(d0, d1) -> (0, 0, 0)>
module attributes {stable_mosaic.version = 14 : i64} {
  func.func @_sc_body(%arg0: i32, %arg1: i32, %arg2: memref<2000000x64xf32, #tpu.memory_space<hbm>>, %arg3: memref<16384x50xi32, #tpu.memory_space<hbm>>, %arg4: memref<16384x50x64xf32, #tpu.memory_space<hbm>>, %arg5: memref<512x50xi32, #tpu.memory_space<vmem>>, %arg6: memref<4x50x64xf32, #tpu.memory_space<vmem>>, %arg7: memref<4x50x64xf32, #tpu.memory_space<vmem>>, %arg8: memref<4x50x64xf32, #tpu.memory_space<vmem>>, %arg9: memref<4x50x64xf32, #tpu.memory_space<vmem>>, %arg10: memref<4x50x64xf32, #tpu.memory_space<vmem>>, %arg11: memref<4x50x64xf32, #tpu.memory_space<vmem>>, %arg12: memref<!tpu.dma_semaphore, #tpu.memory_space<semaphore_mem>>, %arg13: memref<!tpu.dma_semaphore, #tpu.memory_space<semaphore_mem>>, %arg14: memref<!tpu.dma_semaphore, #tpu.memory_space<semaphore_mem>>, %arg15: memref<!tpu.dma_semaphore, #tpu.memory_space<semaphore_mem>>, %arg16: memref<!tpu.dma_semaphore, #tpu.memory_space<semaphore_mem>>, %arg17: memref<!tpu.dma_semaphore, #tpu.memory_space<semaphore_mem>>) attributes {dimension_semantics = [#tpu.dimension_semantics<core_parallel>, #tpu.dimension_semantics<subcore_parallel>], iteration_bounds = array<i64: 2, 16>, scalar_prefetch = 0 : i64, scratch_operands = 13 : i64, tpu.core_type = #tpu.core_type<sc_vector_subcore>, window_params = [{transform_indices = #map}, {transform_indices = #map}, {transform_indices = #map1}]} {
    %mul3A = arith.constant 2 : i32
    %mul3A_0 = arith.muli %arg1, %mul3A : i32
    %add3A = arith.addi %mul3A_0, %arg0 : i32
    %mul3A_1 = arith.constant 512 : i32
    %mul3A_2 = arith.muli %add3A, %mul3A_1 : i32
    "tpu.region"() ({
      %run_scoped3A = tpu.sem_alloc : memref<!tpu.dma_semaphore, #tpu.memory_space<semaphore_mem>>
      %dma_start3A_219 = arith.constant 0 : i32
      %dma_start3A_220 = tpu.memref_slice %arg3[%mul3A_2, %dma_start3A_219] : memref<16384x50xi32, #tpu.memory_space<hbm>> -> memref<512x50xi32, #tpu.memory_space<hbm>>
      %dma_start3A_221 = arith.constant 0 : i32
      %dma_start3A_222 = tpu.memref_slice %arg3[%mul3A_2, %dma_start3A_221] : memref<16384x50xi32, #tpu.memory_space<hbm>> -> memref<512x50xi32, #tpu.memory_space<hbm>>
      tpu.enqueue_dma source(%dma_start3A_222 : memref<512x50xi32, #tpu.memory_space<hbm>>) target(%arg5 : memref<512x50xi32, #tpu.memory_space<vmem>>) target_semaphore(%run_scoped3A : memref<!tpu.dma_semaphore, #tpu.memory_space<semaphore_mem>>)
      %dma_wait3A_223 = arith.constant 0 : i32
      %dma_wait3A_224 = tpu.memref_slice %arg3[%mul3A_2, %dma_wait3A_223] : memref<16384x50xi32, #tpu.memory_space<hbm>> -> memref<512x50xi32, #tpu.memory_space<hbm>>
      %dma_wait3A_225 = arith.constant 0 : i32
      %dma_wait3A_226 = tpu.memref_slice %arg3[%mul3A_2, %dma_wait3A_225] : memref<16384x50xi32, #tpu.memory_space<hbm>> -> memref<512x50xi32, #tpu.memory_space<hbm>>
      tpu.wait_dma2 semaphore(%run_scoped3A : memref<!tpu.dma_semaphore, #tpu.memory_space<semaphore_mem>>) src(%dma_wait3A_226 : memref<512x50xi32, #tpu.memory_space<hbm>>) dst(%arg5 : memref<512x50xi32, #tpu.memory_space<vmem>>)
      tpu.yield
    }) : () -> ()
    %iota3A = tpu.iota {dimensions = array<i32: 0>} : vector<16xi32>
    %ge3A = arith.constant 14 : i32
    %ge3A_3 = vector.broadcast %ge3A : i32 to vector<16xi32>
    %ge3A_4 = arith.cmpi sge, %iota3A, %ge3A_3 : vector<16xi32>
    %jit3A = arith.constant 2 : i32
    %jit3A_5 = arith.constant 1 : i32
    %broadcast_in_dim3A = vector.broadcast %jit3A : i32 to vector<16xi32>
    %broadcast_in_dim3A_6 = vector.broadcast %jit3A_5 : i32 to vector<16xi32>
    %select_n3A = arith.select %ge3A_4, %broadcast_in_dim3A, %broadcast_in_dim3A_6 : vector<16xi1>, vector<16xi32>
    %parallel_loop3A = arith.constant 0 : i32
    %parallel_loop3A_7 = arith.constant 512 : i32
    %parallel_loop3A_8 = arith.constant 1 : i32
    scf.for %parallel_loop3A_219 = %parallel_loop3A to %parallel_loop3A_7 step %parallel_loop3A_8  : i32 {
      %parallel_loop3A_220 = arith.index_cast %parallel_loop3A_219 : i32 to index
      %parallel_loop3A_221 = arith.constant 0 : index
      %parallel_loop3A_222 = tpu.vector_load %arg5[%parallel_loop3A_220, %parallel_loop3A_221] {strides = array<i32>} : memref<512x50xi32, #tpu.memory_space<vmem>>, vector<1x16xi32>,
      %parallel_loop3A_223 = vector.shape_cast %parallel_loop3A_222 : vector<1x16xi32> to vector<16xi32>
      %parallel_loop3A_224 = arith.constant 2 : i32
      %parallel_loop3A_225 = vector.broadcast %parallel_loop3A_224 : i32 to vector<16xi32>
      %parallel_loop3A_226 = arith.muli %parallel_loop3A_223, %parallel_loop3A_225 : vector<16xi32>
      %parallel_loop3A_227 = arith.index_cast %parallel_loop3A_219 : i32 to index
      %parallel_loop3A_228 = arith.constant 0 : index
      %parallel_loop3A_229 = tpu.vector_load %arg5[%parallel_loop3A_227, %parallel_loop3A_228] {strides = array<i32>} : memref<512x50xi32, #tpu.memory_space<vmem>>, vector<1x16xi32>,
      %parallel_loop3A_230 = vector.shape_cast %parallel_loop3A_229 : vector<1x16xi32> to vector<16xi32>
      %parallel_loop3A_231 = vector.shape_cast %parallel_loop3A_226 : vector<16xi32> to vector<1x16xi32>
      tpu.vector_store %arg5[%parallel_loop3A_227, %parallel_loop3A_228], %parallel_loop3A_231 {strides = array<i32>} : memref<512x50xi32, #tpu.memory_space<vmem>>, vector<1x16xi32>,
      %parallel_loop3A_232 = arith.index_cast %parallel_loop3A_219 : i32 to index
      %parallel_loop3A_233 = arith.constant 16 : index
      %parallel_loop3A_234 = tpu.vector_load %arg5[%parallel_loop3A_232, %parallel_loop3A_233] {strides = array<i32>} : memref<512x50xi32, #tpu.memory_space<vmem>>, vector<1x16xi32>,
      %parallel_loop3A_235 = vector.shape_cast %parallel_loop3A_234 : vector<1x16xi32> to vector<16xi32>
      %parallel_loop3A_236 = arith.constant 2 : i32
      %parallel_loop3A_237 = vector.broadcast %parallel_loop3A_236 : i32 to vector<16xi32>
      %parallel_loop3A_238 = arith.muli %parallel_loop3A_235, %parallel_loop3A_237 : vector<16xi32>
      %parallel_loop3A_239 = arith.index_cast %parallel_loop3A_219 : i32 to index
      %parallel_loop3A_240 = arith.constant 16 : index
      %parallel_loop3A_241 = tpu.vector_load %arg5[%parallel_loop3A_239, %parallel_loop3A_240] {strides = array<i32>} : memref<512x50xi32, #tpu.memory_space<vmem>>, vector<1x16xi32>,
      %parallel_loop3A_242 = vector.shape_cast %parallel_loop3A_241 : vector<1x16xi32> to vector<16xi32>
      %parallel_loop3A_243 = vector.shape_cast %parallel_loop3A_238 : vector<16xi32> to vector<1x16xi32>
      tpu.vector_store %arg5[%parallel_loop3A_239, %parallel_loop3A_240], %parallel_loop3A_243 {strides = array<i32>} : memref<512x50xi32, #tpu.memory_space<vmem>>, vector<1x16xi32>,
      %parallel_loop3A_244 = arith.index_cast %parallel_loop3A_219 : i32 to index
      %parallel_loop3A_245 = arith.constant 32 : index
      %parallel_loop3A_246 = tpu.vector_load %arg5[%parallel_loop3A_244, %parallel_loop3A_245] {strides = array<i32>} : memref<512x50xi32, #tpu.memory_space<vmem>>, vector<1x16xi32>,
      %parallel_loop3A_247 = vector.shape_cast %parallel_loop3A_246 : vector<1x16xi32> to vector<16xi32>
      %parallel_loop3A_248 = arith.constant 2 : i32
      %parallel_loop3A_249 = vector.broadcast %parallel_loop3A_248 : i32 to vector<16xi32>
      %parallel_loop3A_250 = arith.muli %parallel_loop3A_247, %parallel_loop3A_249 : vector<16xi32>
      %parallel_loop3A_251 = arith.index_cast %parallel_loop3A_219 : i32 to index
      %parallel_loop3A_252 = arith.constant 32 : index
      %parallel_loop3A_253 = tpu.vector_load %arg5[%parallel_loop3A_251, %parallel_loop3A_252] {strides = array<i32>} : memref<512x50xi32, #tpu.memory_space<vmem>>, vector<1x16xi32>,
      %parallel_loop3A_254 = vector.shape_cast %parallel_loop3A_253 : vector<1x16xi32> to vector<16xi32>
      %parallel_loop3A_255 = vector.shape_cast %parallel_loop3A_250 : vector<16xi32> to vector<1x16xi32>
      tpu.vector_store %arg5[%parallel_loop3A_251, %parallel_loop3A_252], %parallel_loop3A_255 {strides = array<i32>} : memref<512x50xi32, #tpu.memory_space<vmem>>, vector<1x16xi32>,
      %parallel_loop3A_256 = arith.index_cast %parallel_loop3A_219 : i32 to index
      %parallel_loop3A_257 = arith.constant 34 : index
      %parallel_loop3A_258 = tpu.vector_load %arg5[%parallel_loop3A_256, %parallel_loop3A_257] {strides = array<i32>} : memref<512x50xi32, #tpu.memory_space<vmem>>, vector<1x16xi32>,
      %parallel_loop3A_259 = vector.shape_cast %parallel_loop3A_258 : vector<1x16xi32> to vector<16xi32>
      %parallel_loop3A_260 = arith.muli %parallel_loop3A_259, %select_n3A : vector<16xi32>
      %parallel_loop3A_261 = arith.index_cast %parallel_loop3A_219 : i32 to index
      %parallel_loop3A_262 = arith.constant 34 : index
      %parallel_loop3A_263 = tpu.vector_load %arg5[%parallel_loop3A_261, %parallel_loop3A_262] {strides = array<i32>} : memref<512x50xi32, #tpu.memory_space<vmem>>, vector<1x16xi32>,
      %parallel_loop3A_264 = vector.shape_cast %parallel_loop3A_263 : vector<1x16xi32> to vector<16xi32>
      %parallel_loop3A_265 = vector.shape_cast %parallel_loop3A_260 : vector<16xi32> to vector<1x16xi32>
      tpu.vector_store %arg5[%parallel_loop3A_261, %parallel_loop3A_262], %parallel_loop3A_265 {strides = array<i32>} : memref<512x50xi32, #tpu.memory_space<vmem>>, vector<1x16xi32>,
    } {sc.loop_unroll_factor = 4 : i64, sc.parallel_access}
    %dma_start3A = arith.constant 0 : i32
    %dma_start3A_9 = arith.constant 0 : i32
    %dma_start3A_10 = arith.constant 0 : i32
    %dma_start3A_11 = arith.constant 0 : i32
    %dma_start3A_12 = tpu.memref_slice %arg6[%dma_start3A_9, %dma_start3A_10, %dma_start3A_11] : memref<4x50x64xf32, #tpu.memory_space<vmem>> -> memref<1x50x64xf32, #tpu.memory_space<vmem>>
    %dma_start3A_13 = tpu.memref_squeeze %dma_start3A_12 : memref<1x50x64xf32, #tpu.memory_space<vmem>> -> memref<50x64xf32, #tpu.memory_space<vmem>>
    %dma_start3A_14 = arith.constant 0 : i32
    %dma_start3A_15 = tpu.memref_slice %arg5[%dma_start3A, %dma_start3A_14] : memref<512x50xi32, #tpu.memory_space<vmem>> -> memref<1x50xi32, #tpu.memory_space<vmem>>
    %dma_start3A_16 = tpu.memref_squeeze %dma_start3A_15 : memref<1x50xi32, #tpu.memory_space<vmem>> -> memref<50xi32, #tpu.memory_space<vmem>>
    %dma_start3A_17 = arith.constant 0 : i32
    %dma_start3A_18 = arith.constant 0 : i32
    %dma_start3A_19 = tpu.memref_slice %arg2[%dma_start3A_17, %dma_start3A_18] : memref<2000000x64xf32, #tpu.memory_space<hbm>> -> memref<2000000x64xf32, #tpu.memory_space<hbm>>
    tpu.enqueue_indirect_dma source(%dma_start3A_19 : memref<2000000x64xf32, #tpu.memory_space<hbm>>) target(%dma_start3A_13 : memref<50x64xf32, #tpu.memory_space<vmem>>) offsets(%dma_start3A_16 : memref<50xi32, #tpu.memory_space<vmem>>) semaphore(%arg12 : memref<!tpu.dma_semaphore, #tpu.memory_space<semaphore_mem>>)
    %dma_start3A_20 = arith.constant 1 : i32
    %dma_start3A_21 = arith.constant 1 : i32
    %dma_start3A_22 = arith.constant 0 : i32
    %dma_start3A_23 = arith.constant 0 : i32
    %dma_start3A_24 = tpu.memref_slice %arg6[%dma_start3A_21, %dma_start3A_22, %dma_start3A_23] : memref<4x50x64xf32, #tpu.memory_space<vmem>> -> memref<1x50x64xf32, #tpu.memory_space<vmem>>
    %dma_start3A_25 = tpu.memref_squeeze %dma_start3A_24 : memref<1x50x64xf32, #tpu.memory_space<vmem>> -> memref<50x64xf32, #tpu.memory_space<vmem>>
    %dma_start3A_26 = arith.constant 0 : i32
    %dma_start3A_27 = tpu.memref_slice %arg5[%dma_start3A_20, %dma_start3A_26] : memref<512x50xi32, #tpu.memory_space<vmem>> -> memref<1x50xi32, #tpu.memory_space<vmem>>
    %dma_start3A_28 = tpu.memref_squeeze %dma_start3A_27 : memref<1x50xi32, #tpu.memory_space<vmem>> -> memref<50xi32, #tpu.memory_space<vmem>>
    %dma_start3A_29 = arith.constant 0 : i32
    %dma_start3A_30 = arith.constant 0 : i32
    %dma_start3A_31 = tpu.memref_slice %arg2[%dma_start3A_29, %dma_start3A_30] : memref<2000000x64xf32, #tpu.memory_space<hbm>> -> memref<2000000x64xf32, #tpu.memory_space<hbm>>
    tpu.enqueue_indirect_dma source(%dma_start3A_31 : memref<2000000x64xf32, #tpu.memory_space<hbm>>) target(%dma_start3A_25 : memref<50x64xf32, #tpu.memory_space<vmem>>) offsets(%dma_start3A_28 : memref<50xi32, #tpu.memory_space<vmem>>) semaphore(%arg12 : memref<!tpu.dma_semaphore, #tpu.memory_space<semaphore_mem>>)
    %dma_start3A_32 = arith.constant 2 : i32
    %dma_start3A_33 = arith.constant 2 : i32
    %dma_start3A_34 = arith.constant 0 : i32
    %dma_start3A_35 = arith.constant 0 : i32
    %dma_start3A_36 = tpu.memref_slice %arg6[%dma_start3A_33, %dma_start3A_34, %dma_start3A_35] : memref<4x50x64xf32, #tpu.memory_space<vmem>> -> memref<1x50x64xf32, #tpu.memory_space<vmem>>
    %dma_start3A_37 = tpu.memref_squeeze %dma_start3A_36 : memref<1x50x64xf32, #tpu.memory_space<vmem>> -> memref<50x64xf32, #tpu.memory_space<vmem>>
    %dma_start3A_38 = arith.constant 0 : i32
    %dma_start3A_39 = tpu.memref_slice %arg5[%dma_start3A_32, %dma_start3A_38] : memref<512x50xi32, #tpu.memory_space<vmem>> -> memref<1x50xi32, #tpu.memory_space<vmem>>
    %dma_start3A_40 = tpu.memref_squeeze %dma_start3A_39 : memref<1x50xi32, #tpu.memory_space<vmem>> -> memref<50xi32, #tpu.memory_space<vmem>>
    %dma_start3A_41 = arith.constant 0 : i32
    %dma_start3A_42 = arith.constant 0 : i32
    %dma_start3A_43 = tpu.memref_slice %arg2[%dma_start3A_41, %dma_start3A_42] : memref<2000000x64xf32, #tpu.memory_space<hbm>> -> memref<2000000x64xf32, #tpu.memory_space<hbm>>
    tpu.enqueue_indirect_dma source(%dma_start3A_43 : memref<2000000x64xf32, #tpu.memory_space<hbm>>) target(%dma_start3A_37 : memref<50x64xf32, #tpu.memory_space<vmem>>) offsets(%dma_start3A_40 : memref<50xi32, #tpu.memory_space<vmem>>) semaphore(%arg12 : memref<!tpu.dma_semaphore, #tpu.memory_space<semaphore_mem>>)
    %dma_start3A_44 = arith.constant 3 : i32
    %dma_start3A_45 = arith.constant 3 : i32
    %dma_start3A_46 = arith.constant 0 : i32
    %dma_start3A_47 = arith.constant 0 : i32
    %dma_start3A_48 = tpu.memref_slice %arg6[%dma_start3A_45, %dma_start3A_46, %dma_start3A_47] : memref<4x50x64xf32, #tpu.memory_space<vmem>> -> memref<1x50x64xf32, #tpu.memory_space<vmem>>
    %dma_start3A_49 = tpu.memref_squeeze %dma_start3A_48 : memref<1x50x64xf32, #tpu.memory_space<vmem>> -> memref<50x64xf32, #tpu.memory_space<vmem>>
    %dma_start3A_50 = arith.constant 0 : i32
    %dma_start3A_51 = tpu.memref_slice %arg5[%dma_start3A_44, %dma_start3A_50] : memref<512x50xi32, #tpu.memory_space<vmem>> -> memref<1x50xi32, #tpu.memory_space<vmem>>
    %dma_start3A_52 = tpu.memref_squeeze %dma_start3A_51 : memref<1x50xi32, #tpu.memory_space<vmem>> -> memref<50xi32, #tpu.memory_space<vmem>>
    %dma_start3A_53 = arith.constant 0 : i32
    %dma_start3A_54 = arith.constant 0 : i32
    %dma_start3A_55 = tpu.memref_slice %arg2[%dma_start3A_53, %dma_start3A_54] : memref<2000000x64xf32, #tpu.memory_space<hbm>> -> memref<2000000x64xf32, #tpu.memory_space<hbm>>
    tpu.enqueue_indirect_dma source(%dma_start3A_55 : memref<2000000x64xf32, #tpu.memory_space<hbm>>) target(%dma_start3A_49 : memref<50x64xf32, #tpu.memory_space<vmem>>) offsets(%dma_start3A_52 : memref<50xi32, #tpu.memory_space<vmem>>) semaphore(%arg12 : memref<!tpu.dma_semaphore, #tpu.memory_space<semaphore_mem>>)
    %dma_start3A_56 = arith.constant 4 : i32
    %dma_start3A_57 = arith.constant 0 : i32
    %dma_start3A_58 = arith.constant 0 : i32
    %dma_start3A_59 = arith.constant 0 : i32
    %dma_start3A_60 = tpu.memref_slice %arg7[%dma_start3A_57, %dma_start3A_58, %dma_start3A_59] : memref<4x50x64xf32, #tpu.memory_space<vmem>> -> memref<1x50x64xf32, #tpu.memory_space<vmem>>
    %dma_start3A_61 = tpu.memref_squeeze %dma_start3A_60 : memref<1x50x64xf32, #tpu.memory_space<vmem>> -> memref<50x64xf32, #tpu.memory_space<vmem>>
    %dma_start3A_62 = arith.constant 0 : i32
    %dma_start3A_63 = tpu.memref_slice %arg5[%dma_start3A_56, %dma_start3A_62] : memref<512x50xi32, #tpu.memory_space<vmem>> -> memref<1x50xi32, #tpu.memory_space<vmem>>
    %dma_start3A_64 = tpu.memref_squeeze %dma_start3A_63 : memref<1x50xi32, #tpu.memory_space<vmem>> -> memref<50xi32, #tpu.memory_space<vmem>>
    %dma_start3A_65 = arith.constant 0 : i32
    %dma_start3A_66 = arith.constant 0 : i32
    %dma_start3A_67 = tpu.memref_slice %arg2[%dma_start3A_65, %dma_start3A_66] : memref<2000000x64xf32, #tpu.memory_space<hbm>> -> memref<2000000x64xf32, #tpu.memory_space<hbm>>
    tpu.enqueue_indirect_dma source(%dma_start3A_67 : memref<2000000x64xf32, #tpu.memory_space<hbm>>) target(%dma_start3A_61 : memref<50x64xf32, #tpu.memory_space<vmem>>) offsets(%dma_start3A_64 : memref<50xi32, #tpu.memory_space<vmem>>) semaphore(%arg13 : memref<!tpu.dma_semaphore, #tpu.memory_space<semaphore_mem>>)
    %dma_start3A_68 = arith.constant 5 : i32
    %dma_start3A_69 = arith.constant 1 : i32
    %dma_start3A_70 = arith.constant 0 : i32
    %dma_start3A_71 = arith.constant 0 : i32
    %dma_start3A_72 = tpu.memref_slice %arg7[%dma_start3A_69, %dma_start3A_70, %dma_start3A_71] : memref<4x50x64xf32, #tpu.memory_space<vmem>> -> memref<1x50x64xf32, #tpu.memory_space<vmem>>
    %dma_start3A_73 = tpu.memref_squeeze %dma_start3A_72 : memref<1x50x64xf32, #tpu.memory_space<vmem>> -> memref<50x64xf32, #tpu.memory_space<vmem>>
    %dma_start3A_74 = arith.constant 0 : i32
    %dma_start3A_75 = tpu.memref_slice %arg5[%dma_start3A_68, %dma_start3A_74] : memref<512x50xi32, #tpu.memory_space<vmem>> -> memref<1x50xi32, #tpu.memory_space<vmem>>
    %dma_start3A_76 = tpu.memref_squeeze %dma_start3A_75 : memref<1x50xi32, #tpu.memory_space<vmem>> -> memref<50xi32, #tpu.memory_space<vmem>>
    %dma_start3A_77 = arith.constant 0 : i32
    %dma_start3A_78 = arith.constant 0 : i32
    %dma_start3A_79 = tpu.memref_slice %arg2[%dma_start3A_77, %dma_start3A_78] : memref<2000000x64xf32, #tpu.memory_space<hbm>> -> memref<2000000x64xf32, #tpu.memory_space<hbm>>
    tpu.enqueue_indirect_dma source(%dma_start3A_79 : memref<2000000x64xf32, #tpu.memory_space<hbm>>) target(%dma_start3A_73 : memref<50x64xf32, #tpu.memory_space<vmem>>) offsets(%dma_start3A_76 : memref<50xi32, #tpu.memory_space<vmem>>) semaphore(%arg13 : memref<!tpu.dma_semaphore, #tpu.memory_space<semaphore_mem>>)
    %dma_start3A_80 = arith.constant 6 : i32
    %dma_start3A_81 = arith.constant 2 : i32
    %dma_start3A_82 = arith.constant 0 : i32
    %dma_start3A_83 = arith.constant 0 : i32
    %dma_start3A_84 = tpu.memref_slice %arg7[%dma_start3A_81, %dma_start3A_82, %dma_start3A_83] : memref<4x50x64xf32, #tpu.memory_space<vmem>> -> memref<1x50x64xf32, #tpu.memory_space<vmem>>
    %dma_start3A_85 = tpu.memref_squeeze %dma_start3A_84 : memref<1x50x64xf32, #tpu.memory_space<vmem>> -> memref<50x64xf32, #tpu.memory_space<vmem>>
    %dma_start3A_86 = arith.constant 0 : i32
    %dma_start3A_87 = tpu.memref_slice %arg5[%dma_start3A_80, %dma_start3A_86] : memref<512x50xi32, #tpu.memory_space<vmem>> -> memref<1x50xi32, #tpu.memory_space<vmem>>
    %dma_start3A_88 = tpu.memref_squeeze %dma_start3A_87 : memref<1x50xi32, #tpu.memory_space<vmem>> -> memref<50xi32, #tpu.memory_space<vmem>>
    %dma_start3A_89 = arith.constant 0 : i32
    %dma_start3A_90 = arith.constant 0 : i32
    %dma_start3A_91 = tpu.memref_slice %arg2[%dma_start3A_89, %dma_start3A_90] : memref<2000000x64xf32, #tpu.memory_space<hbm>> -> memref<2000000x64xf32, #tpu.memory_space<hbm>>
    tpu.enqueue_indirect_dma source(%dma_start3A_91 : memref<2000000x64xf32, #tpu.memory_space<hbm>>) target(%dma_start3A_85 : memref<50x64xf32, #tpu.memory_space<vmem>>) offsets(%dma_start3A_88 : memref<50xi32, #tpu.memory_space<vmem>>) semaphore(%arg13 : memref<!tpu.dma_semaphore, #tpu.memory_space<semaphore_mem>>)
    %dma_start3A_92 = arith.constant 7 : i32
    %dma_start3A_93 = arith.constant 3 : i32
    %dma_start3A_94 = arith.constant 0 : i32
    %dma_start3A_95 = arith.constant 0 : i32
    %dma_start3A_96 = tpu.memref_slice %arg7[%dma_start3A_93, %dma_start3A_94, %dma_start3A_95] : memref<4x50x64xf32, #tpu.memory_space<vmem>> -> memref<1x50x64xf32, #tpu.memory_space<vmem>>
    %dma_start3A_97 = tpu.memref_squeeze %dma_start3A_96 : memref<1x50x64xf32, #tpu.memory_space<vmem>> -> memref<50x64xf32, #tpu.memory_space<vmem>>
    %dma_start3A_98 = arith.constant 0 : i32
    %dma_start3A_99 = tpu.memref_slice %arg5[%dma_start3A_92, %dma_start3A_98] : memref<512x50xi32, #tpu.memory_space<vmem>> -> memref<1x50xi32, #tpu.memory_space<vmem>>
    %dma_start3A_100 = tpu.memref_squeeze %dma_start3A_99 : memref<1x50xi32, #tpu.memory_space<vmem>> -> memref<50xi32, #tpu.memory_space<vmem>>
    %dma_start3A_101 = arith.constant 0 : i32
    %dma_start3A_102 = arith.constant 0 : i32
    %dma_start3A_103 = tpu.memref_slice %arg2[%dma_start3A_101, %dma_start3A_102] : memref<2000000x64xf32, #tpu.memory_space<hbm>> -> memref<2000000x64xf32, #tpu.memory_space<hbm>>
    tpu.enqueue_indirect_dma source(%dma_start3A_103 : memref<2000000x64xf32, #tpu.memory_space<hbm>>) target(%dma_start3A_97 : memref<50x64xf32, #tpu.memory_space<vmem>>) offsets(%dma_start3A_100 : memref<50xi32, #tpu.memory_space<vmem>>) semaphore(%arg13 : memref<!tpu.dma_semaphore, #tpu.memory_space<semaphore_mem>>)
    %dma_start3A_104 = arith.constant 8 : i32
    %dma_start3A_105 = arith.constant 0 : i32
    %dma_start3A_106 = arith.constant 0 : i32
    %dma_start3A_107 = arith.constant 0 : i32
    %dma_start3A_108 = tpu.memref_slice %arg8[%dma_start3A_105, %dma_start3A_106, %dma_start3A_107] : memref<4x50x64xf32, #tpu.memory_space<vmem>> -> memref<1x50x64xf32, #tpu.memory_space<vmem>>
    %dma_start3A_109 = tpu.memref_squeeze %dma_start3A_108 : memref<1x50x64xf32, #tpu.memory_space<vmem>> -> memref<50x64xf32, #tpu.memory_space<vmem>>
    %dma_start3A_110 = arith.constant 0 : i32
    %dma_start3A_111 = tpu.memref_slice %arg5[%dma_start3A_104, %dma_start3A_110] : memref<512x50xi32, #tpu.memory_space<vmem>> -> memref<1x50xi32, #tpu.memory_space<vmem>>
    %dma_start3A_112 = tpu.memref_squeeze %dma_start3A_111 : memref<1x50xi32, #tpu.memory_space<vmem>> -> memref<50xi32, #tpu.memory_space<vmem>>
    %dma_start3A_113 = arith.constant 0 : i32
    %dma_start3A_114 = arith.constant 0 : i32
    %dma_start3A_115 = tpu.memref_slice %arg2[%dma_start3A_113, %dma_start3A_114] : memref<2000000x64xf32, #tpu.memory_space<hbm>> -> memref<2000000x64xf32, #tpu.memory_space<hbm>>
    tpu.enqueue_indirect_dma source(%dma_start3A_115 : memref<2000000x64xf32, #tpu.memory_space<hbm>>) target(%dma_start3A_109 : memref<50x64xf32, #tpu.memory_space<vmem>>) offsets(%dma_start3A_112 : memref<50xi32, #tpu.memory_space<vmem>>) semaphore(%arg14 : memref<!tpu.dma_semaphore, #tpu.memory_space<semaphore_mem>>)
    %dma_start3A_116 = arith.constant 9 : i32
    %dma_start3A_117 = arith.constant 1 : i32
    %dma_start3A_118 = arith.constant 0 : i32
    %dma_start3A_119 = arith.constant 0 : i32
    %dma_start3A_120 = tpu.memref_slice %arg8[%dma_start3A_117, %dma_start3A_118, %dma_start3A_119] : memref<4x50x64xf32, #tpu.memory_space<vmem>> -> memref<1x50x64xf32, #tpu.memory_space<vmem>>
    %dma_start3A_121 = tpu.memref_squeeze %dma_start3A_120 : memref<1x50x64xf32, #tpu.memory_space<vmem>> -> memref<50x64xf32, #tpu.memory_space<vmem>>
    %dma_start3A_122 = arith.constant 0 : i32
    %dma_start3A_123 = tpu.memref_slice %arg5[%dma_start3A_116, %dma_start3A_122] : memref<512x50xi32, #tpu.memory_space<vmem>> -> memref<1x50xi32, #tpu.memory_space<vmem>>
    %dma_start3A_124 = tpu.memref_squeeze %dma_start3A_123 : memref<1x50xi32, #tpu.memory_space<vmem>> -> memref<50xi32, #tpu.memory_space<vmem>>
    %dma_start3A_125 = arith.constant 0 : i32
    %dma_start3A_126 = arith.constant 0 : i32
    %dma_start3A_127 = tpu.memref_slice %arg2[%dma_start3A_125, %dma_start3A_126] : memref<2000000x64xf32, #tpu.memory_space<hbm>> -> memref<2000000x64xf32, #tpu.memory_space<hbm>>
    tpu.enqueue_indirect_dma source(%dma_start3A_127 : memref<2000000x64xf32, #tpu.memory_space<hbm>>) target(%dma_start3A_121 : memref<50x64xf32, #tpu.memory_space<vmem>>) offsets(%dma_start3A_124 : memref<50xi32, #tpu.memory_space<vmem>>) semaphore(%arg14 : memref<!tpu.dma_semaphore, #tpu.memory_space<semaphore_mem>>)
    %dma_start3A_128 = arith.constant 10 : i32
    %dma_start3A_129 = arith.constant 2 : i32
    %dma_start3A_130 = arith.constant 0 : i32
    %dma_start3A_131 = arith.constant 0 : i32
    %dma_start3A_132 = tpu.memref_slice %arg8[%dma_start3A_129, %dma_start3A_130, %dma_start3A_131] : memref<4x50x64xf32, #tpu.memory_space<vmem>> -> memref<1x50x64xf32, #tpu.memory_space<vmem>>
    %dma_start3A_133 = tpu.memref_squeeze %dma_start3A_132 : memref<1x50x64xf32, #tpu.memory_space<vmem>> -> memref<50x64xf32, #tpu.memory_space<vmem>>
    %dma_start3A_134 = arith.constant 0 : i32
    %dma_start3A_135 = tpu.memref_slice %arg5[%dma_start3A_128, %dma_start3A_134] : memref<512x50xi32, #tpu.memory_space<vmem>> -> memref<1x50xi32, #tpu.memory_space<vmem>>
    %dma_start3A_136 = tpu.memref_squeeze %dma_start3A_135 : memref<1x50xi32, #tpu.memory_space<vmem>> -> memref<50xi32, #tpu.memory_space<vmem>>
    %dma_start3A_137 = arith.constant 0 : i32
    %dma_start3A_138 = arith.constant 0 : i32
    %dma_start3A_139 = tpu.memref_slice %arg2[%dma_start3A_137, %dma_start3A_138] : memref<2000000x64xf32, #tpu.memory_space<hbm>> -> memref<2000000x64xf32, #tpu.memory_space<hbm>>
    tpu.enqueue_indirect_dma source(%dma_start3A_139 : memref<2000000x64xf32, #tpu.memory_space<hbm>>) target(%dma_start3A_133 : memref<50x64xf32, #tpu.memory_space<vmem>>) offsets(%dma_start3A_136 : memref<50xi32, #tpu.memory_space<vmem>>) semaphore(%arg14 : memref<!tpu.dma_semaphore, #tpu.memory_space<semaphore_mem>>)
    %dma_start3A_140 = arith.constant 11 : i32
    %dma_start3A_141 = arith.constant 3 : i32
    %dma_start3A_142 = arith.constant 0 : i32
    %dma_start3A_143 = arith.constant 0 : i32
    %dma_start3A_144 = tpu.memref_slice %arg8[%dma_start3A_141, %dma_start3A_142, %dma_start3A_143] : memref<4x50x64xf32, #tpu.memory_space<vmem>> -> memref<1x50x64xf32, #tpu.memory_space<vmem>>
    %dma_start3A_145 = tpu.memref_squeeze %dma_start3A_144 : memref<1x50x64xf32, #tpu.memory_space<vmem>> -> memref<50x64xf32, #tpu.memory_space<vmem>>
    %dma_start3A_146 = arith.constant 0 : i32
    %dma_start3A_147 = tpu.memref_slice %arg5[%dma_start3A_140, %dma_start3A_146] : memref<512x50xi32, #tpu.memory_space<vmem>> -> memref<1x50xi32, #tpu.memory_space<vmem>>
    %dma_start3A_148 = tpu.memref_squeeze %dma_start3A_147 : memref<1x50xi32, #tpu.memory_space<vmem>> -> memref<50xi32, #tpu.memory_space<vmem>>
    %dma_start3A_149 = arith.constant 0 : i32
    %dma_start3A_150 = arith.constant 0 : i32
    %dma_start3A_151 = tpu.memref_slice %arg2[%dma_start3A_149, %dma_start3A_150] : memref<2000000x64xf32, #tpu.memory_space<hbm>> -> memref<2000000x64xf32, #tpu.memory_space<hbm>>
    tpu.enqueue_indirect_dma source(%dma_start3A_151 : memref<2000000x64xf32, #tpu.memory_space<hbm>>) target(%dma_start3A_145 : memref<50x64xf32, #tpu.memory_space<vmem>>) offsets(%dma_start3A_148 : memref<50xi32, #tpu.memory_space<vmem>>) semaphore(%arg14 : memref<!tpu.dma_semaphore, #tpu.memory_space<semaphore_mem>>)
    %dma_start3A_152 = arith.constant 12 : i32
    %dma_start3A_153 = arith.constant 0 : i32
    %dma_start3A_154 = arith.constant 0 : i32
    %dma_start3A_155 = arith.constant 0 : i32
    %dma_start3A_156 = tpu.memref_slice %arg9[%dma_start3A_153, %dma_start3A_154, %dma_start3A_155] : memref<4x50x64xf32, #tpu.memory_space<vmem>> -> memref<1x50x64xf32, #tpu.memory_space<vmem>>
    %dma_start3A_157 = tpu.memref_squeeze %dma_start3A_156 : memref<1x50x64xf32, #tpu.memory_space<vmem>> -> memref<50x64xf32, #tpu.memory_space<vmem>>
    %dma_start3A_158 = arith.constant 0 : i32
    %dma_start3A_159 = tpu.memref_slice %arg5[%dma_start3A_152, %dma_start3A_158] : memref<512x50xi32, #tpu.memory_space<vmem>> -> memref<1x50xi32, #tpu.memory_space<vmem>>
    %dma_start3A_160 = tpu.memref_squeeze %dma_start3A_159 : memref<1x50xi32, #tpu.memory_space<vmem>> -> memref<50xi32, #tpu.memory_space<vmem>>
    %dma_start3A_161 = arith.constant 0 : i32
    %dma_start3A_162 = arith.constant 0 : i32
    %dma_start3A_163 = tpu.memref_slice %arg2[%dma_start3A_161, %dma_start3A_162] : memref<2000000x64xf32, #tpu.memory_space<hbm>> -> memref<2000000x64xf32, #tpu.memory_space<hbm>>
    tpu.enqueue_indirect_dma source(%dma_start3A_163 : memref<2000000x64xf32, #tpu.memory_space<hbm>>) target(%dma_start3A_157 : memref<50x64xf32, #tpu.memory_space<vmem>>) offsets(%dma_start3A_160 : memref<50xi32, #tpu.memory_space<vmem>>) semaphore(%arg15 : memref<!tpu.dma_semaphore, #tpu.memory_space<semaphore_mem>>)
    %dma_start3A_164 = arith.constant 13 : i32
    %dma_start3A_165 = arith.constant 1 : i32
    %dma_start3A_166 = arith.constant 0 : i32
    %dma_start3A_167 = arith.constant 0 : i32
    %dma_start3A_168 = tpu.memref_slice %arg9[%dma_start3A_165, %dma_start3A_166, %dma_start3A_167] : memref<4x50x64xf32, #tpu.memory_space<vmem>> -> memref<1x50x64xf32, #tpu.memory_space<vmem>>
    %dma_start3A_169 = tpu.memref_squeeze %dma_start3A_168 : memref<1x50x64xf32, #tpu.memory_space<vmem>> -> memref<50x64xf32, #tpu.memory_space<vmem>>
    %dma_start3A_170 = arith.constant 0 : i32
    %dma_start3A_171 = tpu.memref_slice %arg5[%dma_start3A_164, %dma_start3A_170] : memref<512x50xi32, #tpu.memory_space<vmem>> -> memref<1x50xi32, #tpu.memory_space<vmem>>
    %dma_start3A_172 = tpu.memref_squeeze %dma_start3A_171 : memref<1x50xi32, #tpu.memory_space<vmem>> -> memref<50xi32, #tpu.memory_space<vmem>>
    %dma_start3A_173 = arith.constant 0 : i32
    %dma_start3A_174 = arith.constant 0 : i32
    %dma_start3A_175 = tpu.memref_slice %arg2[%dma_start3A_173, %dma_start3A_174] : memref<2000000x64xf32, #tpu.memory_space<hbm>> -> memref<2000000x64xf32, #tpu.memory_space<hbm>>
    tpu.enqueue_indirect_dma source(%dma_start3A_175 : memref<2000000x64xf32, #tpu.memory_space<hbm>>) target(%dma_start3A_169 : memref<50x64xf32, #tpu.memory_space<vmem>>) offsets(%dma_start3A_172 : memref<50xi32, #tpu.memory_space<vmem>>) semaphore(%arg15 : memref<!tpu.dma_semaphore, #tpu.memory_space<semaphore_mem>>)
    %dma_start3A_176 = arith.constant 14 : i32
    %dma_start3A_177 = arith.constant 2 : i32
    %dma_start3A_178 = arith.constant 0 : i32
    %dma_start3A_179 = arith.constant 0 : i32
    %dma_start3A_180 = tpu.memref_slice %arg9[%dma_start3A_177, %dma_start3A_178, %dma_start3A_179] : memref<4x50x64xf32, #tpu.memory_space<vmem>> -> memref<1x50x64xf32, #tpu.memory_space<vmem>>
    %dma_start3A_181 = tpu.memref_squeeze %dma_start3A_180 : memref<1x50x64xf32, #tpu.memory_space<vmem>> -> memref<50x64xf32, #tpu.memory_space<vmem>>
    %dma_start3A_182 = arith.constant 0 : i32
    %dma_start3A_183 = tpu.memref_slice %arg5[%dma_start3A_176, %dma_start3A_182] : memref<512x50xi32, #tpu.memory_space<vmem>> -> memref<1x50xi32, #tpu.memory_space<vmem>>
    %dma_start3A_184 = tpu.memref_squeeze %dma_start3A_183 : memref<1x50xi32, #tpu.memory_space<vmem>> -> memref<50xi32, #tpu.memory_space<vmem>>
    %dma_start3A_185 = arith.constant 0 : i32
    %dma_start3A_186 = arith.constant 0 : i32
    %dma_start3A_187 = tpu.memref_slice %arg2[%dma_start3A_185, %dma_start3A_186] : memref<2000000x64xf32, #tpu.memory_space<hbm>> -> memref<2000000x64xf32, #tpu.memory_space<hbm>>
    tpu.enqueue_indirect_dma source(%dma_start3A_187 : memref<2000000x64xf32, #tpu.memory_space<hbm>>) target(%dma_start3A_181 : memref<50x64xf32, #tpu.memory_space<vmem>>) offsets(%dma_start3A_184 : memref<50xi32, #tpu.memory_space<vmem>>) semaphore(%arg15 : memref<!tpu.dma_semaphore, #tpu.memory_space<semaphore_mem>>)
    %dma_start3A_188 = arith.constant 15 : i32
    %dma_start3A_189 = arith.constant 3 : i32
    %dma_start3A_190 = arith.constant 0 : i32
    %dma_start3A_191 = arith.constant 0 : i32
    %dma_start3A_192 = tpu.memref_slice %arg9[%dma_start3A_189, %dma_start3A_190, %dma_start3A_191] : memref<4x50x64xf32, #tpu.memory_space<vmem>> -> memref<1x50x64xf32, #tpu.memory_space<vmem>>
    %dma_start3A_193 = tpu.memref_squeeze %dma_start3A_192 : memref<1x50x64xf32, #tpu.memory_space<vmem>> -> memref<50x64xf32, #tpu.memory_space<vmem>>
    %dma_start3A_194 = arith.constant 0 : i32
    %dma_start3A_195 = tpu.memref_slice %arg5[%dma_start3A_188, %dma_start3A_194] : memref<512x50xi32, #tpu.memory_space<vmem>> -> memref<1x50xi32, #tpu.memory_space<vmem>>
    %dma_start3A_196 = tpu.memref_squeeze %dma_start3A_195 : memref<1x50xi32, #tpu.memory_space<vmem>> -> memref<50xi32, #tpu.memory_space<vmem>>
    %dma_start3A_197 = arith.constant 0 : i32
    %dma_start3A_198 = arith.constant 0 : i32
    %dma_start3A_199 = tpu.memref_slice %arg2[%dma_start3A_197, %dma_start3A_198] : memref<2000000x64xf32, #tpu.memory_space<hbm>> -> memref<2000000x64xf32, #tpu.memory_space<hbm>>
    tpu.enqueue_indirect_dma source(%dma_start3A_199 : memref<2000000x64xf32, #tpu.memory_space<hbm>>) target(%dma_start3A_193 : memref<50x64xf32, #tpu.memory_space<vmem>>) offsets(%dma_start3A_196 : memref<50xi32, #tpu.memory_space<vmem>>) semaphore(%arg15 : memref<!tpu.dma_semaphore, #tpu.memory_space<semaphore_mem>>)
    %scan3A = arith.constant 0 : i32
    %scan3A_200 = arith.constant 32 : i32
    %scan3A_201 = arith.addi %scan3A, %scan3A_200 : i32
    %scan3A_202 = arith.constant 1 : i32
    scf.for %scan3A_219 = %scan3A to %scan3A_201 step %scan3A_202  : i32 {
      %mul3A_220 = arith.constant 4 : i32
      %mul3A_221 = arith.muli %mul3A_220, %scan3A_219 : i32
      %add3A_222 = arith.constant 0 : i32
      %add3A_223 = arith.addi %mul3A_221, %add3A_222 : i32
      %mul3A_224 = arith.constant 4 : i32
      %mul3A_225 = arith.muli %add3A_223, %mul3A_224 : i32
      %add3A_226 = arith.constant 0 : i32
      %add3A_227 = arith.addi %mul3A_225, %add3A_226 : i32
      %dma_wait3A_228 = arith.constant 0 : i32
      %dma_wait3A_229 = arith.constant 0 : i32
      %dma_wait3A_230 = arith.constant 0 : i32
      %dma_wait3A_231 = tpu.memref_slice %arg6[%dma_wait3A_228, %dma_wait3A_229, %dma_wait3A_230] : memref<4x50x64xf32, #tpu.memory_space<vmem>> -> memref<1x50x64xf32, #tpu.memory_space<vmem>>
      %dma_wait3A_232 = tpu.memref_squeeze %dma_wait3A_231 : memref<1x50x64xf32, #tpu.memory_space<vmem>> -> memref<50x64xf32, #tpu.memory_space<vmem>>
      %dma_wait3A_233 = arith.constant 0 : i32
      %dma_wait3A_234 = tpu.memref_slice %arg5[%add3A_227, %dma_wait3A_233] : memref<512x50xi32, #tpu.memory_space<vmem>> -> memref<1x50xi32, #tpu.memory_space<vmem>>
      %dma_wait3A_235 = tpu.memref_squeeze %dma_wait3A_234 : memref<1x50xi32, #tpu.memory_space<vmem>> -> memref<50xi32, #tpu.memory_space<vmem>>
      %dma_wait3A_236 = arith.constant 0 : i32
      %dma_wait3A_237 = arith.constant 0 : i32
      %dma_wait3A_238 = tpu.memref_slice %arg2[%dma_wait3A_236, %dma_wait3A_237] : memref<2000000x64xf32, #tpu.memory_space<hbm>> -> memref<2000000x64xf32, #tpu.memory_space<hbm>>
      tpu.wait_indirect_dma semaphore(%arg12 : memref<!tpu.dma_semaphore, #tpu.memory_space<semaphore_mem>>) src(%dma_wait3A_238 : memref<2000000x64xf32, #tpu.memory_space<hbm>>) dst(%dma_wait3A_232 : memref<50x64xf32, #tpu.memory_space<vmem>>)
      %mul3A_239 = arith.constant 4 : i32
      %mul3A_240 = arith.muli %add3A_223, %mul3A_239 : i32
      %add3A_241 = arith.constant 1 : i32
      %add3A_242 = arith.addi %mul3A_240, %add3A_241 : i32
      %dma_wait3A_243 = arith.constant 1 : i32
      %dma_wait3A_244 = arith.constant 0 : i32
      %dma_wait3A_245 = arith.constant 0 : i32
      %dma_wait3A_246 = tpu.memref_slice %arg6[%dma_wait3A_243, %dma_wait3A_244, %dma_wait3A_245] : memref<4x50x64xf32, #tpu.memory_space<vmem>> -> memref<1x50x64xf32, #tpu.memory_space<vmem>>
      %dma_wait3A_247 = tpu.memref_squeeze %dma_wait3A_246 : memref<1x50x64xf32, #tpu.memory_space<vmem>> -> memref<50x64xf32, #tpu.memory_space<vmem>>
      %dma_wait3A_248 = arith.constant 0 : i32
      %dma_wait3A_249 = tpu.memref_slice %arg5[%add3A_242, %dma_wait3A_248] : memref<512x50xi32, #tpu.memory_space<vmem>> -> memref<1x50xi32, #tpu.memory_space<vmem>>
      %dma_wait3A_250 = tpu.memref_squeeze %dma_wait3A_249 : memref<1x50xi32, #tpu.memory_space<vmem>> -> memref<50xi32, #tpu.memory_space<vmem>>
      %dma_wait3A_251 = arith.constant 0 : i32
      %dma_wait3A_252 = arith.constant 0 : i32
      %dma_wait3A_253 = tpu.memref_slice %arg2[%dma_wait3A_251, %dma_wait3A_252] : memref<2000000x64xf32, #tpu.memory_space<hbm>> -> memref<2000000x64xf32, #tpu.memory_space<hbm>>
      tpu.wait_indirect_dma semaphore(%arg12 : memref<!tpu.dma_semaphore, #tpu.memory_space<semaphore_mem>>) src(%dma_wait3A_253 : memref<2000000x64xf32, #tpu.memory_space<hbm>>) dst(%dma_wait3A_247 : memref<50x64xf32, #tpu.memory_space<vmem>>)
      %mul3A_254 = arith.constant 4 : i32
      %mul3A_255 = arith.muli %add3A_223, %mul3A_254 : i32
      %add3A_256 = arith.constant 2 : i32
      %add3A_257 = arith.addi %mul3A_255, %add3A_256 : i32
      %dma_wait3A_258 = arith.constant 2 : i32
      %dma_wait3A_259 = arith.constant 0 : i32
      %dma_wait3A_260 = arith.constant 0 : i32
      %dma_wait3A_261 = tpu.memref_slice %arg6[%dma_wait3A_258, %dma_wait3A_259, %dma_wait3A_260] : memref<4x50x64xf32, #tpu.memory_space<vmem>> -> memref<1x50x64xf32, #tpu.memory_space<vmem>>
      %dma_wait3A_262 = tpu.memref_squeeze %dma_wait3A_261 : memref<1x50x64xf32, #tpu.memory_space<vmem>> -> memref<50x64xf32, #tpu.memory_space<vmem>>
      %dma_wait3A_263 = arith.constant 0 : i32
      %dma_wait3A_264 = tpu.memref_slice %arg5[%add3A_257, %dma_wait3A_263] : memref<512x50xi32, #tpu.memory_space<vmem>> -> memref<1x50xi32, #tpu.memory_space<vmem>>
      %dma_wait3A_265 = tpu.memref_squeeze %dma_wait3A_264 : memref<1x50xi32, #tpu.memory_space<vmem>> -> memref<50xi32, #tpu.memory_space<vmem>>
      %dma_wait3A_266 = arith.constant 0 : i32
      %dma_wait3A_267 = arith.constant 0 : i32
      %dma_wait3A_268 = tpu.memref_slice %arg2[%dma_wait3A_266, %dma_wait3A_267] : memref<2000000x64xf32, #tpu.memory_space<hbm>> -> memref<2000000x64xf32, #tpu.memory_space<hbm>>
      tpu.wait_indirect_dma semaphore(%arg12 : memref<!tpu.dma_semaphore, #tpu.memory_space<semaphore_mem>>) src(%dma_wait3A_268 : memref<2000000x64xf32, #tpu.memory_space<hbm>>) dst(%dma_wait3A_262 : memref<50x64xf32, #tpu.memory_space<vmem>>)
      %mul3A_269 = arith.constant 4 : i32
      %mul3A_270 = arith.muli %add3A_223, %mul3A_269 : i32
      %add3A_271 = arith.constant 3 : i32
      %add3A_272 = arith.addi %mul3A_270, %add3A_271 : i32
      %dma_wait3A_273 = arith.constant 3 : i32
      %dma_wait3A_274 = arith.constant 0 : i32
      %dma_wait3A_275 = arith.constant 0 : i32
      %dma_wait3A_276 = tpu.memref_slice %arg6[%dma_wait3A_273, %dma_wait3A_274, %dma_wait3A_275] : memref<4x50x64xf32, #tpu.memory_space<vmem>> -> memref<1x50x64xf32, #tpu.memory_space<vmem>>
      %dma_wait3A_277 = tpu.memref_squeeze %dma_wait3A_276 : memref<1x50x64xf32, #tpu.memory_space<vmem>> -> memref<50x64xf32, #tpu.memory_space<vmem>>
      %dma_wait3A_278 = arith.constant 0 : i32
      %dma_wait3A_279 = tpu.memref_slice %arg5[%add3A_272, %dma_wait3A_278] : memref<512x50xi32, #tpu.memory_space<vmem>> -> memref<1x50xi32, #tpu.memory_space<vmem>>
      %dma_wait3A_280 = tpu.memref_squeeze %dma_wait3A_279 : memref<1x50xi32, #tpu.memory_space<vmem>> -> memref<50xi32, #tpu.memory_space<vmem>>
      %dma_wait3A_281 = arith.constant 0 : i32
      %dma_wait3A_282 = arith.constant 0 : i32
      %dma_wait3A_283 = tpu.memref_slice %arg2[%dma_wait3A_281, %dma_wait3A_282] : memref<2000000x64xf32, #tpu.memory_space<hbm>> -> memref<2000000x64xf32, #tpu.memory_space<hbm>>
      tpu.wait_indirect_dma semaphore(%arg12 : memref<!tpu.dma_semaphore, #tpu.memory_space<semaphore_mem>>) src(%dma_wait3A_283 : memref<2000000x64xf32, #tpu.memory_space<hbm>>) dst(%dma_wait3A_277 : memref<50x64xf32, #tpu.memory_space<vmem>>)
      %ge3A_284 = arith.constant 2 : i32
      %ge3A_285 = arith.cmpi sge, %add3A_223, %ge3A_284 : i32
      %convert_element_type3A = arith.extui %ge3A_285 : i1 to i32
      %cond3A = arith.constant 0 : i32
      %cond3A_286 = arith.cmpi ne, %convert_element_type3A, %cond3A : i32
      scf.if %cond3A_286 {
        %sub3A = arith.constant 2 : i32
        %sub3A_597 = arith.subi %add3A_223, %sub3A : i32
        %mul3A_598 = arith.constant 4 : i32
        %mul3A_599 = arith.muli %sub3A_597, %mul3A_598 : i32
        %add3A_600 = arith.addi %mul3A_2, %mul3A_599 : i32
        %dma_wait3A_601 = arith.constant 0 : i32
        %dma_wait3A_602 = arith.constant 0 : i32
        %dma_wait3A_603 = tpu.memref_slice %arg4[%add3A_600, %dma_wait3A_601, %dma_wait3A_602] : memref<16384x50x64xf32, #tpu.memory_space<hbm>> -> memref<4x50x64xf32, #tpu.memory_space<hbm>>
        %dma_wait3A_604 = arith.constant 0 : i32
        %dma_wait3A_605 = arith.constant 0 : i32
        %dma_wait3A_606 = tpu.memref_slice %arg4[%add3A_600, %dma_wait3A_604, %dma_wait3A_605] : memref<16384x50x64xf32, #tpu.memory_space<hbm>> -> memref<4x50x64xf32, #tpu.memory_space<hbm>>
        tpu.wait_dma2 semaphore(%arg16 : memref<!tpu.dma_semaphore, #tpu.memory_space<semaphore_mem>>) src(%arg10 : memref<4x50x64xf32, #tpu.memory_space<vmem>>) dst(%dma_wait3A_606 : memref<4x50x64xf32, #tpu.memory_space<hbm>>)
      } else {
      }
      %parallel_loop3A_287 = arith.constant 0 : i32
      %parallel_loop3A_288 = arith.constant 50 : i32
      %parallel_loop3A_289 = arith.constant 1 : i32
      scf.for %parallel_loop3A_597 = %parallel_loop3A_287 to %parallel_loop3A_288 step %parallel_loop3A_289  : i32 {
        %parallel_loop3A_598 = arith.constant 0 : i32
        %parallel_loop3A_599 = arith.index_cast %parallel_loop3A_598 : i32 to index
        %parallel_loop3A_600 = arith.index_cast %parallel_loop3A_597 : i32 to index
        %parallel_loop3A_601 = arith.constant 0 : index
        %parallel_loop3A_602 = tpu.vector_load %arg6[%parallel_loop3A_599, %parallel_loop3A_600, %parallel_loop3A_601] {strides = array<i32>} : memref<4x50x64xf32, #tpu.memory_space<vmem>>, vector<1x1x16xf32>,
        %parallel_loop3A_603 = vector.shape_cast %parallel_loop3A_602 : vector<1x1x16xf32> to vector<16xf32>
        %parallel_loop3A_604 = arith.constant 8.000000e+00 : f32
        %parallel_loop3A_605 = vector.broadcast %parallel_loop3A_604 : f32 to vector<16xf32>
        %parallel_loop3A_606 = arith.mulf %parallel_loop3A_603, %parallel_loop3A_605 : vector<16xf32>
        %parallel_loop3A_607 = arith.constant 0 : i32
        %parallel_loop3A_608 = arith.index_cast %parallel_loop3A_607 : i32 to index
        %parallel_loop3A_609 = arith.index_cast %parallel_loop3A_597 : i32 to index
        %parallel_loop3A_610 = arith.constant 0 : index
        %parallel_loop3A_611 = tpu.vector_load %arg10[%parallel_loop3A_608, %parallel_loop3A_609, %parallel_loop3A_610] {strides = array<i32>} : memref<4x50x64xf32, #tpu.memory_space<vmem>>, vector<1x1x16xf32>,
        %parallel_loop3A_612 = vector.shape_cast %parallel_loop3A_611 : vector<1x1x16xf32> to vector<16xf32>
        %parallel_loop3A_613 = vector.shape_cast %parallel_loop3A_606 : vector<16xf32> to vector<1x1x16xf32>
        tpu.vector_store %arg10[%parallel_loop3A_608, %parallel_loop3A_609, %parallel_loop3A_610], %parallel_loop3A_613 {strides = array<i32>} : memref<4x50x64xf32, #tpu.memory_space<vmem>>, vector<1x1x16xf32>,
        %parallel_loop3A_614 = arith.constant 0 : i32
        %parallel_loop3A_615 = arith.index_cast %parallel_loop3A_614 : i32 to index
        %parallel_loop3A_616 = arith.index_cast %parallel_loop3A_597 : i32 to index
        %parallel_loop3A_617 = arith.constant 16 : index
        %parallel_loop3A_618 = tpu.vector_load %arg6[%parallel_loop3A_615, %parallel_loop3A_616, %parallel_loop3A_617] {strides = array<i32>} : memref<4x50x64xf32, #tpu.memory_space<vmem>>, vector<1x1x16xf32>,
        %parallel_loop3A_619 = vector.shape_cast %parallel_loop3A_618 : vector<1x1x16xf32> to vector<16xf32>
        %parallel_loop3A_620 = arith.constant 8.000000e+00 : f32
        %parallel_loop3A_621 = vector.broadcast %parallel_loop3A_620 : f32 to vector<16xf32>
        %parallel_loop3A_622 = arith.mulf %parallel_loop3A_619, %parallel_loop3A_621 : vector<16xf32>
        %parallel_loop3A_623 = arith.constant 0 : i32
        %parallel_loop3A_624 = arith.index_cast %parallel_loop3A_623 : i32 to index
        %parallel_loop3A_625 = arith.index_cast %parallel_loop3A_597 : i32 to index
        %parallel_loop3A_626 = arith.constant 16 : index
        %parallel_loop3A_627 = tpu.vector_load %arg10[%parallel_loop3A_624, %parallel_loop3A_625, %parallel_loop3A_626] {strides = array<i32>} : memref<4x50x64xf32, #tpu.memory_space<vmem>>, vector<1x1x16xf32>,
        %parallel_loop3A_628 = vector.shape_cast %parallel_loop3A_627 : vector<1x1x16xf32> to vector<16xf32>
        %parallel_loop3A_629 = vector.shape_cast %parallel_loop3A_622 : vector<16xf32> to vector<1x1x16xf32>
        tpu.vector_store %arg10[%parallel_loop3A_624, %parallel_loop3A_625, %parallel_loop3A_626], %parallel_loop3A_629 {strides = array<i32>} : memref<4x50x64xf32, #tpu.memory_space<vmem>>, vector<1x1x16xf32>,
        %parallel_loop3A_630 = arith.constant 0 : i32
        %parallel_loop3A_631 = arith.index_cast %parallel_loop3A_630 : i32 to index
        %parallel_loop3A_632 = arith.index_cast %parallel_loop3A_597 : i32 to index
        %parallel_loop3A_633 = arith.constant 32 : index
        %parallel_loop3A_634 = tpu.vector_load %arg6[%parallel_loop3A_631, %parallel_loop3A_632, %parallel_loop3A_633] {strides = array<i32>} : memref<4x50x64xf32, #tpu.memory_space<vmem>>, vector<1x1x16xf32>,
        %parallel_loop3A_635 = vector.shape_cast %parallel_loop3A_634 : vector<1x1x16xf32> to vector<16xf32>
        %parallel_loop3A_636 = arith.constant 8.000000e+00 : f32
        %parallel_loop3A_637 = vector.broadcast %parallel_loop3A_636 : f32 to vector<16xf32>
        %parallel_loop3A_638 = arith.mulf %parallel_loop3A_635, %parallel_loop3A_637 : vector<16xf32>
        %parallel_loop3A_639 = arith.constant 0 : i32
        %parallel_loop3A_640 = arith.index_cast %parallel_loop3A_639 : i32 to index
        %parallel_loop3A_641 = arith.index_cast %parallel_loop3A_597 : i32 to index
        %parallel_loop3A_642 = arith.constant 32 : index
        %parallel_loop3A_643 = tpu.vector_load %arg10[%parallel_loop3A_640, %parallel_loop3A_641, %parallel_loop3A_642] {strides = array<i32>} : memref<4x50x64xf32, #tpu.memory_space<vmem>>, vector<1x1x16xf32>,
        %parallel_loop3A_644 = vector.shape_cast %parallel_loop3A_643 : vector<1x1x16xf32> to vector<16xf32>
        %parallel_loop3A_645 = vector.shape_cast %parallel_loop3A_638 : vector<16xf32> to vector<1x1x16xf32>
        tpu.vector_store %arg10[%parallel_loop3A_640, %parallel_loop3A_641, %parallel_loop3A_642], %parallel_loop3A_645 {strides = array<i32>} : memref<4x50x64xf32, #tpu.memory_space<vmem>>, vector<1x1x16xf32>,
        %parallel_loop3A_646 = arith.constant 0 : i32
        %parallel_loop3A_647 = arith.index_cast %parallel_loop3A_646 : i32 to index
        %parallel_loop3A_648 = arith.index_cast %parallel_loop3A_597 : i32 to index
        %parallel_loop3A_649 = arith.constant 48 : index
        %parallel_loop3A_650 = tpu.vector_load %arg6[%parallel_loop3A_647, %parallel_loop3A_648, %parallel_loop3A_649] {strides = array<i32>} : memref<4x50x64xf32, #tpu.memory_space<vmem>>, vector<1x1x16xf32>,
        %parallel_loop3A_651 = vector.shape_cast %parallel_loop3A_650 : vector<1x1x16xf32> to vector<16xf32>
        %parallel_loop3A_652 = arith.constant 8.000000e+00 : f32
        %parallel_loop3A_653 = vector.broadcast %parallel_loop3A_652 : f32 to vector<16xf32>
        %parallel_loop3A_654 = arith.mulf %parallel_loop3A_651, %parallel_loop3A_653 : vector<16xf32>
        %parallel_loop3A_655 = arith.constant 0 : i32
        %parallel_loop3A_656 = arith.index_cast %parallel_loop3A_655 : i32 to index
        %parallel_loop3A_657 = arith.index_cast %parallel_loop3A_597 : i32 to index
        %parallel_loop3A_658 = arith.constant 48 : index
        %parallel_loop3A_659 = tpu.vector_load %arg10[%parallel_loop3A_656, %parallel_loop3A_657, %parallel_loop3A_658] {strides = array<i32>} : memref<4x50x64xf32, #tpu.memory_space<vmem>>, vector<1x1x16xf32>,
        %parallel_loop3A_660 = vector.shape_cast %parallel_loop3A_659 : vector<1x1x16xf32> to vector<16xf32>
        %parallel_loop3A_661 = vector.shape_cast %parallel_loop3A_654 : vector<16xf32> to vector<1x1x16xf32>
        tpu.vector_store %arg10[%parallel_loop3A_656, %parallel_loop3A_657, %parallel_loop3A_658], %parallel_loop3A_661 {strides = array<i32>} : memref<4x50x64xf32, #tpu.memory_space<vmem>>, vector<1x1x16xf32>,
      } {sc.loop_unroll_factor = 5 : i64, sc.parallel_access}
      %parallel_loop3A_290 = arith.constant 0 : i32
      %parallel_loop3A_291 = arith.constant 50 : i32
      %parallel_loop3A_292 = arith.constant 1 : i32
      scf.for %parallel_loop3A_597 = %parallel_loop3A_290 to %parallel_loop3A_291 step %parallel_loop3A_292  : i32 {
        %parallel_loop3A_598 = arith.constant 1 : i32
        %parallel_loop3A_599 = arith.index_cast %parallel_loop3A_598 : i32 to index
        %parallel_loop3A_600 = arith.index_cast %parallel_loop3A_597 : i32 to index
        %parallel_loop3A_601 = arith.constant 0 : index
        %parallel_loop3A_602 = tpu.vector_load %arg6[%parallel_loop3A_599, %parallel_loop3A_600, %parallel_loop3A_601] {strides = array<i32>} : memref<4x50x64xf32, #tpu.memory_space<vmem>>, vector<1x1x16xf32>,
        %parallel_loop3A_603 = vector.shape_cast %parallel_loop3A_602 : vector<1x1x16xf32> to vector<16xf32>
        %parallel_loop3A_604 = arith.constant 8.000000e+00 : f32
        %parallel_loop3A_605 = vector.broadcast %parallel_loop3A_604 : f32 to vector<16xf32>
        %parallel_loop3A_606 = arith.mulf %parallel_loop3A_603, %parallel_loop3A_605 : vector<16xf32>
        %parallel_loop3A_607 = arith.constant 1 : i32
        %parallel_loop3A_608 = arith.index_cast %parallel_loop3A_607 : i32 to index
        %parallel_loop3A_609 = arith.index_cast %parallel_loop3A_597 : i32 to index
        %parallel_loop3A_610 = arith.constant 0 : index
        %parallel_loop3A_611 = tpu.vector_load %arg10[%parallel_loop3A_608, %parallel_loop3A_609, %parallel_loop3A_610] {strides = array<i32>} : memref<4x50x64xf32, #tpu.memory_space<vmem>>, vector<1x1x16xf32>,
        %parallel_loop3A_612 = vector.shape_cast %parallel_loop3A_611 : vector<1x1x16xf32> to vector<16xf32>
        %parallel_loop3A_613 = vector.shape_cast %parallel_loop3A_606 : vector<16xf32> to vector<1x1x16xf32>
        tpu.vector_store %arg10[%parallel_loop3A_608, %parallel_loop3A_609, %parallel_loop3A_610], %parallel_loop3A_613 {strides = array<i32>} : memref<4x50x64xf32, #tpu.memory_space<vmem>>, vector<1x1x16xf32>,
        %parallel_loop3A_614 = arith.constant 1 : i32
        %parallel_loop3A_615 = arith.index_cast %parallel_loop3A_614 : i32 to index
        %parallel_loop3A_616 = arith.index_cast %parallel_loop3A_597 : i32 to index
        %parallel_loop3A_617 = arith.constant 16 : index
        %parallel_loop3A_618 = tpu.vector_load %arg6[%parallel_loop3A_615, %parallel_loop3A_616, %parallel_loop3A_617] {strides = array<i32>} : memref<4x50x64xf32, #tpu.memory_space<vmem>>, vector<1x1x16xf32>,
        %parallel_loop3A_619 = vector.shape_cast %parallel_loop3A_618 : vector<1x1x16xf32> to vector<16xf32>
        %parallel_loop3A_620 = arith.constant 8.000000e+00 : f32
        %parallel_loop3A_621 = vector.broadcast %parallel_loop3A_620 : f32 to vector<16xf32>
        %parallel_loop3A_622 = arith.mulf %parallel_loop3A_619, %parallel_loop3A_621 : vector<16xf32>
        %parallel_loop3A_623 = arith.constant 1 : i32
        %parallel_loop3A_624 = arith.index_cast %parallel_loop3A_623 : i32 to index
        %parallel_loop3A_625 = arith.index_cast %parallel_loop3A_597 : i32 to index
        %parallel_loop3A_626 = arith.constant 16 : index
        %parallel_loop3A_627 = tpu.vector_load %arg10[%parallel_loop3A_624, %parallel_loop3A_625, %parallel_loop3A_626] {strides = array<i32>} : memref<4x50x64xf32, #tpu.memory_space<vmem>>, vector<1x1x16xf32>,
        %parallel_loop3A_628 = vector.shape_cast %parallel_loop3A_627 : vector<1x1x16xf32> to vector<16xf32>
        %parallel_loop3A_629 = vector.shape_cast %parallel_loop3A_622 : vector<16xf32> to vector<1x1x16xf32>
        tpu.vector_store %arg10[%parallel_loop3A_624, %parallel_loop3A_625, %parallel_loop3A_626], %parallel_loop3A_629 {strides = array<i32>} : memref<4x50x64xf32, #tpu.memory_space<vmem>>, vector<1x1x16xf32>,
        %parallel_loop3A_630 = arith.constant 1 : i32
        %parallel_loop3A_631 = arith.index_cast %parallel_loop3A_630 : i32 to index
        %parallel_loop3A_632 = arith.index_cast %parallel_loop3A_597 : i32 to index
        %parallel_loop3A_633 = arith.constant 32 : index
        %parallel_loop3A_634 = tpu.vector_load %arg6[%parallel_loop3A_631, %parallel_loop3A_632, %parallel_loop3A_633] {strides = array<i32>} : memref<4x50x64xf32, #tpu.memory_space<vmem>>, vector<1x1x16xf32>,
        %parallel_loop3A_635 = vector.shape_cast %parallel_loop3A_634 : vector<1x1x16xf32> to vector<16xf32>
        %parallel_loop3A_636 = arith.constant 8.000000e+00 : f32
        %parallel_loop3A_637 = vector.broadcast %parallel_loop3A_636 : f32 to vector<16xf32>
        %parallel_loop3A_638 = arith.mulf %parallel_loop3A_635, %parallel_loop3A_637 : vector<16xf32>
        %parallel_loop3A_639 = arith.constant 1 : i32
        %parallel_loop3A_640 = arith.index_cast %parallel_loop3A_639 : i32 to index
        %parallel_loop3A_641 = arith.index_cast %parallel_loop3A_597 : i32 to index
        %parallel_loop3A_642 = arith.constant 32 : index
        %parallel_loop3A_643 = tpu.vector_load %arg10[%parallel_loop3A_640, %parallel_loop3A_641, %parallel_loop3A_642] {strides = array<i32>} : memref<4x50x64xf32, #tpu.memory_space<vmem>>, vector<1x1x16xf32>,
        %parallel_loop3A_644 = vector.shape_cast %parallel_loop3A_643 : vector<1x1x16xf32> to vector<16xf32>
        %parallel_loop3A_645 = vector.shape_cast %parallel_loop3A_638 : vector<16xf32> to vector<1x1x16xf32>
        tpu.vector_store %arg10[%parallel_loop3A_640, %parallel_loop3A_641, %parallel_loop3A_642], %parallel_loop3A_645 {strides = array<i32>} : memref<4x50x64xf32, #tpu.memory_space<vmem>>, vector<1x1x16xf32>,
        %parallel_loop3A_646 = arith.constant 1 : i32
        %parallel_loop3A_647 = arith.index_cast %parallel_loop3A_646 : i32 to index
        %parallel_loop3A_648 = arith.index_cast %parallel_loop3A_597 : i32 to index
        %parallel_loop3A_649 = arith.constant 48 : index
        %parallel_loop3A_650 = tpu.vector_load %arg6[%parallel_loop3A_647, %parallel_loop3A_648, %parallel_loop3A_649] {strides = array<i32>} : memref<4x50x64xf32, #tpu.memory_space<vmem>>, vector<1x1x16xf32>,
        %parallel_loop3A_651 = vector.shape_cast %parallel_loop3A_650 : vector<1x1x16xf32> to vector<16xf32>
        %parallel_loop3A_652 = arith.constant 8.000000e+00 : f32
        %parallel_loop3A_653 = vector.broadcast %parallel_loop3A_652 : f32 to vector<16xf32>
        %parallel_loop3A_654 = arith.mulf %parallel_loop3A_651, %parallel_loop3A_653 : vector<16xf32>
        %parallel_loop3A_655 = arith.constant 1 : i32
        %parallel_loop3A_656 = arith.index_cast %parallel_loop3A_655 : i32 to index
        %parallel_loop3A_657 = arith.index_cast %parallel_loop3A_597 : i32 to index
        %parallel_loop3A_658 = arith.constant 48 : index
        %parallel_loop3A_659 = tpu.vector_load %arg10[%parallel_loop3A_656, %parallel_loop3A_657, %parallel_loop3A_658] {strides = array<i32>} : memref<4x50x64xf32, #tpu.memory_space<vmem>>, vector<1x1x16xf32>,
        %parallel_loop3A_660 = vector.shape_cast %parallel_loop3A_659 : vector<1x1x16xf32> to vector<16xf32>
        %parallel_loop3A_661 = vector.shape_cast %parallel_loop3A_654 : vector<16xf32> to vector<1x1x16xf32>
        tpu.vector_store %arg10[%parallel_loop3A_656, %parallel_loop3A_657, %parallel_loop3A_658], %parallel_loop3A_661 {strides = array<i32>} : memref<4x50x64xf32, #tpu.memory_space<vmem>>, vector<1x1x16xf32>,
      } {sc.loop_unroll_factor = 5 : i64, sc.parallel_access}
      %parallel_loop3A_293 = arith.constant 0 : i32
      %parallel_loop3A_294 = arith.constant 50 : i32
      %parallel_loop3A_295 = arith.constant 1 : i32
      scf.for %parallel_loop3A_597 = %parallel_loop3A_293 to %parallel_loop3A_294 step %parallel_loop3A_295  : i32 {
        %parallel_loop3A_598 = arith.constant 2 : i32
        %parallel_loop3A_599 = arith.index_cast %parallel_loop3A_598 : i32 to index
        %parallel_loop3A_600 = arith.index_cast %parallel_loop3A_597 : i32 to index
        %parallel_loop3A_601 = arith.constant 0 : index
        %parallel_loop3A_602 = tpu.vector_load %arg6[%parallel_loop3A_599, %parallel_loop3A_600, %parallel_loop3A_601] {strides = array<i32>} : memref<4x50x64xf32, #tpu.memory_space<vmem>>, vector<1x1x16xf32>,
        %parallel_loop3A_603 = vector.shape_cast %parallel_loop3A_602 : vector<1x1x16xf32> to vector<16xf32>
        %parallel_loop3A_604 = arith.constant 8.000000e+00 : f32
        %parallel_loop3A_605 = vector.broadcast %parallel_loop3A_604 : f32 to vector<16xf32>
        %parallel_loop3A_606 = arith.mulf %parallel_loop3A_603, %parallel_loop3A_605 : vector<16xf32>
        %parallel_loop3A_607 = arith.constant 2 : i32
        %parallel_loop3A_608 = arith.index_cast %parallel_loop3A_607 : i32 to index
        %parallel_loop3A_609 = arith.index_cast %parallel_loop3A_597 : i32 to index
        %parallel_loop3A_610 = arith.constant 0 : index
        %parallel_loop3A_611 = tpu.vector_load %arg10[%parallel_loop3A_608, %parallel_loop3A_609, %parallel_loop3A_610] {strides = array<i32>} : memref<4x50x64xf32, #tpu.memory_space<vmem>>, vector<1x1x16xf32>,
        %parallel_loop3A_612 = vector.shape_cast %parallel_loop3A_611 : vector<1x1x16xf32> to vector<16xf32>
        %parallel_loop3A_613 = vector.shape_cast %parallel_loop3A_606 : vector<16xf32> to vector<1x1x16xf32>
        tpu.vector_store %arg10[%parallel_loop3A_608, %parallel_loop3A_609, %parallel_loop3A_610], %parallel_loop3A_613 {strides = array<i32>} : memref<4x50x64xf32, #tpu.memory_space<vmem>>, vector<1x1x16xf32>,
        %parallel_loop3A_614 = arith.constant 2 : i32
        %parallel_loop3A_615 = arith.index_cast %parallel_loop3A_614 : i32 to index
        %parallel_loop3A_616 = arith.index_cast %parallel_loop3A_597 : i32 to index
        %parallel_loop3A_617 = arith.constant 16 : index
        %parallel_loop3A_618 = tpu.vector_load %arg6[%parallel_loop3A_615, %parallel_loop3A_616, %parallel_loop3A_617] {strides = array<i32>} : memref<4x50x64xf32, #tpu.memory_space<vmem>>, vector<1x1x16xf32>,
        %parallel_loop3A_619 = vector.shape_cast %parallel_loop3A_618 : vector<1x1x16xf32> to vector<16xf32>
        %parallel_loop3A_620 = arith.constant 8.000000e+00 : f32
        %parallel_loop3A_621 = vector.broadcast %parallel_loop3A_620 : f32 to vector<16xf32>
        %parallel_loop3A_622 = arith.mulf %parallel_loop3A_619, %parallel_loop3A_621 : vector<16xf32>
        %parallel_loop3A_623 = arith.constant 2 : i32
        %parallel_loop3A_624 = arith.index_cast %parallel_loop3A_623 : i32 to index
        %parallel_loop3A_625 = arith.index_cast %parallel_loop3A_597 : i32 to index
        %parallel_loop3A_626 = arith.constant 16 : index
        %parallel_loop3A_627 = tpu.vector_load %arg10[%parallel_loop3A_624, %parallel_loop3A_625, %parallel_loop3A_626] {strides = array<i32>} : memref<4x50x64xf32, #tpu.memory_space<vmem>>, vector<1x1x16xf32>,
        %parallel_loop3A_628 = vector.shape_cast %parallel_loop3A_627 : vector<1x1x16xf32> to vector<16xf32>
        %parallel_loop3A_629 = vector.shape_cast %parallel_loop3A_622 : vector<16xf32> to vector<1x1x16xf32>
        tpu.vector_store %arg10[%parallel_loop3A_624, %parallel_loop3A_625, %parallel_loop3A_626], %parallel_loop3A_629 {strides = array<i32>} : memref<4x50x64xf32, #tpu.memory_space<vmem>>, vector<1x1x16xf32>,
        %parallel_loop3A_630 = arith.constant 2 : i32
        %parallel_loop3A_631 = arith.index_cast %parallel_loop3A_630 : i32 to index
        %parallel_loop3A_632 = arith.index_cast %parallel_loop3A_597 : i32 to index
        %parallel_loop3A_633 = arith.constant 32 : index
        %parallel_loop3A_634 = tpu.vector_load %arg6[%parallel_loop3A_631, %parallel_loop3A_632, %parallel_loop3A_633] {strides = array<i32>} : memref<4x50x64xf32, #tpu.memory_space<vmem>>, vector<1x1x16xf32>,
        %parallel_loop3A_635 = vector.shape_cast %parallel_loop3A_634 : vector<1x1x16xf32> to vector<16xf32>
        %parallel_loop3A_636 = arith.constant 8.000000e+00 : f32
        %parallel_loop3A_637 = vector.broadcast %parallel_loop3A_636 : f32 to vector<16xf32>
        %parallel_loop3A_638 = arith.mulf %parallel_loop3A_635, %parallel_loop3A_637 : vector<16xf32>
        %parallel_loop3A_639 = arith.constant 2 : i32
        %parallel_loop3A_640 = arith.index_cast %parallel_loop3A_639 : i32 to index
        %parallel_loop3A_641 = arith.index_cast %parallel_loop3A_597 : i32 to index
        %parallel_loop3A_642 = arith.constant 32 : index
        %parallel_loop3A_643 = tpu.vector_load %arg10[%parallel_loop3A_640, %parallel_loop3A_641, %parallel_loop3A_642] {strides = array<i32>} : memref<4x50x64xf32, #tpu.memory_space<vmem>>, vector<1x1x16xf32>,
        %parallel_loop3A_644 = vector.shape_cast %parallel_loop3A_643 : vector<1x1x16xf32> to vector<16xf32>
        %parallel_loop3A_645 = vector.shape_cast %parallel_loop3A_638 : vector<16xf32> to vector<1x1x16xf32>
        tpu.vector_store %arg10[%parallel_loop3A_640, %parallel_loop3A_641, %parallel_loop3A_642], %parallel_loop3A_645 {strides = array<i32>} : memref<4x50x64xf32, #tpu.memory_space<vmem>>, vector<1x1x16xf32>,
        %parallel_loop3A_646 = arith.constant 2 : i32
        %parallel_loop3A_647 = arith.index_cast %parallel_loop3A_646 : i32 to index
        %parallel_loop3A_648 = arith.index_cast %parallel_loop3A_597 : i32 to index
        %parallel_loop3A_649 = arith.constant 48 : index
        %parallel_loop3A_650 = tpu.vector_load %arg6[%parallel_loop3A_647, %parallel_loop3A_648, %parallel_loop3A_649] {strides = array<i32>} : memref<4x50x64xf32, #tpu.memory_space<vmem>>, vector<1x1x16xf32>,
        %parallel_loop3A_651 = vector.shape_cast %parallel_loop3A_650 : vector<1x1x16xf32> to vector<16xf32>
        %parallel_loop3A_652 = arith.constant 8.000000e+00 : f32
        %parallel_loop3A_653 = vector.broadcast %parallel_loop3A_652 : f32 to vector<16xf32>
        %parallel_loop3A_654 = arith.mulf %parallel_loop3A_651, %parallel_loop3A_653 : vector<16xf32>
        %parallel_loop3A_655 = arith.constant 2 : i32
        %parallel_loop3A_656 = arith.index_cast %parallel_loop3A_655 : i32 to index
        %parallel_loop3A_657 = arith.index_cast %parallel_loop3A_597 : i32 to index
        %parallel_loop3A_658 = arith.constant 48 : index
        %parallel_loop3A_659 = tpu.vector_load %arg10[%parallel_loop3A_656, %parallel_loop3A_657, %parallel_loop3A_658] {strides = array<i32>} : memref<4x50x64xf32, #tpu.memory_space<vmem>>, vector<1x1x16xf32>,
        %parallel_loop3A_660 = vector.shape_cast %parallel_loop3A_659 : vector<1x1x16xf32> to vector<16xf32>
        %parallel_loop3A_661 = vector.shape_cast %parallel_loop3A_654 : vector<16xf32> to vector<1x1x16xf32>
        tpu.vector_store %arg10[%parallel_loop3A_656, %parallel_loop3A_657, %parallel_loop3A_658], %parallel_loop3A_661 {strides = array<i32>} : memref<4x50x64xf32, #tpu.memory_space<vmem>>, vector<1x1x16xf32>,
      } {sc.loop_unroll_factor = 5 : i64, sc.parallel_access}
      %parallel_loop3A_296 = arith.constant 0 : i32
      %parallel_loop3A_297 = arith.constant 50 : i32
      %parallel_loop3A_298 = arith.constant 1 : i32
      scf.for %parallel_loop3A_597 = %parallel_loop3A_296 to %parallel_loop3A_297 step %parallel_loop3A_298  : i32 {
        %parallel_loop3A_598 = arith.constant 3 : i32
        %parallel_loop3A_599 = arith.index_cast %parallel_loop3A_598 : i32 to index
        %parallel_loop3A_600 = arith.index_cast %parallel_loop3A_597 : i32 to index
        %parallel_loop3A_601 = arith.constant 0 : index
        %parallel_loop3A_602 = tpu.vector_load %arg6[%parallel_loop3A_599, %parallel_loop3A_600, %parallel_loop3A_601] {strides = array<i32>} : memref<4x50x64xf32, #tpu.memory_space<vmem>>, vector<1x1x16xf32>,
        %parallel_loop3A_603 = vector.shape_cast %parallel_loop3A_602 : vector<1x1x16xf32> to vector<16xf32>
        %parallel_loop3A_604 = arith.constant 8.000000e+00 : f32
        %parallel_loop3A_605 = vector.broadcast %parallel_loop3A_604 : f32 to vector<16xf32>
        %parallel_loop3A_606 = arith.mulf %parallel_loop3A_603, %parallel_loop3A_605 : vector<16xf32>
        %parallel_loop3A_607 = arith.constant 3 : i32
        %parallel_loop3A_608 = arith.index_cast %parallel_loop3A_607 : i32 to index
        %parallel_loop3A_609 = arith.index_cast %parallel_loop3A_597 : i32 to index
        %parallel_loop3A_610 = arith.constant 0 : index
        %parallel_loop3A_611 = tpu.vector_load %arg10[%parallel_loop3A_608, %parallel_loop3A_609, %parallel_loop3A_610] {strides = array<i32>} : memref<4x50x64xf32, #tpu.memory_space<vmem>>, vector<1x1x16xf32>,
        %parallel_loop3A_612 = vector.shape_cast %parallel_loop3A_611 : vector<1x1x16xf32> to vector<16xf32>
        %parallel_loop3A_613 = vector.shape_cast %parallel_loop3A_606 : vector<16xf32> to vector<1x1x16xf32>
        tpu.vector_store %arg10[%parallel_loop3A_608, %parallel_loop3A_609, %parallel_loop3A_610], %parallel_loop3A_613 {strides = array<i32>} : memref<4x50x64xf32, #tpu.memory_space<vmem>>, vector<1x1x16xf32>,
        %parallel_loop3A_614 = arith.constant 3 : i32
        %parallel_loop3A_615 = arith.index_cast %parallel_loop3A_614 : i32 to index
        %parallel_loop3A_616 = arith.index_cast %parallel_loop3A_597 : i32 to index
        %parallel_loop3A_617 = arith.constant 16 : index
        %parallel_loop3A_618 = tpu.vector_load %arg6[%parallel_loop3A_615, %parallel_loop3A_616, %parallel_loop3A_617] {strides = array<i32>} : memref<4x50x64xf32, #tpu.memory_space<vmem>>, vector<1x1x16xf32>,
        %parallel_loop3A_619 = vector.shape_cast %parallel_loop3A_618 : vector<1x1x16xf32> to vector<16xf32>
        %parallel_loop3A_620 = arith.constant 8.000000e+00 : f32
        %parallel_loop3A_621 = vector.broadcast %parallel_loop3A_620 : f32 to vector<16xf32>
        %parallel_loop3A_622 = arith.mulf %parallel_loop3A_619, %parallel_loop3A_621 : vector<16xf32>
        %parallel_loop3A_623 = arith.constant 3 : i32
        %parallel_loop3A_624 = arith.index_cast %parallel_loop3A_623 : i32 to index
        %parallel_loop3A_625 = arith.index_cast %parallel_loop3A_597 : i32 to index
        %parallel_loop3A_626 = arith.constant 16 : index
        %parallel_loop3A_627 = tpu.vector_load %arg10[%parallel_loop3A_624, %parallel_loop3A_625, %parallel_loop3A_626] {strides = array<i32>} : memref<4x50x64xf32, #tpu.memory_space<vmem>>, vector<1x1x16xf32>,
        %parallel_loop3A_628 = vector.shape_cast %parallel_loop3A_627 : vector<1x1x16xf32> to vector<16xf32>
        %parallel_loop3A_629 = vector.shape_cast %parallel_loop3A_622 : vector<16xf32> to vector<1x1x16xf32>
        tpu.vector_store %arg10[%parallel_loop3A_624, %parallel_loop3A_625, %parallel_loop3A_626], %parallel_loop3A_629 {strides = array<i32>} : memref<4x50x64xf32, #tpu.memory_space<vmem>>, vector<1x1x16xf32>,
        %parallel_loop3A_630 = arith.constant 3 : i32
        %parallel_loop3A_631 = arith.index_cast %parallel_loop3A_630 : i32 to index
        %parallel_loop3A_632 = arith.index_cast %parallel_loop3A_597 : i32 to index
        %parallel_loop3A_633 = arith.constant 32 : index
        %parallel_loop3A_634 = tpu.vector_load %arg6[%parallel_loop3A_631, %parallel_loop3A_632, %parallel_loop3A_633] {strides = array<i32>} : memref<4x50x64xf32, #tpu.memory_space<vmem>>, vector<1x1x16xf32>,
        %parallel_loop3A_635 = vector.shape_cast %parallel_loop3A_634 : vector<1x1x16xf32> to vector<16xf32>
        %parallel_loop3A_636 = arith.constant 8.000000e+00 : f32
        %parallel_loop3A_637 = vector.broadcast %parallel_loop3A_636 : f32 to vector<16xf32>
        %parallel_loop3A_638 = arith.mulf %parallel_loop3A_635, %parallel_loop3A_637 : vector<16xf32>
        %parallel_loop3A_639 = arith.constant 3 : i32
        %parallel_loop3A_640 = arith.index_cast %parallel_loop3A_639 : i32 to index
        %parallel_loop3A_641 = arith.index_cast %parallel_loop3A_597 : i32 to index
        %parallel_loop3A_642 = arith.constant 32 : index
        %parallel_loop3A_643 = tpu.vector_load %arg10[%parallel_loop3A_640, %parallel_loop3A_641, %parallel_loop3A_642] {strides = array<i32>} : memref<4x50x64xf32, #tpu.memory_space<vmem>>, vector<1x1x16xf32>,
        %parallel_loop3A_644 = vector.shape_cast %parallel_loop3A_643 : vector<1x1x16xf32> to vector<16xf32>
        %parallel_loop3A_645 = vector.shape_cast %parallel_loop3A_638 : vector<16xf32> to vector<1x1x16xf32>
        tpu.vector_store %arg10[%parallel_loop3A_640, %parallel_loop3A_641, %parallel_loop3A_642], %parallel_loop3A_645 {strides = array<i32>} : memref<4x50x64xf32, #tpu.memory_space<vmem>>, vector<1x1x16xf32>,
        %parallel_loop3A_646 = arith.constant 3 : i32
        %parallel_loop3A_647 = arith.index_cast %parallel_loop3A_646 : i32 to index
        %parallel_loop3A_648 = arith.index_cast %parallel_loop3A_597 : i32 to index
        %parallel_loop3A_649 = arith.constant 48 : index
        %parallel_loop3A_650 = tpu.vector_load %arg6[%parallel_loop3A_647, %parallel_loop3A_648, %parallel_loop3A_649] {strides = array<i32>} : memref<4x50x64xf32, #tpu.memory_space<vmem>>, vector<1x1x16xf32>,
        %parallel_loop3A_651 = vector.shape_cast %parallel_loop3A_650 : vector<1x1x16xf32> to vector<16xf32>
        %parallel_loop3A_652 = arith.constant 8.000000e+00 : f32
        %parallel_loop3A_653 = vector.broadcast %parallel_loop3A_652 : f32 to vector<16xf32>
        %parallel_loop3A_654 = arith.mulf %parallel_loop3A_651, %parallel_loop3A_653 : vector<16xf32>
        %parallel_loop3A_655 = arith.constant 3 : i32
        %parallel_loop3A_656 = arith.index_cast %parallel_loop3A_655 : i32 to index
        %parallel_loop3A_657 = arith.index_cast %parallel_loop3A_597 : i32 to index
        %parallel_loop3A_658 = arith.constant 48 : index
        %parallel_loop3A_659 = tpu.vector_load %arg10[%parallel_loop3A_656, %parallel_loop3A_657, %parallel_loop3A_658] {strides = array<i32>} : memref<4x50x64xf32, #tpu.memory_space<vmem>>, vector<1x1x16xf32>,
        %parallel_loop3A_660 = vector.shape_cast %parallel_loop3A_659 : vector<1x1x16xf32> to vector<16xf32>
        %parallel_loop3A_661 = vector.shape_cast %parallel_loop3A_654 : vector<16xf32> to vector<1x1x16xf32>
        tpu.vector_store %arg10[%parallel_loop3A_656, %parallel_loop3A_657, %parallel_loop3A_658], %parallel_loop3A_661 {strides = array<i32>} : memref<4x50x64xf32, #tpu.memory_space<vmem>>, vector<1x1x16xf32>,
      } {sc.loop_unroll_factor = 5 : i64, sc.parallel_access}
      %mul3A_299 = arith.constant 4 : i32
      %mul3A_300 = arith.muli %add3A_223, %mul3A_299 : i32
      %add3A_301 = arith.addi %mul3A_2, %mul3A_300 : i32
      %dma_start3A_302 = arith.constant 0 : i32
      %dma_start3A_303 = arith.constant 0 : i32
      %dma_start3A_304 = tpu.memref_slice %arg4[%add3A_301, %dma_start3A_302, %dma_start3A_303] : memref<16384x50x64xf32, #tpu.memory_space<hbm>> -> memref<4x50x64xf32, #tpu.memory_space<hbm>>
      %dma_start3A_305 = arith.constant 0 : i32
      %dma_start3A_306 = arith.constant 0 : i32
      %dma_start3A_307 = tpu.memref_slice %arg4[%add3A_301, %dma_start3A_305, %dma_start3A_306] : memref<16384x50x64xf32, #tpu.memory_space<hbm>> -> memref<4x50x64xf32, #tpu.memory_space<hbm>>
      tpu.enqueue_dma source(%arg10 : memref<4x50x64xf32, #tpu.memory_space<vmem>>) target(%dma_start3A_307 : memref<4x50x64xf32, #tpu.memory_space<hbm>>) target_semaphore(%arg16 : memref<!tpu.dma_semaphore, #tpu.memory_space<semaphore_mem>>)
      %lt3A = arith.constant 31 : i32
      %lt3A_308 = arith.cmpi slt, %scan3A_219, %lt3A : i32
      %convert_element_type3A_309 = arith.extui %lt3A_308 : i1 to i32
      %cond3A_310 = arith.constant 0 : i32
      %cond3A_311 = arith.cmpi ne, %convert_element_type3A_309, %cond3A_310 : i32
      scf.if %cond3A_311 {
        %add3A_597 = arith.constant 4 : i32
        %add3A_598 = arith.addi %add3A_223, %add3A_597 : i32
        %mul3A_599 = arith.constant 4 : i32
        %mul3A_600 = arith.muli %add3A_598, %mul3A_599 : i32
        %add3A_601 = arith.constant 0 : i32
        %add3A_602 = arith.addi %mul3A_600, %add3A_601 : i32
        %dma_start3A_603 = arith.constant 0 : i32
        %dma_start3A_604 = arith.constant 0 : i32
        %dma_start3A_605 = arith.constant 0 : i32
        %dma_start3A_606 = tpu.memref_slice %arg6[%dma_start3A_603, %dma_start3A_604, %dma_start3A_605] : memref<4x50x64xf32, #tpu.memory_space<vmem>> -> memref<1x50x64xf32, #tpu.memory_space<vmem>>
        %dma_start3A_607 = tpu.memref_squeeze %dma_start3A_606 : memref<1x50x64xf32, #tpu.memory_space<vmem>> -> memref<50x64xf32, #tpu.memory_space<vmem>>
        %dma_start3A_608 = arith.constant 0 : i32
        %dma_start3A_609 = tpu.memref_slice %arg5[%add3A_602, %dma_start3A_608] : memref<512x50xi32, #tpu.memory_space<vmem>> -> memref<1x50xi32, #tpu.memory_space<vmem>>
        %dma_start3A_610 = tpu.memref_squeeze %dma_start3A_609 : memref<1x50xi32, #tpu.memory_space<vmem>> -> memref<50xi32, #tpu.memory_space<vmem>>
        %dma_start3A_611 = arith.constant 0 : i32
        %dma_start3A_612 = arith.constant 0 : i32
        %dma_start3A_613 = tpu.memref_slice %arg2[%dma_start3A_611, %dma_start3A_612] : memref<2000000x64xf32, #tpu.memory_space<hbm>> -> memref<2000000x64xf32, #tpu.memory_space<hbm>>
        tpu.enqueue_indirect_dma source(%dma_start3A_613 : memref<2000000x64xf32, #tpu.memory_space<hbm>>) target(%dma_start3A_607 : memref<50x64xf32, #tpu.memory_space<vmem>>) offsets(%dma_start3A_610 : memref<50xi32, #tpu.memory_space<vmem>>) semaphore(%arg12 : memref<!tpu.dma_semaphore, #tpu.memory_space<semaphore_mem>>)
        %mul3A_614 = arith.constant 4 : i32
        %mul3A_615 = arith.muli %add3A_598, %mul3A_614 : i32
        %add3A_616 = arith.constant 1 : i32
        %add3A_617 = arith.addi %mul3A_615, %add3A_616 : i32
        %dma_start3A_618 = arith.constant 1 : i32
        %dma_start3A_619 = arith.constant 0 : i32
        %dma_start3A_620 = arith.constant 0 : i32
        %dma_start3A_621 = tpu.memref_slice %arg6[%dma_start3A_618, %dma_start3A_619, %dma_start3A_620] : memref<4x50x64xf32, #tpu.memory_space<vmem>> -> memref<1x50x64xf32, #tpu.memory_space<vmem>>
        %dma_start3A_622 = tpu.memref_squeeze %dma_start3A_621 : memref<1x50x64xf32, #tpu.memory_space<vmem>> -> memref<50x64xf32, #tpu.memory_space<vmem>>
        %dma_start3A_623 = arith.constant 0 : i32
        %dma_start3A_624 = tpu.memref_slice %arg5[%add3A_617, %dma_start3A_623] : memref<512x50xi32, #tpu.memory_space<vmem>> -> memref<1x50xi32, #tpu.memory_space<vmem>>
        %dma_start3A_625 = tpu.memref_squeeze %dma_start3A_624 : memref<1x50xi32, #tpu.memory_space<vmem>> -> memref<50xi32, #tpu.memory_space<vmem>>
        %dma_start3A_626 = arith.constant 0 : i32
        %dma_start3A_627 = arith.constant 0 : i32
        %dma_start3A_628 = tpu.memref_slice %arg2[%dma_start3A_626, %dma_start3A_627] : memref<2000000x64xf32, #tpu.memory_space<hbm>> -> memref<2000000x64xf32, #tpu.memory_space<hbm>>
        tpu.enqueue_indirect_dma source(%dma_start3A_628 : memref<2000000x64xf32, #tpu.memory_space<hbm>>) target(%dma_start3A_622 : memref<50x64xf32, #tpu.memory_space<vmem>>) offsets(%dma_start3A_625 : memref<50xi32, #tpu.memory_space<vmem>>) semaphore(%arg12 : memref<!tpu.dma_semaphore, #tpu.memory_space<semaphore_mem>>)
        %mul3A_629 = arith.constant 4 : i32
        %mul3A_630 = arith.muli %add3A_598, %mul3A_629 : i32
        %add3A_631 = arith.constant 2 : i32
        %add3A_632 = arith.addi %mul3A_630, %add3A_631 : i32
        %dma_start3A_633 = arith.constant 2 : i32
        %dma_start3A_634 = arith.constant 0 : i32
        %dma_start3A_635 = arith.constant 0 : i32
        %dma_start3A_636 = tpu.memref_slice %arg6[%dma_start3A_633, %dma_start3A_634, %dma_start3A_635] : memref<4x50x64xf32, #tpu.memory_space<vmem>> -> memref<1x50x64xf32, #tpu.memory_space<vmem>>
        %dma_start3A_637 = tpu.memref_squeeze %dma_start3A_636 : memref<1x50x64xf32, #tpu.memory_space<vmem>> -> memref<50x64xf32, #tpu.memory_space<vmem>>
        %dma_start3A_638 = arith.constant 0 : i32
        %dma_start3A_639 = tpu.memref_slice %arg5[%add3A_632, %dma_start3A_638] : memref<512x50xi32, #tpu.memory_space<vmem>> -> memref<1x50xi32, #tpu.memory_space<vmem>>
        %dma_start3A_640 = tpu.memref_squeeze %dma_start3A_639 : memref<1x50xi32, #tpu.memory_space<vmem>> -> memref<50xi32, #tpu.memory_space<vmem>>
        %dma_start3A_641 = arith.constant 0 : i32
        %dma_start3A_642 = arith.constant 0 : i32
        %dma_start3A_643 = tpu.memref_slice %arg2[%dma_start3A_641, %dma_start3A_642] : memref<2000000x64xf32, #tpu.memory_space<hbm>> -> memref<2000000x64xf32, #tpu.memory_space<hbm>>
        tpu.enqueue_indirect_dma source(%dma_start3A_643 : memref<2000000x64xf32, #tpu.memory_space<hbm>>) target(%dma_start3A_637 : memref<50x64xf32, #tpu.memory_space<vmem>>) offsets(%dma_start3A_640 : memref<50xi32, #tpu.memory_space<vmem>>) semaphore(%arg12 : memref<!tpu.dma_semaphore, #tpu.memory_space<semaphore_mem>>)
        %mul3A_644 = arith.constant 4 : i32
        %mul3A_645 = arith.muli %add3A_598, %mul3A_644 : i32
        %add3A_646 = arith.constant 3 : i32
        %add3A_647 = arith.addi %mul3A_645, %add3A_646 : i32
        %dma_start3A_648 = arith.constant 3 : i32
        %dma_start3A_649 = arith.constant 0 : i32
        %dma_start3A_650 = arith.constant 0 : i32
        %dma_start3A_651 = tpu.memref_slice %arg6[%dma_start3A_648, %dma_start3A_649, %dma_start3A_650] : memref<4x50x64xf32, #tpu.memory_space<vmem>> -> memref<1x50x64xf32, #tpu.memory_space<vmem>>
        %dma_start3A_652 = tpu.memref_squeeze %dma_start3A_651 : memref<1x50x64xf32, #tpu.memory_space<vmem>> -> memref<50x64xf32, #tpu.memory_space<vmem>>
        %dma_start3A_653 = arith.constant 0 : i32
        %dma_start3A_654 = tpu.memref_slice %arg5[%add3A_647, %dma_start3A_653] : memref<512x50xi32, #tpu.memory_space<vmem>> -> memref<1x50xi32, #tpu.memory_space<vmem>>
        %dma_start3A_655 = tpu.memref_squeeze %dma_start3A_654 : memref<1x50xi32, #tpu.memory_space<vmem>> -> memref<50xi32, #tpu.memory_space<vmem>>
        %dma_start3A_656 = arith.constant 0 : i32
        %dma_start3A_657 = arith.constant 0 : i32
        %dma_start3A_658 = tpu.memref_slice %arg2[%dma_start3A_656, %dma_start3A_657] : memref<2000000x64xf32, #tpu.memory_space<hbm>> -> memref<2000000x64xf32, #tpu.memory_space<hbm>>
        tpu.enqueue_indirect_dma source(%dma_start3A_658 : memref<2000000x64xf32, #tpu.memory_space<hbm>>) target(%dma_start3A_652 : memref<50x64xf32, #tpu.memory_space<vmem>>) offsets(%dma_start3A_655 : memref<50xi32, #tpu.memory_space<vmem>>) semaphore(%arg12 : memref<!tpu.dma_semaphore, #tpu.memory_space<semaphore_mem>>)
      } else {
      }
      %mul3A_312 = arith.constant 4 : i32
      %mul3A_313 = arith.muli %mul3A_312, %scan3A_219 : i32
      %add3A_314 = arith.constant 1 : i32
      %add3A_315 = arith.addi %mul3A_313, %add3A_314 : i32
      %mul3A_316 = arith.constant 4 : i32
      %mul3A_317 = arith.muli %add3A_315, %mul3A_316 : i32
      %add3A_318 = arith.constant 0 : i32
      %add3A_319 = arith.addi %mul3A_317, %add3A_318 : i32
      %dma_wait3A_320 = arith.constant 0 : i32
      %dma_wait3A_321 = arith.constant 0 : i32
      %dma_wait3A_322 = arith.constant 0 : i32
      %dma_wait3A_323 = tpu.memref_slice %arg7[%dma_wait3A_320, %dma_wait3A_321, %dma_wait3A_322] : memref<4x50x64xf32, #tpu.memory_space<vmem>> -> memref<1x50x64xf32, #tpu.memory_space<vmem>>
      %dma_wait3A_324 = tpu.memref_squeeze %dma_wait3A_323 : memref<1x50x64xf32, #tpu.memory_space<vmem>> -> memref<50x64xf32, #tpu.memory_space<vmem>>
      %dma_wait3A_325 = arith.constant 0 : i32
      %dma_wait3A_326 = tpu.memref_slice %arg5[%add3A_319, %dma_wait3A_325] : memref<512x50xi32, #tpu.memory_space<vmem>> -> memref<1x50xi32, #tpu.memory_space<vmem>>
      %dma_wait3A_327 = tpu.memref_squeeze %dma_wait3A_326 : memref<1x50xi32, #tpu.memory_space<vmem>> -> memref<50xi32, #tpu.memory_space<vmem>>
      %dma_wait3A_328 = arith.constant 0 : i32
      %dma_wait3A_329 = arith.constant 0 : i32
      %dma_wait3A_330 = tpu.memref_slice %arg2[%dma_wait3A_328, %dma_wait3A_329] : memref<2000000x64xf32, #tpu.memory_space<hbm>> -> memref<2000000x64xf32, #tpu.memory_space<hbm>>
      tpu.wait_indirect_dma semaphore(%arg13 : memref<!tpu.dma_semaphore, #tpu.memory_space<semaphore_mem>>) src(%dma_wait3A_330 : memref<2000000x64xf32, #tpu.memory_space<hbm>>) dst(%dma_wait3A_324 : memref<50x64xf32, #tpu.memory_space<vmem>>)
      %mul3A_331 = arith.constant 4 : i32
      %mul3A_332 = arith.muli %add3A_315, %mul3A_331 : i32
      %add3A_333 = arith.constant 1 : i32
      %add3A_334 = arith.addi %mul3A_332, %add3A_333 : i32
      %dma_wait3A_335 = arith.constant 1 : i32
      %dma_wait3A_336 = arith.constant 0 : i32
      %dma_wait3A_337 = arith.constant 0 : i32
      %dma_wait3A_338 = tpu.memref_slice %arg7[%dma_wait3A_335, %dma_wait3A_336, %dma_wait3A_337] : memref<4x50x64xf32, #tpu.memory_space<vmem>> -> memref<1x50x64xf32, #tpu.memory_space<vmem>>
      %dma_wait3A_339 = tpu.memref_squeeze %dma_wait3A_338 : memref<1x50x64xf32, #tpu.memory_space<vmem>> -> memref<50x64xf32, #tpu.memory_space<vmem>>
      %dma_wait3A_340 = arith.constant 0 : i32
      %dma_wait3A_341 = tpu.memref_slice %arg5[%add3A_334, %dma_wait3A_340] : memref<512x50xi32, #tpu.memory_space<vmem>> -> memref<1x50xi32, #tpu.memory_space<vmem>>
      %dma_wait3A_342 = tpu.memref_squeeze %dma_wait3A_341 : memref<1x50xi32, #tpu.memory_space<vmem>> -> memref<50xi32, #tpu.memory_space<vmem>>
      %dma_wait3A_343 = arith.constant 0 : i32
      %dma_wait3A_344 = arith.constant 0 : i32
      %dma_wait3A_345 = tpu.memref_slice %arg2[%dma_wait3A_343, %dma_wait3A_344] : memref<2000000x64xf32, #tpu.memory_space<hbm>> -> memref<2000000x64xf32, #tpu.memory_space<hbm>>
      tpu.wait_indirect_dma semaphore(%arg13 : memref<!tpu.dma_semaphore, #tpu.memory_space<semaphore_mem>>) src(%dma_wait3A_345 : memref<2000000x64xf32, #tpu.memory_space<hbm>>) dst(%dma_wait3A_339 : memref<50x64xf32, #tpu.memory_space<vmem>>)
      %mul3A_346 = arith.constant 4 : i32
      %mul3A_347 = arith.muli %add3A_315, %mul3A_346 : i32
      %add3A_348 = arith.constant 2 : i32
      %add3A_349 = arith.addi %mul3A_347, %add3A_348 : i32
      %dma_wait3A_350 = arith.constant 2 : i32
      %dma_wait3A_351 = arith.constant 0 : i32
      %dma_wait3A_352 = arith.constant 0 : i32
      %dma_wait3A_353 = tpu.memref_slice %arg7[%dma_wait3A_350, %dma_wait3A_351, %dma_wait3A_352] : memref<4x50x64xf32, #tpu.memory_space<vmem>> -> memref<1x50x64xf32, #tpu.memory_space<vmem>>
      %dma_wait3A_354 = tpu.memref_squeeze %dma_wait3A_353 : memref<1x50x64xf32, #tpu.memory_space<vmem>> -> memref<50x64xf32, #tpu.memory_space<vmem>>
      %dma_wait3A_355 = arith.constant 0 : i32
      %dma_wait3A_356 = tpu.memref_slice %arg5[%add3A_349, %dma_wait3A_355] : memref<512x50xi32, #tpu.memory_space<vmem>> -> memref<1x50xi32, #tpu.memory_space<vmem>>
      %dma_wait3A_357 = tpu.memref_squeeze %dma_wait3A_356 : memref<1x50xi32, #tpu.memory_space<vmem>> -> memref<50xi32, #tpu.memory_space<vmem>>
      %dma_wait3A_358 = arith.constant 0 : i32
      %dma_wait3A_359 = arith.constant 0 : i32
      %dma_wait3A_360 = tpu.memref_slice %arg2[%dma_wait3A_358, %dma_wait3A_359] : memref<2000000x64xf32, #tpu.memory_space<hbm>> -> memref<2000000x64xf32, #tpu.memory_space<hbm>>
      tpu.wait_indirect_dma semaphore(%arg13 : memref<!tpu.dma_semaphore, #tpu.memory_space<semaphore_mem>>) src(%dma_wait3A_360 : memref<2000000x64xf32, #tpu.memory_space<hbm>>) dst(%dma_wait3A_354 : memref<50x64xf32, #tpu.memory_space<vmem>>)
      %mul3A_361 = arith.constant 4 : i32
      %mul3A_362 = arith.muli %add3A_315, %mul3A_361 : i32
      %add3A_363 = arith.constant 3 : i32
      %add3A_364 = arith.addi %mul3A_362, %add3A_363 : i32
      %dma_wait3A_365 = arith.constant 3 : i32
      %dma_wait3A_366 = arith.constant 0 : i32
      %dma_wait3A_367 = arith.constant 0 : i32
      %dma_wait3A_368 = tpu.memref_slice %arg7[%dma_wait3A_365, %dma_wait3A_366, %dma_wait3A_367] : memref<4x50x64xf32, #tpu.memory_space<vmem>> -> memref<1x50x64xf32, #tpu.memory_space<vmem>>
      %dma_wait3A_369 = tpu.memref_squeeze %dma_wait3A_368 : memref<1x50x64xf32, #tpu.memory_space<vmem>> -> memref<50x64xf32, #tpu.memory_space<vmem>>
      %dma_wait3A_370 = arith.constant 0 : i32
      %dma_wait3A_371 = tpu.memref_slice %arg5[%add3A_364, %dma_wait3A_370] : memref<512x50xi32, #tpu.memory_space<vmem>> -> memref<1x50xi32, #tpu.memory_space<vmem>>
      %dma_wait3A_372 = tpu.memref_squeeze %dma_wait3A_371 : memref<1x50xi32, #tpu.memory_space<vmem>> -> memref<50xi32, #tpu.memory_space<vmem>>
      %dma_wait3A_373 = arith.constant 0 : i32
      %dma_wait3A_374 = arith.constant 0 : i32
      %dma_wait3A_375 = tpu.memref_slice %arg2[%dma_wait3A_373, %dma_wait3A_374] : memref<2000000x64xf32, #tpu.memory_space<hbm>> -> memref<2000000x64xf32, #tpu.memory_space<hbm>>
      tpu.wait_indirect_dma semaphore(%arg13 : memref<!tpu.dma_semaphore, #tpu.memory_space<semaphore_mem>>) src(%dma_wait3A_375 : memref<2000000x64xf32, #tpu.memory_space<hbm>>) dst(%dma_wait3A_369 : memref<50x64xf32, #tpu.memory_space<vmem>>)
      %ge3A_376 = arith.constant 2 : i32
      %ge3A_377 = arith.cmpi sge, %add3A_315, %ge3A_376 : i32
      %convert_element_type3A_378 = arith.extui %ge3A_377 : i1 to i32
      %cond3A_379 = arith.constant 0 : i32
      %cond3A_380 = arith.cmpi ne, %convert_element_type3A_378, %cond3A_379 : i32
      scf.if %cond3A_380 {
        %sub3A = arith.constant 2 : i32
        %sub3A_597 = arith.subi %add3A_315, %sub3A : i32
        %mul3A_598 = arith.constant 4 : i32
        %mul3A_599 = arith.muli %sub3A_597, %mul3A_598 : i32
        %add3A_600 = arith.addi %mul3A_2, %mul3A_599 : i32
        %dma_wait3A_601 = arith.constant 0 : i32
        %dma_wait3A_602 = arith.constant 0 : i32
        %dma_wait3A_603 = tpu.memref_slice %arg4[%add3A_600, %dma_wait3A_601, %dma_wait3A_602] : memref<16384x50x64xf32, #tpu.memory_space<hbm>> -> memref<4x50x64xf32, #tpu.memory_space<hbm>>
        %dma_wait3A_604 = arith.constant 0 : i32
        %dma_wait3A_605 = arith.constant 0 : i32
        %dma_wait3A_606 = tpu.memref_slice %arg4[%add3A_600, %dma_wait3A_604, %dma_wait3A_605] : memref<16384x50x64xf32, #tpu.memory_space<hbm>> -> memref<4x50x64xf32, #tpu.memory_space<hbm>>
        tpu.wait_dma2 semaphore(%arg17 : memref<!tpu.dma_semaphore, #tpu.memory_space<semaphore_mem>>) src(%arg11 : memref<4x50x64xf32, #tpu.memory_space<vmem>>) dst(%dma_wait3A_606 : memref<4x50x64xf32, #tpu.memory_space<hbm>>)
      } else {
      }
      %parallel_loop3A_381 = arith.constant 0 : i32
      %parallel_loop3A_382 = arith.constant 50 : i32
      %parallel_loop3A_383 = arith.constant 1 : i32
      scf.for %parallel_loop3A_597 = %parallel_loop3A_381 to %parallel_loop3A_382 step %parallel_loop3A_383  : i32 {
        %parallel_loop3A_598 = arith.constant 0 : i32
        %parallel_loop3A_599 = arith.index_cast %parallel_loop3A_598 : i32 to index
        %parallel_loop3A_600 = arith.index_cast %parallel_loop3A_597 : i32 to index
        %parallel_loop3A_601 = arith.constant 0 : index
        %parallel_loop3A_602 = tpu.vector_load %arg7[%parallel_loop3A_599, %parallel_loop3A_600, %parallel_loop3A_601] {strides = array<i32>} : memref<4x50x64xf32, #tpu.memory_space<vmem>>, vector<1x1x16xf32>,
        %parallel_loop3A_603 = vector.shape_cast %parallel_loop3A_602 : vector<1x1x16xf32> to vector<16xf32>
        %parallel_loop3A_604 = arith.constant 8.000000e+00 : f32
        %parallel_loop3A_605 = vector.broadcast %parallel_loop3A_604 : f32 to vector<16xf32>
        %parallel_loop3A_606 = arith.mulf %parallel_loop3A_603, %parallel_loop3A_605 : vector<16xf32>
        %parallel_loop3A_607 = arith.constant 0 : i32
        %parallel_loop3A_608 = arith.index_cast %parallel_loop3A_607 : i32 to index
        %parallel_loop3A_609 = arith.index_cast %parallel_loop3A_597 : i32 to index
        %parallel_loop3A_610 = arith.constant 0 : index
        %parallel_loop3A_611 = tpu.vector_load %arg11[%parallel_loop3A_608, %parallel_loop3A_609, %parallel_loop3A_610] {strides = array<i32>} : memref<4x50x64xf32, #tpu.memory_space<vmem>>, vector<1x1x16xf32>,
        %parallel_loop3A_612 = vector.shape_cast %parallel_loop3A_611 : vector<1x1x16xf32> to vector<16xf32>
        %parallel_loop3A_613 = vector.shape_cast %parallel_loop3A_606 : vector<16xf32> to vector<1x1x16xf32>
        tpu.vector_store %arg11[%parallel_loop3A_608, %parallel_loop3A_609, %parallel_loop3A_610], %parallel_loop3A_613 {strides = array<i32>} : memref<4x50x64xf32, #tpu.memory_space<vmem>>, vector<1x1x16xf32>,
        %parallel_loop3A_614 = arith.constant 0 : i32
        %parallel_loop3A_615 = arith.index_cast %parallel_loop3A_614 : i32 to index
        %parallel_loop3A_616 = arith.index_cast %parallel_loop3A_597 : i32 to index
        %parallel_loop3A_617 = arith.constant 16 : index
        %parallel_loop3A_618 = tpu.vector_load %arg7[%parallel_loop3A_615, %parallel_loop3A_616, %parallel_loop3A_617] {strides = array<i32>} : memref<4x50x64xf32, #tpu.memory_space<vmem>>, vector<1x1x16xf32>,
        %parallel_loop3A_619 = vector.shape_cast %parallel_loop3A_618 : vector<1x1x16xf32> to vector<16xf32>
        %parallel_loop3A_620 = arith.constant 8.000000e+00 : f32
        %parallel_loop3A_621 = vector.broadcast %parallel_loop3A_620 : f32 to vector<16xf32>
        %parallel_loop3A_622 = arith.mulf %parallel_loop3A_619, %parallel_loop3A_621 : vector<16xf32>
        %parallel_loop3A_623 = arith.constant 0 : i32
        %parallel_loop3A_624 = arith.index_cast %parallel_loop3A_623 : i32 to index
        %parallel_loop3A_625 = arith.index_cast %parallel_loop3A_597 : i32 to index
        %parallel_loop3A_626 = arith.constant 16 : index
        %parallel_loop3A_627 = tpu.vector_load %arg11[%parallel_loop3A_624, %parallel_loop3A_625, %parallel_loop3A_626] {strides = array<i32>} : memref<4x50x64xf32, #tpu.memory_space<vmem>>, vector<1x1x16xf32>,
        %parallel_loop3A_628 = vector.shape_cast %parallel_loop3A_627 : vector<1x1x16xf32> to vector<16xf32>
        %parallel_loop3A_629 = vector.shape_cast %parallel_loop3A_622 : vector<16xf32> to vector<1x1x16xf32>
        tpu.vector_store %arg11[%parallel_loop3A_624, %parallel_loop3A_625, %parallel_loop3A_626], %parallel_loop3A_629 {strides = array<i32>} : memref<4x50x64xf32, #tpu.memory_space<vmem>>, vector<1x1x16xf32>,
        %parallel_loop3A_630 = arith.constant 0 : i32
        %parallel_loop3A_631 = arith.index_cast %parallel_loop3A_630 : i32 to index
        %parallel_loop3A_632 = arith.index_cast %parallel_loop3A_597 : i32 to index
        %parallel_loop3A_633 = arith.constant 32 : index
        %parallel_loop3A_634 = tpu.vector_load %arg7[%parallel_loop3A_631, %parallel_loop3A_632, %parallel_loop3A_633] {strides = array<i32>} : memref<4x50x64xf32, #tpu.memory_space<vmem>>, vector<1x1x16xf32>,
        %parallel_loop3A_635 = vector.shape_cast %parallel_loop3A_634 : vector<1x1x16xf32> to vector<16xf32>
        %parallel_loop3A_636 = arith.constant 8.000000e+00 : f32
        %parallel_loop3A_637 = vector.broadcast %parallel_loop3A_636 : f32 to vector<16xf32>
        %parallel_loop3A_638 = arith.mulf %parallel_loop3A_635, %parallel_loop3A_637 : vector<16xf32>
        %parallel_loop3A_639 = arith.constant 0 : i32
        %parallel_loop3A_640 = arith.index_cast %parallel_loop3A_639 : i32 to index
        %parallel_loop3A_641 = arith.index_cast %parallel_loop3A_597 : i32 to index
        %parallel_loop3A_642 = arith.constant 32 : index
        %parallel_loop3A_643 = tpu.vector_load %arg11[%parallel_loop3A_640, %parallel_loop3A_641, %parallel_loop3A_642] {strides = array<i32>} : memref<4x50x64xf32, #tpu.memory_space<vmem>>, vector<1x1x16xf32>,
        %parallel_loop3A_644 = vector.shape_cast %parallel_loop3A_643 : vector<1x1x16xf32> to vector<16xf32>
        %parallel_loop3A_645 = vector.shape_cast %parallel_loop3A_638 : vector<16xf32> to vector<1x1x16xf32>
        tpu.vector_store %arg11[%parallel_loop3A_640, %parallel_loop3A_641, %parallel_loop3A_642], %parallel_loop3A_645 {strides = array<i32>} : memref<4x50x64xf32, #tpu.memory_space<vmem>>, vector<1x1x16xf32>,
        %parallel_loop3A_646 = arith.constant 0 : i32
        %parallel_loop3A_647 = arith.index_cast %parallel_loop3A_646 : i32 to index
        %parallel_loop3A_648 = arith.index_cast %parallel_loop3A_597 : i32 to index
        %parallel_loop3A_649 = arith.constant 48 : index
        %parallel_loop3A_650 = tpu.vector_load %arg7[%parallel_loop3A_647, %parallel_loop3A_648, %parallel_loop3A_649] {strides = array<i32>} : memref<4x50x64xf32, #tpu.memory_space<vmem>>, vector<1x1x16xf32>,
        %parallel_loop3A_651 = vector.shape_cast %parallel_loop3A_650 : vector<1x1x16xf32> to vector<16xf32>
        %parallel_loop3A_652 = arith.constant 8.000000e+00 : f32
        %parallel_loop3A_653 = vector.broadcast %parallel_loop3A_652 : f32 to vector<16xf32>
        %parallel_loop3A_654 = arith.mulf %parallel_loop3A_651, %parallel_loop3A_653 : vector<16xf32>
        %parallel_loop3A_655 = arith.constant 0 : i32
        %parallel_loop3A_656 = arith.index_cast %parallel_loop3A_655 : i32 to index
        %parallel_loop3A_657 = arith.index_cast %parallel_loop3A_597 : i32 to index
        %parallel_loop3A_658 = arith.constant 48 : index
        %parallel_loop3A_659 = tpu.vector_load %arg11[%parallel_loop3A_656, %parallel_loop3A_657, %parallel_loop3A_658] {strides = array<i32>} : memref<4x50x64xf32, #tpu.memory_space<vmem>>, vector<1x1x16xf32>,
        %parallel_loop3A_660 = vector.shape_cast %parallel_loop3A_659 : vector<1x1x16xf32> to vector<16xf32>
        %parallel_loop3A_661 = vector.shape_cast %parallel_loop3A_654 : vector<16xf32> to vector<1x1x16xf32>
        tpu.vector_store %arg11[%parallel_loop3A_656, %parallel_loop3A_657, %parallel_loop3A_658], %parallel_loop3A_661 {strides = array<i32>} : memref<4x50x64xf32, #tpu.memory_space<vmem>>, vector<1x1x16xf32>,
      } {sc.loop_unroll_factor = 5 : i64, sc.parallel_access}
      %parallel_loop3A_384 = arith.constant 0 : i32
      %parallel_loop3A_385 = arith.constant 50 : i32
      %parallel_loop3A_386 = arith.constant 1 : i32
      scf.for %parallel_loop3A_597 = %parallel_loop3A_384 to %parallel_loop3A_385 step %parallel_loop3A_386  : i32 {
        %parallel_loop3A_598 = arith.constant 1 : i32
        %parallel_loop3A_599 = arith.index_cast %parallel_loop3A_598 : i32 to index
        %parallel_loop3A_600 = arith.index_cast %parallel_loop3A_597 : i32 to index
        %parallel_loop3A_601 = arith.constant 0 : index
        %parallel_loop3A_602 = tpu.vector_load %arg7[%parallel_loop3A_599, %parallel_loop3A_600, %parallel_loop3A_601] {strides = array<i32>} : memref<4x50x64xf32, #tpu.memory_space<vmem>>, vector<1x1x16xf32>,
        %parallel_loop3A_603 = vector.shape_cast %parallel_loop3A_602 : vector<1x1x16xf32> to vector<16xf32>
        %parallel_loop3A_604 = arith.constant 8.000000e+00 : f32
        %parallel_loop3A_605 = vector.broadcast %parallel_loop3A_604 : f32 to vector<16xf32>
        %parallel_loop3A_606 = arith.mulf %parallel_loop3A_603, %parallel_loop3A_605 : vector<16xf32>
        %parallel_loop3A_607 = arith.constant 1 : i32
        %parallel_loop3A_608 = arith.index_cast %parallel_loop3A_607 : i32 to index
        %parallel_loop3A_609 = arith.index_cast %parallel_loop3A_597 : i32 to index
        %parallel_loop3A_610 = arith.constant 0 : index
        %parallel_loop3A_611 = tpu.vector_load %arg11[%parallel_loop3A_608, %parallel_loop3A_609, %parallel_loop3A_610] {strides = array<i32>} : memref<4x50x64xf32, #tpu.memory_space<vmem>>, vector<1x1x16xf32>,
        %parallel_loop3A_612 = vector.shape_cast %parallel_loop3A_611 : vector<1x1x16xf32> to vector<16xf32>
        %parallel_loop3A_613 = vector.shape_cast %parallel_loop3A_606 : vector<16xf32> to vector<1x1x16xf32>
        tpu.vector_store %arg11[%parallel_loop3A_608, %parallel_loop3A_609, %parallel_loop3A_610], %parallel_loop3A_613 {strides = array<i32>} : memref<4x50x64xf32, #tpu.memory_space<vmem>>, vector<1x1x16xf32>,
        %parallel_loop3A_614 = arith.constant 1 : i32
        %parallel_loop3A_615 = arith.index_cast %parallel_loop3A_614 : i32 to index
        %parallel_loop3A_616 = arith.index_cast %parallel_loop3A_597 : i32 to index
        %parallel_loop3A_617 = arith.constant 16 : index
        %parallel_loop3A_618 = tpu.vector_load %arg7[%parallel_loop3A_615, %parallel_loop3A_616, %parallel_loop3A_617] {strides = array<i32>} : memref<4x50x64xf32, #tpu.memory_space<vmem>>, vector<1x1x16xf32>,
        %parallel_loop3A_619 = vector.shape_cast %parallel_loop3A_618 : vector<1x1x16xf32> to vector<16xf32>
        %parallel_loop3A_620 = arith.constant 8.000000e+00 : f32
        %parallel_loop3A_621 = vector.broadcast %parallel_loop3A_620 : f32 to vector<16xf32>
        %parallel_loop3A_622 = arith.mulf %parallel_loop3A_619, %parallel_loop3A_621 : vector<16xf32>
        %parallel_loop3A_623 = arith.constant 1 : i32
        %parallel_loop3A_624 = arith.index_cast %parallel_loop3A_623 : i32 to index
        %parallel_loop3A_625 = arith.index_cast %parallel_loop3A_597 : i32 to index
        %parallel_loop3A_626 = arith.constant 16 : index
        %parallel_loop3A_627 = tpu.vector_load %arg11[%parallel_loop3A_624, %parallel_loop3A_625, %parallel_loop3A_626] {strides = array<i32>} : memref<4x50x64xf32, #tpu.memory_space<vmem>>, vector<1x1x16xf32>,
        %parallel_loop3A_628 = vector.shape_cast %parallel_loop3A_627 : vector<1x1x16xf32> to vector<16xf32>
        %parallel_loop3A_629 = vector.shape_cast %parallel_loop3A_622 : vector<16xf32> to vector<1x1x16xf32>
        tpu.vector_store %arg11[%parallel_loop3A_624, %parallel_loop3A_625, %parallel_loop3A_626], %parallel_loop3A_629 {strides = array<i32>} : memref<4x50x64xf32, #tpu.memory_space<vmem>>, vector<1x1x16xf32>,
        %parallel_loop3A_630 = arith.constant 1 : i32
        %parallel_loop3A_631 = arith.index_cast %parallel_loop3A_630 : i32 to index
        %parallel_loop3A_632 = arith.index_cast %parallel_loop3A_597 : i32 to index
        %parallel_loop3A_633 = arith.constant 32 : index
        %parallel_loop3A_634 = tpu.vector_load %arg7[%parallel_loop3A_631, %parallel_loop3A_632, %parallel_loop3A_633] {strides = array<i32>} : memref<4x50x64xf32, #tpu.memory_space<vmem>>, vector<1x1x16xf32>,
        %parallel_loop3A_635 = vector.shape_cast %parallel_loop3A_634 : vector<1x1x16xf32> to vector<16xf32>
        %parallel_loop3A_636 = arith.constant 8.000000e+00 : f32
        %parallel_loop3A_637 = vector.broadcast %parallel_loop3A_636 : f32 to vector<16xf32>
        %parallel_loop3A_638 = arith.mulf %parallel_loop3A_635, %parallel_loop3A_637 : vector<16xf32>
        %parallel_loop3A_639 = arith.constant 1 : i32
        %parallel_loop3A_640 = arith.index_cast %parallel_loop3A_639 : i32 to index
        %parallel_loop3A_641 = arith.index_cast %parallel_loop3A_597 : i32 to index
        %parallel_loop3A_642 = arith.constant 32 : index
        %parallel_loop3A_643 = tpu.vector_load %arg11[%parallel_loop3A_640, %parallel_loop3A_641, %parallel_loop3A_642] {strides = array<i32>} : memref<4x50x64xf32, #tpu.memory_space<vmem>>, vector<1x1x16xf32>,
        %parallel_loop3A_644 = vector.shape_cast %parallel_loop3A_643 : vector<1x1x16xf32> to vector<16xf32>
        %parallel_loop3A_645 = vector.shape_cast %parallel_loop3A_638 : vector<16xf32> to vector<1x1x16xf32>
        tpu.vector_store %arg11[%parallel_loop3A_640, %parallel_loop3A_641, %parallel_loop3A_642], %parallel_loop3A_645 {strides = array<i32>} : memref<4x50x64xf32, #tpu.memory_space<vmem>>, vector<1x1x16xf32>,
        %parallel_loop3A_646 = arith.constant 1 : i32
        %parallel_loop3A_647 = arith.index_cast %parallel_loop3A_646 : i32 to index
        %parallel_loop3A_648 = arith.index_cast %parallel_loop3A_597 : i32 to index
        %parallel_loop3A_649 = arith.constant 48 : index
        %parallel_loop3A_650 = tpu.vector_load %arg7[%parallel_loop3A_647, %parallel_loop3A_648, %parallel_loop3A_649] {strides = array<i32>} : memref<4x50x64xf32, #tpu.memory_space<vmem>>, vector<1x1x16xf32>,
        %parallel_loop3A_651 = vector.shape_cast %parallel_loop3A_650 : vector<1x1x16xf32> to vector<16xf32>
        %parallel_loop3A_652 = arith.constant 8.000000e+00 : f32
        %parallel_loop3A_653 = vector.broadcast %parallel_loop3A_652 : f32 to vector<16xf32>
        %parallel_loop3A_654 = arith.mulf %parallel_loop3A_651, %parallel_loop3A_653 : vector<16xf32>
        %parallel_loop3A_655 = arith.constant 1 : i32
        %parallel_loop3A_656 = arith.index_cast %parallel_loop3A_655 : i32 to index
        %parallel_loop3A_657 = arith.index_cast %parallel_loop3A_597 : i32 to index
        %parallel_loop3A_658 = arith.constant 48 : index
        %parallel_loop3A_659 = tpu.vector_load %arg11[%parallel_loop3A_656, %parallel_loop3A_657, %parallel_loop3A_658] {strides = array<i32>} : memref<4x50x64xf32, #tpu.memory_space<vmem>>, vector<1x1x16xf32>,
        %parallel_loop3A_660 = vector.shape_cast %parallel_loop3A_659 : vector<1x1x16xf32> to vector<16xf32>
        %parallel_loop3A_661 = vector.shape_cast %parallel_loop3A_654 : vector<16xf32> to vector<1x1x16xf32>
        tpu.vector_store %arg11[%parallel_loop3A_656, %parallel_loop3A_657, %parallel_loop3A_658], %parallel_loop3A_661 {strides = array<i32>} : memref<4x50x64xf32, #tpu.memory_space<vmem>>, vector<1x1x16xf32>,
      } {sc.loop_unroll_factor = 5 : i64, sc.parallel_access}
      %parallel_loop3A_387 = arith.constant 0 : i32
      %parallel_loop3A_388 = arith.constant 50 : i32
      %parallel_loop3A_389 = arith.constant 1 : i32
      scf.for %parallel_loop3A_597 = %parallel_loop3A_387 to %parallel_loop3A_388 step %parallel_loop3A_389  : i32 {
        %parallel_loop3A_598 = arith.constant 2 : i32
        %parallel_loop3A_599 = arith.index_cast %parallel_loop3A_598 : i32 to index
        %parallel_loop3A_600 = arith.index_cast %parallel_loop3A_597 : i32 to index
        %parallel_loop3A_601 = arith.constant 0 : index
        %parallel_loop3A_602 = tpu.vector_load %arg7[%parallel_loop3A_599, %parallel_loop3A_600, %parallel_loop3A_601] {strides = array<i32>} : memref<4x50x64xf32, #tpu.memory_space<vmem>>, vector<1x1x16xf32>,
        %parallel_loop3A_603 = vector.shape_cast %parallel_loop3A_602 : vector<1x1x16xf32> to vector<16xf32>
        %parallel_loop3A_604 = arith.constant 8.000000e+00 : f32
        %parallel_loop3A_605 = vector.broadcast %parallel_loop3A_604 : f32 to vector<16xf32>
        %parallel_loop3A_606 = arith.mulf %parallel_loop3A_603, %parallel_loop3A_605 : vector<16xf32>
        %parallel_loop3A_607 = arith.constant 2 : i32
        %parallel_loop3A_608 = arith.index_cast %parallel_loop3A_607 : i32 to index
        %parallel_loop3A_609 = arith.index_cast %parallel_loop3A_597 : i32 to index
        %parallel_loop3A_610 = arith.constant 0 : index
        %parallel_loop3A_611 = tpu.vector_load %arg11[%parallel_loop3A_608, %parallel_loop3A_609, %parallel_loop3A_610] {strides = array<i32>} : memref<4x50x64xf32, #tpu.memory_space<vmem>>, vector<1x1x16xf32>,
        %parallel_loop3A_612 = vector.shape_cast %parallel_loop3A_611 : vector<1x1x16xf32> to vector<16xf32>
        %parallel_loop3A_613 = vector.shape_cast %parallel_loop3A_606 : vector<16xf32> to vector<1x1x16xf32>
        tpu.vector_store %arg11[%parallel_loop3A_608, %parallel_loop3A_609, %parallel_loop3A_610], %parallel_loop3A_613 {strides = array<i32>} : memref<4x50x64xf32, #tpu.memory_space<vmem>>, vector<1x1x16xf32>,
        %parallel_loop3A_614 = arith.constant 2 : i32
        %parallel_loop3A_615 = arith.index_cast %parallel_loop3A_614 : i32 to index
        %parallel_loop3A_616 = arith.index_cast %parallel_loop3A_597 : i32 to index
        %parallel_loop3A_617 = arith.constant 16 : index
        %parallel_loop3A_618 = tpu.vector_load %arg7[%parallel_loop3A_615, %parallel_loop3A_616, %parallel_loop3A_617] {strides = array<i32>} : memref<4x50x64xf32, #tpu.memory_space<vmem>>, vector<1x1x16xf32>,
        %parallel_loop3A_619 = vector.shape_cast %parallel_loop3A_618 : vector<1x1x16xf32> to vector<16xf32>
        %parallel_loop3A_620 = arith.constant 8.000000e+00 : f32
        %parallel_loop3A_621 = vector.broadcast %parallel_loop3A_620 : f32 to vector<16xf32>
        %parallel_loop3A_622 = arith.mulf %parallel_loop3A_619, %parallel_loop3A_621 : vector<16xf32>
        %parallel_loop3A_623 = arith.constant 2 : i32
        %parallel_loop3A_624 = arith.index_cast %parallel_loop3A_623 : i32 to index
        %parallel_loop3A_625 = arith.index_cast %parallel_loop3A_597 : i32 to index
        %parallel_loop3A_626 = arith.constant 16 : index
        %parallel_loop3A_627 = tpu.vector_load %arg11[%parallel_loop3A_624, %parallel_loop3A_625, %parallel_loop3A_626] {strides = array<i32>} : memref<4x50x64xf32, #tpu.memory_space<vmem>>, vector<1x1x16xf32>,
        %parallel_loop3A_628 = vector.shape_cast %parallel_loop3A_627 : vector<1x1x16xf32> to vector<16xf32>
        %parallel_loop3A_629 = vector.shape_cast %parallel_loop3A_622 : vector<16xf32> to vector<1x1x16xf32>
        tpu.vector_store %arg11[%parallel_loop3A_624, %parallel_loop3A_625, %parallel_loop3A_626], %parallel_loop3A_629 {strides = array<i32>} : memref<4x50x64xf32, #tpu.memory_space<vmem>>, vector<1x1x16xf32>,
        %parallel_loop3A_630 = arith.constant 2 : i32
        %parallel_loop3A_631 = arith.index_cast %parallel_loop3A_630 : i32 to index
        %parallel_loop3A_632 = arith.index_cast %parallel_loop3A_597 : i32 to index
        %parallel_loop3A_633 = arith.constant 32 : index
        %parallel_loop3A_634 = tpu.vector_load %arg7[%parallel_loop3A_631, %parallel_loop3A_632, %parallel_loop3A_633] {strides = array<i32>} : memref<4x50x64xf32, #tpu.memory_space<vmem>>, vector<1x1x16xf32>,
        %parallel_loop3A_635 = vector.shape_cast %parallel_loop3A_634 : vector<1x1x16xf32> to vector<16xf32>
        %parallel_loop3A_636 = arith.constant 8.000000e+00 : f32
        %parallel_loop3A_637 = vector.broadcast %parallel_loop3A_636 : f32 to vector<16xf32>
        %parallel_loop3A_638 = arith.mulf %parallel_loop3A_635, %parallel_loop3A_637 : vector<16xf32>
        %parallel_loop3A_639 = arith.constant 2 : i32
        %parallel_loop3A_640 = arith.index_cast %parallel_loop3A_639 : i32 to index
        %parallel_loop3A_641 = arith.index_cast %parallel_loop3A_597 : i32 to index
        %parallel_loop3A_642 = arith.constant 32 : index
        %parallel_loop3A_643 = tpu.vector_load %arg11[%parallel_loop3A_640, %parallel_loop3A_641, %parallel_loop3A_642] {strides = array<i32>} : memref<4x50x64xf32, #tpu.memory_space<vmem>>, vector<1x1x16xf32>,
        %parallel_loop3A_644 = vector.shape_cast %parallel_loop3A_643 : vector<1x1x16xf32> to vector<16xf32>
        %parallel_loop3A_645 = vector.shape_cast %parallel_loop3A_638 : vector<16xf32> to vector<1x1x16xf32>
        tpu.vector_store %arg11[%parallel_loop3A_640, %parallel_loop3A_641, %parallel_loop3A_642], %parallel_loop3A_645 {strides = array<i32>} : memref<4x50x64xf32, #tpu.memory_space<vmem>>, vector<1x1x16xf32>,
        %parallel_loop3A_646 = arith.constant 2 : i32
        %parallel_loop3A_647 = arith.index_cast %parallel_loop3A_646 : i32 to index
        %parallel_loop3A_648 = arith.index_cast %parallel_loop3A_597 : i32 to index
        %parallel_loop3A_649 = arith.constant 48 : index
        %parallel_loop3A_650 = tpu.vector_load %arg7[%parallel_loop3A_647, %parallel_loop3A_648, %parallel_loop3A_649] {strides = array<i32>} : memref<4x50x64xf32, #tpu.memory_space<vmem>>, vector<1x1x16xf32>,
        %parallel_loop3A_651 = vector.shape_cast %parallel_loop3A_650 : vector<1x1x16xf32> to vector<16xf32>
        %parallel_loop3A_652 = arith.constant 8.000000e+00 : f32
        %parallel_loop3A_653 = vector.broadcast %parallel_loop3A_652 : f32 to vector<16xf32>
        %parallel_loop3A_654 = arith.mulf %parallel_loop3A_651, %parallel_loop3A_653 : vector<16xf32>
        %parallel_loop3A_655 = arith.constant 2 : i32
        %parallel_loop3A_656 = arith.index_cast %parallel_loop3A_655 : i32 to index
        %parallel_loop3A_657 = arith.index_cast %parallel_loop3A_597 : i32 to index
        %parallel_loop3A_658 = arith.constant 48 : index
        %parallel_loop3A_659 = tpu.vector_load %arg11[%parallel_loop3A_656, %parallel_loop3A_657, %parallel_loop3A_658] {strides = array<i32>} : memref<4x50x64xf32, #tpu.memory_space<vmem>>, vector<1x1x16xf32>,
        %parallel_loop3A_660 = vector.shape_cast %parallel_loop3A_659 : vector<1x1x16xf32> to vector<16xf32>
        %parallel_loop3A_661 = vector.shape_cast %parallel_loop3A_654 : vector<16xf32> to vector<1x1x16xf32>
        tpu.vector_store %arg11[%parallel_loop3A_656, %parallel_loop3A_657, %parallel_loop3A_658], %parallel_loop3A_661 {strides = array<i32>} : memref<4x50x64xf32, #tpu.memory_space<vmem>>, vector<1x1x16xf32>,
      } {sc.loop_unroll_factor = 5 : i64, sc.parallel_access}
      %parallel_loop3A_390 = arith.constant 0 : i32
      %parallel_loop3A_391 = arith.constant 50 : i32
      %parallel_loop3A_392 = arith.constant 1 : i32
      scf.for %parallel_loop3A_597 = %parallel_loop3A_390 to %parallel_loop3A_391 step %parallel_loop3A_392  : i32 {
        %parallel_loop3A_598 = arith.constant 3 : i32
        %parallel_loop3A_599 = arith.index_cast %parallel_loop3A_598 : i32 to index
        %parallel_loop3A_600 = arith.index_cast %parallel_loop3A_597 : i32 to index
        %parallel_loop3A_601 = arith.constant 0 : index
        %parallel_loop3A_602 = tpu.vector_load %arg7[%parallel_loop3A_599, %parallel_loop3A_600, %parallel_loop3A_601] {strides = array<i32>} : memref<4x50x64xf32, #tpu.memory_space<vmem>>, vector<1x1x16xf32>,
        %parallel_loop3A_603 = vector.shape_cast %parallel_loop3A_602 : vector<1x1x16xf32> to vector<16xf32>
        %parallel_loop3A_604 = arith.constant 8.000000e+00 : f32
        %parallel_loop3A_605 = vector.broadcast %parallel_loop3A_604 : f32 to vector<16xf32>
        %parallel_loop3A_606 = arith.mulf %parallel_loop3A_603, %parallel_loop3A_605 : vector<16xf32>
        %parallel_loop3A_607 = arith.constant 3 : i32
        %parallel_loop3A_608 = arith.index_cast %parallel_loop3A_607 : i32 to index
        %parallel_loop3A_609 = arith.index_cast %parallel_loop3A_597 : i32 to index
        %parallel_loop3A_610 = arith.constant 0 : index
        %parallel_loop3A_611 = tpu.vector_load %arg11[%parallel_loop3A_608, %parallel_loop3A_609, %parallel_loop3A_610] {strides = array<i32>} : memref<4x50x64xf32, #tpu.memory_space<vmem>>, vector<1x1x16xf32>,
        %parallel_loop3A_612 = vector.shape_cast %parallel_loop3A_611 : vector<1x1x16xf32> to vector<16xf32>
        %parallel_loop3A_613 = vector.shape_cast %parallel_loop3A_606 : vector<16xf32> to vector<1x1x16xf32>
        tpu.vector_store %arg11[%parallel_loop3A_608, %parallel_loop3A_609, %parallel_loop3A_610], %parallel_loop3A_613 {strides = array<i32>} : memref<4x50x64xf32, #tpu.memory_space<vmem>>, vector<1x1x16xf32>,
        %parallel_loop3A_614 = arith.constant 3 : i32
        %parallel_loop3A_615 = arith.index_cast %parallel_loop3A_614 : i32 to index
        %parallel_loop3A_616 = arith.index_cast %parallel_loop3A_597 : i32 to index
        %parallel_loop3A_617 = arith.constant 16 : index
        %parallel_loop3A_618 = tpu.vector_load %arg7[%parallel_loop3A_615, %parallel_loop3A_616, %parallel_loop3A_617] {strides = array<i32>} : memref<4x50x64xf32, #tpu.memory_space<vmem>>, vector<1x1x16xf32>,
        %parallel_loop3A_619 = vector.shape_cast %parallel_loop3A_618 : vector<1x1x16xf32> to vector<16xf32>
        %parallel_loop3A_620 = arith.constant 8.000000e+00 : f32
        %parallel_loop3A_621 = vector.broadcast %parallel_loop3A_620 : f32 to vector<16xf32>
        %parallel_loop3A_622 = arith.mulf %parallel_loop3A_619, %parallel_loop3A_621 : vector<16xf32>
        %parallel_loop3A_623 = arith.constant 3 : i32
        %parallel_loop3A_624 = arith.index_cast %parallel_loop3A_623 : i32 to index
        %parallel_loop3A_625 = arith.index_cast %parallel_loop3A_597 : i32 to index
        %parallel_loop3A_626 = arith.constant 16 : index
        %parallel_loop3A_627 = tpu.vector_load %arg11[%parallel_loop3A_624, %parallel_loop3A_625, %parallel_loop3A_626] {strides = array<i32>} : memref<4x50x64xf32, #tpu.memory_space<vmem>>, vector<1x1x16xf32>,
        %parallel_loop3A_628 = vector.shape_cast %parallel_loop3A_627 : vector<1x1x16xf32> to vector<16xf32>
        %parallel_loop3A_629 = vector.shape_cast %parallel_loop3A_622 : vector<16xf32> to vector<1x1x16xf32>
        tpu.vector_store %arg11[%parallel_loop3A_624, %parallel_loop3A_625, %parallel_loop3A_626], %parallel_loop3A_629 {strides = array<i32>} : memref<4x50x64xf32, #tpu.memory_space<vmem>>, vector<1x1x16xf32>,
        %parallel_loop3A_630 = arith.constant 3 : i32
        %parallel_loop3A_631 = arith.index_cast %parallel_loop3A_630 : i32 to index
        %parallel_loop3A_632 = arith.index_cast %parallel_loop3A_597 : i32 to index
        %parallel_loop3A_633 = arith.constant 32 : index
        %parallel_loop3A_634 = tpu.vector_load %arg7[%parallel_loop3A_631, %parallel_loop3A_632, %parallel_loop3A_633] {strides = array<i32>} : memref<4x50x64xf32, #tpu.memory_space<vmem>>, vector<1x1x16xf32>,
        %parallel_loop3A_635 = vector.shape_cast %parallel_loop3A_634 : vector<1x1x16xf32> to vector<16xf32>
        %parallel_loop3A_636 = arith.constant 8.000000e+00 : f32
        %parallel_loop3A_637 = vector.broadcast %parallel_loop3A_636 : f32 to vector<16xf32>
        %parallel_loop3A_638 = arith.mulf %parallel_loop3A_635, %parallel_loop3A_637 : vector<16xf32>
        %parallel_loop3A_639 = arith.constant 3 : i32
        %parallel_loop3A_640 = arith.index_cast %parallel_loop3A_639 : i32 to index
        %parallel_loop3A_641 = arith.index_cast %parallel_loop3A_597 : i32 to index
        %parallel_loop3A_642 = arith.constant 32 : index
        %parallel_loop3A_643 = tpu.vector_load %arg11[%parallel_loop3A_640, %parallel_loop3A_641, %parallel_loop3A_642] {strides = array<i32>} : memref<4x50x64xf32, #tpu.memory_space<vmem>>, vector<1x1x16xf32>,
        %parallel_loop3A_644 = vector.shape_cast %parallel_loop3A_643 : vector<1x1x16xf32> to vector<16xf32>
        %parallel_loop3A_645 = vector.shape_cast %parallel_loop3A_638 : vector<16xf32> to vector<1x1x16xf32>
        tpu.vector_store %arg11[%parallel_loop3A_640, %parallel_loop3A_641, %parallel_loop3A_642], %parallel_loop3A_645 {strides = array<i32>} : memref<4x50x64xf32, #tpu.memory_space<vmem>>, vector<1x1x16xf32>,
        %parallel_loop3A_646 = arith.constant 3 : i32
        %parallel_loop3A_647 = arith.index_cast %parallel_loop3A_646 : i32 to index
        %parallel_loop3A_648 = arith.index_cast %parallel_loop3A_597 : i32 to index
        %parallel_loop3A_649 = arith.constant 48 : index
        %parallel_loop3A_650 = tpu.vector_load %arg7[%parallel_loop3A_647, %parallel_loop3A_648, %parallel_loop3A_649] {strides = array<i32>} : memref<4x50x64xf32, #tpu.memory_space<vmem>>, vector<1x1x16xf32>,
        %parallel_loop3A_651 = vector.shape_cast %parallel_loop3A_650 : vector<1x1x16xf32> to vector<16xf32>
        %parallel_loop3A_652 = arith.constant 8.000000e+00 : f32
        %parallel_loop3A_653 = vector.broadcast %parallel_loop3A_652 : f32 to vector<16xf32>
        %parallel_loop3A_654 = arith.mulf %parallel_loop3A_651, %parallel_loop3A_653 : vector<16xf32>
        %parallel_loop3A_655 = arith.constant 3 : i32
        %parallel_loop3A_656 = arith.index_cast %parallel_loop3A_655 : i32 to index
        %parallel_loop3A_657 = arith.index_cast %parallel_loop3A_597 : i32 to index
        %parallel_loop3A_658 = arith.constant 48 : index
        %parallel_loop3A_659 = tpu.vector_load %arg11[%parallel_loop3A_656, %parallel_loop3A_657, %parallel_loop3A_658] {strides = array<i32>} : memref<4x50x64xf32, #tpu.memory_space<vmem>>, vector<1x1x16xf32>,
        %parallel_loop3A_660 = vector.shape_cast %parallel_loop3A_659 : vector<1x1x16xf32> to vector<16xf32>
        %parallel_loop3A_661 = vector.shape_cast %parallel_loop3A_654 : vector<16xf32> to vector<1x1x16xf32>
        tpu.vector_store %arg11[%parallel_loop3A_656, %parallel_loop3A_657, %parallel_loop3A_658], %parallel_loop3A_661 {strides = array<i32>} : memref<4x50x64xf32, #tpu.memory_space<vmem>>, vector<1x1x16xf32>,
      } {sc.loop_unroll_factor = 5 : i64, sc.parallel_access}
      %mul3A_393 = arith.constant 4 : i32
      %mul3A_394 = arith.muli %add3A_315, %mul3A_393 : i32
      %add3A_395 = arith.addi %mul3A_2, %mul3A_394 : i32
      %dma_start3A_396 = arith.constant 0 : i32
      %dma_start3A_397 = arith.constant 0 : i32
      %dma_start3A_398 = tpu.memref_slice %arg4[%add3A_395, %dma_start3A_396, %dma_start3A_397] : memref<16384x50x64xf32, #tpu.memory_space<hbm>> -> memref<4x50x64xf32, #tpu.memory_space<hbm>>
      %dma_start3A_399 = arith.constant 0 : i32
      %dma_start3A_400 = arith.constant 0 : i32
      %dma_start3A_401 = tpu.memref_slice %arg4[%add3A_395, %dma_start3A_399, %dma_start3A_400] : memref<16384x50x64xf32, #tpu.memory_space<hbm>> -> memref<4x50x64xf32, #tpu.memory_space<hbm>>
      tpu.enqueue_dma source(%arg11 : memref<4x50x64xf32, #tpu.memory_space<vmem>>) target(%dma_start3A_401 : memref<4x50x64xf32, #tpu.memory_space<hbm>>) target_semaphore(%arg17 : memref<!tpu.dma_semaphore, #tpu.memory_space<semaphore_mem>>)
      %lt3A_402 = arith.constant 31 : i32
      %lt3A_403 = arith.cmpi slt, %scan3A_219, %lt3A_402 : i32
      %convert_element_type3A_404 = arith.extui %lt3A_403 : i1 to i32
      %cond3A_405 = arith.constant 0 : i32
      %cond3A_406 = arith.cmpi ne, %convert_element_type3A_404, %cond3A_405 : i32
      scf.if %cond3A_406 {
        %add3A_597 = arith.constant 4 : i32
        %add3A_598 = arith.addi %add3A_315, %add3A_597 : i32
        %mul3A_599 = arith.constant 4 : i32
        %mul3A_600 = arith.muli %add3A_598, %mul3A_599 : i32
        %add3A_601 = arith.constant 0 : i32
        %add3A_602 = arith.addi %mul3A_600, %add3A_601 : i32
        %dma_start3A_603 = arith.constant 0 : i32
        %dma_start3A_604 = arith.constant 0 : i32
        %dma_start3A_605 = arith.constant 0 : i32
        %dma_start3A_606 = tpu.memref_slice %arg7[%dma_start3A_603, %dma_start3A_604, %dma_start3A_605] : memref<4x50x64xf32, #tpu.memory_space<vmem>> -> memref<1x50x64xf32, #tpu.memory_space<vmem>>
        %dma_start3A_607 = tpu.memref_squeeze %dma_start3A_606 : memref<1x50x64xf32, #tpu.memory_space<vmem>> -> memref<50x64xf32, #tpu.memory_space<vmem>>
        %dma_start3A_608 = arith.constant 0 : i32
        %dma_start3A_609 = tpu.memref_slice %arg5[%add3A_602, %dma_start3A_608] : memref<512x50xi32, #tpu.memory_space<vmem>> -> memref<1x50xi32, #tpu.memory_space<vmem>>
        %dma_start3A_610 = tpu.memref_squeeze %dma_start3A_609 : memref<1x50xi32, #tpu.memory_space<vmem>> -> memref<50xi32, #tpu.memory_space<vmem>>
        %dma_start3A_611 = arith.constant 0 : i32
        %dma_start3A_612 = arith.constant 0 : i32
        %dma_start3A_613 = tpu.memref_slice %arg2[%dma_start3A_611, %dma_start3A_612] : memref<2000000x64xf32, #tpu.memory_space<hbm>> -> memref<2000000x64xf32, #tpu.memory_space<hbm>>
        tpu.enqueue_indirect_dma source(%dma_start3A_613 : memref<2000000x64xf32, #tpu.memory_space<hbm>>) target(%dma_start3A_607 : memref<50x64xf32, #tpu.memory_space<vmem>>) offsets(%dma_start3A_610 : memref<50xi32, #tpu.memory_space<vmem>>) semaphore(%arg13 : memref<!tpu.dma_semaphore, #tpu.memory_space<semaphore_mem>>)
        %mul3A_614 = arith.constant 4 : i32
        %mul3A_615 = arith.muli %add3A_598, %mul3A_614 : i32
        %add3A_616 = arith.constant 1 : i32
        %add3A_617 = arith.addi %mul3A_615, %add3A_616 : i32
        %dma_start3A_618 = arith.constant 1 : i32
        %dma_start3A_619 = arith.constant 0 : i32
        %dma_start3A_620 = arith.constant 0 : i32
        %dma_start3A_621 = tpu.memref_slice %arg7[%dma_start3A_618, %dma_start3A_619, %dma_start3A_620] : memref<4x50x64xf32, #tpu.memory_space<vmem>> -> memref<1x50x64xf32, #tpu.memory_space<vmem>>
        %dma_start3A_622 = tpu.memref_squeeze %dma_start3A_621 : memref<1x50x64xf32, #tpu.memory_space<vmem>> -> memref<50x64xf32, #tpu.memory_space<vmem>>
        %dma_start3A_623 = arith.constant 0 : i32
        %dma_start3A_624 = tpu.memref_slice %arg5[%add3A_617, %dma_start3A_623] : memref<512x50xi32, #tpu.memory_space<vmem>> -> memref<1x50xi32, #tpu.memory_space<vmem>>
        %dma_start3A_625 = tpu.memref_squeeze %dma_start3A_624 : memref<1x50xi32, #tpu.memory_space<vmem>> -> memref<50xi32, #tpu.memory_space<vmem>>
        %dma_start3A_626 = arith.constant 0 : i32
        %dma_start3A_627 = arith.constant 0 : i32
        %dma_start3A_628 = tpu.memref_slice %arg2[%dma_start3A_626, %dma_start3A_627] : memref<2000000x64xf32, #tpu.memory_space<hbm>> -> memref<2000000x64xf32, #tpu.memory_space<hbm>>
        tpu.enqueue_indirect_dma source(%dma_start3A_628 : memref<2000000x64xf32, #tpu.memory_space<hbm>>) target(%dma_start3A_622 : memref<50x64xf32, #tpu.memory_space<vmem>>) offsets(%dma_start3A_625 : memref<50xi32, #tpu.memory_space<vmem>>) semaphore(%arg13 : memref<!tpu.dma_semaphore, #tpu.memory_space<semaphore_mem>>)
        %mul3A_629 = arith.constant 4 : i32
        %mul3A_630 = arith.muli %add3A_598, %mul3A_629 : i32
        %add3A_631 = arith.constant 2 : i32
        %add3A_632 = arith.addi %mul3A_630, %add3A_631 : i32
        %dma_start3A_633 = arith.constant 2 : i32
        %dma_start3A_634 = arith.constant 0 : i32
        %dma_start3A_635 = arith.constant 0 : i32
        %dma_start3A_636 = tpu.memref_slice %arg7[%dma_start3A_633, %dma_start3A_634, %dma_start3A_635] : memref<4x50x64xf32, #tpu.memory_space<vmem>> -> memref<1x50x64xf32, #tpu.memory_space<vmem>>
        %dma_start3A_637 = tpu.memref_squeeze %dma_start3A_636 : memref<1x50x64xf32, #tpu.memory_space<vmem>> -> memref<50x64xf32, #tpu.memory_space<vmem>>
        %dma_start3A_638 = arith.constant 0 : i32
        %dma_start3A_639 = tpu.memref_slice %arg5[%add3A_632, %dma_start3A_638] : memref<512x50xi32, #tpu.memory_space<vmem>> -> memref<1x50xi32, #tpu.memory_space<vmem>>
        %dma_start3A_640 = tpu.memref_squeeze %dma_start3A_639 : memref<1x50xi32, #tpu.memory_space<vmem>> -> memref<50xi32, #tpu.memory_space<vmem>>
        %dma_start3A_641 = arith.constant 0 : i32
        %dma_start3A_642 = arith.constant 0 : i32
        %dma_start3A_643 = tpu.memref_slice %arg2[%dma_start3A_641, %dma_start3A_642] : memref<2000000x64xf32, #tpu.memory_space<hbm>> -> memref<2000000x64xf32, #tpu.memory_space<hbm>>
        tpu.enqueue_indirect_dma source(%dma_start3A_643 : memref<2000000x64xf32, #tpu.memory_space<hbm>>) target(%dma_start3A_637 : memref<50x64xf32, #tpu.memory_space<vmem>>) offsets(%dma_start3A_640 : memref<50xi32, #tpu.memory_space<vmem>>) semaphore(%arg13 : memref<!tpu.dma_semaphore, #tpu.memory_space<semaphore_mem>>)
        %mul3A_644 = arith.constant 4 : i32
        %mul3A_645 = arith.muli %add3A_598, %mul3A_644 : i32
        %add3A_646 = arith.constant 3 : i32
        %add3A_647 = arith.addi %mul3A_645, %add3A_646 : i32
        %dma_start3A_648 = arith.constant 3 : i32
        %dma_start3A_649 = arith.constant 0 : i32
        %dma_start3A_650 = arith.constant 0 : i32
        %dma_start3A_651 = tpu.memref_slice %arg7[%dma_start3A_648, %dma_start3A_649, %dma_start3A_650] : memref<4x50x64xf32, #tpu.memory_space<vmem>> -> memref<1x50x64xf32, #tpu.memory_space<vmem>>
        %dma_start3A_652 = tpu.memref_squeeze %dma_start3A_651 : memref<1x50x64xf32, #tpu.memory_space<vmem>> -> memref<50x64xf32, #tpu.memory_space<vmem>>
        %dma_start3A_653 = arith.constant 0 : i32
        %dma_start3A_654 = tpu.memref_slice %arg5[%add3A_647, %dma_start3A_653] : memref<512x50xi32, #tpu.memory_space<vmem>> -> memref<1x50xi32, #tpu.memory_space<vmem>>
        %dma_start3A_655 = tpu.memref_squeeze %dma_start3A_654 : memref<1x50xi32, #tpu.memory_space<vmem>> -> memref<50xi32, #tpu.memory_space<vmem>>
        %dma_start3A_656 = arith.constant 0 : i32
        %dma_start3A_657 = arith.constant 0 : i32
        %dma_start3A_658 = tpu.memref_slice %arg2[%dma_start3A_656, %dma_start3A_657] : memref<2000000x64xf32, #tpu.memory_space<hbm>> -> memref<2000000x64xf32, #tpu.memory_space<hbm>>
        tpu.enqueue_indirect_dma source(%dma_start3A_658 : memref<2000000x64xf32, #tpu.memory_space<hbm>>) target(%dma_start3A_652 : memref<50x64xf32, #tpu.memory_space<vmem>>) offsets(%dma_start3A_655 : memref<50xi32, #tpu.memory_space<vmem>>) semaphore(%arg13 : memref<!tpu.dma_semaphore, #tpu.memory_space<semaphore_mem>>)
      } else {
      }
      %mul3A_407 = arith.constant 4 : i32
      %mul3A_408 = arith.muli %mul3A_407, %scan3A_219 : i32
      %add3A_409 = arith.constant 2 : i32
      %add3A_410 = arith.addi %mul3A_408, %add3A_409 : i32
      %mul3A_411 = arith.constant 4 : i32
      %mul3A_412 = arith.muli %add3A_410, %mul3A_411 : i32
      %add3A_413 = arith.constant 0 : i32
      %add3A_414 = arith.addi %mul3A_412, %add3A_413 : i32
      %dma_wait3A_415 = arith.constant 0 : i32
      %dma_wait3A_416 = arith.constant 0 : i32
      %dma_wait3A_417 = arith.constant 0 : i32
      %dma_wait3A_418 = tpu.memref_slice %arg8[%dma_wait3A_415, %dma_wait3A_416, %dma_wait3A_417] : memref<4x50x64xf32, #tpu.memory_space<vmem>> -> memref<1x50x64xf32, #tpu.memory_space<vmem>>
      %dma_wait3A_419 = tpu.memref_squeeze %dma_wait3A_418 : memref<1x50x64xf32, #tpu.memory_space<vmem>> -> memref<50x64xf32, #tpu.memory_space<vmem>>
      %dma_wait3A_420 = arith.constant 0 : i32
      %dma_wait3A_421 = tpu.memref_slice %arg5[%add3A_414, %dma_wait3A_420] : memref<512x50xi32, #tpu.memory_space<vmem>> -> memref<1x50xi32, #tpu.memory_space<vmem>>
      %dma_wait3A_422 = tpu.memref_squeeze %dma_wait3A_421 : memref<1x50xi32, #tpu.memory_space<vmem>> -> memref<50xi32, #tpu.memory_space<vmem>>
      %dma_wait3A_423 = arith.constant 0 : i32
      %dma_wait3A_424 = arith.constant 0 : i32
      %dma_wait3A_425 = tpu.memref_slice %arg2[%dma_wait3A_423, %dma_wait3A_424] : memref<2000000x64xf32, #tpu.memory_space<hbm>> -> memref<2000000x64xf32, #tpu.memory_space<hbm>>
      tpu.wait_indirect_dma semaphore(%arg14 : memref<!tpu.dma_semaphore, #tpu.memory_space<semaphore_mem>>) src(%dma_wait3A_425 : memref<2000000x64xf32, #tpu.memory_space<hbm>>) dst(%dma_wait3A_419 : memref<50x64xf32, #tpu.memory_space<vmem>>)
      %mul3A_426 = arith.constant 4 : i32
      %mul3A_427 = arith.muli %add3A_410, %mul3A_426 : i32
      %add3A_428 = arith.constant 1 : i32
      %add3A_429 = arith.addi %mul3A_427, %add3A_428 : i32
      %dma_wait3A_430 = arith.constant 1 : i32
      %dma_wait3A_431 = arith.constant 0 : i32
      %dma_wait3A_432 = arith.constant 0 : i32
      %dma_wait3A_433 = tpu.memref_slice %arg8[%dma_wait3A_430, %dma_wait3A_431, %dma_wait3A_432] : memref<4x50x64xf32, #tpu.memory_space<vmem>> -> memref<1x50x64xf32, #tpu.memory_space<vmem>>
      %dma_wait3A_434 = tpu.memref_squeeze %dma_wait3A_433 : memref<1x50x64xf32, #tpu.memory_space<vmem>> -> memref<50x64xf32, #tpu.memory_space<vmem>>
      %dma_wait3A_435 = arith.constant 0 : i32
      %dma_wait3A_436 = tpu.memref_slice %arg5[%add3A_429, %dma_wait3A_435] : memref<512x50xi32, #tpu.memory_space<vmem>> -> memref<1x50xi32, #tpu.memory_space<vmem>>
      %dma_wait3A_437 = tpu.memref_squeeze %dma_wait3A_436 : memref<1x50xi32, #tpu.memory_space<vmem>> -> memref<50xi32, #tpu.memory_space<vmem>>
      %dma_wait3A_438 = arith.constant 0 : i32
      %dma_wait3A_439 = arith.constant 0 : i32
      %dma_wait3A_440 = tpu.memref_slice %arg2[%dma_wait3A_438, %dma_wait3A_439] : memref<2000000x64xf32, #tpu.memory_space<hbm>> -> memref<2000000x64xf32, #tpu.memory_space<hbm>>
      tpu.wait_indirect_dma semaphore(%arg14 : memref<!tpu.dma_semaphore, #tpu.memory_space<semaphore_mem>>) src(%dma_wait3A_440 : memref<2000000x64xf32, #tpu.memory_space<hbm>>) dst(%dma_wait3A_434 : memref<50x64xf32, #tpu.memory_space<vmem>>)
      %mul3A_441 = arith.constant 4 : i32
      %mul3A_442 = arith.muli %add3A_410, %mul3A_441 : i32
      %add3A_443 = arith.constant 2 : i32
      %add3A_444 = arith.addi %mul3A_442, %add3A_443 : i32
      %dma_wait3A_445 = arith.constant 2 : i32
      %dma_wait3A_446 = arith.constant 0 : i32
      %dma_wait3A_447 = arith.constant 0 : i32
      %dma_wait3A_448 = tpu.memref_slice %arg8[%dma_wait3A_445, %dma_wait3A_446, %dma_wait3A_447] : memref<4x50x64xf32, #tpu.memory_space<vmem>> -> memref<1x50x64xf32, #tpu.memory_space<vmem>>
      %dma_wait3A_449 = tpu.memref_squeeze %dma_wait3A_448 : memref<1x50x64xf32, #tpu.memory_space<vmem>> -> memref<50x64xf32, #tpu.memory_space<vmem>>
      %dma_wait3A_450 = arith.constant 0 : i32
      %dma_wait3A_451 = tpu.memref_slice %arg5[%add3A_444, %dma_wait3A_450] : memref<512x50xi32, #tpu.memory_space<vmem>> -> memref<1x50xi32, #tpu.memory_space<vmem>>
      %dma_wait3A_452 = tpu.memref_squeeze %dma_wait3A_451 : memref<1x50xi32, #tpu.memory_space<vmem>> -> memref<50xi32, #tpu.memory_space<vmem>>
      %dma_wait3A_453 = arith.constant 0 : i32
      %dma_wait3A_454 = arith.constant 0 : i32
      %dma_wait3A_455 = tpu.memref_slice %arg2[%dma_wait3A_453, %dma_wait3A_454] : memref<2000000x64xf32, #tpu.memory_space<hbm>> -> memref<2000000x64xf32, #tpu.memory_space<hbm>>
      tpu.wait_indirect_dma semaphore(%arg14 : memref<!tpu.dma_semaphore, #tpu.memory_space<semaphore_mem>>) src(%dma_wait3A_455 : memref<2000000x64xf32, #tpu.memory_space<hbm>>) dst(%dma_wait3A_449 : memref<50x64xf32, #tpu.memory_space<vmem>>)
      %mul3A_456 = arith.constant 4 : i32
      %mul3A_457 = arith.muli %add3A_410, %mul3A_456 : i32
      %add3A_458 = arith.constant 3 : i32
      %add3A_459 = arith.addi %mul3A_457, %add3A_458 : i32
      %dma_wait3A_460 = arith.constant 3 : i32
      %dma_wait3A_461 = arith.constant 0 : i32
      %dma_wait3A_462 = arith.constant 0 : i32
      %dma_wait3A_463 = tpu.memref_slice %arg8[%dma_wait3A_460, %dma_wait3A_461, %dma_wait3A_462] : memref<4x50x64xf32, #tpu.memory_space<vmem>> -> memref<1x50x64xf32, #tpu.memory_space<vmem>>
      %dma_wait3A_464 = tpu.memref_squeeze %dma_wait3A_463 : memref<1x50x64xf32, #tpu.memory_space<vmem>> -> memref<50x64xf32, #tpu.memory_space<vmem>>
      %dma_wait3A_465 = arith.constant 0 : i32
      %dma_wait3A_466 = tpu.memref_slice %arg5[%add3A_459, %dma_wait3A_465] : memref<512x50xi32, #tpu.memory_space<vmem>> -> memref<1x50xi32, #tpu.memory_space<vmem>>
      %dma_wait3A_467 = tpu.memref_squeeze %dma_wait3A_466 : memref<1x50xi32, #tpu.memory_space<vmem>> -> memref<50xi32, #tpu.memory_space<vmem>>
      %dma_wait3A_468 = arith.constant 0 : i32
      %dma_wait3A_469 = arith.constant 0 : i32
      %dma_wait3A_470 = tpu.memref_slice %arg2[%dma_wait3A_468, %dma_wait3A_469] : memref<2000000x64xf32, #tpu.memory_space<hbm>> -> memref<2000000x64xf32, #tpu.memory_space<hbm>>
      tpu.wait_indirect_dma semaphore(%arg14 : memref<!tpu.dma_semaphore, #tpu.memory_space<semaphore_mem>>) src(%dma_wait3A_470 : memref<2000000x64xf32, #tpu.memory_space<hbm>>) dst(%dma_wait3A_464 : memref<50x64xf32, #tpu.memory_space<vmem>>)
      %ge3A_471 = arith.constant 2 : i32
      %ge3A_472 = arith.cmpi sge, %add3A_410, %ge3A_471 : i32
      %convert_element_type3A_473 = arith.extui %ge3A_472 : i1 to i32
      %cond3A_474 = arith.constant 0 : i32
      %cond3A_475 = arith.cmpi ne, %convert_element_type3A_473, %cond3A_474 : i32
      scf.if %cond3A_475 {
        %sub3A = arith.constant 2 : i32
        %sub3A_597 = arith.subi %add3A_410, %sub3A : i32
        %mul3A_598 = arith.constant 4 : i32
        %mul3A_599 = arith.muli %sub3A_597, %mul3A_598 : i32
        %add3A_600 = arith.addi %mul3A_2, %mul3A_599 : i32
        %dma_wait3A_601 = arith.constant 0 : i32
        %dma_wait3A_602 = arith.constant 0 : i32
        %dma_wait3A_603 = tpu.memref_slice %arg4[%add3A_600, %dma_wait3A_601, %dma_wait3A_602] : memref<16384x50x64xf32, #tpu.memory_space<hbm>> -> memref<4x50x64xf32, #tpu.memory_space<hbm>>
        %dma_wait3A_604 = arith.constant 0 : i32
        %dma_wait3A_605 = arith.constant 0 : i32
        %dma_wait3A_606 = tpu.memref_slice %arg4[%add3A_600, %dma_wait3A_604, %dma_wait3A_605] : memref<16384x50x64xf32, #tpu.memory_space<hbm>> -> memref<4x50x64xf32, #tpu.memory_space<hbm>>
        tpu.wait_dma2 semaphore(%arg16 : memref<!tpu.dma_semaphore, #tpu.memory_space<semaphore_mem>>) src(%arg10 : memref<4x50x64xf32, #tpu.memory_space<vmem>>) dst(%dma_wait3A_606 : memref<4x50x64xf32, #tpu.memory_space<hbm>>)
      } else {
      }
      %parallel_loop3A_476 = arith.constant 0 : i32
      %parallel_loop3A_477 = arith.constant 50 : i32
      %parallel_loop3A_478 = arith.constant 1 : i32
      scf.for %parallel_loop3A_597 = %parallel_loop3A_476 to %parallel_loop3A_477 step %parallel_loop3A_478  : i32 {
        %parallel_loop3A_598 = arith.constant 0 : i32
        %parallel_loop3A_599 = arith.index_cast %parallel_loop3A_598 : i32 to index
        %parallel_loop3A_600 = arith.index_cast %parallel_loop3A_597 : i32 to index
        %parallel_loop3A_601 = arith.constant 0 : index
        %parallel_loop3A_602 = tpu.vector_load %arg8[%parallel_loop3A_599, %parallel_loop3A_600, %parallel_loop3A_601] {strides = array<i32>} : memref<4x50x64xf32, #tpu.memory_space<vmem>>, vector<1x1x16xf32>,
        %parallel_loop3A_603 = vector.shape_cast %parallel_loop3A_602 : vector<1x1x16xf32> to vector<16xf32>
        %parallel_loop3A_604 = arith.constant 8.000000e+00 : f32
        %parallel_loop3A_605 = vector.broadcast %parallel_loop3A_604 : f32 to vector<16xf32>
        %parallel_loop3A_606 = arith.mulf %parallel_loop3A_603, %parallel_loop3A_605 : vector<16xf32>
        %parallel_loop3A_607 = arith.constant 0 : i32
        %parallel_loop3A_608 = arith.index_cast %parallel_loop3A_607 : i32 to index
        %parallel_loop3A_609 = arith.index_cast %parallel_loop3A_597 : i32 to index
        %parallel_loop3A_610 = arith.constant 0 : index
        %parallel_loop3A_611 = tpu.vector_load %arg10[%parallel_loop3A_608, %parallel_loop3A_609, %parallel_loop3A_610] {strides = array<i32>} : memref<4x50x64xf32, #tpu.memory_space<vmem>>, vector<1x1x16xf32>,
        %parallel_loop3A_612 = vector.shape_cast %parallel_loop3A_611 : vector<1x1x16xf32> to vector<16xf32>
        %parallel_loop3A_613 = vector.shape_cast %parallel_loop3A_606 : vector<16xf32> to vector<1x1x16xf32>
        tpu.vector_store %arg10[%parallel_loop3A_608, %parallel_loop3A_609, %parallel_loop3A_610], %parallel_loop3A_613 {strides = array<i32>} : memref<4x50x64xf32, #tpu.memory_space<vmem>>, vector<1x1x16xf32>,
        %parallel_loop3A_614 = arith.constant 0 : i32
        %parallel_loop3A_615 = arith.index_cast %parallel_loop3A_614 : i32 to index
        %parallel_loop3A_616 = arith.index_cast %parallel_loop3A_597 : i32 to index
        %parallel_loop3A_617 = arith.constant 16 : index
        %parallel_loop3A_618 = tpu.vector_load %arg8[%parallel_loop3A_615, %parallel_loop3A_616, %parallel_loop3A_617] {strides = array<i32>} : memref<4x50x64xf32, #tpu.memory_space<vmem>>, vector<1x1x16xf32>,
        %parallel_loop3A_619 = vector.shape_cast %parallel_loop3A_618 : vector<1x1x16xf32> to vector<16xf32>
        %parallel_loop3A_620 = arith.constant 8.000000e+00 : f32
        %parallel_loop3A_621 = vector.broadcast %parallel_loop3A_620 : f32 to vector<16xf32>
        %parallel_loop3A_622 = arith.mulf %parallel_loop3A_619, %parallel_loop3A_621 : vector<16xf32>
        %parallel_loop3A_623 = arith.constant 0 : i32
        %parallel_loop3A_624 = arith.index_cast %parallel_loop3A_623 : i32 to index
        %parallel_loop3A_625 = arith.index_cast %parallel_loop3A_597 : i32 to index
        %parallel_loop3A_626 = arith.constant 16 : index
        %parallel_loop3A_627 = tpu.vector_load %arg10[%parallel_loop3A_624, %parallel_loop3A_625, %parallel_loop3A_626] {strides = array<i32>} : memref<4x50x64xf32, #tpu.memory_space<vmem>>, vector<1x1x16xf32>,
        %parallel_loop3A_628 = vector.shape_cast %parallel_loop3A_627 : vector<1x1x16xf32> to vector<16xf32>
        %parallel_loop3A_629 = vector.shape_cast %parallel_loop3A_622 : vector<16xf32> to vector<1x1x16xf32>
        tpu.vector_store %arg10[%parallel_loop3A_624, %parallel_loop3A_625, %parallel_loop3A_626], %parallel_loop3A_629 {strides = array<i32>} : memref<4x50x64xf32, #tpu.memory_space<vmem>>, vector<1x1x16xf32>,
        %parallel_loop3A_630 = arith.constant 0 : i32
        %parallel_loop3A_631 = arith.index_cast %parallel_loop3A_630 : i32 to index
        %parallel_loop3A_632 = arith.index_cast %parallel_loop3A_597 : i32 to index
        %parallel_loop3A_633 = arith.constant 32 : index
        %parallel_loop3A_634 = tpu.vector_load %arg8[%parallel_loop3A_631, %parallel_loop3A_632, %parallel_loop3A_633] {strides = array<i32>} : memref<4x50x64xf32, #tpu.memory_space<vmem>>, vector<1x1x16xf32>,
        %parallel_loop3A_635 = vector.shape_cast %parallel_loop3A_634 : vector<1x1x16xf32> to vector<16xf32>
        %parallel_loop3A_636 = arith.constant 8.000000e+00 : f32
        %parallel_loop3A_637 = vector.broadcast %parallel_loop3A_636 : f32 to vector<16xf32>
        %parallel_loop3A_638 = arith.mulf %parallel_loop3A_635, %parallel_loop3A_637 : vector<16xf32>
        %parallel_loop3A_639 = arith.constant 0 : i32
        %parallel_loop3A_640 = arith.index_cast %parallel_loop3A_639 : i32 to index
        %parallel_loop3A_641 = arith.index_cast %parallel_loop3A_597 : i32 to index
        %parallel_loop3A_642 = arith.constant 32 : index
        %parallel_loop3A_643 = tpu.vector_load %arg10[%parallel_loop3A_640, %parallel_loop3A_641, %parallel_loop3A_642] {strides = array<i32>} : memref<4x50x64xf32, #tpu.memory_space<vmem>>, vector<1x1x16xf32>,
        %parallel_loop3A_644 = vector.shape_cast %parallel_loop3A_643 : vector<1x1x16xf32> to vector<16xf32>
        %parallel_loop3A_645 = vector.shape_cast %parallel_loop3A_638 : vector<16xf32> to vector<1x1x16xf32>
        tpu.vector_store %arg10[%parallel_loop3A_640, %parallel_loop3A_641, %parallel_loop3A_642], %parallel_loop3A_645 {strides = array<i32>} : memref<4x50x64xf32, #tpu.memory_space<vmem>>, vector<1x1x16xf32>,
        %parallel_loop3A_646 = arith.constant 0 : i32
        %parallel_loop3A_647 = arith.index_cast %parallel_loop3A_646 : i32 to index
        %parallel_loop3A_648 = arith.index_cast %parallel_loop3A_597 : i32 to index
        %parallel_loop3A_649 = arith.constant 48 : index
        %parallel_loop3A_650 = tpu.vector_load %arg8[%parallel_loop3A_647, %parallel_loop3A_648, %parallel_loop3A_649] {strides = array<i32>} : memref<4x50x64xf32, #tpu.memory_space<vmem>>, vector<1x1x16xf32>,
        %parallel_loop3A_651 = vector.shape_cast %parallel_loop3A_650 : vector<1x1x16xf32> to vector<16xf32>
        %parallel_loop3A_652 = arith.constant 8.000000e+00 : f32
        %parallel_loop3A_653 = vector.broadcast %parallel_loop3A_652 : f32 to vector<16xf32>
        %parallel_loop3A_654 = arith.mulf %parallel_loop3A_651, %parallel_loop3A_653 : vector<16xf32>
        %parallel_loop3A_655 = arith.constant 0 : i32
        %parallel_loop3A_656 = arith.index_cast %parallel_loop3A_655 : i32 to index
        %parallel_loop3A_657 = arith.index_cast %parallel_loop3A_597 : i32 to index
        %parallel_loop3A_658 = arith.constant 48 : index
        %parallel_loop3A_659 = tpu.vector_load %arg10[%parallel_loop3A_656, %parallel_loop3A_657, %parallel_loop3A_658] {strides = array<i32>} : memref<4x50x64xf32, #tpu.memory_space<vmem>>, vector<1x1x16xf32>,
        %parallel_loop3A_660 = vector.shape_cast %parallel_loop3A_659 : vector<1x1x16xf32> to vector<16xf32>
        %parallel_loop3A_661 = vector.shape_cast %parallel_loop3A_654 : vector<16xf32> to vector<1x1x16xf32>
        tpu.vector_store %arg10[%parallel_loop3A_656, %parallel_loop3A_657, %parallel_loop3A_658], %parallel_loop3A_661 {strides = array<i32>} : memref<4x50x64xf32, #tpu.memory_space<vmem>>, vector<1x1x16xf32>,
      } {sc.loop_unroll_factor = 5 : i64, sc.parallel_access}
      %parallel_loop3A_479 = arith.constant 0 : i32
      %parallel_loop3A_480 = arith.constant 50 : i32
      %parallel_loop3A_481 = arith.constant 1 : i32
      scf.for %parallel_loop3A_597 = %parallel_loop3A_479 to %parallel_loop3A_480 step %parallel_loop3A_481  : i32 {
        %parallel_loop3A_598 = arith.constant 1 : i32
        %parallel_loop3A_599 = arith.index_cast %parallel_loop3A_598 : i32 to index
        %parallel_loop3A_600 = arith.index_cast %parallel_loop3A_597 : i32 to index
        %parallel_loop3A_601 = arith.constant 0 : index
        %parallel_loop3A_602 = tpu.vector_load %arg8[%parallel_loop3A_599, %parallel_loop3A_600, %parallel_loop3A_601] {strides = array<i32>} : memref<4x50x64xf32, #tpu.memory_space<vmem>>, vector<1x1x16xf32>,
        %parallel_loop3A_603 = vector.shape_cast %parallel_loop3A_602 : vector<1x1x16xf32> to vector<16xf32>
        %parallel_loop3A_604 = arith.constant 8.000000e+00 : f32
        %parallel_loop3A_605 = vector.broadcast %parallel_loop3A_604 : f32 to vector<16xf32>
        %parallel_loop3A_606 = arith.mulf %parallel_loop3A_603, %parallel_loop3A_605 : vector<16xf32>
        %parallel_loop3A_607 = arith.constant 1 : i32
        %parallel_loop3A_608 = arith.index_cast %parallel_loop3A_607 : i32 to index
        %parallel_loop3A_609 = arith.index_cast %parallel_loop3A_597 : i32 to index
        %parallel_loop3A_610 = arith.constant 0 : index
        %parallel_loop3A_611 = tpu.vector_load %arg10[%parallel_loop3A_608, %parallel_loop3A_609, %parallel_loop3A_610] {strides = array<i32>} : memref<4x50x64xf32, #tpu.memory_space<vmem>>, vector<1x1x16xf32>,
        %parallel_loop3A_612 = vector.shape_cast %parallel_loop3A_611 : vector<1x1x16xf32> to vector<16xf32>
        %parallel_loop3A_613 = vector.shape_cast %parallel_loop3A_606 : vector<16xf32> to vector<1x1x16xf32>
        tpu.vector_store %arg10[%parallel_loop3A_608, %parallel_loop3A_609, %parallel_loop3A_610], %parallel_loop3A_613 {strides = array<i32>} : memref<4x50x64xf32, #tpu.memory_space<vmem>>, vector<1x1x16xf32>,
        %parallel_loop3A_614 = arith.constant 1 : i32
        %parallel_loop3A_615 = arith.index_cast %parallel_loop3A_614 : i32 to index
        %parallel_loop3A_616 = arith.index_cast %parallel_loop3A_597 : i32 to index
        %parallel_loop3A_617 = arith.constant 16 : index
        %parallel_loop3A_618 = tpu.vector_load %arg8[%parallel_loop3A_615, %parallel_loop3A_616, %parallel_loop3A_617] {strides = array<i32>} : memref<4x50x64xf32, #tpu.memory_space<vmem>>, vector<1x1x16xf32>,
        %parallel_loop3A_619 = vector.shape_cast %parallel_loop3A_618 : vector<1x1x16xf32> to vector<16xf32>
        %parallel_loop3A_620 = arith.constant 8.000000e+00 : f32
        %parallel_loop3A_621 = vector.broadcast %parallel_loop3A_620 : f32 to vector<16xf32>
        %parallel_loop3A_622 = arith.mulf %parallel_loop3A_619, %parallel_loop3A_621 : vector<16xf32>
        %parallel_loop3A_623 = arith.constant 1 : i32
        %parallel_loop3A_624 = arith.index_cast %parallel_loop3A_623 : i32 to index
        %parallel_loop3A_625 = arith.index_cast %parallel_loop3A_597 : i32 to index
        %parallel_loop3A_626 = arith.constant 16 : index
        %parallel_loop3A_627 = tpu.vector_load %arg10[%parallel_loop3A_624, %parallel_loop3A_625, %parallel_loop3A_626] {strides = array<i32>} : memref<4x50x64xf32, #tpu.memory_space<vmem>>, vector<1x1x16xf32>,
        %parallel_loop3A_628 = vector.shape_cast %parallel_loop3A_627 : vector<1x1x16xf32> to vector<16xf32>
        %parallel_loop3A_629 = vector.shape_cast %parallel_loop3A_622 : vector<16xf32> to vector<1x1x16xf32>
        tpu.vector_store %arg10[%parallel_loop3A_624, %parallel_loop3A_625, %parallel_loop3A_626], %parallel_loop3A_629 {strides = array<i32>} : memref<4x50x64xf32, #tpu.memory_space<vmem>>, vector<1x1x16xf32>,
        %parallel_loop3A_630 = arith.constant 1 : i32
        %parallel_loop3A_631 = arith.index_cast %parallel_loop3A_630 : i32 to index
        %parallel_loop3A_632 = arith.index_cast %parallel_loop3A_597 : i32 to index
        %parallel_loop3A_633 = arith.constant 32 : index
        %parallel_loop3A_634 = tpu.vector_load %arg8[%parallel_loop3A_631, %parallel_loop3A_632, %parallel_loop3A_633] {strides = array<i32>} : memref<4x50x64xf32, #tpu.memory_space<vmem>>, vector<1x1x16xf32>,
        %parallel_loop3A_635 = vector.shape_cast %parallel_loop3A_634 : vector<1x1x16xf32> to vector<16xf32>
        %parallel_loop3A_636 = arith.constant 8.000000e+00 : f32
        %parallel_loop3A_637 = vector.broadcast %parallel_loop3A_636 : f32 to vector<16xf32>
        %parallel_loop3A_638 = arith.mulf %parallel_loop3A_635, %parallel_loop3A_637 : vector<16xf32>
        %parallel_loop3A_639 = arith.constant 1 : i32
        %parallel_loop3A_640 = arith.index_cast %parallel_loop3A_639 : i32 to index
        %parallel_loop3A_641 = arith.index_cast %parallel_loop3A_597 : i32 to index
        %parallel_loop3A_642 = arith.constant 32 : index
        %parallel_loop3A_643 = tpu.vector_load %arg10[%parallel_loop3A_640, %parallel_loop3A_641, %parallel_loop3A_642] {strides = array<i32>} : memref<4x50x64xf32, #tpu.memory_space<vmem>>, vector<1x1x16xf32>,
        %parallel_loop3A_644 = vector.shape_cast %parallel_loop3A_643 : vector<1x1x16xf32> to vector<16xf32>
        %parallel_loop3A_645 = vector.shape_cast %parallel_loop3A_638 : vector<16xf32> to vector<1x1x16xf32>
        tpu.vector_store %arg10[%parallel_loop3A_640, %parallel_loop3A_641, %parallel_loop3A_642], %parallel_loop3A_645 {strides = array<i32>} : memref<4x50x64xf32, #tpu.memory_space<vmem>>, vector<1x1x16xf32>,
        %parallel_loop3A_646 = arith.constant 1 : i32
        %parallel_loop3A_647 = arith.index_cast %parallel_loop3A_646 : i32 to index
        %parallel_loop3A_648 = arith.index_cast %parallel_loop3A_597 : i32 to index
        %parallel_loop3A_649 = arith.constant 48 : index
        %parallel_loop3A_650 = tpu.vector_load %arg8[%parallel_loop3A_647, %parallel_loop3A_648, %parallel_loop3A_649] {strides = array<i32>} : memref<4x50x64xf32, #tpu.memory_space<vmem>>, vector<1x1x16xf32>,
        %parallel_loop3A_651 = vector.shape_cast %parallel_loop3A_650 : vector<1x1x16xf32> to vector<16xf32>
        %parallel_loop3A_652 = arith.constant 8.000000e+00 : f32
        %parallel_loop3A_653 = vector.broadcast %parallel_loop3A_652 : f32 to vector<16xf32>
        %parallel_loop3A_654 = arith.mulf %parallel_loop3A_651, %parallel_loop3A_653 : vector<16xf32>
        %parallel_loop3A_655 = arith.constant 1 : i32
        %parallel_loop3A_656 = arith.index_cast %parallel_loop3A_655 : i32 to index
        %parallel_loop3A_657 = arith.index_cast %parallel_loop3A_597 : i32 to index
        %parallel_loop3A_658 = arith.constant 48 : index
        %parallel_loop3A_659 = tpu.vector_load %arg10[%parallel_loop3A_656, %parallel_loop3A_657, %parallel_loop3A_658] {strides = array<i32>} : memref<4x50x64xf32, #tpu.memory_space<vmem>>, vector<1x1x16xf32>,
        %parallel_loop3A_660 = vector.shape_cast %parallel_loop3A_659 : vector<1x1x16xf32> to vector<16xf32>
        %parallel_loop3A_661 = vector.shape_cast %parallel_loop3A_654 : vector<16xf32> to vector<1x1x16xf32>
        tpu.vector_store %arg10[%parallel_loop3A_656, %parallel_loop3A_657, %parallel_loop3A_658], %parallel_loop3A_661 {strides = array<i32>} : memref<4x50x64xf32, #tpu.memory_space<vmem>>, vector<1x1x16xf32>,
      } {sc.loop_unroll_factor = 5 : i64, sc.parallel_access}
      %parallel_loop3A_482 = arith.constant 0 : i32
      %parallel_loop3A_483 = arith.constant 50 : i32
      %parallel_loop3A_484 = arith.constant 1 : i32
      scf.for %parallel_loop3A_597 = %parallel_loop3A_482 to %parallel_loop3A_483 step %parallel_loop3A_484  : i32 {
        %parallel_loop3A_598 = arith.constant 2 : i32
        %parallel_loop3A_599 = arith.index_cast %parallel_loop3A_598 : i32 to index
        %parallel_loop3A_600 = arith.index_cast %parallel_loop3A_597 : i32 to index
        %parallel_loop3A_601 = arith.constant 0 : index
        %parallel_loop3A_602 = tpu.vector_load %arg8[%parallel_loop3A_599, %parallel_loop3A_600, %parallel_loop3A_601] {strides = array<i32>} : memref<4x50x64xf32, #tpu.memory_space<vmem>>, vector<1x1x16xf32>,
        %parallel_loop3A_603 = vector.shape_cast %parallel_loop3A_602 : vector<1x1x16xf32> to vector<16xf32>
        %parallel_loop3A_604 = arith.constant 8.000000e+00 : f32
        %parallel_loop3A_605 = vector.broadcast %parallel_loop3A_604 : f32 to vector<16xf32>
        %parallel_loop3A_606 = arith.mulf %parallel_loop3A_603, %parallel_loop3A_605 : vector<16xf32>
        %parallel_loop3A_607 = arith.constant 2 : i32
        %parallel_loop3A_608 = arith.index_cast %parallel_loop3A_607 : i32 to index
        %parallel_loop3A_609 = arith.index_cast %parallel_loop3A_597 : i32 to index
        %parallel_loop3A_610 = arith.constant 0 : index
        %parallel_loop3A_611 = tpu.vector_load %arg10[%parallel_loop3A_608, %parallel_loop3A_609, %parallel_loop3A_610] {strides = array<i32>} : memref<4x50x64xf32, #tpu.memory_space<vmem>>, vector<1x1x16xf32>,
        %parallel_loop3A_612 = vector.shape_cast %parallel_loop3A_611 : vector<1x1x16xf32> to vector<16xf32>
        %parallel_loop3A_613 = vector.shape_cast %parallel_loop3A_606 : vector<16xf32> to vector<1x1x16xf32>
        tpu.vector_store %arg10[%parallel_loop3A_608, %parallel_loop3A_609, %parallel_loop3A_610], %parallel_loop3A_613 {strides = array<i32>} : memref<4x50x64xf32, #tpu.memory_space<vmem>>, vector<1x1x16xf32>,
        %parallel_loop3A_614 = arith.constant 2 : i32
        %parallel_loop3A_615 = arith.index_cast %parallel_loop3A_614 : i32 to index
        %parallel_loop3A_616 = arith.index_cast %parallel_loop3A_597 : i32 to index
        %parallel_loop3A_617 = arith.constant 16 : index
        %parallel_loop3A_618 = tpu.vector_load %arg8[%parallel_loop3A_615, %parallel_loop3A_616, %parallel_loop3A_617] {strides = array<i32>} : memref<4x50x64xf32, #tpu.memory_space<vmem>>, vector<1x1x16xf32>,
        %parallel_loop3A_619 = vector.shape_cast %parallel_loop3A_618 : vector<1x1x16xf32> to vector<16xf32>
        %parallel_loop3A_620 = arith.constant 8.000000e+00 : f32
        %parallel_loop3A_621 = vector.broadcast %parallel_loop3A_620 : f32 to vector<16xf32>
        %parallel_loop3A_622 = arith.mulf %parallel_loop3A_619, %parallel_loop3A_621 : vector<16xf32>
        %parallel_loop3A_623 = arith.constant 2 : i32
        %parallel_loop3A_624 = arith.index_cast %parallel_loop3A_623 : i32 to index
        %parallel_loop3A_625 = arith.index_cast %parallel_loop3A_597 : i32 to index
        %parallel_loop3A_626 = arith.constant 16 : index
        %parallel_loop3A_627 = tpu.vector_load %arg10[%parallel_loop3A_624, %parallel_loop3A_625, %parallel_loop3A_626] {strides = array<i32>} : memref<4x50x64xf32, #tpu.memory_space<vmem>>, vector<1x1x16xf32>,
        %parallel_loop3A_628 = vector.shape_cast %parallel_loop3A_627 : vector<1x1x16xf32> to vector<16xf32>
        %parallel_loop3A_629 = vector.shape_cast %parallel_loop3A_622 : vector<16xf32> to vector<1x1x16xf32>
        tpu.vector_store %arg10[%parallel_loop3A_624, %parallel_loop3A_625, %parallel_loop3A_626], %parallel_loop3A_629 {strides = array<i32>} : memref<4x50x64xf32, #tpu.memory_space<vmem>>, vector<1x1x16xf32>,
        %parallel_loop3A_630 = arith.constant 2 : i32
        %parallel_loop3A_631 = arith.index_cast %parallel_loop3A_630 : i32 to index
        %parallel_loop3A_632 = arith.index_cast %parallel_loop3A_597 : i32 to index
        %parallel_loop3A_633 = arith.constant 32 : index
        %parallel_loop3A_634 = tpu.vector_load %arg8[%parallel_loop3A_631, %parallel_loop3A_632, %parallel_loop3A_633] {strides = array<i32>} : memref<4x50x64xf32, #tpu.memory_space<vmem>>, vector<1x1x16xf32>,
        %parallel_loop3A_635 = vector.shape_cast %parallel_loop3A_634 : vector<1x1x16xf32> to vector<16xf32>
        %parallel_loop3A_636 = arith.constant 8.000000e+00 : f32
        %parallel_loop3A_637 = vector.broadcast %parallel_loop3A_636 : f32 to vector<16xf32>
        %parallel_loop3A_638 = arith.mulf %parallel_loop3A_635, %parallel_loop3A_637 : vector<16xf32>
        %parallel_loop3A_639 = arith.constant 2 : i32
        %parallel_loop3A_640 = arith.index_cast %parallel_loop3A_639 : i32 to index
        %parallel_loop3A_641 = arith.index_cast %parallel_loop3A_597 : i32 to index
        %parallel_loop3A_642 = arith.constant 32 : index
        %parallel_loop3A_643 = tpu.vector_load %arg10[%parallel_loop3A_640, %parallel_loop3A_641, %parallel_loop3A_642] {strides = array<i32>} : memref<4x50x64xf32, #tpu.memory_space<vmem>>, vector<1x1x16xf32>,
        %parallel_loop3A_644 = vector.shape_cast %parallel_loop3A_643 : vector<1x1x16xf32> to vector<16xf32>
        %parallel_loop3A_645 = vector.shape_cast %parallel_loop3A_638 : vector<16xf32> to vector<1x1x16xf32>
        tpu.vector_store %arg10[%parallel_loop3A_640, %parallel_loop3A_641, %parallel_loop3A_642], %parallel_loop3A_645 {strides = array<i32>} : memref<4x50x64xf32, #tpu.memory_space<vmem>>, vector<1x1x16xf32>,
        %parallel_loop3A_646 = arith.constant 2 : i32
        %parallel_loop3A_647 = arith.index_cast %parallel_loop3A_646 : i32 to index
        %parallel_loop3A_648 = arith.index_cast %parallel_loop3A_597 : i32 to index
        %parallel_loop3A_649 = arith.constant 48 : index
        %parallel_loop3A_650 = tpu.vector_load %arg8[%parallel_loop3A_647, %parallel_loop3A_648, %parallel_loop3A_649] {strides = array<i32>} : memref<4x50x64xf32, #tpu.memory_space<vmem>>, vector<1x1x16xf32>,
        %parallel_loop3A_651 = vector.shape_cast %parallel_loop3A_650 : vector<1x1x16xf32> to vector<16xf32>
        %parallel_loop3A_652 = arith.constant 8.000000e+00 : f32
        %parallel_loop3A_653 = vector.broadcast %parallel_loop3A_652 : f32 to vector<16xf32>
        %parallel_loop3A_654 = arith.mulf %parallel_loop3A_651, %parallel_loop3A_653 : vector<16xf32>
        %parallel_loop3A_655 = arith.constant 2 : i32
        %parallel_loop3A_656 = arith.index_cast %parallel_loop3A_655 : i32 to index
        %parallel_loop3A_657 = arith.index_cast %parallel_loop3A_597 : i32 to index
        %parallel_loop3A_658 = arith.constant 48 : index
        %parallel_loop3A_659 = tpu.vector_load %arg10[%parallel_loop3A_656, %parallel_loop3A_657, %parallel_loop3A_658] {strides = array<i32>} : memref<4x50x64xf32, #tpu.memory_space<vmem>>, vector<1x1x16xf32>,
        %parallel_loop3A_660 = vector.shape_cast %parallel_loop3A_659 : vector<1x1x16xf32> to vector<16xf32>
        %parallel_loop3A_661 = vector.shape_cast %parallel_loop3A_654 : vector<16xf32> to vector<1x1x16xf32>
        tpu.vector_store %arg10[%parallel_loop3A_656, %parallel_loop3A_657, %parallel_loop3A_658], %parallel_loop3A_661 {strides = array<i32>} : memref<4x50x64xf32, #tpu.memory_space<vmem>>, vector<1x1x16xf32>,
      } {sc.loop_unroll_factor = 5 : i64, sc.parallel_access}
      %parallel_loop3A_485 = arith.constant 0 : i32
      %parallel_loop3A_486 = arith.constant 50 : i32
      %parallel_loop3A_487 = arith.constant 1 : i32
      scf.for %parallel_loop3A_597 = %parallel_loop3A_485 to %parallel_loop3A_486 step %parallel_loop3A_487  : i32 {
        %parallel_loop3A_598 = arith.constant 3 : i32
        %parallel_loop3A_599 = arith.index_cast %parallel_loop3A_598 : i32 to index
        %parallel_loop3A_600 = arith.index_cast %parallel_loop3A_597 : i32 to index
        %parallel_loop3A_601 = arith.constant 0 : index
        %parallel_loop3A_602 = tpu.vector_load %arg8[%parallel_loop3A_599, %parallel_loop3A_600, %parallel_loop3A_601] {strides = array<i32>} : memref<4x50x64xf32, #tpu.memory_space<vmem>>, vector<1x1x16xf32>,
        %parallel_loop3A_603 = vector.shape_cast %parallel_loop3A_602 : vector<1x1x16xf32> to vector<16xf32>
        %parallel_loop3A_604 = arith.constant 8.000000e+00 : f32
        %parallel_loop3A_605 = vector.broadcast %parallel_loop3A_604 : f32 to vector<16xf32>
        %parallel_loop3A_606 = arith.mulf %parallel_loop3A_603, %parallel_loop3A_605 : vector<16xf32>
        %parallel_loop3A_607 = arith.constant 3 : i32
        %parallel_loop3A_608 = arith.index_cast %parallel_loop3A_607 : i32 to index
        %parallel_loop3A_609 = arith.index_cast %parallel_loop3A_597 : i32 to index
        %parallel_loop3A_610 = arith.constant 0 : index
        %parallel_loop3A_611 = tpu.vector_load %arg10[%parallel_loop3A_608, %parallel_loop3A_609, %parallel_loop3A_610] {strides = array<i32>} : memref<4x50x64xf32, #tpu.memory_space<vmem>>, vector<1x1x16xf32>,
        %parallel_loop3A_612 = vector.shape_cast %parallel_loop3A_611 : vector<1x1x16xf32> to vector<16xf32>
        %parallel_loop3A_613 = vector.shape_cast %parallel_loop3A_606 : vector<16xf32> to vector<1x1x16xf32>
        tpu.vector_store %arg10[%parallel_loop3A_608, %parallel_loop3A_609, %parallel_loop3A_610], %parallel_loop3A_613 {strides = array<i32>} : memref<4x50x64xf32, #tpu.memory_space<vmem>>, vector<1x1x16xf32>,
        %parallel_loop3A_614 = arith.constant 3 : i32
        %parallel_loop3A_615 = arith.index_cast %parallel_loop3A_614 : i32 to index
        %parallel_loop3A_616 = arith.index_cast %parallel_loop3A_597 : i32 to index
        %parallel_loop3A_617 = arith.constant 16 : index
        %parallel_loop3A_618 = tpu.vector_load %arg8[%parallel_loop3A_615, %parallel_loop3A_616, %parallel_loop3A_617] {strides = array<i32>} : memref<4x50x64xf32, #tpu.memory_space<vmem>>, vector<1x1x16xf32>,
        %parallel_loop3A_619 = vector.shape_cast %parallel_loop3A_618 : vector<1x1x16xf32> to vector<16xf32>
        %parallel_loop3A_620 = arith.constant 8.000000e+00 : f32
        %parallel_loop3A_621 = vector.broadcast %parallel_loop3A_620 : f32 to vector<16xf32>
        %parallel_loop3A_622 = arith.mulf %parallel_loop3A_619, %parallel_loop3A_621 : vector<16xf32>
        %parallel_loop3A_623 = arith.constant 3 : i32
        %parallel_loop3A_624 = arith.index_cast %parallel_loop3A_623 : i32 to index
        %parallel_loop3A_625 = arith.index_cast %parallel_loop3A_597 : i32 to index
        %parallel_loop3A_626 = arith.constant 16 : index
        %parallel_loop3A_627 = tpu.vector_load %arg10[%parallel_loop3A_624, %parallel_loop3A_625, %parallel_loop3A_626] {strides = array<i32>} : memref<4x50x64xf32, #tpu.memory_space<vmem>>, vector<1x1x16xf32>,
        %parallel_loop3A_628 = vector.shape_cast %parallel_loop3A_627 : vector<1x1x16xf32> to vector<16xf32>
        %parallel_loop3A_629 = vector.shape_cast %parallel_loop3A_622 : vector<16xf32> to vector<1x1x16xf32>
        tpu.vector_store %arg10[%parallel_loop3A_624, %parallel_loop3A_625, %parallel_loop3A_626], %parallel_loop3A_629 {strides = array<i32>} : memref<4x50x64xf32, #tpu.memory_space<vmem>>, vector<1x1x16xf32>,
        %parallel_loop3A_630 = arith.constant 3 : i32
        %parallel_loop3A_631 = arith.index_cast %parallel_loop3A_630 : i32 to index
        %parallel_loop3A_632 = arith.index_cast %parallel_loop3A_597 : i32 to index
        %parallel_loop3A_633 = arith.constant 32 : index
        %parallel_loop3A_634 = tpu.vector_load %arg8[%parallel_loop3A_631, %parallel_loop3A_632, %parallel_loop3A_633] {strides = array<i32>} : memref<4x50x64xf32, #tpu.memory_space<vmem>>, vector<1x1x16xf32>,
        %parallel_loop3A_635 = vector.shape_cast %parallel_loop3A_634 : vector<1x1x16xf32> to vector<16xf32>
        %parallel_loop3A_636 = arith.constant 8.000000e+00 : f32
        %parallel_loop3A_637 = vector.broadcast %parallel_loop3A_636 : f32 to vector<16xf32>
        %parallel_loop3A_638 = arith.mulf %parallel_loop3A_635, %parallel_loop3A_637 : vector<16xf32>
        %parallel_loop3A_639 = arith.constant 3 : i32
        %parallel_loop3A_640 = arith.index_cast %parallel_loop3A_639 : i32 to index
        %parallel_loop3A_641 = arith.index_cast %parallel_loop3A_597 : i32 to index
        %parallel_loop3A_642 = arith.constant 32 : index
        %parallel_loop3A_643 = tpu.vector_load %arg10[%parallel_loop3A_640, %parallel_loop3A_641, %parallel_loop3A_642] {strides = array<i32>} : memref<4x50x64xf32, #tpu.memory_space<vmem>>, vector<1x1x16xf32>,
        %parallel_loop3A_644 = vector.shape_cast %parallel_loop3A_643 : vector<1x1x16xf32> to vector<16xf32>
        %parallel_loop3A_645 = vector.shape_cast %parallel_loop3A_638 : vector<16xf32> to vector<1x1x16xf32>
        tpu.vector_store %arg10[%parallel_loop3A_640, %parallel_loop3A_641, %parallel_loop3A_642], %parallel_loop3A_645 {strides = array<i32>} : memref<4x50x64xf32, #tpu.memory_space<vmem>>, vector<1x1x16xf32>,
        %parallel_loop3A_646 = arith.constant 3 : i32
        %parallel_loop3A_647 = arith.index_cast %parallel_loop3A_646 : i32 to index
        %parallel_loop3A_648 = arith.index_cast %parallel_loop3A_597 : i32 to index
        %parallel_loop3A_649 = arith.constant 48 : index
        %parallel_loop3A_650 = tpu.vector_load %arg8[%parallel_loop3A_647, %parallel_loop3A_648, %parallel_loop3A_649] {strides = array<i32>} : memref<4x50x64xf32, #tpu.memory_space<vmem>>, vector<1x1x16xf32>,
        %parallel_loop3A_651 = vector.shape_cast %parallel_loop3A_650 : vector<1x1x16xf32> to vector<16xf32>
        %parallel_loop3A_652 = arith.constant 8.000000e+00 : f32
        %parallel_loop3A_653 = vector.broadcast %parallel_loop3A_652 : f32 to vector<16xf32>
        %parallel_loop3A_654 = arith.mulf %parallel_loop3A_651, %parallel_loop3A_653 : vector<16xf32>
        %parallel_loop3A_655 = arith.constant 3 : i32
        %parallel_loop3A_656 = arith.index_cast %parallel_loop3A_655 : i32 to index
        %parallel_loop3A_657 = arith.index_cast %parallel_loop3A_597 : i32 to index
        %parallel_loop3A_658 = arith.constant 48 : index
        %parallel_loop3A_659 = tpu.vector_load %arg10[%parallel_loop3A_656, %parallel_loop3A_657, %parallel_loop3A_658] {strides = array<i32>} : memref<4x50x64xf32, #tpu.memory_space<vmem>>, vector<1x1x16xf32>,
        %parallel_loop3A_660 = vector.shape_cast %parallel_loop3A_659 : vector<1x1x16xf32> to vector<16xf32>
        %parallel_loop3A_661 = vector.shape_cast %parallel_loop3A_654 : vector<16xf32> to vector<1x1x16xf32>
        tpu.vector_store %arg10[%parallel_loop3A_656, %parallel_loop3A_657, %parallel_loop3A_658], %parallel_loop3A_661 {strides = array<i32>} : memref<4x50x64xf32, #tpu.memory_space<vmem>>, vector<1x1x16xf32>,
      } {sc.loop_unroll_factor = 5 : i64, sc.parallel_access}
      %mul3A_488 = arith.constant 4 : i32
      %mul3A_489 = arith.muli %add3A_410, %mul3A_488 : i32
      %add3A_490 = arith.addi %mul3A_2, %mul3A_489 : i32
      %dma_start3A_491 = arith.constant 0 : i32
      %dma_start3A_492 = arith.constant 0 : i32
      %dma_start3A_493 = tpu.memref_slice %arg4[%add3A_490, %dma_start3A_491, %dma_start3A_492] : memref<16384x50x64xf32, #tpu.memory_space<hbm>> -> memref<4x50x64xf32, #tpu.memory_space<hbm>>
      %dma_start3A_494 = arith.constant 0 : i32
      %dma_start3A_495 = arith.constant 0 : i32
      %dma_start3A_496 = tpu.memref_slice %arg4[%add3A_490, %dma_start3A_494, %dma_start3A_495] : memref<16384x50x64xf32, #tpu.memory_space<hbm>> -> memref<4x50x64xf32, #tpu.memory_space<hbm>>
      tpu.enqueue_dma source(%arg10 : memref<4x50x64xf32, #tpu.memory_space<vmem>>) target(%dma_start3A_496 : memref<4x50x64xf32, #tpu.memory_space<hbm>>) target_semaphore(%arg16 : memref<!tpu.dma_semaphore, #tpu.memory_space<semaphore_mem>>)
      %lt3A_497 = arith.constant 31 : i32
      %lt3A_498 = arith.cmpi slt, %scan3A_219, %lt3A_497 : i32
      %convert_element_type3A_499 = arith.extui %lt3A_498 : i1 to i32
      %cond3A_500 = arith.constant 0 : i32
      %cond3A_501 = arith.cmpi ne, %convert_element_type3A_499, %cond3A_500 : i32
      scf.if %cond3A_501 {
        %add3A_597 = arith.constant 4 : i32
        %add3A_598 = arith.addi %add3A_410, %add3A_597 : i32
        %mul3A_599 = arith.constant 4 : i32
        %mul3A_600 = arith.muli %add3A_598, %mul3A_599 : i32
        %add3A_601 = arith.constant 0 : i32
        %add3A_602 = arith.addi %mul3A_600, %add3A_601 : i32
        %dma_start3A_603 = arith.constant 0 : i32
        %dma_start3A_604 = arith.constant 0 : i32
        %dma_start3A_605 = arith.constant 0 : i32
        %dma_start3A_606 = tpu.memref_slice %arg8[%dma_start3A_603, %dma_start3A_604, %dma_start3A_605] : memref<4x50x64xf32, #tpu.memory_space<vmem>> -> memref<1x50x64xf32, #tpu.memory_space<vmem>>
        %dma_start3A_607 = tpu.memref_squeeze %dma_start3A_606 : memref<1x50x64xf32, #tpu.memory_space<vmem>> -> memref<50x64xf32, #tpu.memory_space<vmem>>
        %dma_start3A_608 = arith.constant 0 : i32
        %dma_start3A_609 = tpu.memref_slice %arg5[%add3A_602, %dma_start3A_608] : memref<512x50xi32, #tpu.memory_space<vmem>> -> memref<1x50xi32, #tpu.memory_space<vmem>>
        %dma_start3A_610 = tpu.memref_squeeze %dma_start3A_609 : memref<1x50xi32, #tpu.memory_space<vmem>> -> memref<50xi32, #tpu.memory_space<vmem>>
        %dma_start3A_611 = arith.constant 0 : i32
        %dma_start3A_612 = arith.constant 0 : i32
        %dma_start3A_613 = tpu.memref_slice %arg2[%dma_start3A_611, %dma_start3A_612] : memref<2000000x64xf32, #tpu.memory_space<hbm>> -> memref<2000000x64xf32, #tpu.memory_space<hbm>>
        tpu.enqueue_indirect_dma source(%dma_start3A_613 : memref<2000000x64xf32, #tpu.memory_space<hbm>>) target(%dma_start3A_607 : memref<50x64xf32, #tpu.memory_space<vmem>>) offsets(%dma_start3A_610 : memref<50xi32, #tpu.memory_space<vmem>>) semaphore(%arg14 : memref<!tpu.dma_semaphore, #tpu.memory_space<semaphore_mem>>)
        %mul3A_614 = arith.constant 4 : i32
        %mul3A_615 = arith.muli %add3A_598, %mul3A_614 : i32
        %add3A_616 = arith.constant 1 : i32
        %add3A_617 = arith.addi %mul3A_615, %add3A_616 : i32
        %dma_start3A_618 = arith.constant 1 : i32
        %dma_start3A_619 = arith.constant 0 : i32
        %dma_start3A_620 = arith.constant 0 : i32
        %dma_start3A_621 = tpu.memref_slice %arg8[%dma_start3A_618, %dma_start3A_619, %dma_start3A_620] : memref<4x50x64xf32, #tpu.memory_space<vmem>> -> memref<1x50x64xf32, #tpu.memory_space<vmem>>
        %dma_start3A_622 = tpu.memref_squeeze %dma_start3A_621 : memref<1x50x64xf32, #tpu.memory_space<vmem>> -> memref<50x64xf32, #tpu.memory_space<vmem>>
        %dma_start3A_623 = arith.constant 0 : i32
        %dma_start3A_624 = tpu.memref_slice %arg5[%add3A_617, %dma_start3A_623] : memref<512x50xi32, #tpu.memory_space<vmem>> -> memref<1x50xi32, #tpu.memory_space<vmem>>
        %dma_start3A_625 = tpu.memref_squeeze %dma_start3A_624 : memref<1x50xi32, #tpu.memory_space<vmem>> -> memref<50xi32, #tpu.memory_space<vmem>>
        %dma_start3A_626 = arith.constant 0 : i32
        %dma_start3A_627 = arith.constant 0 : i32
        %dma_start3A_628 = tpu.memref_slice %arg2[%dma_start3A_626, %dma_start3A_627] : memref<2000000x64xf32, #tpu.memory_space<hbm>> -> memref<2000000x64xf32, #tpu.memory_space<hbm>>
        tpu.enqueue_indirect_dma source(%dma_start3A_628 : memref<2000000x64xf32, #tpu.memory_space<hbm>>) target(%dma_start3A_622 : memref<50x64xf32, #tpu.memory_space<vmem>>) offsets(%dma_start3A_625 : memref<50xi32, #tpu.memory_space<vmem>>) semaphore(%arg14 : memref<!tpu.dma_semaphore, #tpu.memory_space<semaphore_mem>>)
        %mul3A_629 = arith.constant 4 : i32
        %mul3A_630 = arith.muli %add3A_598, %mul3A_629 : i32
        %add3A_631 = arith.constant 2 : i32
        %add3A_632 = arith.addi %mul3A_630, %add3A_631 : i32
        %dma_start3A_633 = arith.constant 2 : i32
        %dma_start3A_634 = arith.constant 0 : i32
        %dma_start3A_635 = arith.constant 0 : i32
        %dma_start3A_636 = tpu.memref_slice %arg8[%dma_start3A_633, %dma_start3A_634, %dma_start3A_635] : memref<4x50x64xf32, #tpu.memory_space<vmem>> -> memref<1x50x64xf32, #tpu.memory_space<vmem>>
        %dma_start3A_637 = tpu.memref_squeeze %dma_start3A_636 : memref<1x50x64xf32, #tpu.memory_space<vmem>> -> memref<50x64xf32, #tpu.memory_space<vmem>>
        %dma_start3A_638 = arith.constant 0 : i32
        %dma_start3A_639 = tpu.memref_slice %arg5[%add3A_632, %dma_start3A_638] : memref<512x50xi32, #tpu.memory_space<vmem>> -> memref<1x50xi32, #tpu.memory_space<vmem>>
        %dma_start3A_640 = tpu.memref_squeeze %dma_start3A_639 : memref<1x50xi32, #tpu.memory_space<vmem>> -> memref<50xi32, #tpu.memory_space<vmem>>
        %dma_start3A_641 = arith.constant 0 : i32
        %dma_start3A_642 = arith.constant 0 : i32
        %dma_start3A_643 = tpu.memref_slice %arg2[%dma_start3A_641, %dma_start3A_642] : memref<2000000x64xf32, #tpu.memory_space<hbm>> -> memref<2000000x64xf32, #tpu.memory_space<hbm>>
        tpu.enqueue_indirect_dma source(%dma_start3A_643 : memref<2000000x64xf32, #tpu.memory_space<hbm>>) target(%dma_start3A_637 : memref<50x64xf32, #tpu.memory_space<vmem>>) offsets(%dma_start3A_640 : memref<50xi32, #tpu.memory_space<vmem>>) semaphore(%arg14 : memref<!tpu.dma_semaphore, #tpu.memory_space<semaphore_mem>>)
        %mul3A_644 = arith.constant 4 : i32
        %mul3A_645 = arith.muli %add3A_598, %mul3A_644 : i32
        %add3A_646 = arith.constant 3 : i32
        %add3A_647 = arith.addi %mul3A_645, %add3A_646 : i32
        %dma_start3A_648 = arith.constant 3 : i32
        %dma_start3A_649 = arith.constant 0 : i32
        %dma_start3A_650 = arith.constant 0 : i32
        %dma_start3A_651 = tpu.memref_slice %arg8[%dma_start3A_648, %dma_start3A_649, %dma_start3A_650] : memref<4x50x64xf32, #tpu.memory_space<vmem>> -> memref<1x50x64xf32, #tpu.memory_space<vmem>>
        %dma_start3A_652 = tpu.memref_squeeze %dma_start3A_651 : memref<1x50x64xf32, #tpu.memory_space<vmem>> -> memref<50x64xf32, #tpu.memory_space<vmem>>
        %dma_start3A_653 = arith.constant 0 : i32
        %dma_start3A_654 = tpu.memref_slice %arg5[%add3A_647, %dma_start3A_653] : memref<512x50xi32, #tpu.memory_space<vmem>> -> memref<1x50xi32, #tpu.memory_space<vmem>>
        %dma_start3A_655 = tpu.memref_squeeze %dma_start3A_654 : memref<1x50xi32, #tpu.memory_space<vmem>> -> memref<50xi32, #tpu.memory_space<vmem>>
        %dma_start3A_656 = arith.constant 0 : i32
        %dma_start3A_657 = arith.constant 0 : i32
        %dma_start3A_658 = tpu.memref_slice %arg2[%dma_start3A_656, %dma_start3A_657] : memref<2000000x64xf32, #tpu.memory_space<hbm>> -> memref<2000000x64xf32, #tpu.memory_space<hbm>>
        tpu.enqueue_indirect_dma source(%dma_start3A_658 : memref<2000000x64xf32, #tpu.memory_space<hbm>>) target(%dma_start3A_652 : memref<50x64xf32, #tpu.memory_space<vmem>>) offsets(%dma_start3A_655 : memref<50xi32, #tpu.memory_space<vmem>>) semaphore(%arg14 : memref<!tpu.dma_semaphore, #tpu.memory_space<semaphore_mem>>)
      } else {
      }
      %mul3A_502 = arith.constant 4 : i32
      %mul3A_503 = arith.muli %mul3A_502, %scan3A_219 : i32
      %add3A_504 = arith.constant 3 : i32
      %add3A_505 = arith.addi %mul3A_503, %add3A_504 : i32
      %mul3A_506 = arith.constant 4 : i32
      %mul3A_507 = arith.muli %add3A_505, %mul3A_506 : i32
      %add3A_508 = arith.constant 0 : i32
      %add3A_509 = arith.addi %mul3A_507, %add3A_508 : i32
      %dma_wait3A_510 = arith.constant 0 : i32
      %dma_wait3A_511 = arith.constant 0 : i32
      %dma_wait3A_512 = arith.constant 0 : i32
      %dma_wait3A_513 = tpu.memref_slice %arg9[%dma_wait3A_510, %dma_wait3A_511, %dma_wait3A_512] : memref<4x50x64xf32, #tpu.memory_space<vmem>> -> memref<1x50x64xf32, #tpu.memory_space<vmem>>
      %dma_wait3A_514 = tpu.memref_squeeze %dma_wait3A_513 : memref<1x50x64xf32, #tpu.memory_space<vmem>> -> memref<50x64xf32, #tpu.memory_space<vmem>>
      %dma_wait3A_515 = arith.constant 0 : i32
      %dma_wait3A_516 = tpu.memref_slice %arg5[%add3A_509, %dma_wait3A_515] : memref<512x50xi32, #tpu.memory_space<vmem>> -> memref<1x50xi32, #tpu.memory_space<vmem>>
      %dma_wait3A_517 = tpu.memref_squeeze %dma_wait3A_516 : memref<1x50xi32, #tpu.memory_space<vmem>> -> memref<50xi32, #tpu.memory_space<vmem>>
      %dma_wait3A_518 = arith.constant 0 : i32
      %dma_wait3A_519 = arith.constant 0 : i32
      %dma_wait3A_520 = tpu.memref_slice %arg2[%dma_wait3A_518, %dma_wait3A_519] : memref<2000000x64xf32, #tpu.memory_space<hbm>> -> memref<2000000x64xf32, #tpu.memory_space<hbm>>
      tpu.wait_indirect_dma semaphore(%arg15 : memref<!tpu.dma_semaphore, #tpu.memory_space<semaphore_mem>>) src(%dma_wait3A_520 : memref<2000000x64xf32, #tpu.memory_space<hbm>>) dst(%dma_wait3A_514 : memref<50x64xf32, #tpu.memory_space<vmem>>)
      %mul3A_521 = arith.constant 4 : i32
      %mul3A_522 = arith.muli %add3A_505, %mul3A_521 : i32
      %add3A_523 = arith.constant 1 : i32
      %add3A_524 = arith.addi %mul3A_522, %add3A_523 : i32
      %dma_wait3A_525 = arith.constant 1 : i32
      %dma_wait3A_526 = arith.constant 0 : i32
      %dma_wait3A_527 = arith.constant 0 : i32
      %dma_wait3A_528 = tpu.memref_slice %arg9[%dma_wait3A_525, %dma_wait3A_526, %dma_wait3A_527] : memref<4x50x64xf32, #tpu.memory_space<vmem>> -> memref<1x50x64xf32, #tpu.memory_space<vmem>>
      %dma_wait3A_529 = tpu.memref_squeeze %dma_wait3A_528 : memref<1x50x64xf32, #tpu.memory_space<vmem>> -> memref<50x64xf32, #tpu.memory_space<vmem>>
      %dma_wait3A_530 = arith.constant 0 : i32
      %dma_wait3A_531 = tpu.memref_slice %arg5[%add3A_524, %dma_wait3A_530] : memref<512x50xi32, #tpu.memory_space<vmem>> -> memref<1x50xi32, #tpu.memory_space<vmem>>
      %dma_wait3A_532 = tpu.memref_squeeze %dma_wait3A_531 : memref<1x50xi32, #tpu.memory_space<vmem>> -> memref<50xi32, #tpu.memory_space<vmem>>
      %dma_wait3A_533 = arith.constant 0 : i32
      %dma_wait3A_534 = arith.constant 0 : i32
      %dma_wait3A_535 = tpu.memref_slice %arg2[%dma_wait3A_533, %dma_wait3A_534] : memref<2000000x64xf32, #tpu.memory_space<hbm>> -> memref<2000000x64xf32, #tpu.memory_space<hbm>>
      tpu.wait_indirect_dma semaphore(%arg15 : memref<!tpu.dma_semaphore, #tpu.memory_space<semaphore_mem>>) src(%dma_wait3A_535 : memref<2000000x64xf32, #tpu.memory_space<hbm>>) dst(%dma_wait3A_529 : memref<50x64xf32, #tpu.memory_space<vmem>>)
      %mul3A_536 = arith.constant 4 : i32
      %mul3A_537 = arith.muli %add3A_505, %mul3A_536 : i32
      %add3A_538 = arith.constant 2 : i32
      %add3A_539 = arith.addi %mul3A_537, %add3A_538 : i32
      %dma_wait3A_540 = arith.constant 2 : i32
      %dma_wait3A_541 = arith.constant 0 : i32
      %dma_wait3A_542 = arith.constant 0 : i32
      %dma_wait3A_543 = tpu.memref_slice %arg9[%dma_wait3A_540, %dma_wait3A_541, %dma_wait3A_542] : memref<4x50x64xf32, #tpu.memory_space<vmem>> -> memref<1x50x64xf32, #tpu.memory_space<vmem>>
      %dma_wait3A_544 = tpu.memref_squeeze %dma_wait3A_543 : memref<1x50x64xf32, #tpu.memory_space<vmem>> -> memref<50x64xf32, #tpu.memory_space<vmem>>
      %dma_wait3A_545 = arith.constant 0 : i32
      %dma_wait3A_546 = tpu.memref_slice %arg5[%add3A_539, %dma_wait3A_545] : memref<512x50xi32, #tpu.memory_space<vmem>> -> memref<1x50xi32, #tpu.memory_space<vmem>>
      %dma_wait3A_547 = tpu.memref_squeeze %dma_wait3A_546 : memref<1x50xi32, #tpu.memory_space<vmem>> -> memref<50xi32, #tpu.memory_space<vmem>>
      %dma_wait3A_548 = arith.constant 0 : i32
      %dma_wait3A_549 = arith.constant 0 : i32
      %dma_wait3A_550 = tpu.memref_slice %arg2[%dma_wait3A_548, %dma_wait3A_549] : memref<2000000x64xf32, #tpu.memory_space<hbm>> -> memref<2000000x64xf32, #tpu.memory_space<hbm>>
      tpu.wait_indirect_dma semaphore(%arg15 : memref<!tpu.dma_semaphore, #tpu.memory_space<semaphore_mem>>) src(%dma_wait3A_550 : memref<2000000x64xf32, #tpu.memory_space<hbm>>) dst(%dma_wait3A_544 : memref<50x64xf32, #tpu.memory_space<vmem>>)
      %mul3A_551 = arith.constant 4 : i32
      %mul3A_552 = arith.muli %add3A_505, %mul3A_551 : i32
      %add3A_553 = arith.constant 3 : i32
      %add3A_554 = arith.addi %mul3A_552, %add3A_553 : i32
      %dma_wait3A_555 = arith.constant 3 : i32
      %dma_wait3A_556 = arith.constant 0 : i32
      %dma_wait3A_557 = arith.constant 0 : i32
      %dma_wait3A_558 = tpu.memref_slice %arg9[%dma_wait3A_555, %dma_wait3A_556, %dma_wait3A_557] : memref<4x50x64xf32, #tpu.memory_space<vmem>> -> memref<1x50x64xf32, #tpu.memory_space<vmem>>
      %dma_wait3A_559 = tpu.memref_squeeze %dma_wait3A_558 : memref<1x50x64xf32, #tpu.memory_space<vmem>> -> memref<50x64xf32, #tpu.memory_space<vmem>>
      %dma_wait3A_560 = arith.constant 0 : i32
      %dma_wait3A_561 = tpu.memref_slice %arg5[%add3A_554, %dma_wait3A_560] : memref<512x50xi32, #tpu.memory_space<vmem>> -> memref<1x50xi32, #tpu.memory_space<vmem>>
      %dma_wait3A_562 = tpu.memref_squeeze %dma_wait3A_561 : memref<1x50xi32, #tpu.memory_space<vmem>> -> memref<50xi32, #tpu.memory_space<vmem>>
      %dma_wait3A_563 = arith.constant 0 : i32
      %dma_wait3A_564 = arith.constant 0 : i32
      %dma_wait3A_565 = tpu.memref_slice %arg2[%dma_wait3A_563, %dma_wait3A_564] : memref<2000000x64xf32, #tpu.memory_space<hbm>> -> memref<2000000x64xf32, #tpu.memory_space<hbm>>
      tpu.wait_indirect_dma semaphore(%arg15 : memref<!tpu.dma_semaphore, #tpu.memory_space<semaphore_mem>>) src(%dma_wait3A_565 : memref<2000000x64xf32, #tpu.memory_space<hbm>>) dst(%dma_wait3A_559 : memref<50x64xf32, #tpu.memory_space<vmem>>)
      %ge3A_566 = arith.constant 2 : i32
      %ge3A_567 = arith.cmpi sge, %add3A_505, %ge3A_566 : i32
      %convert_element_type3A_568 = arith.extui %ge3A_567 : i1 to i32
      %cond3A_569 = arith.constant 0 : i32
      %cond3A_570 = arith.cmpi ne, %convert_element_type3A_568, %cond3A_569 : i32
      scf.if %cond3A_570 {
        %sub3A = arith.constant 2 : i32
        %sub3A_597 = arith.subi %add3A_505, %sub3A : i32
        %mul3A_598 = arith.constant 4 : i32
        %mul3A_599 = arith.muli %sub3A_597, %mul3A_598 : i32
        %add3A_600 = arith.addi %mul3A_2, %mul3A_599 : i32
        %dma_wait3A_601 = arith.constant 0 : i32
        %dma_wait3A_602 = arith.constant 0 : i32
        %dma_wait3A_603 = tpu.memref_slice %arg4[%add3A_600, %dma_wait3A_601, %dma_wait3A_602] : memref<16384x50x64xf32, #tpu.memory_space<hbm>> -> memref<4x50x64xf32, #tpu.memory_space<hbm>>
        %dma_wait3A_604 = arith.constant 0 : i32
        %dma_wait3A_605 = arith.constant 0 : i32
        %dma_wait3A_606 = tpu.memref_slice %arg4[%add3A_600, %dma_wait3A_604, %dma_wait3A_605] : memref<16384x50x64xf32, #tpu.memory_space<hbm>> -> memref<4x50x64xf32, #tpu.memory_space<hbm>>
        tpu.wait_dma2 semaphore(%arg17 : memref<!tpu.dma_semaphore, #tpu.memory_space<semaphore_mem>>) src(%arg11 : memref<4x50x64xf32, #tpu.memory_space<vmem>>) dst(%dma_wait3A_606 : memref<4x50x64xf32, #tpu.memory_space<hbm>>)
      } else {
      }
      %parallel_loop3A_571 = arith.constant 0 : i32
      %parallel_loop3A_572 = arith.constant 50 : i32
      %parallel_loop3A_573 = arith.constant 1 : i32
      scf.for %parallel_loop3A_597 = %parallel_loop3A_571 to %parallel_loop3A_572 step %parallel_loop3A_573  : i32 {
        %parallel_loop3A_598 = arith.constant 0 : i32
        %parallel_loop3A_599 = arith.index_cast %parallel_loop3A_598 : i32 to index
        %parallel_loop3A_600 = arith.index_cast %parallel_loop3A_597 : i32 to index
        %parallel_loop3A_601 = arith.constant 0 : index
        %parallel_loop3A_602 = tpu.vector_load %arg9[%parallel_loop3A_599, %parallel_loop3A_600, %parallel_loop3A_601] {strides = array<i32>} : memref<4x50x64xf32, #tpu.memory_space<vmem>>, vector<1x1x16xf32>,
        %parallel_loop3A_603 = vector.shape_cast %parallel_loop3A_602 : vector<1x1x16xf32> to vector<16xf32>
        %parallel_loop3A_604 = arith.constant 8.000000e+00 : f32
        %parallel_loop3A_605 = vector.broadcast %parallel_loop3A_604 : f32 to vector<16xf32>
        %parallel_loop3A_606 = arith.mulf %parallel_loop3A_603, %parallel_loop3A_605 : vector<16xf32>
        %parallel_loop3A_607 = arith.constant 0 : i32
        %parallel_loop3A_608 = arith.index_cast %parallel_loop3A_607 : i32 to index
        %parallel_loop3A_609 = arith.index_cast %parallel_loop3A_597 : i32 to index
        %parallel_loop3A_610 = arith.constant 0 : index
        %parallel_loop3A_611 = tpu.vector_load %arg11[%parallel_loop3A_608, %parallel_loop3A_609, %parallel_loop3A_610] {strides = array<i32>} : memref<4x50x64xf32, #tpu.memory_space<vmem>>, vector<1x1x16xf32>,
        %parallel_loop3A_612 = vector.shape_cast %parallel_loop3A_611 : vector<1x1x16xf32> to vector<16xf32>
        %parallel_loop3A_613 = vector.shape_cast %parallel_loop3A_606 : vector<16xf32> to vector<1x1x16xf32>
        tpu.vector_store %arg11[%parallel_loop3A_608, %parallel_loop3A_609, %parallel_loop3A_610], %parallel_loop3A_613 {strides = array<i32>} : memref<4x50x64xf32, #tpu.memory_space<vmem>>, vector<1x1x16xf32>,
        %parallel_loop3A_614 = arith.constant 0 : i32
        %parallel_loop3A_615 = arith.index_cast %parallel_loop3A_614 : i32 to index
        %parallel_loop3A_616 = arith.index_cast %parallel_loop3A_597 : i32 to index
        %parallel_loop3A_617 = arith.constant 16 : index
        %parallel_loop3A_618 = tpu.vector_load %arg9[%parallel_loop3A_615, %parallel_loop3A_616, %parallel_loop3A_617] {strides = array<i32>} : memref<4x50x64xf32, #tpu.memory_space<vmem>>, vector<1x1x16xf32>,
        %parallel_loop3A_619 = vector.shape_cast %parallel_loop3A_618 : vector<1x1x16xf32> to vector<16xf32>
        %parallel_loop3A_620 = arith.constant 8.000000e+00 : f32
        %parallel_loop3A_621 = vector.broadcast %parallel_loop3A_620 : f32 to vector<16xf32>
        %parallel_loop3A_622 = arith.mulf %parallel_loop3A_619, %parallel_loop3A_621 : vector<16xf32>
        %parallel_loop3A_623 = arith.constant 0 : i32
        %parallel_loop3A_624 = arith.index_cast %parallel_loop3A_623 : i32 to index
        %parallel_loop3A_625 = arith.index_cast %parallel_loop3A_597 : i32 to index
        %parallel_loop3A_626 = arith.constant 16 : index
        %parallel_loop3A_627 = tpu.vector_load %arg11[%parallel_loop3A_624, %parallel_loop3A_625, %parallel_loop3A_626] {strides = array<i32>} : memref<4x50x64xf32, #tpu.memory_space<vmem>>, vector<1x1x16xf32>,
        %parallel_loop3A_628 = vector.shape_cast %parallel_loop3A_627 : vector<1x1x16xf32> to vector<16xf32>
        %parallel_loop3A_629 = vector.shape_cast %parallel_loop3A_622 : vector<16xf32> to vector<1x1x16xf32>
        tpu.vector_store %arg11[%parallel_loop3A_624, %parallel_loop3A_625, %parallel_loop3A_626], %parallel_loop3A_629 {strides = array<i32>} : memref<4x50x64xf32, #tpu.memory_space<vmem>>, vector<1x1x16xf32>,
        %parallel_loop3A_630 = arith.constant 0 : i32
        %parallel_loop3A_631 = arith.index_cast %parallel_loop3A_630 : i32 to index
        %parallel_loop3A_632 = arith.index_cast %parallel_loop3A_597 : i32 to index
        %parallel_loop3A_633 = arith.constant 32 : index
        %parallel_loop3A_634 = tpu.vector_load %arg9[%parallel_loop3A_631, %parallel_loop3A_632, %parallel_loop3A_633] {strides = array<i32>} : memref<4x50x64xf32, #tpu.memory_space<vmem>>, vector<1x1x16xf32>,
        %parallel_loop3A_635 = vector.shape_cast %parallel_loop3A_634 : vector<1x1x16xf32> to vector<16xf32>
        %parallel_loop3A_636 = arith.constant 8.000000e+00 : f32
        %parallel_loop3A_637 = vector.broadcast %parallel_loop3A_636 : f32 to vector<16xf32>
        %parallel_loop3A_638 = arith.mulf %parallel_loop3A_635, %parallel_loop3A_637 : vector<16xf32>
        %parallel_loop3A_639 = arith.constant 0 : i32
        %parallel_loop3A_640 = arith.index_cast %parallel_loop3A_639 : i32 to index
        %parallel_loop3A_641 = arith.index_cast %parallel_loop3A_597 : i32 to index
        %parallel_loop3A_642 = arith.constant 32 : index
        %parallel_loop3A_643 = tpu.vector_load %arg11[%parallel_loop3A_640, %parallel_loop3A_641, %parallel_loop3A_642] {strides = array<i32>} : memref<4x50x64xf32, #tpu.memory_space<vmem>>, vector<1x1x16xf32>,
        %parallel_loop3A_644 = vector.shape_cast %parallel_loop3A_643 : vector<1x1x16xf32> to vector<16xf32>
        %parallel_loop3A_645 = vector.shape_cast %parallel_loop3A_638 : vector<16xf32> to vector<1x1x16xf32>
        tpu.vector_store %arg11[%parallel_loop3A_640, %parallel_loop3A_641, %parallel_loop3A_642], %parallel_loop3A_645 {strides = array<i32>} : memref<4x50x64xf32, #tpu.memory_space<vmem>>, vector<1x1x16xf32>,
        %parallel_loop3A_646 = arith.constant 0 : i32
        %parallel_loop3A_647 = arith.index_cast %parallel_loop3A_646 : i32 to index
        %parallel_loop3A_648 = arith.index_cast %parallel_loop3A_597 : i32 to index
        %parallel_loop3A_649 = arith.constant 48 : index
        %parallel_loop3A_650 = tpu.vector_load %arg9[%parallel_loop3A_647, %parallel_loop3A_648, %parallel_loop3A_649] {strides = array<i32>} : memref<4x50x64xf32, #tpu.memory_space<vmem>>, vector<1x1x16xf32>,
        %parallel_loop3A_651 = vector.shape_cast %parallel_loop3A_650 : vector<1x1x16xf32> to vector<16xf32>
        %parallel_loop3A_652 = arith.constant 8.000000e+00 : f32
        %parallel_loop3A_653 = vector.broadcast %parallel_loop3A_652 : f32 to vector<16xf32>
        %parallel_loop3A_654 = arith.mulf %parallel_loop3A_651, %parallel_loop3A_653 : vector<16xf32>
        %parallel_loop3A_655 = arith.constant 0 : i32
        %parallel_loop3A_656 = arith.index_cast %parallel_loop3A_655 : i32 to index
        %parallel_loop3A_657 = arith.index_cast %parallel_loop3A_597 : i32 to index
        %parallel_loop3A_658 = arith.constant 48 : index
        %parallel_loop3A_659 = tpu.vector_load %arg11[%parallel_loop3A_656, %parallel_loop3A_657, %parallel_loop3A_658] {strides = array<i32>} : memref<4x50x64xf32, #tpu.memory_space<vmem>>, vector<1x1x16xf32>,
        %parallel_loop3A_660 = vector.shape_cast %parallel_loop3A_659 : vector<1x1x16xf32> to vector<16xf32>
        %parallel_loop3A_661 = vector.shape_cast %parallel_loop3A_654 : vector<16xf32> to vector<1x1x16xf32>
        tpu.vector_store %arg11[%parallel_loop3A_656, %parallel_loop3A_657, %parallel_loop3A_658], %parallel_loop3A_661 {strides = array<i32>} : memref<4x50x64xf32, #tpu.memory_space<vmem>>, vector<1x1x16xf32>,
      } {sc.loop_unroll_factor = 5 : i64, sc.parallel_access}
      %parallel_loop3A_574 = arith.constant 0 : i32
      %parallel_loop3A_575 = arith.constant 50 : i32
      %parallel_loop3A_576 = arith.constant 1 : i32
      scf.for %parallel_loop3A_597 = %parallel_loop3A_574 to %parallel_loop3A_575 step %parallel_loop3A_576  : i32 {
        %parallel_loop3A_598 = arith.constant 1 : i32
        %parallel_loop3A_599 = arith.index_cast %parallel_loop3A_598 : i32 to index
        %parallel_loop3A_600 = arith.index_cast %parallel_loop3A_597 : i32 to index
        %parallel_loop3A_601 = arith.constant 0 : index
        %parallel_loop3A_602 = tpu.vector_load %arg9[%parallel_loop3A_599, %parallel_loop3A_600, %parallel_loop3A_601] {strides = array<i32>} : memref<4x50x64xf32, #tpu.memory_space<vmem>>, vector<1x1x16xf32>,
        %parallel_loop3A_603 = vector.shape_cast %parallel_loop3A_602 : vector<1x1x16xf32> to vector<16xf32>
        %parallel_loop3A_604 = arith.constant 8.000000e+00 : f32
        %parallel_loop3A_605 = vector.broadcast %parallel_loop3A_604 : f32 to vector<16xf32>
        %parallel_loop3A_606 = arith.mulf %parallel_loop3A_603, %parallel_loop3A_605 : vector<16xf32>
        %parallel_loop3A_607 = arith.constant 1 : i32
        %parallel_loop3A_608 = arith.index_cast %parallel_loop3A_607 : i32 to index
        %parallel_loop3A_609 = arith.index_cast %parallel_loop3A_597 : i32 to index
        %parallel_loop3A_610 = arith.constant 0 : index
        %parallel_loop3A_611 = tpu.vector_load %arg11[%parallel_loop3A_608, %parallel_loop3A_609, %parallel_loop3A_610] {strides = array<i32>} : memref<4x50x64xf32, #tpu.memory_space<vmem>>, vector<1x1x16xf32>,
        %parallel_loop3A_612 = vector.shape_cast %parallel_loop3A_611 : vector<1x1x16xf32> to vector<16xf32>
        %parallel_loop3A_613 = vector.shape_cast %parallel_loop3A_606 : vector<16xf32> to vector<1x1x16xf32>
        tpu.vector_store %arg11[%parallel_loop3A_608, %parallel_loop3A_609, %parallel_loop3A_610], %parallel_loop3A_613 {strides = array<i32>} : memref<4x50x64xf32, #tpu.memory_space<vmem>>, vector<1x1x16xf32>,
        %parallel_loop3A_614 = arith.constant 1 : i32
        %parallel_loop3A_615 = arith.index_cast %parallel_loop3A_614 : i32 to index
        %parallel_loop3A_616 = arith.index_cast %parallel_loop3A_597 : i32 to index
        %parallel_loop3A_617 = arith.constant 16 : index
        %parallel_loop3A_618 = tpu.vector_load %arg9[%parallel_loop3A_615, %parallel_loop3A_616, %parallel_loop3A_617] {strides = array<i32>} : memref<4x50x64xf32, #tpu.memory_space<vmem>>, vector<1x1x16xf32>,
        %parallel_loop3A_619 = vector.shape_cast %parallel_loop3A_618 : vector<1x1x16xf32> to vector<16xf32>
        %parallel_loop3A_620 = arith.constant 8.000000e+00 : f32
        %parallel_loop3A_621 = vector.broadcast %parallel_loop3A_620 : f32 to vector<16xf32>
        %parallel_loop3A_622 = arith.mulf %parallel_loop3A_619, %parallel_loop3A_621 : vector<16xf32>
        %parallel_loop3A_623 = arith.constant 1 : i32
        %parallel_loop3A_624 = arith.index_cast %parallel_loop3A_623 : i32 to index
        %parallel_loop3A_625 = arith.index_cast %parallel_loop3A_597 : i32 to index
        %parallel_loop3A_626 = arith.constant 16 : index
        %parallel_loop3A_627 = tpu.vector_load %arg11[%parallel_loop3A_624, %parallel_loop3A_625, %parallel_loop3A_626] {strides = array<i32>} : memref<4x50x64xf32, #tpu.memory_space<vmem>>, vector<1x1x16xf32>,
        %parallel_loop3A_628 = vector.shape_cast %parallel_loop3A_627 : vector<1x1x16xf32> to vector<16xf32>
        %parallel_loop3A_629 = vector.shape_cast %parallel_loop3A_622 : vector<16xf32> to vector<1x1x16xf32>
        tpu.vector_store %arg11[%parallel_loop3A_624, %parallel_loop3A_625, %parallel_loop3A_626], %parallel_loop3A_629 {strides = array<i32>} : memref<4x50x64xf32, #tpu.memory_space<vmem>>, vector<1x1x16xf32>,
        %parallel_loop3A_630 = arith.constant 1 : i32
        %parallel_loop3A_631 = arith.index_cast %parallel_loop3A_630 : i32 to index
        %parallel_loop3A_632 = arith.index_cast %parallel_loop3A_597 : i32 to index
        %parallel_loop3A_633 = arith.constant 32 : index
        %parallel_loop3A_634 = tpu.vector_load %arg9[%parallel_loop3A_631, %parallel_loop3A_632, %parallel_loop3A_633] {strides = array<i32>} : memref<4x50x64xf32, #tpu.memory_space<vmem>>, vector<1x1x16xf32>,
        %parallel_loop3A_635 = vector.shape_cast %parallel_loop3A_634 : vector<1x1x16xf32> to vector<16xf32>
        %parallel_loop3A_636 = arith.constant 8.000000e+00 : f32
        %parallel_loop3A_637 = vector.broadcast %parallel_loop3A_636 : f32 to vector<16xf32>
        %parallel_loop3A_638 = arith.mulf %parallel_loop3A_635, %parallel_loop3A_637 : vector<16xf32>
        %parallel_loop3A_639 = arith.constant 1 : i32
        %parallel_loop3A_640 = arith.index_cast %parallel_loop3A_639 : i32 to index
        %parallel_loop3A_641 = arith.index_cast %parallel_loop3A_597 : i32 to index
        %parallel_loop3A_642 = arith.constant 32 : index
        %parallel_loop3A_643 = tpu.vector_load %arg11[%parallel_loop3A_640, %parallel_loop3A_641, %parallel_loop3A_642] {strides = array<i32>} : memref<4x50x64xf32, #tpu.memory_space<vmem>>, vector<1x1x16xf32>,
        %parallel_loop3A_644 = vector.shape_cast %parallel_loop3A_643 : vector<1x1x16xf32> to vector<16xf32>
        %parallel_loop3A_645 = vector.shape_cast %parallel_loop3A_638 : vector<16xf32> to vector<1x1x16xf32>
        tpu.vector_store %arg11[%parallel_loop3A_640, %parallel_loop3A_641, %parallel_loop3A_642], %parallel_loop3A_645 {strides = array<i32>} : memref<4x50x64xf32, #tpu.memory_space<vmem>>, vector<1x1x16xf32>,
        %parallel_loop3A_646 = arith.constant 1 : i32
        %parallel_loop3A_647 = arith.index_cast %parallel_loop3A_646 : i32 to index
        %parallel_loop3A_648 = arith.index_cast %parallel_loop3A_597 : i32 to index
        %parallel_loop3A_649 = arith.constant 48 : index
        %parallel_loop3A_650 = tpu.vector_load %arg9[%parallel_loop3A_647, %parallel_loop3A_648, %parallel_loop3A_649] {strides = array<i32>} : memref<4x50x64xf32, #tpu.memory_space<vmem>>, vector<1x1x16xf32>,
        %parallel_loop3A_651 = vector.shape_cast %parallel_loop3A_650 : vector<1x1x16xf32> to vector<16xf32>
        %parallel_loop3A_652 = arith.constant 8.000000e+00 : f32
        %parallel_loop3A_653 = vector.broadcast %parallel_loop3A_652 : f32 to vector<16xf32>
        %parallel_loop3A_654 = arith.mulf %parallel_loop3A_651, %parallel_loop3A_653 : vector<16xf32>
        %parallel_loop3A_655 = arith.constant 1 : i32
        %parallel_loop3A_656 = arith.index_cast %parallel_loop3A_655 : i32 to index
        %parallel_loop3A_657 = arith.index_cast %parallel_loop3A_597 : i32 to index
        %parallel_loop3A_658 = arith.constant 48 : index
        %parallel_loop3A_659 = tpu.vector_load %arg11[%parallel_loop3A_656, %parallel_loop3A_657, %parallel_loop3A_658] {strides = array<i32>} : memref<4x50x64xf32, #tpu.memory_space<vmem>>, vector<1x1x16xf32>,
        %parallel_loop3A_660 = vector.shape_cast %parallel_loop3A_659 : vector<1x1x16xf32> to vector<16xf32>
        %parallel_loop3A_661 = vector.shape_cast %parallel_loop3A_654 : vector<16xf32> to vector<1x1x16xf32>
        tpu.vector_store %arg11[%parallel_loop3A_656, %parallel_loop3A_657, %parallel_loop3A_658], %parallel_loop3A_661 {strides = array<i32>} : memref<4x50x64xf32, #tpu.memory_space<vmem>>, vector<1x1x16xf32>,
      } {sc.loop_unroll_factor = 5 : i64, sc.parallel_access}
      %parallel_loop3A_577 = arith.constant 0 : i32
      %parallel_loop3A_578 = arith.constant 50 : i32
      %parallel_loop3A_579 = arith.constant 1 : i32
      scf.for %parallel_loop3A_597 = %parallel_loop3A_577 to %parallel_loop3A_578 step %parallel_loop3A_579  : i32 {
        %parallel_loop3A_598 = arith.constant 2 : i32
        %parallel_loop3A_599 = arith.index_cast %parallel_loop3A_598 : i32 to index
        %parallel_loop3A_600 = arith.index_cast %parallel_loop3A_597 : i32 to index
        %parallel_loop3A_601 = arith.constant 0 : index
        %parallel_loop3A_602 = tpu.vector_load %arg9[%parallel_loop3A_599, %parallel_loop3A_600, %parallel_loop3A_601] {strides = array<i32>} : memref<4x50x64xf32, #tpu.memory_space<vmem>>, vector<1x1x16xf32>,
        %parallel_loop3A_603 = vector.shape_cast %parallel_loop3A_602 : vector<1x1x16xf32> to vector<16xf32>
        %parallel_loop3A_604 = arith.constant 8.000000e+00 : f32
        %parallel_loop3A_605 = vector.broadcast %parallel_loop3A_604 : f32 to vector<16xf32>
        %parallel_loop3A_606 = arith.mulf %parallel_loop3A_603, %parallel_loop3A_605 : vector<16xf32>
        %parallel_loop3A_607 = arith.constant 2 : i32
        %parallel_loop3A_608 = arith.index_cast %parallel_loop3A_607 : i32 to index
        %parallel_loop3A_609 = arith.index_cast %parallel_loop3A_597 : i32 to index
        %parallel_loop3A_610 = arith.constant 0 : index
        %parallel_loop3A_611 = tpu.vector_load %arg11[%parallel_loop3A_608, %parallel_loop3A_609, %parallel_loop3A_610] {strides = array<i32>} : memref<4x50x64xf32, #tpu.memory_space<vmem>>, vector<1x1x16xf32>,
        %parallel_loop3A_612 = vector.shape_cast %parallel_loop3A_611 : vector<1x1x16xf32> to vector<16xf32>
        %parallel_loop3A_613 = vector.shape_cast %parallel_loop3A_606 : vector<16xf32> to vector<1x1x16xf32>
        tpu.vector_store %arg11[%parallel_loop3A_608, %parallel_loop3A_609, %parallel_loop3A_610], %parallel_loop3A_613 {strides = array<i32>} : memref<4x50x64xf32, #tpu.memory_space<vmem>>, vector<1x1x16xf32>,
        %parallel_loop3A_614 = arith.constant 2 : i32
        %parallel_loop3A_615 = arith.index_cast %parallel_loop3A_614 : i32 to index
        %parallel_loop3A_616 = arith.index_cast %parallel_loop3A_597 : i32 to index
        %parallel_loop3A_617 = arith.constant 16 : index
        %parallel_loop3A_618 = tpu.vector_load %arg9[%parallel_loop3A_615, %parallel_loop3A_616, %parallel_loop3A_617] {strides = array<i32>} : memref<4x50x64xf32, #tpu.memory_space<vmem>>, vector<1x1x16xf32>,
        %parallel_loop3A_619 = vector.shape_cast %parallel_loop3A_618 : vector<1x1x16xf32> to vector<16xf32>
        %parallel_loop3A_620 = arith.constant 8.000000e+00 : f32
        %parallel_loop3A_621 = vector.broadcast %parallel_loop3A_620 : f32 to vector<16xf32>
        %parallel_loop3A_622 = arith.mulf %parallel_loop3A_619, %parallel_loop3A_621 : vector<16xf32>
        %parallel_loop3A_623 = arith.constant 2 : i32
        %parallel_loop3A_624 = arith.index_cast %parallel_loop3A_623 : i32 to index
        %parallel_loop3A_625 = arith.index_cast %parallel_loop3A_597 : i32 to index
        %parallel_loop3A_626 = arith.constant 16 : index
        %parallel_loop3A_627 = tpu.vector_load %arg11[%parallel_loop3A_624, %parallel_loop3A_625, %parallel_loop3A_626] {strides = array<i32>} : memref<4x50x64xf32, #tpu.memory_space<vmem>>, vector<1x1x16xf32>,
        %parallel_loop3A_628 = vector.shape_cast %parallel_loop3A_627 : vector<1x1x16xf32> to vector<16xf32>
        %parallel_loop3A_629 = vector.shape_cast %parallel_loop3A_622 : vector<16xf32> to vector<1x1x16xf32>
        tpu.vector_store %arg11[%parallel_loop3A_624, %parallel_loop3A_625, %parallel_loop3A_626], %parallel_loop3A_629 {strides = array<i32>} : memref<4x50x64xf32, #tpu.memory_space<vmem>>, vector<1x1x16xf32>,
        %parallel_loop3A_630 = arith.constant 2 : i32
        %parallel_loop3A_631 = arith.index_cast %parallel_loop3A_630 : i32 to index
        %parallel_loop3A_632 = arith.index_cast %parallel_loop3A_597 : i32 to index
        %parallel_loop3A_633 = arith.constant 32 : index
        %parallel_loop3A_634 = tpu.vector_load %arg9[%parallel_loop3A_631, %parallel_loop3A_632, %parallel_loop3A_633] {strides = array<i32>} : memref<4x50x64xf32, #tpu.memory_space<vmem>>, vector<1x1x16xf32>,
        %parallel_loop3A_635 = vector.shape_cast %parallel_loop3A_634 : vector<1x1x16xf32> to vector<16xf32>
        %parallel_loop3A_636 = arith.constant 8.000000e+00 : f32
        %parallel_loop3A_637 = vector.broadcast %parallel_loop3A_636 : f32 to vector<16xf32>
        %parallel_loop3A_638 = arith.mulf %parallel_loop3A_635, %parallel_loop3A_637 : vector<16xf32>
        %parallel_loop3A_639 = arith.constant 2 : i32
        %parallel_loop3A_640 = arith.index_cast %parallel_loop3A_639 : i32 to index
        %parallel_loop3A_641 = arith.index_cast %parallel_loop3A_597 : i32 to index
        %parallel_loop3A_642 = arith.constant 32 : index
        %parallel_loop3A_643 = tpu.vector_load %arg11[%parallel_loop3A_640, %parallel_loop3A_641, %parallel_loop3A_642] {strides = array<i32>} : memref<4x50x64xf32, #tpu.memory_space<vmem>>, vector<1x1x16xf32>,
        %parallel_loop3A_644 = vector.shape_cast %parallel_loop3A_643 : vector<1x1x16xf32> to vector<16xf32>
        %parallel_loop3A_645 = vector.shape_cast %parallel_loop3A_638 : vector<16xf32> to vector<1x1x16xf32>
        tpu.vector_store %arg11[%parallel_loop3A_640, %parallel_loop3A_641, %parallel_loop3A_642], %parallel_loop3A_645 {strides = array<i32>} : memref<4x50x64xf32, #tpu.memory_space<vmem>>, vector<1x1x16xf32>,
        %parallel_loop3A_646 = arith.constant 2 : i32
        %parallel_loop3A_647 = arith.index_cast %parallel_loop3A_646 : i32 to index
        %parallel_loop3A_648 = arith.index_cast %parallel_loop3A_597 : i32 to index
        %parallel_loop3A_649 = arith.constant 48 : index
        %parallel_loop3A_650 = tpu.vector_load %arg9[%parallel_loop3A_647, %parallel_loop3A_648, %parallel_loop3A_649] {strides = array<i32>} : memref<4x50x64xf32, #tpu.memory_space<vmem>>, vector<1x1x16xf32>,
        %parallel_loop3A_651 = vector.shape_cast %parallel_loop3A_650 : vector<1x1x16xf32> to vector<16xf32>
        %parallel_loop3A_652 = arith.constant 8.000000e+00 : f32
        %parallel_loop3A_653 = vector.broadcast %parallel_loop3A_652 : f32 to vector<16xf32>
        %parallel_loop3A_654 = arith.mulf %parallel_loop3A_651, %parallel_loop3A_653 : vector<16xf32>
        %parallel_loop3A_655 = arith.constant 2 : i32
        %parallel_loop3A_656 = arith.index_cast %parallel_loop3A_655 : i32 to index
        %parallel_loop3A_657 = arith.index_cast %parallel_loop3A_597 : i32 to index
        %parallel_loop3A_658 = arith.constant 48 : index
        %parallel_loop3A_659 = tpu.vector_load %arg11[%parallel_loop3A_656, %parallel_loop3A_657, %parallel_loop3A_658] {strides = array<i32>} : memref<4x50x64xf32, #tpu.memory_space<vmem>>, vector<1x1x16xf32>,
        %parallel_loop3A_660 = vector.shape_cast %parallel_loop3A_659 : vector<1x1x16xf32> to vector<16xf32>
        %parallel_loop3A_661 = vector.shape_cast %parallel_loop3A_654 : vector<16xf32> to vector<1x1x16xf32>
        tpu.vector_store %arg11[%parallel_loop3A_656, %parallel_loop3A_657, %parallel_loop3A_658], %parallel_loop3A_661 {strides = array<i32>} : memref<4x50x64xf32, #tpu.memory_space<vmem>>, vector<1x1x16xf32>,
      } {sc.loop_unroll_factor = 5 : i64, sc.parallel_access}
      %parallel_loop3A_580 = arith.constant 0 : i32
      %parallel_loop3A_581 = arith.constant 50 : i32
      %parallel_loop3A_582 = arith.constant 1 : i32
      scf.for %parallel_loop3A_597 = %parallel_loop3A_580 to %parallel_loop3A_581 step %parallel_loop3A_582  : i32 {
        %parallel_loop3A_598 = arith.constant 3 : i32
        %parallel_loop3A_599 = arith.index_cast %parallel_loop3A_598 : i32 to index
        %parallel_loop3A_600 = arith.index_cast %parallel_loop3A_597 : i32 to index
        %parallel_loop3A_601 = arith.constant 0 : index
        %parallel_loop3A_602 = tpu.vector_load %arg9[%parallel_loop3A_599, %parallel_loop3A_600, %parallel_loop3A_601] {strides = array<i32>} : memref<4x50x64xf32, #tpu.memory_space<vmem>>, vector<1x1x16xf32>,
        %parallel_loop3A_603 = vector.shape_cast %parallel_loop3A_602 : vector<1x1x16xf32> to vector<16xf32>
        %parallel_loop3A_604 = arith.constant 8.000000e+00 : f32
        %parallel_loop3A_605 = vector.broadcast %parallel_loop3A_604 : f32 to vector<16xf32>
        %parallel_loop3A_606 = arith.mulf %parallel_loop3A_603, %parallel_loop3A_605 : vector<16xf32>
        %parallel_loop3A_607 = arith.constant 3 : i32
        %parallel_loop3A_608 = arith.index_cast %parallel_loop3A_607 : i32 to index
        %parallel_loop3A_609 = arith.index_cast %parallel_loop3A_597 : i32 to index
        %parallel_loop3A_610 = arith.constant 0 : index
        %parallel_loop3A_611 = tpu.vector_load %arg11[%parallel_loop3A_608, %parallel_loop3A_609, %parallel_loop3A_610] {strides = array<i32>} : memref<4x50x64xf32, #tpu.memory_space<vmem>>, vector<1x1x16xf32>,
        %parallel_loop3A_612 = vector.shape_cast %parallel_loop3A_611 : vector<1x1x16xf32> to vector<16xf32>
        %parallel_loop3A_613 = vector.shape_cast %parallel_loop3A_606 : vector<16xf32> to vector<1x1x16xf32>
        tpu.vector_store %arg11[%parallel_loop3A_608, %parallel_loop3A_609, %parallel_loop3A_610], %parallel_loop3A_613 {strides = array<i32>} : memref<4x50x64xf32, #tpu.memory_space<vmem>>, vector<1x1x16xf32>,
        %parallel_loop3A_614 = arith.constant 3 : i32
        %parallel_loop3A_615 = arith.index_cast %parallel_loop3A_614 : i32 to index
        %parallel_loop3A_616 = arith.index_cast %parallel_loop3A_597 : i32 to index
        %parallel_loop3A_617 = arith.constant 16 : index
        %parallel_loop3A_618 = tpu.vector_load %arg9[%parallel_loop3A_615, %parallel_loop3A_616, %parallel_loop3A_617] {strides = array<i32>} : memref<4x50x64xf32, #tpu.memory_space<vmem>>, vector<1x1x16xf32>,
        %parallel_loop3A_619 = vector.shape_cast %parallel_loop3A_618 : vector<1x1x16xf32> to vector<16xf32>
        %parallel_loop3A_620 = arith.constant 8.000000e+00 : f32
        %parallel_loop3A_621 = vector.broadcast %parallel_loop3A_620 : f32 to vector<16xf32>
        %parallel_loop3A_622 = arith.mulf %parallel_loop3A_619, %parallel_loop3A_621 : vector<16xf32>
        %parallel_loop3A_623 = arith.constant 3 : i32
        %parallel_loop3A_624 = arith.index_cast %parallel_loop3A_623 : i32 to index
        %parallel_loop3A_625 = arith.index_cast %parallel_loop3A_597 : i32 to index
        %parallel_loop3A_626 = arith.constant 16 : index
        %parallel_loop3A_627 = tpu.vector_load %arg11[%parallel_loop3A_624, %parallel_loop3A_625, %parallel_loop3A_626] {strides = array<i32>} : memref<4x50x64xf32, #tpu.memory_space<vmem>>, vector<1x1x16xf32>,
        %parallel_loop3A_628 = vector.shape_cast %parallel_loop3A_627 : vector<1x1x16xf32> to vector<16xf32>
        %parallel_loop3A_629 = vector.shape_cast %parallel_loop3A_622 : vector<16xf32> to vector<1x1x16xf32>
        tpu.vector_store %arg11[%parallel_loop3A_624, %parallel_loop3A_625, %parallel_loop3A_626], %parallel_loop3A_629 {strides = array<i32>} : memref<4x50x64xf32, #tpu.memory_space<vmem>>, vector<1x1x16xf32>,
        %parallel_loop3A_630 = arith.constant 3 : i32
        %parallel_loop3A_631 = arith.index_cast %parallel_loop3A_630 : i32 to index
        %parallel_loop3A_632 = arith.index_cast %parallel_loop3A_597 : i32 to index
        %parallel_loop3A_633 = arith.constant 32 : index
        %parallel_loop3A_634 = tpu.vector_load %arg9[%parallel_loop3A_631, %parallel_loop3A_632, %parallel_loop3A_633] {strides = array<i32>} : memref<4x50x64xf32, #tpu.memory_space<vmem>>, vector<1x1x16xf32>,
        %parallel_loop3A_635 = vector.shape_cast %parallel_loop3A_634 : vector<1x1x16xf32> to vector<16xf32>
        %parallel_loop3A_636 = arith.constant 8.000000e+00 : f32
        %parallel_loop3A_637 = vector.broadcast %parallel_loop3A_636 : f32 to vector<16xf32>
        %parallel_loop3A_638 = arith.mulf %parallel_loop3A_635, %parallel_loop3A_637 : vector<16xf32>
        %parallel_loop3A_639 = arith.constant 3 : i32
        %parallel_loop3A_640 = arith.index_cast %parallel_loop3A_639 : i32 to index
        %parallel_loop3A_641 = arith.index_cast %parallel_loop3A_597 : i32 to index
        %parallel_loop3A_642 = arith.constant 32 : index
        %parallel_loop3A_643 = tpu.vector_load %arg11[%parallel_loop3A_640, %parallel_loop3A_641, %parallel_loop3A_642] {strides = array<i32>} : memref<4x50x64xf32, #tpu.memory_space<vmem>>, vector<1x1x16xf32>,
        %parallel_loop3A_644 = vector.shape_cast %parallel_loop3A_643 : vector<1x1x16xf32> to vector<16xf32>
        %parallel_loop3A_645 = vector.shape_cast %parallel_loop3A_638 : vector<16xf32> to vector<1x1x16xf32>
        tpu.vector_store %arg11[%parallel_loop3A_640, %parallel_loop3A_641, %parallel_loop3A_642], %parallel_loop3A_645 {strides = array<i32>} : memref<4x50x64xf32, #tpu.memory_space<vmem>>, vector<1x1x16xf32>,
        %parallel_loop3A_646 = arith.constant 3 : i32
        %parallel_loop3A_647 = arith.index_cast %parallel_loop3A_646 : i32 to index
        %parallel_loop3A_648 = arith.index_cast %parallel_loop3A_597 : i32 to index
        %parallel_loop3A_649 = arith.constant 48 : index
        %parallel_loop3A_650 = tpu.vector_load %arg9[%parallel_loop3A_647, %parallel_loop3A_648, %parallel_loop3A_649] {strides = array<i32>} : memref<4x50x64xf32, #tpu.memory_space<vmem>>, vector<1x1x16xf32>,
        %parallel_loop3A_651 = vector.shape_cast %parallel_loop3A_650 : vector<1x1x16xf32> to vector<16xf32>
        %parallel_loop3A_652 = arith.constant 8.000000e+00 : f32
        %parallel_loop3A_653 = vector.broadcast %parallel_loop3A_652 : f32 to vector<16xf32>
        %parallel_loop3A_654 = arith.mulf %parallel_loop3A_651, %parallel_loop3A_653 : vector<16xf32>
        %parallel_loop3A_655 = arith.constant 3 : i32
        %parallel_loop3A_656 = arith.index_cast %parallel_loop3A_655 : i32 to index
        %parallel_loop3A_657 = arith.index_cast %parallel_loop3A_597 : i32 to index
        %parallel_loop3A_658 = arith.constant 48 : index
        %parallel_loop3A_659 = tpu.vector_load %arg11[%parallel_loop3A_656, %parallel_loop3A_657, %parallel_loop3A_658] {strides = array<i32>} : memref<4x50x64xf32, #tpu.memory_space<vmem>>, vector<1x1x16xf32>,
        %parallel_loop3A_660 = vector.shape_cast %parallel_loop3A_659 : vector<1x1x16xf32> to vector<16xf32>
        %parallel_loop3A_661 = vector.shape_cast %parallel_loop3A_654 : vector<16xf32> to vector<1x1x16xf32>
        tpu.vector_store %arg11[%parallel_loop3A_656, %parallel_loop3A_657, %parallel_loop3A_658], %parallel_loop3A_661 {strides = array<i32>} : memref<4x50x64xf32, #tpu.memory_space<vmem>>, vector<1x1x16xf32>,
      } {sc.loop_unroll_factor = 5 : i64, sc.parallel_access}
      %mul3A_583 = arith.constant 4 : i32
      %mul3A_584 = arith.muli %add3A_505, %mul3A_583 : i32
      %add3A_585 = arith.addi %mul3A_2, %mul3A_584 : i32
      %dma_start3A_586 = arith.constant 0 : i32
      %dma_start3A_587 = arith.constant 0 : i32
      %dma_start3A_588 = tpu.memref_slice %arg4[%add3A_585, %dma_start3A_586, %dma_start3A_587] : memref<16384x50x64xf32, #tpu.memory_space<hbm>> -> memref<4x50x64xf32, #tpu.memory_space<hbm>>
      %dma_start3A_589 = arith.constant 0 : i32
      %dma_start3A_590 = arith.constant 0 : i32
      %dma_start3A_591 = tpu.memref_slice %arg4[%add3A_585, %dma_start3A_589, %dma_start3A_590] : memref<16384x50x64xf32, #tpu.memory_space<hbm>> -> memref<4x50x64xf32, #tpu.memory_space<hbm>>
      tpu.enqueue_dma source(%arg11 : memref<4x50x64xf32, #tpu.memory_space<vmem>>) target(%dma_start3A_591 : memref<4x50x64xf32, #tpu.memory_space<hbm>>) target_semaphore(%arg17 : memref<!tpu.dma_semaphore, #tpu.memory_space<semaphore_mem>>)
      %lt3A_592 = arith.constant 31 : i32
      %lt3A_593 = arith.cmpi slt, %scan3A_219, %lt3A_592 : i32
      %convert_element_type3A_594 = arith.extui %lt3A_593 : i1 to i32
      %cond3A_595 = arith.constant 0 : i32
      %cond3A_596 = arith.cmpi ne, %convert_element_type3A_594, %cond3A_595 : i32
      scf.if %cond3A_596 {
        %add3A_597 = arith.constant 4 : i32
        %add3A_598 = arith.addi %add3A_505, %add3A_597 : i32
        %mul3A_599 = arith.constant 4 : i32
        %mul3A_600 = arith.muli %add3A_598, %mul3A_599 : i32
        %add3A_601 = arith.constant 0 : i32
        %add3A_602 = arith.addi %mul3A_600, %add3A_601 : i32
        %dma_start3A_603 = arith.constant 0 : i32
        %dma_start3A_604 = arith.constant 0 : i32
        %dma_start3A_605 = arith.constant 0 : i32
        %dma_start3A_606 = tpu.memref_slice %arg9[%dma_start3A_603, %dma_start3A_604, %dma_start3A_605] : memref<4x50x64xf32, #tpu.memory_space<vmem>> -> memref<1x50x64xf32, #tpu.memory_space<vmem>>
        %dma_start3A_607 = tpu.memref_squeeze %dma_start3A_606 : memref<1x50x64xf32, #tpu.memory_space<vmem>> -> memref<50x64xf32, #tpu.memory_space<vmem>>
        %dma_start3A_608 = arith.constant 0 : i32
        %dma_start3A_609 = tpu.memref_slice %arg5[%add3A_602, %dma_start3A_608] : memref<512x50xi32, #tpu.memory_space<vmem>> -> memref<1x50xi32, #tpu.memory_space<vmem>>
        %dma_start3A_610 = tpu.memref_squeeze %dma_start3A_609 : memref<1x50xi32, #tpu.memory_space<vmem>> -> memref<50xi32, #tpu.memory_space<vmem>>
        %dma_start3A_611 = arith.constant 0 : i32
        %dma_start3A_612 = arith.constant 0 : i32
        %dma_start3A_613 = tpu.memref_slice %arg2[%dma_start3A_611, %dma_start3A_612] : memref<2000000x64xf32, #tpu.memory_space<hbm>> -> memref<2000000x64xf32, #tpu.memory_space<hbm>>
        tpu.enqueue_indirect_dma source(%dma_start3A_613 : memref<2000000x64xf32, #tpu.memory_space<hbm>>) target(%dma_start3A_607 : memref<50x64xf32, #tpu.memory_space<vmem>>) offsets(%dma_start3A_610 : memref<50xi32, #tpu.memory_space<vmem>>) semaphore(%arg15 : memref<!tpu.dma_semaphore, #tpu.memory_space<semaphore_mem>>)
        %mul3A_614 = arith.constant 4 : i32
        %mul3A_615 = arith.muli %add3A_598, %mul3A_614 : i32
        %add3A_616 = arith.constant 1 : i32
        %add3A_617 = arith.addi %mul3A_615, %add3A_616 : i32
        %dma_start3A_618 = arith.constant 1 : i32
        %dma_start3A_619 = arith.constant 0 : i32
        %dma_start3A_620 = arith.constant 0 : i32
        %dma_start3A_621 = tpu.memref_slice %arg9[%dma_start3A_618, %dma_start3A_619, %dma_start3A_620] : memref<4x50x64xf32, #tpu.memory_space<vmem>> -> memref<1x50x64xf32, #tpu.memory_space<vmem>>
        %dma_start3A_622 = tpu.memref_squeeze %dma_start3A_621 : memref<1x50x64xf32, #tpu.memory_space<vmem>> -> memref<50x64xf32, #tpu.memory_space<vmem>>
        %dma_start3A_623 = arith.constant 0 : i32
        %dma_start3A_624 = tpu.memref_slice %arg5[%add3A_617, %dma_start3A_623] : memref<512x50xi32, #tpu.memory_space<vmem>> -> memref<1x50xi32, #tpu.memory_space<vmem>>
        %dma_start3A_625 = tpu.memref_squeeze %dma_start3A_624 : memref<1x50xi32, #tpu.memory_space<vmem>> -> memref<50xi32, #tpu.memory_space<vmem>>
        %dma_start3A_626 = arith.constant 0 : i32
        %dma_start3A_627 = arith.constant 0 : i32
        %dma_start3A_628 = tpu.memref_slice %arg2[%dma_start3A_626, %dma_start3A_627] : memref<2000000x64xf32, #tpu.memory_space<hbm>> -> memref<2000000x64xf32, #tpu.memory_space<hbm>>
        tpu.enqueue_indirect_dma source(%dma_start3A_628 : memref<2000000x64xf32, #tpu.memory_space<hbm>>) target(%dma_start3A_622 : memref<50x64xf32, #tpu.memory_space<vmem>>) offsets(%dma_start3A_625 : memref<50xi32, #tpu.memory_space<vmem>>) semaphore(%arg15 : memref<!tpu.dma_semaphore, #tpu.memory_space<semaphore_mem>>)
        %mul3A_629 = arith.constant 4 : i32
        %mul3A_630 = arith.muli %add3A_598, %mul3A_629 : i32
        %add3A_631 = arith.constant 2 : i32
        %add3A_632 = arith.addi %mul3A_630, %add3A_631 : i32
        %dma_start3A_633 = arith.constant 2 : i32
        %dma_start3A_634 = arith.constant 0 : i32
        %dma_start3A_635 = arith.constant 0 : i32
        %dma_start3A_636 = tpu.memref_slice %arg9[%dma_start3A_633, %dma_start3A_634, %dma_start3A_635] : memref<4x50x64xf32, #tpu.memory_space<vmem>> -> memref<1x50x64xf32, #tpu.memory_space<vmem>>
        %dma_start3A_637 = tpu.memref_squeeze %dma_start3A_636 : memref<1x50x64xf32, #tpu.memory_space<vmem>> -> memref<50x64xf32, #tpu.memory_space<vmem>>
        %dma_start3A_638 = arith.constant 0 : i32
        %dma_start3A_639 = tpu.memref_slice %arg5[%add3A_632, %dma_start3A_638] : memref<512x50xi32, #tpu.memory_space<vmem>> -> memref<1x50xi32, #tpu.memory_space<vmem>>
        %dma_start3A_640 = tpu.memref_squeeze %dma_start3A_639 : memref<1x50xi32, #tpu.memory_space<vmem>> -> memref<50xi32, #tpu.memory_space<vmem>>
        %dma_start3A_641 = arith.constant 0 : i32
        %dma_start3A_642 = arith.constant 0 : i32
        %dma_start3A_643 = tpu.memref_slice %arg2[%dma_start3A_641, %dma_start3A_642] : memref<2000000x64xf32, #tpu.memory_space<hbm>> -> memref<2000000x64xf32, #tpu.memory_space<hbm>>
        tpu.enqueue_indirect_dma source(%dma_start3A_643 : memref<2000000x64xf32, #tpu.memory_space<hbm>>) target(%dma_start3A_637 : memref<50x64xf32, #tpu.memory_space<vmem>>) offsets(%dma_start3A_640 : memref<50xi32, #tpu.memory_space<vmem>>) semaphore(%arg15 : memref<!tpu.dma_semaphore, #tpu.memory_space<semaphore_mem>>)
        %mul3A_644 = arith.constant 4 : i32
        %mul3A_645 = arith.muli %add3A_598, %mul3A_644 : i32
        %add3A_646 = arith.constant 3 : i32
        %add3A_647 = arith.addi %mul3A_645, %add3A_646 : i32
        %dma_start3A_648 = arith.constant 3 : i32
        %dma_start3A_649 = arith.constant 0 : i32
        %dma_start3A_650 = arith.constant 0 : i32
        %dma_start3A_651 = tpu.memref_slice %arg9[%dma_start3A_648, %dma_start3A_649, %dma_start3A_650] : memref<4x50x64xf32, #tpu.memory_space<vmem>> -> memref<1x50x64xf32, #tpu.memory_space<vmem>>
        %dma_start3A_652 = tpu.memref_squeeze %dma_start3A_651 : memref<1x50x64xf32, #tpu.memory_space<vmem>> -> memref<50x64xf32, #tpu.memory_space<vmem>>
        %dma_start3A_653 = arith.constant 0 : i32
        %dma_start3A_654 = tpu.memref_slice %arg5[%add3A_647, %dma_start3A_653] : memref<512x50xi32, #tpu.memory_space<vmem>> -> memref<1x50xi32, #tpu.memory_space<vmem>>
        %dma_start3A_655 = tpu.memref_squeeze %dma_start3A_654 : memref<1x50xi32, #tpu.memory_space<vmem>> -> memref<50xi32, #tpu.memory_space<vmem>>
        %dma_start3A_656 = arith.constant 0 : i32
        %dma_start3A_657 = arith.constant 0 : i32
        %dma_start3A_658 = tpu.memref_slice %arg2[%dma_start3A_656, %dma_start3A_657] : memref<2000000x64xf32, #tpu.memory_space<hbm>> -> memref<2000000x64xf32, #tpu.memory_space<hbm>>
        tpu.enqueue_indirect_dma source(%dma_start3A_658 : memref<2000000x64xf32, #tpu.memory_space<hbm>>) target(%dma_start3A_652 : memref<50x64xf32, #tpu.memory_space<vmem>>) offsets(%dma_start3A_655 : memref<50xi32, #tpu.memory_space<vmem>>) semaphore(%arg15 : memref<!tpu.dma_semaphore, #tpu.memory_space<semaphore_mem>>)
      } else {
      }
    }
    %scan3A_203 = arith.constant 32 : i32
    %add3A_204 = arith.constant 504 : i32
    %add3A_205 = arith.addi %mul3A_2, %add3A_204 : i32
    %dma_wait3A = arith.constant 0 : i32
    %dma_wait3A_206 = arith.constant 0 : i32
    %dma_wait3A_207 = tpu.memref_slice %arg4[%add3A_205, %dma_wait3A, %dma_wait3A_206] : memref<16384x50x64xf32, #tpu.memory_space<hbm>> -> memref<4x50x64xf32, #tpu.memory_space<hbm>>
    %dma_wait3A_208 = arith.constant 0 : i32
    %dma_wait3A_209 = arith.constant 0 : i32
    %dma_wait3A_210 = tpu.memref_slice %arg4[%add3A_205, %dma_wait3A_208, %dma_wait3A_209] : memref<16384x50x64xf32, #tpu.memory_space<hbm>> -> memref<4x50x64xf32, #tpu.memory_space<hbm>>
    tpu.wait_dma2 semaphore(%arg16 : memref<!tpu.dma_semaphore, #tpu.memory_space<semaphore_mem>>) src(%arg10 : memref<4x50x64xf32, #tpu.memory_space<vmem>>) dst(%dma_wait3A_210 : memref<4x50x64xf32, #tpu.memory_space<hbm>>)
    %add3A_211 = arith.constant 508 : i32
    %add3A_212 = arith.addi %mul3A_2, %add3A_211 : i32
    %dma_wait3A_213 = arith.constant 0 : i32
    %dma_wait3A_214 = arith.constant 0 : i32
    %dma_wait3A_215 = tpu.memref_slice %arg4[%add3A_212, %dma_wait3A_213, %dma_wait3A_214] : memref<16384x50x64xf32, #tpu.memory_space<hbm>> -> memref<4x50x64xf32, #tpu.memory_space<hbm>>
    %dma_wait3A_216 = arith.constant 0 : i32
    %dma_wait3A_217 = arith.constant 0 : i32
    %dma_wait3A_218 = tpu.memref_slice %arg4[%add3A_212, %dma_wait3A_216, %dma_wait3A_217] : memref<16384x50x64xf32, #tpu.memory_space<hbm>> -> memref<4x50x64xf32, #tpu.memory_space<hbm>>
    tpu.wait_dma2 semaphore(%arg17 : memref<!tpu.dma_semaphore, #tpu.memory_space<semaphore_mem>>) src(%arg11 : memref<4x50x64xf32, #tpu.memory_space<vmem>>) dst(%dma_wait3A_218 : memref<4x50x64xf32, #tpu.memory_space<hbm>>)
    return
  }
}

</mosaic_0001>

<sc_bundles>
// kernel: kernel.3.cloned.1.call-start
scs
__scs_entry_jumppad:
0x0: {  	(pc) =	sbr.rel $0x88, $3  }
0x1: {  	(tag) =	ssettag $0x0;
	lr =	simm.s32 $0x1  }
0x2: {  	[smem:$0x3F9F] =	sst lr;
	_ =	strace $0xD0000000  }
0x3: {  	_ = 	snop  }
0x4: {  	_ = 	snop  }
0x5: {  	_ = 	snop  }
0x6: {  	_ = 	snop  }
0x7: {  	_ = 	snop  }
__scs_overlays_trampoline_lowered:
0x8: {  	[smem:$0x3FAE] =	sst s0  }
0x9: {  	[smem:$0x3FAF] =	sst s1  }
0xa: {  	[smem:$0x3FB0] =	sst s2  }
0xb: {  	[smem:$0x3FB1] =	sst s3  }
0xc: {  	[smem:$0x3FB2] =	sst s4  }
0xd: {  	[smem:$0x3FB3] =	sst s5  }
0xe: {  	[smem:$0x3FB4] =	sst s6  }
0xf: {  	[smem:$0x3FB5] =	sst s7  }
0x10: {  	[smem:$0x3FB6] =	sst s8  }
0x11: {  	[smem:$0x3FB7] =	sst s9;
	s0 =	simm.s32 @!p0 $0x0  }
0x12: {  	s1 =	sld [smem:$0x3F9D];
	s0 =	simm.s32 @p0 $0x1  }
0x13: {  	[smem:$0x3FB8] =	sst s0;
	s0 =	simm.s32 @!p1 $0x0  }
0x14: {  	s2 =	sld [smem:$0x3F9C];
	s0 =	simm.s32 @p1 $0x1  }
0x15: {  	[smem:$0x3FB9] =	sst s0;
	s0 =	simm.s32 @!p2 $0x0  }
0x16: {  	s3 =	sld [smem:$0x3FDB];
	s0 =	simm.s32 @p2 $0x1  }
0x17: {  	s4 =	simm.s32 $0x1BF5;
	[smem:$0x3FBB] =	sst s0  }
0x18: {  	s0 =	sld [smem:$0x3F9E];
	_ =	swait.ge [sflag:s4], $0x0  }
0x19: {  	s7 =	sld [smem:$0x3F9F]  }
0x1a: {  	s8 =	sadd.s32 $0xFFFFE003, lr  }
0x1b: {  	s9 =	sadd.s32 $0xFFFFFEF7, lr;
	s5 =	simm.s32 $0xFFFFFFFF;
	p2 =	slt.u32 s8, $0xFFFFF086  }
0x1c: {  	p1 =	slt.u32 s9, $0xF7A;
	s5 =	simm.s32 @!p2 $0x0  }
0x1d: {  	s5 =	simm.s32 @p1 $0x1;
	p0 =	seq.s32 s7, s2  }
0x1e: {  	s7 =	smul.u32 @!p0 $0xF7A, s2;
	p2 =	seq.s32 @!p0 s5, $0x0  }
0x1f: {  	s9 =	smul.u32 $0xF7A, s1;
	s8 =	simm.s32 @!p0 $0x1BF5;
	p2 =	por !p2, p0  }
0x20: {  	[sflag:s8] =	ssyncset.s32 @!p0 $0xFFFFF086;
	s6 =	sadd.s32 @!p0 s3, s7;
	s7 =	simm.s32 @!p0 $0x108  }
0x21: {  	s3 =	sadd.s32 s3, s9;
	s6 =	sadd.s32 @!p0 $0x88, s6;
	s7 =	simm.s32 @p2 $0x1082  }
0x22: {  	[simem:s7], [sflag:s8] =	dma.local @!p0 [hbm:s6], $0xF7A  }
0x23: {  	s9 =	sor.u32 $0xD0000000, s2;
	s6 =	simm.s32 $0x108;
	_ =	swait.ge @!p0 [sflag:s8], $0x0  }
0x24: {  	s3 =	sadd.s32 $0x88, s3;
	s6 =	simm.s32 @!p1 $0x1082;
	[sflag:s4] =	ssyncset.s32 $0xFFFFF086  }
0x25: {  	[simem:s6], [sflag:s4] =	dma.local [hbm:s3], $0xF7A  }
0x26: {  	[smem:$0x3F9F] =	sst s1;
	(tag) =	ssettag s2;
	_ =	strace s9  }
0x27: {  	s1 =	sld [smem:$0x3FAF]  }
0x28: {  	s2 =	sld [smem:$0x3FB0]  }
0x29: {  	s4 =	sld [smem:$0x3FB2]  }
0x2a: {  	p0 =	seq.s32 s5, $0x0;
	s5 =	sld [smem:$0x3FB3]  }
0x2b: {  	s6 =	sld [smem:$0x3FB4]  }
0x2c: {  	s7 =	sld [smem:$0x3FB5]  }
0x2d: {  	s3 =	simm.s32 $0x108;
	s8 =	sld [smem:$0x3FB6]  }
0x2e: {  	s3 =	simm.s32 @!p0 $0x1082;
	s9 =	sld [smem:$0x3FB7]  }
0x2f: {  	lr =	sadd.s32 s0, s3;
	s0 =	sld [smem:$0x3FAE]  }
0x30: {  	s3 =	sld [smem:$0x3FB1]  }
0x31: {  	[smem:$0x3FBA] =	sst s10  }
0x32: {  	s10 =	sld [smem:$0x3FB8];
	_ =	sdelay $0x3  }
0x33: {  	p0 =	seq.s32 s10, $0x1;
	s10 =	sld [smem:$0x3FBA];
	_ =	sdelay $0x3  }
0x34: {  	[smem:$0x3FBA] =	sst s10  }
0x35: {  	s10 =	sld [smem:$0x3FB9];
	_ =	sdelay $0x3  }
0x36: {  	p1 =	seq.s32 s10, $0x1;
	s10 =	sld [smem:$0x3FBA];
	_ =	sdelay $0x3  }
0x37: {  	[smem:$0x3FBA] =	sst s10  }
0x38: {  	s10 =	sld [smem:$0x3FBB]  }
0x39: {  	_ = 	snop;
	(pc) =	sbr.ind lr, $3  }
0x3a: {  	_ = 	snop  }
0x3b: {  	_ = 	snop  }
0x3c: {  	p2 =	seq.s32 s10, $0x1;
	s10 =	sld [smem:$0x3FBA]  }
0x3d: {  	_ =	shalt  }
0x3e: {  	_ =	shalt  }
0x3f: {  	_ =	shalt  }
0x40: {  	_ =	shalt  }
0x41: {  	_ =	shalt  }
0x42: {  	_ =	shalt  }
0x43: {  	_ =	shalt  }
0x44: {  	_ =	shalt  }
0x45: {  	_ =	shalt  }
0x46: {  	_ =	shalt  }
0x47: {  	_ =	shalt  }
0x48: {  	_ =	shalt  }
0x49: {  	_ =	shalt  }
0x4a: {  	_ =	shalt  }
0x4b: {  	_ =	shalt  }
0x4c: {  	_ =	shalt  }
0x4d: {  	_ =	shalt  }
0x4e: {  	_ =	shalt  }
0x4f: {  	_ =	shalt  }
0x50: {  	_ =	shalt  }
0x51: {  	_ =	shalt  }
0x52: {  	_ =	shalt  }
0x53: {  	_ =	shalt  }
0x54: {  	_ =	shalt  }
0x55: {  	_ =	shalt  }
0x56: {  	_ =	shalt  }
0x57: {  	_ =	shalt  }
0x58: {  	_ =	shalt  }
0x59: {  	_ =	shalt  }
0x5a: {  	_ =	shalt  }
0x5b: {  	_ =	shalt  }
0x5c: {  	_ =	shalt  }
0x5d: {  	_ =	shalt  }
0x5e: {  	_ =	shalt  }
0x5f: {  	_ =	shalt  }
0x60: {  	_ =	shalt  }
0x61: {  	_ =	shalt  }
0x62: {  	_ =	shalt  }
0x63: {  	_ =	shalt  }
0x64: {  	_ =	shalt  }
0x65: {  	_ =	shalt  }
0x66: {  	_ =	shalt  }
0x67: {  	_ =	shalt  }
0x68: {  	_ =	shalt  }
0x69: {  	_ =	shalt  }
0x6a: {  	_ =	shalt  }
0x6b: {  	_ =	shalt  }
0x6c: {  	_ =	shalt  }
0x6d: {  	_ =	shalt  }
0x6e: {  	_ =	shalt  }
0x6f: {  	_ =	shalt  }
0x70: {  	_ =	shalt  }
0x71: {  	_ =	shalt  }
0x72: {  	_ =	shalt  }
0x73: {  	_ =	shalt  }
0x74: {  	_ =	shalt  }
0x75: {  	_ =	shalt  }
0x76: {  	_ =	shalt  }
0x77: {  	_ =	shalt  }
0x78: {  	_ =	shalt  }
0x79: {  	_ =	shalt  }
0x7a: {  	_ =	shalt  }
0x7b: {  	_ =	shalt  }
0x7c: {  	_ =	shalt  }
0x7d: {  	_ =	shalt  }
0x7e: {  	_ =	shalt  }
0x7f: {  	_ =	shalt  }
0x80: {  	_ =	shalt  }
0x81: {  	_ =	shalt  }
0x82: {  	_ =	shalt  }
0x83: {  	_ =	shalt  }
0x84: {  	_ =	shalt  }
0x85: {  	_ =	shalt  }
0x86: {  	_ =	shalt  }
0x87: {  	_ =	shalt  }
.Lfunc_end0:
.L_simem_size_0:
called_computation.2_lowered:
.L_overlay_start_0:
0x88: {  	s2 =	sld [smem:$0x3FD9]  }
0x89: {  	s3 =	sld [smem:$0x3FFE];
	_ =	sdelay $0x1  }
0x8a: {  	s1 =	srdreg.scid  }
0x8b: {  	s0 =	sand.u32 $0x1, s1  }
0x8c: {  	s17 =	sshll.u32 s0, $0xA;
	s2 =	sadd.s32 s3, s2  }
0x8d: {  	s2 =	sadd.s32 s2, s17  }
0x8e: {  	[smem:$0x3FC6] =	sst s2  }
0x8f: {  	_ = 	snop  }
0x90: {  	s2 =	sld [smem:$0x3FD0];
	(tm) =	ssettm $0x1  }
0x91: {  	s18 =	sld [smem:$0x3FFB];
	_ =	sdelay $0x3  }
0x92: {  	_ =	strace s18  }
0x93: {  	s3 =	sld [smem:$0x3FFC];
	_ =	sdelay $0x3  }
0x94: {  	_ =	strace s3  }
0x95: {  	s3 =	sld [smem:$0x3FFD];
	_ =	sdelay $0x3  }
0x96: {  	_ =	strace s3  }
0x97: {  	_ =	strace $0x8FFFFFFF  }
0x98: {  	s19 =	sld [smem:$0x3FDB];
	_ =	sdelay $0x1  }
0x99: {  	s4 =	simm.s32 $_scs_section_size  }
0x9a: {  	s5 =	simm.s32 $_size__tile_overlayer_lowered;
	s6 =	simm.s32 $_tile_overlayer_lowered  }
0x9b: {  	s22 =	simm.s32 $0x1BFF;
	s21 =	sshll.u32 s6, $0x1;
	s3 =	sadd.s32 s4, s19  }
0x9c: {  	s7 =	simm.s32 $0x0;
	s20 =	sshll.u32 s5, $0x1;
	s5 =	sadd.s32 s21, s3  }
0x9d: {  	[timem:s7], [sflag:s22] =	dma.local [hbm:s5], s20  }
0x9e: {  	_ =	swait.ge [sflag:s22], s20  }
0x9f: {  	s4 =	ssub.s32 $0x0, s20;
	[sflag:s22] =	ssyncset.done $0x0  }
0xa0: {  	[sflag:s22] =	ssyncadd.s32 s4;
	_ =	sdelay $0x1  }
0xa1: {  	s23 =	simm.s32 $0x1B8B  }
0xa2: {  	_ =	swait.ge [sflag:s23], $0x1  }
0xa3: {  	[sflag:s23] =	ssyncset.done $0x0  }
0xa4: {  	s25 =	simm.s32 $0x1B8E;
	s24 =	sld [smem:$0x3FFE];
	[sflag:s23] =	ssyncadd.s32 $0xFFFFFFFF  }
0xa5: {  	s26 =	simm.s32 $execute0_lowered;
	[smem:$0x3FD2] =	sst s25  }
0xa6: {  	s5 =	sshll.u32 s26, $0x1;
	_ =	strace $0x80000049;
	[dreg:$0x1] =	wrdreg $0xFFFFFFFF  }
0xa7: {  	s28 =	simm.s32 $_size_execute0_lowered;
	s3 =	sadd.s32 s3, s5;
	[dreg:$0x0] =	wrdreg $0x0  }
0xa8: {  	s5 =	sshll.u32 s28, $0x1;
	[dreg:$0x2] =	wrdreg s3  }
0xa9: {  	[dreg:$0x3] =	wrdreg s5  }
0xaa: {  	[dreg:$0x4] =	wrdreg $0xC0  }
0xab: {  	_ =	task [dreg:s7], $0x5FFFF  }
0xac: {  	[dreg:$0x1] =	wrdreg $0xFFFFFFFF  }
0xad: {  	[dreg:$0x0] =	wrdreg $0x60  }
0xae: {  	[dreg:$0x2] =	wrdreg s24  }
0xaf: {  	[dreg:$0x3] =	wrdreg s2  }
0xb0: {  	[dreg:$0x4] =	wrdreg $0x9  }
0xb1: {  	_ =	task.clear_ibuf [dreg:s7], $0x5FFFF;
	_ =	strace $0x90000049  }
0xb2: {  	s29 =	simm.s32 $0x9;
	_ =	strace $0x8000004B  }
0xb3: {  	_ =	swait.ge [sflag:s29], $0x1  }
0xb4: {  	[sflag:s29] =	ssyncadd.s32 $0xFFFFFFFF  }
0xb5: {  	_ =	strace $0x9000004B  }
0xb6: {  	_ =	sfence  }
0xb7: {  	s30 =	sld [smem:$0x0];
	_ =	sdelay $0x2  }
0xb8: {  	s31 =	sshll.u32 s1, $0xD;
	s1 =	sshrl.u32 s1, $0x2  }
0xb9: {  	s3 =	sand.u32 $0x4000, s31;
	s1 =	sadd.s32 s1, s30  }
0xba: {  	s0 =	sor.u32 s3, s0;
	s1 =	sshll.u32 s1, $0x11  }
0xbb: {  	s0 =	sor.u32 s1, s0  }
0xbc: {  	s0 =	sadd.s32 $0x8F2B, s0  }
0xbd: {  	[sflag:s0] =	ssyncadd.remote.s32 $0x1  }
0xbe: {  	_ =	sfence.sel $0xFFFF  }
0xbf: {  	[dreg:$0x0] =	wrdreg $0xFFFFFFFF;
	(pc) =	sbr.abs _section_cstart, $3  }
0xc0: {  	[dreg:$0x1] =	wrdreg $0xFFFFFFFF  }
0xc1: {  	_ =	task.clear_ibuf [dreg:s7], $0x2FFFF;
	_ =	strace $0x9FFFFFFF  }
0xc2: {  	(tm) =	ssettm $0x7FFFFFFF  }
0xc3: {  	_ =	shalt  }
tec
execute0_lowered:
.L_overlay_start_1:
0x0: {  	(tag) =	ssettag $0x1  }
0x1: {  	s0 =	srdreg.scid;
	s1 =	rddreg [dreg:$0x0]  }
0x2: {  	s3 =	stileid.u32;
	s2 =	rddreg [dreg:$0x1]  }
0x3: {  	s8 =	simm.s32 $0x7;
	s9 =	simm.s32 $0x32;
	s13 =	simm.s32 $0x70  }
0x4: {  	s11 =	simm.s32 $0x10600;
	s14 =	simm.s32 $0x11280;
	s16 =	simm.s32 $0x11F00  }
0x5: {  	s17 =	simm.s32 $0x348;
	s18 =	simm.s32 $0x12B80;
	s19 =	simm.s32 $0x1  }
0x6: {  	s20 =	simm.s32 $0x13800;
	s21 =	simm.s32 $0x2;
	s22 =	simm.s32 $0x16A00  }
0x7: {  	s23 =	simm.s32 $0x3;
	s24 =	simm.s32 $0x5;
	s0 =	sand.u32 $0x1, s0  }
0x8: {  	s25 =	simm.s32 $0x4;
	s3 =	sshll.u32 s3, $0xA;
	s4 =	sshll.u32 s0, $0x9  }
.Ltmp0:
0x9: {  	s26 =	simm.s32 $0x6;
	s3 =	sor.u32 s4, s3;
	(pc) =	sbr.rel .LBB2_1-.Ltmp0, $4  }
0xa: {  	s0 =	ssub.s32 $0x2, s0;
	s4 =	simm.s32 $0x0;
	s5 =	smul.u32 $0x7, s3  }
0xb: {  	s28 =	simm.s32 $0x0;
	s6 =	sshrl.u32 s0, $0x1;
	[smem:$0x7FF] =	sst s4  }
0xc: {  	v0 =	vimm.s32 $0x1;
	vm0 =	vcmask $0x3700;
	s0 =	ssub.s32 s0, s6;
	_ =	strace $0x8000004A;
	s7 =	sadd.s32 s5, s1  }
0xd: {  	v0 =	vsel vm0, $0x0, v0;
	s5 =	sadd.s32 $0xF5F200, s1;
	s6 =	sadd.s32 $0xF43200, s7;
	s7 =	smax.u32 s0, $0x1  }
.LBB2_70:
0xe: {  	s28 =	sadd.s32 $0x1, s28  }
0xf: {  	_ =	swait.ge [sflag:s24], $0x3200;
	p0 =	sne.s32 s28, s7  }
.Ltmp1:
0x10: {  	[sflag:s24] =	ssyncset.done $0x0;
	(pc) =	sbr.rel @!p0 .LBB2_71-.Ltmp1, $4  }
0x11: {  	[sflag:s24] =	ssyncadd.s32 $0xFFFFCE00  }
0x12: {  	_ =	swait.ge [sflag:s26], $0x3200  }
0x13: {  	[sflag:s26] =	ssyncset.done $0x0  }
0x14: {  	[sflag:s26] =	ssyncadd.s32 $0xFFFFCE00  }
.LBB2_1:
0x15: {  	[tilespmem:s4], [sflag:$0x7] =	stream.linear.gather [hbm4b:s6+s4], $0x7000, $0x38;
	[tilespmem:$0x19C00] =	vst v63  }
0x16: {  	_ =	swait.ge [sflag:s8], $0x7000  }
0x17: {  	[sflag:s8] =	ssyncset.done $0x0  }
0x18: {  	[sflag:s8] =	ssyncadd.s32 $0xFFFF9000  }
0x19: {  	v1 =	vld [tilespmem:s13+$0x58]  }
0x1a: {  	v2 =	vld [tilespmem:s13+$0xFFFFFFB0]  }
0x1b: {  	v3 =	vld [tilespmem:s13+$0xFFFFFFE8]  }
0x1c: {  	v4 =	vld [tilespmem:s13+$0x20]  }
0x1d: {  	v5 =	vld [tilespmem:s13+$0xFFFFFFA0]  }
0x1e: {  	v6 =	vld [tilespmem:s13+$0xFFFFFFC8];
	v1 =	vshll.u32 v1, $0x1  }
0x1f: {  	v7 =	vld [tilespmem:s13+$0xFFFFFFD8];
	v2 =	vshll.u32 v2, $0x1;
	[tilespmem:s13+$0x58] =	vst v1  }
0x20: {  	[tilespmem:s13+$0xFFFFFFB0] =	vst v2;
	v1 =	vshll.u32 v3, $0x1;
	v2 =	vld [tilespmem:s13+$0x5A]  }
0x21: {  	v8 =	vld [tilespmem:s13+$0xFFFFFFB2];
	[tilespmem:s13+$0xFFFFFFE8] =	vst v1;
	v1 =	vshll.u32 v4, $0x1  }
0x22: {  	v3 =	vshll.u32 v5, $0x1;
	v4 =	vld [tilespmem:s13+$0xFFFFFFEA];
	[tilespmem:s13+$0x20] =	vst v1  }
0x23: {  	[tilespmem:s13+$0xFFFFFFA0] =	vst v3;
	v1 =	vshll.u32 v6, $0x1;
	v6 =	vld [tilespmem:s13+$0x22]  }
0x24: {  	v3 =	vld [tilespmem:s13+$0x0];
	[tilespmem:s13+$0xFFFFFFC8] =	vst v1;
	v1 =	vshll.u32 v7, $0x1  }
0x25: {  	[tilespmem:s13+$0xFFFFFFD8] =	vst v1;
	v1 =	vld [tilespmem:s13+$0x10];
	v5 =	vshll.u32 v2, v0  }
0x26: {  	v7 =	vshll.u32 v8, v0;
	v2 =	vld [tilespmem:s13+$0x38];
	[tilespmem:s13+$0x5A] =	vst v5  }
0x27: {  	[tilespmem:s13+$0xFFFFFFB2] =	vst v7;
	v7 =	vshll.u32 v4, v0;
	v4 =	vld [tilespmem:s13+$0x48]  }
0x28: {  	s1 =	simm.s32 $0x0;
	s10 =	simm.s32 $0x150;
	s0 =	simm.s32 $0x70;
	v5 =	vld [tilespmem:s13+$0xFFFFFF90];
	[tilespmem:s13+$0xFFFFFFEA] =	vst v7;
	v6 =	vshll.u32 v6, v0  }
.LBB2_2:
0x29: {  	v7 =	vld [tilespmem:s10+$0x58];
	s1 =	sadd.s32 $0x4, s1;
	v3 =	vshll.u32 v3, $0x1;
	[tilespmem:s0+$0x22] =	vst v6  }
0x2a: {  	v6 =	vld [tilespmem:s10+$0xFFFFFFB0];
	p0 =	slt.u32 s1, $0x1FC;
	[tilespmem:s0+$0x0] =	vst v3;
	v1 =	vshll.u32 v1, $0x1  }
0x2b: {  	v3 =	vld [tilespmem:s10+$0xFFFFFFE8];
	[tilespmem:s0+$0x10] =	vst v1;
	v1 =	vshll.u32 v2, $0x1  }
0x2c: {  	v2 =	vld [tilespmem:s10+$0x20];
	[tilespmem:s0+$0x38] =	vst v1;
	v1 =	vshll.u32 v4, $0x1  }
0x2d: {  	v4 =	vld [tilespmem:s10+$0xFFFFFFA0];
	v5 =	vshll.u32 v5, $0x1;
	[tilespmem:s0+$0x48] =	vst v1  }
0x2e: {  	v1 =	vld [tilespmem:s10+$0xFFFFFFC8];
	v7 =	vshll.u32 v7, $0x1;
	[tilespmem:s0+$0xFFFFFF90] =	vst v5;
	s0 =	smov.u32 s10  }
0x2f: {  	v5 =	vshll.u32 v6, $0x1;
	v6 =	vld [tilespmem:s10+$0xFFFFFFD8];
	[tilespmem:s10+$0x58] =	vst v7  }
0x30: {  	[tilespmem:s10+$0xFFFFFFB0] =	vst v5;
	v3 =	vshll.u32 v3, $0x1;
	v5 =	vld [tilespmem:s10+$0x5A]  }
0x31: {  	v7 =	vld [tilespmem:s10+$0xFFFFFFB2];
	[tilespmem:s10+$0xFFFFFFE8] =	vst v3;
	v2 =	vshll.u32 v2, $0x1  }
0x32: {  	v3 =	vshll.u32 v4, $0x1;
	v4 =	vld [tilespmem:s10+$0xFFFFFFEA];
	[tilespmem:s10+$0x20] =	vst v2  }
0x33: {  	[tilespmem:s10+$0xFFFFFFA0] =	vst v3;
	v1 =	vshll.u32 v1, $0x1;
	v8 =	vld [tilespmem:s10+$0x22]  }
.Ltmp2:
0x34: {  	[tilespmem:s10+$0xFFFFFFC8] =	vst v1;
	v1 =	vshll.u32 v6, $0x1;
	v3 =	vld [tilespmem:s10+$0x0];
	(pc) =	sbr.rel @p0 .LBB2_2-.Ltmp2, $4  }
0x35: {  	[tilespmem:s10+$0xFFFFFFD8] =	vst v1;
	v1 =	vld [tilespmem:s10+$0x10];
	v5 =	vshll.u32 v5, v0  }
0x36: {  	v6 =	vshll.u32 v7, v0;
	v2 =	vld [tilespmem:s10+$0x38];
	[tilespmem:s10+$0x5A] =	vst v5  }
0x37: {  	[tilespmem:s10+$0xFFFFFFB2] =	vst v6;
	v6 =	vshll.u32 v4, v0;
	v4 =	vld [tilespmem:s10+$0x48]  }
0x38: {  	s10 =	sadd.s32 $0xE0, s10;
	v5 =	vld [tilespmem:s0+$0xFFFFFF90];
	[tilespmem:s0+$0xFFFFFFEA] =	vst v6;
	v6 =	vshll.u32 v8, v0  }
0x39: {  	v3 =	vshll.u32 v3, $0x1;
	[tilespmem:s0+$0x22] =	vst v6  }
0x3a: {  	[tilespmem:s0+$0x0] =	vst v3;
	v1 =	vshll.u32 v1, $0x1  }
0x3b: {  	[tilespmem:s0+$0x10] =	vst v1;
	v1 =	vshll.u32 v2, $0x1  }
0x3c: {  	[tilespmem:s0+$0x38] =	vst v1;
	v1 =	vshll.u32 v4, $0x1  }
0x3d: {  	v2 =	vshll.u32 v5, $0x1;
	[tilespmem:s0+$0x48] =	vst v1  }
0x3e: {  	s29 =	simm.s32 $0x0;
	s30 =	simm.s32 $0x7000;
	[tilespmem:s0+$0xFFFFFF90] =	vst v2  }
0x3f: {  	[tilespmem:s30], [sflag:$0x1] =	stream.indirect.gather [hbm4b:s5+s9], $0x40, s29, s9, $0xb8;
	[tilespmem:$0x19C00] =	vst v63  }
0x40: {  	s31 =	simm.s32 $0x38;
	s1 =	simm.s32 $0x7C80  }
0x41: {  	[tilespmem:s1], [sflag:$0x1] =	stream.indirect.gather [hbm4b:s5+s9], $0x40, s31, s9, $0xb8;
	[tilespmem:$0x19C00] =	vst v63  }
0x42: {  	s10 =	simm.s32 $0x8900  }
0x43: {  	[tilespmem:s10], [sflag:$0x1] =	stream.indirect.gather [hbm4b:s5+s9], $0x40, s13, s9, $0xb8;
	[tilespmem:$0x19C00] =	vst v63  }
0x44: {  	s12 =	simm.s32 $0xA8;
	s15 =	simm.s32 $0x9580  }
0x45: {  	[tilespmem:s15], [sflag:$0x1] =	stream.indirect.gather [hbm4b:s5+s9], $0x40, s12, s9, $0xb8;
	[tilespmem:$0x19C00] =	vst v63  }
0x46: {  	s30 =	simm.s32 $0xE0;
	s31 =	simm.s32 $0xA200  }
0x47: {  	[tilespmem:s31], [sflag:$0x2] =	stream.indirect.gather [hbm4b:s5+s9], $0x40, s30, s9, $0xb8;
	[tilespmem:$0x19C00] =	vst v63  }
0x48: {  	s1 =	simm.s32 $0x118;
	s10 =	simm.s32 $0xAE80  }
0x49: {  	[tilespmem:s10], [sflag:$0x2] =	stream.indirect.gather [hbm4b:s5+s9], $0x40, s1, s9, $0xb8;
	[tilespmem:$0x19C00] =	vst v63  }
0x4a: {  	s12 =	simm.s32 $0x150;
	s15 =	simm.s32 $0xBB00  }
0x4b: {  	[tilespmem:s15], [sflag:$0x2] =	stream.indirect.gather [hbm4b:s5+s9], $0x40, s12, s9, $0xb8;
	[tilespmem:$0x19C00] =	vst v63  }
0x4c: {  	s30 =	simm.s32 $0x188;
	s31 =	simm.s32 $0xC780  }
0x4d: {  	[tilespmem:s31], [sflag:$0x2] =	stream.indirect.gather [hbm4b:s5+s9], $0x40, s30, s9, $0xb8;
	[tilespmem:$0x19C00] =	vst v63  }
0x4e: {  	s1 =	simm.s32 $0x1C0;
	s10 =	simm.s32 $0xD400  }
0x4f: {  	[tilespmem:s10], [sflag:$0x3] =	stream.indirect.gather [hbm4b:s5+s9], $0x40, s1, s9, $0xb8;
	[tilespmem:$0x19C00] =	vst v63  }
0x50: {  	s12 =	simm.s32 $0x1F8;
	s15 =	simm.s32 $0xE080  }
0x51: {  	[tilespmem:s15], [sflag:$0x3] =	stream.indirect.gather [hbm4b:s5+s9], $0x40, s12, s9, $0xb8;
	[tilespmem:$0x19C00] =	vst v63  }
0x52: {  	s30 =	simm.s32 $0x230;
	s31 =	simm.s32 $0xED00  }
0x53: {  	[tilespmem:s31], [sflag:$0x3] =	stream.indirect.gather [hbm4b:s5+s9], $0x40, s30, s9, $0xb8;
	[tilespmem:$0x19C00] =	vst v63  }
0x54: {  	s10 =	simm.s32 $0x268;
	s12 =	simm.s32 $0xF980  }
0x55: {  	[tilespmem:s12], [sflag:$0x3] =	stream.indirect.gather [hbm4b:s5+s9], $0x40, s10, s9, $0xb8;
	[tilespmem:$0x19C00] =	vst v63  }
0x56: {  	s15 =	simm.s32 $0x2A0  }
0x57: {  	[tilespmem:s11], [sflag:$0x4] =	stream.indirect.gather [hbm4b:s5+s9], $0x40, s15, s9, $0xb8;
	[tilespmem:$0x19C00] =	vst v63  }
0x58: {  	s30 =	simm.s32 $0x2D8  }
0x59: {  	[tilespmem:s14], [sflag:$0x4] =	stream.indirect.gather [hbm4b:s5+s9], $0x40, s30, s9, $0xb8;
	[tilespmem:$0x19C00] =	vst v63  }
0x5a: {  	s31 =	simm.s32 $0x310  }
0x5b: {  	[tilespmem:s16], [sflag:$0x4] =	stream.indirect.gather [hbm4b:s5+s9], $0x40, s31, s9, $0xb8;
	[tilespmem:$0x19C00] =	vst v63  }
0x5c: {  	_ = 	snop  }
0x5d: {  	[tilespmem:s18], [sflag:$0x4] =	stream.indirect.gather [hbm4b:s5+s9], $0x40, s17, s9, $0xb8;
	[tilespmem:$0x19C00] =	vst v63  }
.LBB2_4:
0x5e: {  	_ =	swait.ge [sflag:s19], $0xC80  }
0x5f: {  	[sflag:s19] =	ssyncset.done $0x0  }
0x60: {  	[sflag:s19] =	ssyncadd.s32 $0xFFFFF380  }
0x61: {  	_ =	swait.ge [sflag:s19], $0xC80  }
0x62: {  	[sflag:s19] =	ssyncset.done $0x0  }
0x63: {  	[sflag:s19] =	ssyncadd.s32 $0xFFFFF380  }
0x64: {  	_ =	swait.ge [sflag:s19], $0xC80  }
0x65: {  	[sflag:s19] =	ssyncset.done $0x0  }
0x66: {  	[sflag:s19] =	ssyncadd.s32 $0xFFFFF380  }
0x67: {  	_ =	swait.ge [sflag:s19], $0xC80  }
0x68: {  	p1 =	seq.s32 s29, $0x0;
	[sflag:s19] =	ssyncset.done $0x0  }
0x69: {  	s0 =	simm.s32 @!p1 $0x5;
	[sflag:s19] =	ssyncadd.s32 $0xFFFFF380  }
0x6a: {  	_ =	swait.ge @!p1 [sflag:s0], $0x3200  }
0x6b: {  	[sflag:s0] =	ssyncset.done @!p1 $0x0  }
0x6c: {  	s10 =	simm.s32 $0x70A0;
	[sflag:s0] =	ssyncadd.s32 @!p1 $0xFFFFCE00  }
0x6d: {  	v1 =	vld [tilespmem:s10+$0x60]  }
0x6e: {  	v2 =	vld [tilespmem:s10+$0xFFFFFFA0];
	_ =	sdelay $0x1  }
0x6f: {  	v3 =	vld [tilespmem:s10+$0xFFFFFFE0]  }
0x70: {  	v4 =	vld [tilespmem:s10+$0x20]  }
0x71: {  	v1 =	vmul.f32 $8.000000000e+00, v1  }
0x72: {  	s1 =	simm.s32 $0x138A0;
	v2 =	vmul.f32 $8.000000000e+00, v2  }
0x73: {  	v5 =	vld [tilespmem:s10+$0xFFFFFF60];
	[tilespmem:s1+$0x60] =	vst v1  }
0x74: {  	v3 =	vmul.f32 $8.000000000e+00, v3;
	[tilespmem:s1+$0xFFFFFFA0] =	vst v2;
	v2 =	vld [tilespmem:s10+$0x70]  }
0x75: {  	v1 =	vmul.f32 $8.000000000e+00, v4  }
0x76: {  	[tilespmem:s1+$0xFFFFFFE0] =	vst v3;
	v4 =	vld [tilespmem:s10+$0xFFFFFFB0]  }
0x77: {  	v3 =	vld [tilespmem:s10+$0xFFFFFFF0];
	[tilespmem:s1+$0x20] =	vst v1  }
0x78: {  	v5 =	vmul.f32 $8.000000000e+00, v5;
	v1 =	vld [tilespmem:s10+$0x30]  }
0x79: {  	v2 =	vmul.f32 $8.000000000e+00, v2  }
0x7a: {  	[tilespmem:s1+$0xFFFFFF60] =	vst v5  }
0x7b: {  	v5 =	vld [tilespmem:s10+$0xFFFFFF70];
	v4 =	vmul.f32 $8.000000000e+00, v4;
	[tilespmem:s1+$0x70] =	vst v2  }
0x7c: {  	s0 =	simm.s32 $0x71E0;
	v3 =	vmul.f32 $8.000000000e+00, v3;
	v2 =	vld [tilespmem:s10+$0x80]  }
0x7d: {  	v6 =	vld [tilespmem:s0+$0x60];
	[tilespmem:s1+$0xFFFFFFB0] =	vst v4;
	v1 =	vmul.f32 $8.000000000e+00, v1  }
0x7e: {  	[tilespmem:s1+$0xFFFFFFF0] =	vst v3;
	v4 =	vld [tilespmem:s10+$0xFFFFFFC0]  }
0x7f: {  	v3 =	vld [tilespmem:s10+$0x0];
	[tilespmem:s1+$0x30] =	vst v1  }
0x80: {  	v5 =	vmul.f32 $8.000000000e+00, v5;
	v1 =	vld [tilespmem:s10+$0x40]  }
0x81: {  	v7 =	vld [tilespmem:s0+$0xFFFFFFA0];
	v2 =	vmul.f32 $8.000000000e+00, v2  }
0x82: {  	v6 =	vmul.f32 $8.000000000e+00, v6;
	[tilespmem:s1+$0xFFFFFF70] =	vst v5;
	v5 =	vld [tilespmem:s0+$0xFFFFFFE0]  }
0x83: {  	s30 =	simm.s32 $0x139E0;
	v8 =	vld [tilespmem:s0+$0x20];
	v4 =	vmul.f32 $8.000000000e+00, v4;
	[tilespmem:s1+$0x80] =	vst v2  }
0x84: {  	[tilespmem:s30+$0x60] =	vst v6;
	v3 =	vmul.f32 $8.000000000e+00, v3;
	v2 =	vld [tilespmem:s10+$0x90]  }
0x85: {  	[tilespmem:s1+$0xFFFFFFC0] =	vst v4;
	v1 =	vmul.f32 $8.000000000e+00, v1;
	v4 =	vld [tilespmem:s0+$0xFFFFFF60]  }
0x86: {  	[tilespmem:s1+$0x0] =	vst v3;
	v3 =	vmul.f32 $8.000000000e+00, v7;
	v7 =	vld [tilespmem:s10+$0xFFFFFF80]  }
0x87: {  	[tilespmem:s1+$0x40] =	vst v1;
	v1 =	vmul.f32 $8.000000000e+00, v5;
	v5 =	vld [tilespmem:s10+$0xFFFFFFD0]  }
0x88: {  	v6 =	vld [tilespmem:s0+$0x70];
	[tilespmem:s30+$0xFFFFFFA0] =	vst v3;
	v3 =	vmul.f32 $8.000000000e+00, v8  }
0x89: {  	v8 =	vld [tilespmem:s0+$0xFFFFFFB0];
	[tilespmem:s30+$0xFFFFFFE0] =	vst v1;
	v1 =	vmul.f32 $8.000000000e+00, v2  }
0x8a: {  	[tilespmem:s30+$0x20] =	vst v3;
	v2 =	vmul.f32 $8.000000000e+00, v4;
	v4 =	vld [tilespmem:s0+$0xFFFFFFF0]  }
0x8b: {  	v3 =	vld [tilespmem:s0+$0x30];
	v7 =	vmul.f32 $8.000000000e+00, v7;
	[tilespmem:s1+$0x90] =	vst v1  }
0x8c: {  	[tilespmem:s30+$0xFFFFFF60] =	vst v2;
	v1 =	vmul.f32 $8.000000000e+00, v5;
	v5 =	vld [tilespmem:s10+$0x10]  }
0x8d: {  	[tilespmem:s1+$0xFFFFFF80] =	vst v7;
	v2 =	vmul.f32 $8.000000000e+00, v6;
	v9 =	vld [tilespmem:s0+$0xFFFFFF70]  }
0x8e: {  	v6 =	vmul.f32 $8.000000000e+00, v8;
	v8 =	vld [tilespmem:s10+$0xFFFFFF90];
	[tilespmem:s1+$0xFFFFFFD0] =	vst v1  }
0x8f: {  	[tilespmem:s30+$0x70] =	vst v2;
	v1 =	vld [tilespmem:s10+$0x50];
	v7 =	vmul.f32 $8.000000000e+00, v4  }
0x90: {  	[tilespmem:s30+$0xFFFFFFB0] =	vst v6;
	v3 =	vmul.f32 $8.000000000e+00, v3;
	v4 =	vld [tilespmem:s0+$0x80]  }
0x91: {  	v2 =	vld [tilespmem:s0+$0xFFFFFFC0];
	[tilespmem:s30+$0xFFFFFFF0] =	vst v7;
	v10 =	vmul.f32 $8.000000000e+00, v5  }
0x92: {  	[tilespmem:s30+$0x30] =	vst v3;
	v5 =	vld [tilespmem:s0+$0x0];
	v7 =	vmul.f32 $8.000000000e+00, v9  }
0x93: {  	s12 =	simm.s32 $0x7320;
	s10 =	simm.s32 $0x5;
	v3 =	vld [tilespmem:s0+$0x40];
	v6 =	vmul.f32 $8.000000000e+00, v8;
	[tilespmem:s1+$0x10] =	vst v10  }
.LBB2_5:
0x94: {  	v8 =	vld [tilespmem:s12+$0x60];
	s10 =	sadd.s32 $0x5, s10;
	[tilespmem:s30+$0xFFFFFF70] =	vst v7;
	v1 =	vmul.f32 $8.000000000e+00, v1  }
0x95: {  	v7 =	vld [tilespmem:s12+$0xFFFFFFA0];
	p0 =	slt.u32 s10, $0x2D;
	v4 =	vmul.f32 $8.000000000e+00, v4;
	[tilespmem:s1+$0xFFFFFF90] =	vst v6  }
0x96: {  	v6 =	vld [tilespmem:s12+$0xFFFFFFE0];
	v2 =	vmul.f32 $8.000000000e+00, v2;
	[tilespmem:s1+$0x50] =	vst v1;
	s1 =	smov.u32 s30  }
0x97: {  	v1 =	vld [tilespmem:s12+$0x20];
	v5 =	vmul.f32 $8.000000000e+00, v5;
	[tilespmem:s30+$0x80] =	vst v4  }
0x98: {  	[tilespmem:s30+$0xFFFFFFC0] =	vst v2;
	v2 =	vmul.f32 $8.000000000e+00, v3;
	v3 =	vld [tilespmem:s0+$0x90]  }
0x99: {  	v4 =	vld [tilespmem:s12+$0xFFFFFF60];
	v8 =	vmul.f32 $8.000000000e+00, v8;
	[tilespmem:s30+$0x0] =	vst v5  }
0x9a: {  	s30 =	sadd.s32 $0x140, s30;
	v5 =	vmul.f32 $8.000000000e+00, v7;
	v7 =	vld [tilespmem:s0+$0xFFFFFF80];
	[tilespmem:s1+$0x40] =	vst v2  }
0x9b: {  	v2 =	vmul.f32 $8.000000000e+00, v6;
	[tilespmem:s30+$0x60] =	vst v8;
	v6 =	vld [tilespmem:s0+$0xFFFFFFD0]  }
0x9c: {  	[tilespmem:s30+$0xFFFFFFA0] =	vst v5;
	v1 =	vmul.f32 $8.000000000e+00, v1;
	v5 =	vld [tilespmem:s12+$0x70]  }
0x9d: {  	v8 =	vld [tilespmem:s12+$0xFFFFFFB0];
	[tilespmem:s30+$0xFFFFFFE0] =	vst v2;
	v2 =	vmul.f32 $8.000000000e+00, v3  }
0x9e: {  	v3 =	vmul.f32 $8.000000000e+00, v4;
	v4 =	vld [tilespmem:s12+$0xFFFFFFF0];
	[tilespmem:s30+$0x20] =	vst v1  }
0x9f: {  	v9 =	vld [tilespmem:s12+$0x30];
	v1 =	vmul.f32 $8.000000000e+00, v7;
	[tilespmem:s1+$0x90] =	vst v2  }
0xa0: {  	[tilespmem:s30+$0xFFFFFF60] =	vst v3;
	v2 =	vmul.f32 $8.000000000e+00, v6;
	v3 =	vld [tilespmem:s0+$0x10]  }
0xa1: {  	v6 =	vld [tilespmem:s12+$0xFFFFFF70];
	v5 =	vmul.f32 $8.000000000e+00, v5;
	[tilespmem:s1+$0xFFFFFF80] =	vst v1  }
0xa2: {  	v7 =	vmul.f32 $8.000000000e+00, v8;
	v8 =	vld [tilespmem:s0+$0xFFFFFF90];
	[tilespmem:s1+$0xFFFFFFD0] =	vst v2  }
.Ltmp3:
0xa3: {  	v10 =	vmul.f32 $8.000000000e+00, v4;
	[tilespmem:s30+$0x70] =	vst v5;
	v1 =	vld [tilespmem:s0+$0x50];
	s0 =	smov.u32 s12;
	(pc) =	sbr.rel @p0 .LBB2_5-.Ltmp3, $4  }
0xa4: {  	[tilespmem:s30+$0xFFFFFFB0] =	vst v7;
	v9 =	vmul.f32 $8.000000000e+00, v9;
	v4 =	vld [tilespmem:s12+$0x80]  }
0xa5: {  	v2 =	vld [tilespmem:s12+$0xFFFFFFC0];
	[tilespmem:s30+$0xFFFFFFF0] =	vst v10;
	v10 =	vmul.f32 $8.000000000e+00, v3  }
0xa6: {  	v7 =	vmul.f32 $8.000000000e+00, v6;
	v5 =	vld [tilespmem:s12+$0x0];
	[tilespmem:s30+$0x30] =	vst v9  }
0xa7: {  	s12 =	sadd.s32 $0x140, s12;
	v3 =	vld [tilespmem:s0+$0x40];
	v6 =	vmul.f32 $8.000000000e+00, v8;
	[tilespmem:s1+$0x10] =	vst v10  }
0xa8: {  	[tilespmem:s30+$0xFFFFFF70] =	vst v7  }
0xa9: {  	v7 =	vld [tilespmem:s0+$0xFFFFFF80];
	v4 =	vmul.f32 $8.000000000e+00, v4  }
0xaa: {  	v2 =	vmul.f32 $8.000000000e+00, v2  }
0xab: {  	v5 =	vmul.f32 $8.000000000e+00, v5;
	[tilespmem:s30+$0x80] =	vst v4  }
0xac: {  	[tilespmem:s30+$0xFFFFFFC0] =	vst v2;
	v2 =	vld [tilespmem:s0+$0x90]  }
0xad: {  	v3 =	vmul.f32 $8.000000000e+00, v3;
	[tilespmem:s30+$0x0] =	vst v5  }
0xae: {  	v4 =	vmul.f32 $8.000000000e+00, v7;
	v7 =	vld [tilespmem:s0+$0x10]  }
0xaf: {  	v5 =	vld [tilespmem:s0+$0xFFFFFFD0];
	[tilespmem:s30+$0x40] =	vst v3  }
0xb0: {  	[tilespmem:s30+$0xFFFFFF80] =	vst v4;
	v4 =	vld [tilespmem:s0+$0x50]  }
0xb1: {  	v3 =	vld [tilespmem:s0+$0xFFFFFF90];
	v2 =	vmul.f32 $8.000000000e+00, v2  }
0xb2: {  	v1 =	vmul.f32 $8.000000000e+00, v1;
	[tilespmem:s1+$0xFFFFFF90] =	vst v6  }
0xb3: {  	[tilespmem:s30+$0x90] =	vst v2;
	v2 =	vmul.f32 $8.000000000e+00, v7  }
0xb4: {  	[tilespmem:s1+$0x50] =	vst v1;
	v1 =	vmul.f32 $8.000000000e+00, v5  }
0xb5: {  	[tilespmem:s30+$0x10] =	vst v2;
	v2 =	vmul.f32 $8.000000000e+00, v4  }
0xb6: {  	[tilespmem:s30+$0xFFFFFFD0] =	vst v1;
	v1 =	vmul.f32 $8.000000000e+00, v3  }
0xb7: {  	[tilespmem:s30+$0x50] =	vst v2  }
0xb8: {  	s10 =	simm.s32 $0x7DB0;
	[tilespmem:s30+$0xFFFFFF90] =	vst v1  }
0xb9: {  	v1 =	vld [tilespmem:s10+$0xFFFFFFD0]  }
0xba: {  	v2 =	vld [tilespmem:s10+$0xFFFFFF10];
	_ =	sdelay $0x1  }
0xbb: {  	v3 =	vld [tilespmem:s10+$0xFFFFFF50]  }
0xbc: {  	v4 =	vld [tilespmem:s10+$0xFFFFFF90]  }
0xbd: {  	v1 =	vmul.f32 $8.000000000e+00, v1  }
0xbe: {  	s1 =	simm.s32 $0x145B0;
	v2 =	vmul.f32 $8.000000000e+00, v2  }
0xbf: {  	v5 =	vld [tilespmem:s10+$0xFFFFFED0];
	[tilespmem:s1+$0xFFFFFFD0] =	vst v1  }
0xc0: {  	v3 =	vmul.f32 $8.000000000e+00, v3;
	[tilespmem:s1+$0xFFFFFF10] =	vst v2;
	v2 =	vld [tilespmem:s10+$0xFFFFFFE0]  }
0xc1: {  	v1 =	vmul.f32 $8.000000000e+00, v4  }
0xc2: {  	[tilespmem:s1+$0xFFFFFF50] =	vst v3;
	v4 =	vld [tilespmem:s10+$0xFFFFFF20]  }
0xc3: {  	v3 =	vld [tilespmem:s10+$0xFFFFFF60];
	[tilespmem:s1+$0xFFFFFF90] =	vst v1  }
0xc4: {  	v5 =	vmul.f32 $8.000000000e+00, v5;
	v1 =	vld [tilespmem:s10+$0xFFFFFFA0]  }
0xc5: {  	v2 =	vmul.f32 $8.000000000e+00, v2  }
0xc6: {  	[tilespmem:s1+$0xFFFFFED0] =	vst v5  }
0xc7: {  	v5 =	vld [tilespmem:s10+$0xFFFFFEE0];
	v4 =	vmul.f32 $8.000000000e+00, v4;
	[tilespmem:s1+$0xFFFFFFE0] =	vst v2  }
0xc8: {  	s0 =	simm.s32 $0x7EF0;
	v3 =	vmul.f32 $8.000000000e+00, v3;
	v2 =	vld [tilespmem:s10+$0xFFFFFFF0]  }
0xc9: {  	v6 =	vld [tilespmem:s0+$0xFFFFFFD0];
	[tilespmem:s1+$0xFFFFFF20] =	vst v4;
	v1 =	vmul.f32 $8.000000000e+00, v1  }
0xca: {  	[tilespmem:s1+$0xFFFFFF60] =	vst v3;
	v4 =	vld [tilespmem:s10+$0xFFFFFF30]  }
0xcb: {  	v3 =	vld [tilespmem:s10+$0xFFFFFF70];
	[tilespmem:s1+$0xFFFFFFA0] =	vst v1  }
0xcc: {  	v5 =	vmul.f32 $8.000000000e+00, v5;
	v1 =	vld [tilespmem:s10+$0xFFFFFFB0]  }
0xcd: {  	v7 =	vld [tilespmem:s0+$0xFFFFFF10];
	v2 =	vmul.f32 $8.000000000e+00, v2  }
0xce: {  	v6 =	vmul.f32 $8.000000000e+00, v6;
	[tilespmem:s1+$0xFFFFFEE0] =	vst v5;
	v5 =	vld [tilespmem:s0+$0xFFFFFF50]  }
0xcf: {  	s30 =	simm.s32 $0x146F0;
	v8 =	vld [tilespmem:s0+$0xFFFFFF90];
	v4 =	vmul.f32 $8.000000000e+00, v4;
	[tilespmem:s1+$0xFFFFFFF0] =	vst v2  }
0xd0: {  	[tilespmem:s30+$0xFFFFFFD0] =	vst v6;
	v3 =	vmul.f32 $8.000000000e+00, v3;
	v2 =	vld [tilespmem:s10+$0x0]  }
0xd1: {  	[tilespmem:s1+$0xFFFFFF30] =	vst v4;
	v1 =	vmul.f32 $8.000000000e+00, v1;
	v4 =	vld [tilespmem:s0+$0xFFFFFED0]  }
0xd2: {  	[tilespmem:s1+$0xFFFFFF70] =	vst v3;
	v3 =	vmul.f32 $8.000000000e+00, v7;
	v7 =	vld [tilespmem:s10+$0xFFFFFEF0]  }
0xd3: {  	[tilespmem:s1+$0xFFFFFFB0] =	vst v1;
	v1 =	vmul.f32 $8.000000000e+00, v5;
	v5 =	vld [tilespmem:s10+$0xFFFFFF40]  }
0xd4: {  	v6 =	vld [tilespmem:s0+$0xFFFFFFE0];
	[tilespmem:s30+$0xFFFFFF10] =	vst v3;
	v3 =	vmul.f32 $8.000000000e+00, v8  }
0xd5: {  	v8 =	vld [tilespmem:s0+$0xFFFFFF20];
	[tilespmem:s30+$0xFFFFFF50] =	vst v1;
	v1 =	vmul.f32 $8.000000000e+00, v2  }
0xd6: {  	[tilespmem:s30+$0xFFFFFF90] =	vst v3;
	v2 =	vmul.f32 $8.000000000e+00, v4;
	v4 =	vld [tilespmem:s0+$0xFFFFFF60]  }
0xd7: {  	v3 =	vld [tilespmem:s0+$0xFFFFFFA0];
	v7 =	vmul.f32 $8.000000000e+00, v7;
	[tilespmem:s1+$0x0] =	vst v1  }
0xd8: {  	[tilespmem:s30+$0xFFFFFED0] =	vst v2;
	v1 =	vmul.f32 $8.000000000e+00, v5;
	v5 =	vld [tilespmem:s10+$0xFFFFFF80]  }
0xd9: {  	[tilespmem:s1+$0xFFFFFEF0] =	vst v7;
	v2 =	vmul.f32 $8.000000000e+00, v6;
	v9 =	vld [tilespmem:s0+$0xFFFFFEE0]  }
0xda: {  	v6 =	vmul.f32 $8.000000000e+00, v8;
	v8 =	vld [tilespmem:s10+$0xFFFFFF00];
	[tilespmem:s1+$0xFFFFFF40] =	vst v1  }
0xdb: {  	[tilespmem:s30+$0xFFFFFFE0] =	vst v2;
	v1 =	vld [tilespmem:s10+$0xFFFFFFC0];
	v7 =	vmul.f32 $8.000000000e+00, v4  }
0xdc: {  	[tilespmem:s30+$0xFFFFFF20] =	vst v6;
	v3 =	vmul.f32 $8.000000000e+00, v3;
	v4 =	vld [tilespmem:s0+$0xFFFFFFF0]  }
0xdd: {  	v2 =	vld [tilespmem:s0+$0xFFFFFF30];
	[tilespmem:s30+$0xFFFFFF60] =	vst v7;
	v10 =	vmul.f32 $8.000000000e+00, v5  }
0xde: {  	[tilespmem:s30+$0xFFFFFFA0] =	vst v3;
	v5 =	vld [tilespmem:s0+$0xFFFFFF70];
	v7 =	vmul.f32 $8.000000000e+00, v9  }
0xdf: {  	s12 =	simm.s32 $0x8030;
	s10 =	simm.s32 $0x5;
	v3 =	vld [tilespmem:s0+$0xFFFFFFB0];
	v6 =	vmul.f32 $8.000000000e+00, v8;
	[tilespmem:s1+$0xFFFFFF80] =	vst v10  }
.LBB2_7:
0xe0: {  	v8 =	vld [tilespmem:s12+$0xFFFFFFD0];
	s10 =	sadd.s32 $0x5, s10;
	[tilespmem:s30+$0xFFFFFEE0] =	vst v7;
	v1 =	vmul.f32 $8.000000000e+00, v1  }
0xe1: {  	v7 =	vld [tilespmem:s12+$0xFFFFFF10];
	p0 =	slt.u32 s10, $0x2D;
	v4 =	vmul.f32 $8.000000000e+00, v4;
	[tilespmem:s1+$0xFFFFFF00] =	vst v6  }
0xe2: {  	v6 =	vld [tilespmem:s12+$0xFFFFFF50];
	v2 =	vmul.f32 $8.000000000e+00, v2;
	[tilespmem:s1+$0xFFFFFFC0] =	vst v1;
	s1 =	smov.u32 s30  }
0xe3: {  	v1 =	vld [tilespmem:s12+$0xFFFFFF90];
	v5 =	vmul.f32 $8.000000000e+00, v5;
	[tilespmem:s30+$0xFFFFFFF0] =	vst v4  }
0xe4: {  	[tilespmem:s30+$0xFFFFFF30] =	vst v2;
	v2 =	vmul.f32 $8.000000000e+00, v3;
	v3 =	vld [tilespmem:s0+$0x0]  }
0xe5: {  	v4 =	vld [tilespmem:s12+$0xFFFFFED0];
	v8 =	vmul.f32 $8.000000000e+00, v8;
	[tilespmem:s30+$0xFFFFFF70] =	vst v5  }
0xe6: {  	s30 =	sadd.s32 $0x140, s30;
	v5 =	vmul.f32 $8.000000000e+00, v7;
	v7 =	vld [tilespmem:s0+$0xFFFFFEF0];
	[tilespmem:s1+$0xFFFFFFB0] =	vst v2  }
0xe7: {  	v2 =	vmul.f32 $8.000000000e+00, v6;
	[tilespmem:s30+$0xFFFFFFD0] =	vst v8;
	v6 =	vld [tilespmem:s0+$0xFFFFFF40]  }
0xe8: {  	[tilespmem:s30+$0xFFFFFF10] =	vst v5;
	v1 =	vmul.f32 $8.000000000e+00, v1;
	v5 =	vld [tilespmem:s12+$0xFFFFFFE0]  }
0xe9: {  	v8 =	vld [tilespmem:s12+$0xFFFFFF20];
	[tilespmem:s30+$0xFFFFFF50] =	vst v2;
	v2 =	vmul.f32 $8.000000000e+00, v3  }
0xea: {  	v3 =	vmul.f32 $8.000000000e+00, v4;
	v4 =	vld [tilespmem:s12+$0xFFFFFF60];
	[tilespmem:s30+$0xFFFFFF90] =	vst v1  }
0xeb: {  	v9 =	vld [tilespmem:s12+$0xFFFFFFA0];
	v1 =	vmul.f32 $8.000000000e+00, v7;
	[tilespmem:s1+$0x0] =	vst v2  }
0xec: {  	[tilespmem:s30+$0xFFFFFED0] =	vst v3;
	v2 =	vmul.f32 $8.000000000e+00, v6;
	v3 =	vld [tilespmem:s0+$0xFFFFFF80]  }
0xed: {  	v6 =	vld [tilespmem:s12+$0xFFFFFEE0];
	v5 =	vmul.f32 $8.000000000e+00, v5;
	[tilespmem:s1+$0xFFFFFEF0] =	vst v1  }
0xee: {  	v7 =	vmul.f32 $8.000000000e+00, v8;
	v8 =	vld [tilespmem:s0+$0xFFFFFF00];
	[tilespmem:s1+$0xFFFFFF40] =	vst v2  }
.Ltmp4:
0xef: {  	v10 =	vmul.f32 $8.000000000e+00, v4;
	[tilespmem:s30+$0xFFFFFFE0] =	vst v5;
	v1 =	vld [tilespmem:s0+$0xFFFFFFC0];
	s0 =	smov.u32 s12;
	(pc) =	sbr.rel @p0 .LBB2_7-.Ltmp4, $4  }
0xf0: {  	[tilespmem:s30+$0xFFFFFF20] =	vst v7;
	v9 =	vmul.f32 $8.000000000e+00, v9;
	v4 =	vld [tilespmem:s12+$0xFFFFFFF0]  }
0xf1: {  	v2 =	vld [tilespmem:s12+$0xFFFFFF30];
	[tilespmem:s30+$0xFFFFFF60] =	vst v10;
	v10 =	vmul.f32 $8.000000000e+00, v3  }
0xf2: {  	v7 =	vmul.f32 $8.000000000e+00, v6;
	v5 =	vld [tilespmem:s12+$0xFFFFFF70];
	[tilespmem:s30+$0xFFFFFFA0] =	vst v9  }
0xf3: {  	s12 =	sadd.s32 $0x140, s12;
	v3 =	vld [tilespmem:s0+$0xFFFFFFB0];
	v6 =	vmul.f32 $8.000000000e+00, v8;
	[tilespmem:s1+$0xFFFFFF80] =	vst v10  }
0xf4: {  	[tilespmem:s30+$0xFFFFFEE0] =	vst v7  }
0xf5: {  	v7 =	vld [tilespmem:s0+$0xFFFFFEF0];
	v4 =	vmul.f32 $8.000000000e+00, v4  }
0xf6: {  	v2 =	vmul.f32 $8.000000000e+00, v2  }
0xf7: {  	v5 =	vmul.f32 $8.000000000e+00, v5;
	[tilespmem:s30+$0xFFFFFFF0] =	vst v4  }
0xf8: {  	[tilespmem:s30+$0xFFFFFF30] =	vst v2;
	v2 =	vld [tilespmem:s0+$0x0]  }
0xf9: {  	v3 =	vmul.f32 $8.000000000e+00, v3;
	[tilespmem:s30+$0xFFFFFF70] =	vst v5  }
0xfa: {  	v4 =	vmul.f32 $8.000000000e+00, v7;
	v7 =	vld [tilespmem:s0+$0xFFFFFF80]  }
0xfb: {  	v5 =	vld [tilespmem:s0+$0xFFFFFF40];
	[tilespmem:s30+$0xFFFFFFB0] =	vst v3  }
0xfc: {  	[tilespmem:s30+$0xFFFFFEF0] =	vst v4;
	v4 =	vld [tilespmem:s0+$0xFFFFFFC0]  }
0xfd: {  	v3 =	vld [tilespmem:s0+$0xFFFFFF00];
	v2 =	vmul.f32 $8.000000000e+00, v2  }
0xfe: {  	v1 =	vmul.f32 $8.000000000e+00, v1;
	[tilespmem:s1+$0xFFFFFF00] =	vst v6  }
0xff: {  	[tilespmem:s30+$0x0] =	vst v2;
	v2 =	vmul.f32 $8.000000000e+00, v7  }
0x100: {  	[tilespmem:s1+$0xFFFFFFC0] =	vst v1;
	v1 =	vmul.f32 $8.000000000e+00, v5  }
0x101: {  	[tilespmem:s30+$0xFFFFFF80] =	vst v2;
	v2 =	vmul.f32 $8.000000000e+00, v4  }
0x102: {  	[tilespmem:s30+$0xFFFFFF40] =	vst v1;
	v1 =	vmul.f32 $8.000000000e+00, v3  }
0x103: {  	[tilespmem:s30+$0xFFFFFFC0] =	vst v2  }
0x104: {  	s10 =	simm.s32 $0x8A30;
	[tilespmem:s30+$0xFFFFFF00] =	vst v1  }
0x105: {  	v1 =	vld [tilespmem:s10+$0xFFFFFFD0]  }
0x106: {  	v2 =	vld [tilespmem:s10+$0xFFFFFF10]  }
0x107: {  	v3 =	vld [tilespmem:s10+$0xFFFFFF50]  }
0x108: {  	v4 =	vld [tilespmem:s10+$0xFFFFFF90];
	_ =	sdelay $0x1  }
0x109: {  	v1 =	vmul.f32 $8.000000000e+00, v1  }
0x10a: {  	s30 =	simm.s32 $0x15230;
	v5 =	vld [tilespmem:s10+$0xFFFFFED0];
	v2 =	vmul.f32 $8.000000000e+00, v2  }
0x10b: {  	v3 =	vmul.f32 $8.000000000e+00, v3;
	[tilespmem:s30+$0xFFFFFFD0] =	vst v1  }
0x10c: {  	[tilespmem:s30+$0xFFFFFF10] =	vst v2;
	v1 =	vmul.f32 $8.000000000e+00, v4;
	v2 =	vld [tilespmem:s10+$0xFFFFFFE0]  }
0x10d: {  	[tilespmem:s30+$0xFFFFFF50] =	vst v3;
	v4 =	vld [tilespmem:s10+$0xFFFFFF20]  }
0x10e: {  	v3 =	vld [tilespmem:s10+$0xFFFFFF60];
	[tilespmem:s30+$0xFFFFFF90] =	vst v1  }
0x10f: {  	v1 =	vmul.f32 $8.000000000e+00, v5;
	v5 =	vld [tilespmem:s10+$0xFFFFFFA0];
	_ =	sdelay $0x1  }
0x110: {  	[tilespmem:s30+$0xFFFFFED0] =	vst v1;
	v1 =	vmul.f32 $8.000000000e+00, v2  }
0x111: {  	p2 =	por $0x1, $0x1;
	v2 =	vld [tilespmem:s10+$0xFFFFFEE0];
	v4 =	vmul.f32 $8.000000000e+00, v4  }
.Ltmp5:
0x112: {  	v3 =	vmul.f32 $8.000000000e+00, v3;
	[tilespmem:s30+$0xFFFFFFE0] =	vst v1;
	(pc) =	sbr.rel @!p2 .LBB2_9-.Ltmp5, $4  }
0x113: {  	[tilespmem:s30+$0xFFFFFF20] =	vst v4;
	v6 =	vmul.f32 $8.000000000e+00, v5;
	v4 =	vld [tilespmem:s10+$0xFFFFFFF0]  }
0x114: {  	[tilespmem:s30+$0xFFFFFF60] =	vst v3;
	v1 =	vld [tilespmem:s10+$0xFFFFFF30]  }
0x115: {  	v5 =	vld [tilespmem:s10+$0xFFFFFF70];
	[tilespmem:s30+$0xFFFFFFA0] =	vst v6  }
0x116: {  	p0 =	por $0x0, $0x0;
	s1 =	simm.s32 $0x8B70;
	v7 =	vmul.f32 $8.000000000e+00, v2;
	v2 =	vld [tilespmem:s10+$0xFFFFFFB0]  }
0x117: {  	v3 =	vld [tilespmem:s1+$0xFFFFFFD0]  }
0x118: {  	v6 =	vld [tilespmem:s1+$0xFFFFFF10];
	v4 =	vmul.f32 $8.000000000e+00, v4  }
0x119: {  	[tilespmem:s30+$0xFFFFFEE0] =	vst v7;
	v7 =	vld [tilespmem:s1+$0xFFFFFF50];
	v1 =	vmul.f32 $8.000000000e+00, v1  }
0x11a: {  	v8 =	vld [tilespmem:s1+$0xFFFFFF90];
	v5 =	vmul.f32 $8.000000000e+00, v5;
	[tilespmem:s30+$0xFFFFFFF0] =	vst v4  }
0x11b: {  	[tilespmem:s30+$0xFFFFFF30] =	vst v1;
	v1 =	vmul.f32 $8.000000000e+00, v2;
	v2 =	vld [tilespmem:s10+$0x0]  }
0x11c: {  	v4 =	vld [tilespmem:s1+$0xFFFFFED0];
	v3 =	vmul.f32 $8.000000000e+00, v3;
	[tilespmem:s30+$0xFFFFFF70] =	vst v5  }
0x11d: {  	s0 =	simm.s32 $0x15370;
	v5 =	vmul.f32 $8.000000000e+00, v6;
	v6 =	vld [tilespmem:s10+$0xFFFFFEF0];
	[tilespmem:s30+$0xFFFFFFB0] =	vst v1  }
0x11e: {  	v1 =	vmul.f32 $8.000000000e+00, v7;
	[tilespmem:s0+$0xFFFFFFD0] =	vst v3;
	v3 =	vld [tilespmem:s10+$0xFFFFFF40]  }
0x11f: {  	[tilespmem:s0+$0xFFFFFF10] =	vst v5;
	v5 =	vmul.f32 $8.000000000e+00, v8;
	v7 =	vld [tilespmem:s1+$0xFFFFFFE0]  }
0x120: {  	v8 =	vld [tilespmem:s1+$0xFFFFFF20];
	[tilespmem:s0+$0xFFFFFF50] =	vst v1;
	v1 =	vmul.f32 $8.000000000e+00, v2  }
0x121: {  	v2 =	vmul.f32 $8.000000000e+00, v4;
	v4 =	vld [tilespmem:s1+$0xFFFFFF60];
	[tilespmem:s0+$0xFFFFFF90] =	vst v5  }
0x122: {  	v5 =	vld [tilespmem:s1+$0xFFFFFFA0];
	v6 =	vmul.f32 $8.000000000e+00, v6;
	[tilespmem:s30+$0x0] =	vst v1  }
0x123: {  	[tilespmem:s0+$0xFFFFFED0] =	vst v2;
	v2 =	vld [tilespmem:s10+$0xFFFFFF80];
	v1 =	vmul.f32 $8.000000000e+00, v3  }
0x124: {  	v9 =	vld [tilespmem:s1+$0xFFFFFEE0];
	[tilespmem:s30+$0xFFFFFEF0] =	vst v6;
	v3 =	vmul.f32 $8.000000000e+00, v7  }
0x125: {  	p4 =	por $0x1, $0x1;
	v6 =	vmul.f32 $8.000000000e+00, v8;
	v8 =	vld [tilespmem:s10+$0xFFFFFF00];
	[tilespmem:s30+$0xFFFFFF40] =	vst v1  }
.Ltmp6:
0x126: {  	v7 =	vmul.f32 $8.000000000e+00, v4;
	[tilespmem:s0+$0xFFFFFFE0] =	vst v3;
	v3 =	vld [tilespmem:s10+$0xFFFFFFC0];
	(pc) =	sbr.rel @!p4 .LBB2_11-.Ltmp6, $4  }
0x127: {  	[tilespmem:s0+$0xFFFFFF20] =	vst v6;
	v6 =	vmul.f32 $8.000000000e+00, v5;
	v4 =	vld [tilespmem:s1+$0xFFFFFFF0]  }
0x128: {  	v1 =	vld [tilespmem:s1+$0xFFFFFF30];
	[tilespmem:s0+$0xFFFFFF60] =	vst v7;
	v10 =	vmul.f32 $8.000000000e+00, v2  }
0x129: {  	v5 =	vld [tilespmem:s1+$0xFFFFFF70];
	[tilespmem:s0+$0xFFFFFFA0] =	vst v6;
	v7 =	vmul.f32 $8.000000000e+00, v9  }
0x12a: {  	s12 =	simm.s32 $0x8CB0;
	p3 =	por $0x1, $0x1;
	s10 =	simm.s32 $0x5;
	v2 =	vld [tilespmem:s1+$0xFFFFFFB0];
	v6 =	vmul.f32 $8.000000000e+00, v8;
	[tilespmem:s30+$0xFFFFFF80] =	vst v10  }
.LBB2_12:
0x12b: {  	v8 =	vld [tilespmem:s12+$0xFFFFFFD0];
	s10 =	sadd.s32 $0x5, s10;
	[tilespmem:s0+$0xFFFFFEE0] =	vst v7;
	v3 =	vmul.f32 $8.000000000e+00, v3  }
0x12c: {  	v7 =	vld [tilespmem:s12+$0xFFFFFF10];
	p4 =	slt.u32 s10, $0x2D;
	v4 =	vmul.f32 $8.000000000e+00, v4;
	[tilespmem:s30+$0xFFFFFF00] =	vst v6  }
0x12d: {  	v6 =	vld [tilespmem:s12+$0xFFFFFF50];
	v1 =	vmul.f32 $8.000000000e+00, v1;
	[tilespmem:s30+$0xFFFFFFC0] =	vst v3;
	s30 =	smov.u32 s0  }
0x12e: {  	v3 =	vld [tilespmem:s12+$0xFFFFFF90];
	v5 =	vmul.f32 $8.000000000e+00, v5;
	[tilespmem:s0+$0xFFFFFFF0] =	vst v4  }
0x12f: {  	[tilespmem:s0+$0xFFFFFF30] =	vst v1;
	v1 =	vmul.f32 $8.000000000e+00, v2;
	v2 =	vld [tilespmem:s1+$0x0]  }
0x130: {  	v4 =	vld [tilespmem:s12+$0xFFFFFED0];
	v8 =	vmul.f32 $8.000000000e+00, v8;
	[tilespmem:s0+$0xFFFFFF70] =	vst v5  }
0x131: {  	s0 =	sadd.s32 $0x140, s0;
	v5 =	vmul.f32 $8.000000000e+00, v7;
	v7 =	vld [tilespmem:s1+$0xFFFFFEF0];
	[tilespmem:s30+$0xFFFFFFB0] =	vst v1  }
0x132: {  	v1 =	vmul.f32 $8.000000000e+00, v6;
	[tilespmem:s0+$0xFFFFFFD0] =	vst v8;
	v6 =	vld [tilespmem:s1+$0xFFFFFF40]  }
0x133: {  	[tilespmem:s0+$0xFFFFFF10] =	vst v5;
	v3 =	vmul.f32 $8.000000000e+00, v3;
	v5 =	vld [tilespmem:s12+$0xFFFFFFE0]  }
0x134: {  	v8 =	vld [tilespmem:s12+$0xFFFFFF20];
	[tilespmem:s0+$0xFFFFFF50] =	vst v1;
	v1 =	vmul.f32 $8.000000000e+00, v2  }
0x135: {  	v2 =	vmul.f32 $8.000000000e+00, v4;
	v4 =	vld [tilespmem:s12+$0xFFFFFF60];
	[tilespmem:s0+$0xFFFFFF90] =	vst v3  }
0x136: {  	v9 =	vld [tilespmem:s12+$0xFFFFFFA0];
	v3 =	vmul.f32 $8.000000000e+00, v7;
	[tilespmem:s30+$0x0] =	vst v1  }
0x137: {  	[tilespmem:s0+$0xFFFFFED0] =	vst v2;
	v1 =	vmul.f32 $8.000000000e+00, v6;
	v2 =	vld [tilespmem:s1+$0xFFFFFF80]  }
0x138: {  	v6 =	vld [tilespmem:s12+$0xFFFFFEE0];
	v5 =	vmul.f32 $8.000000000e+00, v5;
	[tilespmem:s30+$0xFFFFFEF0] =	vst v3  }
0x139: {  	v7 =	vmul.f32 $8.000000000e+00, v8;
	v8 =	vld [tilespmem:s1+$0xFFFFFF00];
	[tilespmem:s30+$0xFFFFFF40] =	vst v1  }
.Ltmp7:
0x13a: {  	v10 =	vmul.f32 $8.000000000e+00, v4;
	[tilespmem:s0+$0xFFFFFFE0] =	vst v5;
	v3 =	vld [tilespmem:s1+$0xFFFFFFC0];
	s1 =	smov.u32 s12;
	(pc) =	sbr.rel @p4 .LBB2_12-.Ltmp7, $4  }
0x13b: {  	[tilespmem:s0+$0xFFFFFF20] =	vst v7;
	v9 =	vmul.f32 $8.000000000e+00, v9;
	v4 =	vld [tilespmem:s12+$0xFFFFFFF0]  }
0x13c: {  	v1 =	vld [tilespmem:s12+$0xFFFFFF30];
	[tilespmem:s0+$0xFFFFFF60] =	vst v10;
	v10 =	vmul.f32 $8.000000000e+00, v2  }
0x13d: {  	v7 =	vmul.f32 $8.000000000e+00, v6;
	v5 =	vld [tilespmem:s12+$0xFFFFFF70];
	[tilespmem:s0+$0xFFFFFFA0] =	vst v9  }
0x13e: {  	s12 =	sadd.s32 $0x140, s12;
	v2 =	vld [tilespmem:s1+$0xFFFFFFB0];
	v6 =	vmul.f32 $8.000000000e+00, v8;
	[tilespmem:s30+$0xFFFFFF80] =	vst v10  }
0x13f: {  	s10 =	smov.u32 s1  }
.LBB2_14:
0x140: {  	[tilespmem:s0+$0xFFFFFEE0] =	vst v7  }
0x141: {  	v4 =	vmul.f32 $8.000000000e+00, v4;
	v7 =	vld [tilespmem:s10+$0xFFFFFEF0]  }
0x142: {  	v1 =	vmul.f32 $8.000000000e+00, v1  }
0x143: {  	v5 =	vmul.f32 $8.000000000e+00, v5;
	[tilespmem:s0+$0xFFFFFFF0] =	vst v4  }
0x144: {  	[tilespmem:s0+$0xFFFFFF30] =	vst v1;
	v1 =	vld [tilespmem:s10+$0x0]  }
0x145: {  	v2 =	vmul.f32 $8.000000000e+00, v2;
	[tilespmem:s0+$0xFFFFFF70] =	vst v5  }
0x146: {  	v4 =	vmul.f32 $8.000000000e+00, v7;
	v7 =	vld [tilespmem:s10+$0xFFFFFF80]  }
0x147: {  	v5 =	vld [tilespmem:s10+$0xFFFFFF40];
	[tilespmem:s0+$0xFFFFFFB0] =	vst v2  }
0x148: {  	[tilespmem:s0+$0xFFFFFEF0] =	vst v4;
	v4 =	vld [tilespmem:s10+$0xFFFFFFC0]  }
0x149: {  	v1 =	vmul.f32 $8.000000000e+00, v1;
	v2 =	vld [tilespmem:s10+$0xFFFFFF00]  }
0x14a: {  	v3 =	vmul.f32 @p3 $8.000000000e+00, v3;
	[tilespmem:s30+$0xFFFFFF00] =	vst @p3 v6  }
0x14b: {  	[tilespmem:s0+$0x0] =	vst v1;
	v1 =	vmul.f32 $8.000000000e+00, v7  }
0x14c: {  	[tilespmem:s30+$0xFFFFFFC0] =	vst @p3 v3;
	v3 =	vmul.f32 $8.000000000e+00, v5  }
0x14d: {  	[tilespmem:s0+$0xFFFFFF80] =	vst v1;
	v1 =	vmul.f32 $8.000000000e+00, v4  }
0x14e: {  	[tilespmem:s0+$0xFFFFFF40] =	vst v3;
	v2 =	vmul.f32 $8.000000000e+00, v2  }
0x14f: {  	[tilespmem:s0+$0xFFFFFFC0] =	vst v1  }
0x150: {  	s10 =	simm.s32 $0x96B0;
	[tilespmem:s0+$0xFFFFFF00] =	vst v2  }
0x151: {  	v1 =	vld [tilespmem:s10+$0xFFFFFFD0]  }
0x152: {  	v2 =	vld [tilespmem:s10+$0xFFFFFF10]  }
0x153: {  	v3 =	vld [tilespmem:s10+$0xFFFFFF50]  }
0x154: {  	v4 =	vld [tilespmem:s10+$0xFFFFFF90];
	_ =	sdelay $0x1  }
0x155: {  	v1 =	vmul.f32 $8.000000000e+00, v1  }
0x156: {  	s1 =	simm.s32 $0x15EB0;
	v5 =	vld [tilespmem:s10+$0xFFFFFED0];
	v2 =	vmul.f32 $8.000000000e+00, v2  }
0x157: {  	v3 =	vmul.f32 $8.000000000e+00, v3;
	[tilespmem:s1+$0xFFFFFFD0] =	vst v1  }
0x158: {  	[tilespmem:s1+$0xFFFFFF10] =	vst v2;
	v1 =	vmul.f32 $8.000000000e+00, v4;
	v2 =	vld [tilespmem:s10+$0xFFFFFFE0]  }
0x159: {  	[tilespmem:s1+$0xFFFFFF50] =	vst v3;
	v4 =	vld [tilespmem:s10+$0xFFFFFF20]  }
0x15a: {  	v3 =	vld [tilespmem:s10+$0xFFFFFF60];
	[tilespmem:s1+$0xFFFFFF90] =	vst v1  }
0x15b: {  	v1 =	vmul.f32 $8.000000000e+00, v5;
	v5 =	vld [tilespmem:s10+$0xFFFFFFA0];
	_ =	sdelay $0x1  }
0x15c: {  	[tilespmem:s1+$0xFFFFFED0] =	vst v1;
	v1 =	vmul.f32 $8.000000000e+00, v2  }
0x15d: {  	v2 =	vld [tilespmem:s10+$0xFFFFFEE0];
	v4 =	vmul.f32 $8.000000000e+00, v4  }
.Ltmp8:
0x15e: {  	v3 =	vmul.f32 $8.000000000e+00, v3;
	[tilespmem:s1+$0xFFFFFFE0] =	vst v1;
	(pc) =	sbr.rel @!p2 .LBB2_15-.Ltmp8, $4  }
0x15f: {  	[tilespmem:s1+$0xFFFFFF20] =	vst v4;
	v6 =	vmul.f32 $8.000000000e+00, v5;
	v5 =	vld [tilespmem:s10+$0xFFFFFFF0]  }
0x160: {  	[tilespmem:s1+$0xFFFFFF60] =	vst v3;
	v1 =	vld [tilespmem:s10+$0xFFFFFF30]  }
0x161: {  	v4 =	vld [tilespmem:s10+$0xFFFFFF70];
	[tilespmem:s1+$0xFFFFFFA0] =	vst v6  }
0x162: {  	s0 =	simm.s32 $0x97F0;
	v7 =	vmul.f32 $8.000000000e+00, v2;
	v3 =	vld [tilespmem:s10+$0xFFFFFFB0]  }
0x163: {  	v2 =	vld [tilespmem:s0+$0xFFFFFFD0]  }
0x164: {  	v6 =	vld [tilespmem:s0+$0xFFFFFF10];
	v5 =	vmul.f32 $8.000000000e+00, v5  }
0x165: {  	[tilespmem:s1+$0xFFFFFEE0] =	vst v7;
	v7 =	vld [tilespmem:s0+$0xFFFFFF50];
	v1 =	vmul.f32 $8.000000000e+00, v1  }
0x166: {  	v8 =	vld [tilespmem:s0+$0xFFFFFF90];
	v4 =	vmul.f32 $8.000000000e+00, v4;
	[tilespmem:s1+$0xFFFFFFF0] =	vst v5  }
0x167: {  	[tilespmem:s1+$0xFFFFFF30] =	vst v1;
	v1 =	vmul.f32 $8.000000000e+00, v3;
	v3 =	vld [tilespmem:s10+$0x0]  }
0x168: {  	v5 =	vld [tilespmem:s0+$0xFFFFFED0];
	v2 =	vmul.f32 $8.000000000e+00, v2;
	[tilespmem:s1+$0xFFFFFF70] =	vst v4  }
0x169: {  	s30 =	simm.s32 $0x15FF0;
	v4 =	vmul.f32 $8.000000000e+00, v6;
	v6 =	vld [tilespmem:s10+$0xFFFFFEF0];
	[tilespmem:s1+$0xFFFFFFB0] =	vst v1  }
0x16a: {  	v1 =	vmul.f32 $8.000000000e+00, v7;
	[tilespmem:s30+$0xFFFFFFD0] =	vst v2;
	v2 =	vld [tilespmem:s10+$0xFFFFFF40]  }
0x16b: {  	[tilespmem:s30+$0xFFFFFF10] =	vst v4;
	v4 =	vmul.f32 $8.000000000e+00, v8;
	v7 =	vld [tilespmem:s0+$0xFFFFFFE0]  }
0x16c: {  	v8 =	vld [tilespmem:s0+$0xFFFFFF20];
	[tilespmem:s30+$0xFFFFFF50] =	vst v1;
	v1 =	vmul.f32 $8.000000000e+00, v3  }
0x16d: {  	v3 =	vmul.f32 $8.000000000e+00, v5;
	v5 =	vld [tilespmem:s0+$0xFFFFFF60];
	[tilespmem:s30+$0xFFFFFF90] =	vst v4  }
0x16e: {  	v4 =	vld [tilespmem:s0+$0xFFFFFFA0];
	v6 =	vmul.f32 $8.000000000e+00, v6;
	[tilespmem:s1+$0x0] =	vst v1  }
0x16f: {  	[tilespmem:s30+$0xFFFFFED0] =	vst v3;
	v3 =	vld [tilespmem:s10+$0xFFFFFF80];
	v1 =	vmul.f32 $8.000000000e+00, v2  }
0x170: {  	v9 =	vld [tilespmem:s0+$0xFFFFFEE0];
	[tilespmem:s1+$0xFFFFFEF0] =	vst v6;
	v2 =	vmul.f32 $8.000000000e+00, v7  }
0x171: {  	p2 =	por $0x1, $0x1;
	v6 =	vmul.f32 $8.000000000e+00, v8;
	v8 =	vld [tilespmem:s10+$0xFFFFFF00];
	[tilespmem:s1+$0xFFFFFF40] =	vst v1  }
.Ltmp9:
0x172: {  	v7 =	vmul.f32 $8.000000000e+00, v5;
	[tilespmem:s30+$0xFFFFFFE0] =	vst v2;
	v2 =	vld [tilespmem:s10+$0xFFFFFFC0];
	(pc) =	sbr.rel @!p2 .LBB2_17-.Ltmp9, $4  }
0x173: {  	[tilespmem:s30+$0xFFFFFF20] =	vst v6;
	v6 =	vmul.f32 $8.000000000e+00, v4;
	v5 =	vld [tilespmem:s0+$0xFFFFFFF0]  }
0x174: {  	v1 =	vld [tilespmem:s0+$0xFFFFFF30];
	[tilespmem:s30+$0xFFFFFF60] =	vst v7;
	v10 =	vmul.f32 $8.000000000e+00, v3  }
0x175: {  	v4 =	vld [tilespmem:s0+$0xFFFFFF70];
	[tilespmem:s30+$0xFFFFFFA0] =	vst v6;
	v7 =	vmul.f32 $8.000000000e+00, v9  }
0x176: {  	s12 =	simm.s32 $0x9930;
	p0 =	por $0x1, $0x1;
	s10 =	simm.s32 $0x5;
	v3 =	vld [tilespmem:s0+$0xFFFFFFB0];
	v6 =	vmul.f32 $8.000000000e+00, v8;
	[tilespmem:s1+$0xFFFFFF80] =	vst v10  }
.LBB2_18:
0x177: {  	v8 =	vld [tilespmem:s12+$0xFFFFFFD0];
	s10 =	sadd.s32 $0x5, s10;
	[tilespmem:s30+$0xFFFFFEE0] =	vst v7;
	v2 =	vmul.f32 $8.000000000e+00, v2  }
0x178: {  	v7 =	vld [tilespmem:s12+$0xFFFFFF10];
	p2 =	slt.u32 s10, $0x2D;
	v5 =	vmul.f32 $8.000000000e+00, v5;
	[tilespmem:s1+$0xFFFFFF00] =	vst v6  }
0x179: {  	v6 =	vld [tilespmem:s12+$0xFFFFFF50];
	v1 =	vmul.f32 $8.000000000e+00, v1;
	[tilespmem:s1+$0xFFFFFFC0] =	vst v2;
	s1 =	smov.u32 s30  }
0x17a: {  	v2 =	vld [tilespmem:s12+$0xFFFFFF90];
	v4 =	vmul.f32 $8.000000000e+00, v4;
	[tilespmem:s30+$0xFFFFFFF0] =	vst v5  }
0x17b: {  	[tilespmem:s30+$0xFFFFFF30] =	vst v1;
	v1 =	vmul.f32 $8.000000000e+00, v3;
	v3 =	vld [tilespmem:s0+$0x0]  }
0x17c: {  	v5 =	vld [tilespmem:s12+$0xFFFFFED0];
	v8 =	vmul.f32 $8.000000000e+00, v8;
	[tilespmem:s30+$0xFFFFFF70] =	vst v4  }
0x17d: {  	s30 =	sadd.s32 $0x140, s30;
	v4 =	vmul.f32 $8.000000000e+00, v7;
	v7 =	vld [tilespmem:s0+$0xFFFFFEF0];
	[tilespmem:s1+$0xFFFFFFB0] =	vst v1  }
0x17e: {  	v1 =	vmul.f32 $8.000000000e+00, v6;
	[tilespmem:s30+$0xFFFFFFD0] =	vst v8;
	v6 =	vld [tilespmem:s0+$0xFFFFFF40]  }
0x17f: {  	[tilespmem:s30+$0xFFFFFF10] =	vst v4;
	v2 =	vmul.f32 $8.000000000e+00, v2;
	v4 =	vld [tilespmem:s12+$0xFFFFFFE0]  }
0x180: {  	v8 =	vld [tilespmem:s12+$0xFFFFFF20];
	[tilespmem:s30+$0xFFFFFF50] =	vst v1;
	v1 =	vmul.f32 $8.000000000e+00, v3  }
0x181: {  	v3 =	vmul.f32 $8.000000000e+00, v5;
	v5 =	vld [tilespmem:s12+$0xFFFFFF60];
	[tilespmem:s30+$0xFFFFFF90] =	vst v2  }
0x182: {  	v9 =	vld [tilespmem:s12+$0xFFFFFFA0];
	v2 =	vmul.f32 $8.000000000e+00, v7;
	[tilespmem:s1+$0x0] =	vst v1  }
0x183: {  	[tilespmem:s30+$0xFFFFFED0] =	vst v3;
	v1 =	vmul.f32 $8.000000000e+00, v6;
	v3 =	vld [tilespmem:s0+$0xFFFFFF80]  }
0x184: {  	v6 =	vld [tilespmem:s12+$0xFFFFFEE0];
	v4 =	vmul.f32 $8.000000000e+00, v4;
	[tilespmem:s1+$0xFFFFFEF0] =	vst v2  }
0x185: {  	v7 =	vmul.f32 $8.000000000e+00, v8;
	v8 =	vld [tilespmem:s0+$0xFFFFFF00];
	[tilespmem:s1+$0xFFFFFF40] =	vst v1  }
.Ltmp10:
0x186: {  	v10 =	vmul.f32 $8.000000000e+00, v5;
	[tilespmem:s30+$0xFFFFFFE0] =	vst v4;
	v2 =	vld [tilespmem:s0+$0xFFFFFFC0];
	s0 =	smov.u32 s12;
	(pc) =	sbr.rel @p2 .LBB2_18-.Ltmp10, $4  }
0x187: {  	[tilespmem:s30+$0xFFFFFF20] =	vst v7;
	v9 =	vmul.f32 $8.000000000e+00, v9;
	v5 =	vld [tilespmem:s12+$0xFFFFFFF0]  }
0x188: {  	v1 =	vld [tilespmem:s12+$0xFFFFFF30];
	[tilespmem:s30+$0xFFFFFF60] =	vst v10;
	v10 =	vmul.f32 $8.000000000e+00, v3  }
0x189: {  	v7 =	vmul.f32 $8.000000000e+00, v6;
	v4 =	vld [tilespmem:s12+$0xFFFFFF70];
	[tilespmem:s30+$0xFFFFFFA0] =	vst v9  }
0x18a: {  	s12 =	sadd.s32 $0x140, s12;
	v3 =	vld [tilespmem:s0+$0xFFFFFFB0];
	v6 =	vmul.f32 $8.000000000e+00, v8;
	[tilespmem:s1+$0xFFFFFF80] =	vst v10  }
0x18b: {  	s10 =	smov.u32 s0  }
.LBB2_20:
0x18c: {  	[tilespmem:s30+$0xFFFFFEE0] =	vst v7  }
0x18d: {  	v5 =	vmul.f32 $8.000000000e+00, v5;
	v7 =	vld [tilespmem:s10+$0xFFFFFEF0]  }
0x18e: {  	v1 =	vmul.f32 $8.000000000e+00, v1  }
0x18f: {  	v4 =	vmul.f32 $8.000000000e+00, v4;
	[tilespmem:s30+$0xFFFFFFF0] =	vst v5  }
0x190: {  	[tilespmem:s30+$0xFFFFFF30] =	vst v1;
	v1 =	vld [tilespmem:s10+$0x0]  }
0x191: {  	v3 =	vmul.f32 $8.000000000e+00, v3;
	[tilespmem:s30+$0xFFFFFF70] =	vst v4  }
0x192: {  	v5 =	vmul.f32 $8.000000000e+00, v7;
	v7 =	vld [tilespmem:s10+$0xFFFFFF80]  }
0x193: {  	v4 =	vld [tilespmem:s10+$0xFFFFFF40];
	[tilespmem:s30+$0xFFFFFFB0] =	vst v3  }
0x194: {  	[tilespmem:s30+$0xFFFFFEF0] =	vst v5;
	v5 =	vld [tilespmem:s10+$0xFFFFFFC0]  }
0x195: {  	v1 =	vmul.f32 $8.000000000e+00, v1;
	v3 =	vld [tilespmem:s10+$0xFFFFFF00]  }
0x196: {  	v2 =	vmul.f32 @p0 $8.000000000e+00, v2;
	[tilespmem:s1+$0xFFFFFF00] =	vst @p0 v6  }
0x197: {  	s31 =	sshll.u32 s29, $0x4;
	[tilespmem:s30+$0x0] =	vst v1;
	v1 =	vmul.f32 $8.000000000e+00, v7  }
0x198: {  	s0 =	sadd.s32 s3, s31;
	[tilespmem:s1+$0xFFFFFFC0] =	vst @p0 v2;
	v2 =	vmul.f32 $8.000000000e+00, v4  }
0x199: {  	s0 =	smul.u32 $0x190, s0;
	p0 =	seq.s32 s29, $0x1F;
	[tilespmem:s30+$0xFFFFFF80] =	vst v1;
	v1 =	vmul.f32 $8.000000000e+00, v5  }
0x19a: {  	s1 =	smul.u32 @!p0 $0xE00, s29;
	[tilespmem:s30+$0xFFFFFF40] =	vst v2;
	v2 =	vmul.f32 $8.000000000e+00, v3  }
0x19b: {  	[tilespmem:s30+$0xFFFFFFC0] =	vst v1  }
0x19c: {  	s0 =	sadd.s32 s2, s0;
	[tilespmem:s30+$0xFFFFFF00] =	vst v2;
	s30 =	sshra.s32 @!p0 s1, $0x2  }
0x19d: {  	[hbm4b:s0+s4] =	stream.linear.scatter [tilespmem:s20], [sflag:$0x5], $0x3200, $0x38;
	[tilespmem:$0x19C00] =	vst v63  }
0x19e: {  	s10 =	simm.s32 @!p0 $0x7000;
	s1 =	simm.s32 @!p0 $0x32;
	s0 =	sadd.s32 @!p0 $0x380, s30  }
0x19f: {  	[tilespmem:s10], [sflag:$0x1] =	stream.indirect.gather @!p0 [hbm4b:s5+s1], $0x40, s0, s1, $0xb8;
	[tilespmem:$0x19C00] =	vst v63  }
0x1a0: {  	s0 =	sadd.s32 @!p0 $0x3B8, s30;
	s10 =	simm.s32 @!p0 $0x7C80  }
0x1a1: {  	[tilespmem:s10], [sflag:$0x1] =	stream.indirect.gather @!p0 [hbm4b:s5+s1], $0x40, s0, s1, $0xb8;
	[tilespmem:$0x19C00] =	vst v63  }
0x1a2: {  	s0 =	sadd.s32 @!p0 $0x3F0, s30;
	s10 =	simm.s32 @!p0 $0x8900  }
0x1a3: {  	[tilespmem:s10], [sflag:$0x1] =	stream.indirect.gather @!p0 [hbm4b:s5+s1], $0x40, s0, s1, $0xb8;
	[tilespmem:$0x19C00] =	vst v63  }
0x1a4: {  	s0 =	sadd.s32 @!p0 $0x428, s30;
	s10 =	simm.s32 @!p0 $0x9580  }
0x1a5: {  	[tilespmem:s10], [sflag:$0x1] =	stream.indirect.gather @!p0 [hbm4b:s5+s1], $0x40, s0, s1, $0xb8;
	[tilespmem:$0x19C00] =	vst v63  }
0x1a6: {  	_ =	swait.ge [sflag:s21], $0xC80  }
0x1a7: {  	[sflag:s21] =	ssyncset.done $0x0  }
0x1a8: {  	[sflag:s21] =	ssyncadd.s32 $0xFFFFF380  }
0x1a9: {  	_ =	swait.ge [sflag:s21], $0xC80  }
0x1aa: {  	[sflag:s21] =	ssyncset.done $0x0  }
0x1ab: {  	[sflag:s21] =	ssyncadd.s32 $0xFFFFF380  }
0x1ac: {  	_ =	swait.ge [sflag:s21], $0xC80  }
0x1ad: {  	[sflag:s21] =	ssyncset.done $0x0  }
0x1ae: {  	[sflag:s21] =	ssyncadd.s32 $0xFFFFF380  }
0x1af: {  	_ =	swait.ge [sflag:s21], $0xC80  }
0x1b0: {  	[sflag:s21] =	ssyncset.done $0x0  }
0x1b1: {  	s0 =	simm.s32 @!p1 $0x6;
	[sflag:s21] =	ssyncadd.s32 $0xFFFFF380  }
0x1b2: {  	_ =	swait.ge @!p1 [sflag:s0], $0x3200  }
0x1b3: {  	[sflag:s0] =	ssyncset.done @!p1 $0x0  }
0x1b4: {  	s12 =	simm.s32 $0xA2A0;
	[sflag:s0] =	ssyncadd.s32 @!p1 $0xFFFFCE00  }
0x1b5: {  	v1 =	vld [tilespmem:s12+$0x60]  }
0x1b6: {  	v2 =	vld [tilespmem:s12+$0xFFFFFFA0];
	_ =	sdelay $0x1  }
0x1b7: {  	v3 =	vld [tilespmem:s12+$0xFFFFFFE0]  }
0x1b8: {  	v4 =	vld [tilespmem:s12+$0x20]  }
0x1b9: {  	v1 =	vmul.f32 $8.000000000e+00, v1  }
0x1ba: {  	s1 =	simm.s32 $0x16AA0;
	v2 =	vmul.f32 $8.000000000e+00, v2  }
0x1bb: {  	v5 =	vld [tilespmem:s12+$0xFFFFFF60];
	[tilespmem:s1+$0x60] =	vst v1  }
0x1bc: {  	v3 =	vmul.f32 $8.000000000e+00, v3;
	[tilespmem:s1+$0xFFFFFFA0] =	vst v2;
	v2 =	vld [tilespmem:s12+$0x70]  }
0x1bd: {  	v1 =	vmul.f32 $8.000000000e+00, v4  }
0x1be: {  	[tilespmem:s1+$0xFFFFFFE0] =	vst v3;
	v4 =	vld [tilespmem:s12+$0xFFFFFFB0]  }
0x1bf: {  	v3 =	vld [tilespmem:s12+$0xFFFFFFF0];
	[tilespmem:s1+$0x20] =	vst v1  }
0x1c0: {  	v5 =	vmul.f32 $8.000000000e+00, v5;
	v1 =	vld [tilespmem:s12+$0x30]  }
0x1c1: {  	v2 =	vmul.f32 $8.000000000e+00, v2  }
0x1c2: {  	[tilespmem:s1+$0xFFFFFF60] =	vst v5  }
0x1c3: {  	v5 =	vld [tilespmem:s12+$0xFFFFFF70];
	v4 =	vmul.f32 $8.000000000e+00, v4;
	[tilespmem:s1+$0x70] =	vst v2  }
0x1c4: {  	s0 =	simm.s32 $0xA3E0;
	v3 =	vmul.f32 $8.000000000e+00, v3;
	v2 =	vld [tilespmem:s12+$0x80]  }
0x1c5: {  	v6 =	vld [tilespmem:s0+$0x60];
	[tilespmem:s1+$0xFFFFFFB0] =	vst v4;
	v1 =	vmul.f32 $8.000000000e+00, v1  }
0x1c6: {  	[tilespmem:s1+$0xFFFFFFF0] =	vst v3;
	v4 =	vld [tilespmem:s12+$0xFFFFFFC0]  }
0x1c7: {  	v3 =	vld [tilespmem:s12+$0x0];
	[tilespmem:s1+$0x30] =	vst v1  }
0x1c8: {  	v5 =	vmul.f32 $8.000000000e+00, v5;
	v1 =	vld [tilespmem:s12+$0x40]  }
0x1c9: {  	v7 =	vld [tilespmem:s0+$0xFFFFFFA0];
	v2 =	vmul.f32 $8.000000000e+00, v2  }
0x1ca: {  	v6 =	vmul.f32 $8.000000000e+00, v6;
	[tilespmem:s1+$0xFFFFFF70] =	vst v5;
	v5 =	vld [tilespmem:s0+$0xFFFFFFE0]  }
0x1cb: {  	s10 =	simm.s32 $0x16BE0;
	v8 =	vld [tilespmem:s0+$0x20];
	v4 =	vmul.f32 $8.000000000e+00, v4;
	[tilespmem:s1+$0x80] =	vst v2  }
0x1cc: {  	[tilespmem:s10+$0x60] =	vst v6;
	v3 =	vmul.f32 $8.000000000e+00, v3;
	v2 =	vld [tilespmem:s12+$0x90]  }
0x1cd: {  	[tilespmem:s1+$0xFFFFFFC0] =	vst v4;
	v1 =	vmul.f32 $8.000000000e+00, v1;
	v4 =	vld [tilespmem:s0+$0xFFFFFF60]  }
0x1ce: {  	[tilespmem:s1+$0x0] =	vst v3;
	v3 =	vmul.f32 $8.000000000e+00, v7;
	v7 =	vld [tilespmem:s12+$0xFFFFFF80]  }
0x1cf: {  	[tilespmem:s1+$0x40] =	vst v1;
	v1 =	vmul.f32 $8.000000000e+00, v5;
	v5 =	vld [tilespmem:s12+$0xFFFFFFD0]  }
0x1d0: {  	v6 =	vld [tilespmem:s0+$0x70];
	[tilespmem:s10+$0xFFFFFFA0] =	vst v3;
	v3 =	vmul.f32 $8.000000000e+00, v8  }
0x1d1: {  	v8 =	vld [tilespmem:s0+$0xFFFFFFB0];
	[tilespmem:s10+$0xFFFFFFE0] =	vst v1;
	v1 =	vmul.f32 $8.000000000e+00, v2  }
0x1d2: {  	[tilespmem:s10+$0x20] =	vst v3;
	v2 =	vmul.f32 $8.000000000e+00, v4;
	v4 =	vld [tilespmem:s0+$0xFFFFFFF0]  }
0x1d3: {  	v3 =	vld [tilespmem:s0+$0x30];
	v7 =	vmul.f32 $8.000000000e+00, v7;
	[tilespmem:s1+$0x90] =	vst v1  }
0x1d4: {  	[tilespmem:s10+$0xFFFFFF60] =	vst v2;
	v1 =	vmul.f32 $8.000000000e+00, v5;
	v5 =	vld [tilespmem:s12+$0x10]  }
0x1d5: {  	[tilespmem:s1+$0xFFFFFF80] =	vst v7;
	v2 =	vmul.f32 $8.000000000e+00, v6;
	v9 =	vld [tilespmem:s0+$0xFFFFFF70]  }
0x1d6: {  	v6 =	vmul.f32 $8.000000000e+00, v8;
	v8 =	vld [tilespmem:s12+$0xFFFFFF90];
	[tilespmem:s1+$0xFFFFFFD0] =	vst v1  }
0x1d7: {  	[tilespmem:s10+$0x70] =	vst v2;
	v1 =	vld [tilespmem:s12+$0x50];
	v7 =	vmul.f32 $8.000000000e+00, v4  }
0x1d8: {  	[tilespmem:s10+$0xFFFFFFB0] =	vst v6;
	v3 =	vmul.f32 $8.000000000e+00, v3;
	v4 =	vld [tilespmem:s0+$0x80]  }
0x1d9: {  	v2 =	vld [tilespmem:s0+$0xFFFFFFC0];
	[tilespmem:s10+$0xFFFFFFF0] =	vst v7;
	v10 =	vmul.f32 $8.000000000e+00, v5  }
0x1da: {  	[tilespmem:s10+$0x30] =	vst v3;
	v5 =	vld [tilespmem:s0+$0x0];
	v7 =	vmul.f32 $8.000000000e+00, v9  }
0x1db: {  	s15 =	simm.s32 $0xA520;
	s12 =	simm.s32 $0x5;
	v3 =	vld [tilespmem:s0+$0x40];
	v6 =	vmul.f32 $8.000000000e+00, v8;
	[tilespmem:s1+$0x10] =	vst v10  }
.LBB2_21:
0x1dc: {  	v8 =	vld [tilespmem:s15+$0x60];
	s12 =	sadd.s32 $0x5, s12;
	[tilespmem:s10+$0xFFFFFF70] =	vst v7;
	v1 =	vmul.f32 $8.000000000e+00, v1  }
0x1dd: {  	v7 =	vld [tilespmem:s15+$0xFFFFFFA0];
	p1 =	slt.u32 s12, $0x2D;
	v4 =	vmul.f32 $8.000000000e+00, v4;
	[tilespmem:s1+$0xFFFFFF90] =	vst v6  }
0x1de: {  	v6 =	vld [tilespmem:s15+$0xFFFFFFE0];
	v2 =	vmul.f32 $8.000000000e+00, v2;
	[tilespmem:s1+$0x50] =	vst v1;
	s1 =	smov.u32 s10  }
0x1df: {  	v1 =	vld [tilespmem:s15+$0x20];
	v5 =	vmul.f32 $8.000000000e+00, v5;
	[tilespmem:s10+$0x80] =	vst v4  }
0x1e0: {  	[tilespmem:s10+$0xFFFFFFC0] =	vst v2;
	v2 =	vmul.f32 $8.000000000e+00, v3;
	v3 =	vld [tilespmem:s0+$0x90]  }
0x1e1: {  	v4 =	vld [tilespmem:s15+$0xFFFFFF60];
	v8 =	vmul.f32 $8.000000000e+00, v8;
	[tilespmem:s10+$0x0] =	vst v5  }
0x1e2: {  	s10 =	sadd.s32 $0x140, s10;
	v5 =	vmul.f32 $8.000000000e+00, v7;
	v7 =	vld [tilespmem:s0+$0xFFFFFF80];
	[tilespmem:s1+$0x40] =	vst v2  }
0x1e3: {  	v2 =	vmul.f32 $8.000000000e+00, v6;
	[tilespmem:s10+$0x60] =	vst v8;
	v6 =	vld [tilespmem:s0+$0xFFFFFFD0]  }
0x1e4: {  	[tilespmem:s10+$0xFFFFFFA0] =	vst v5;
	v1 =	vmul.f32 $8.000000000e+00, v1;
	v5 =	vld [tilespmem:s15+$0x70]  }
0x1e5: {  	v8 =	vld [tilespmem:s15+$0xFFFFFFB0];
	[tilespmem:s10+$0xFFFFFFE0] =	vst v2;
	v2 =	vmul.f32 $8.000000000e+00, v3  }
0x1e6: {  	v3 =	vmul.f32 $8.000000000e+00, v4;
	v4 =	vld [tilespmem:s15+$0xFFFFFFF0];
	[tilespmem:s10+$0x20] =	vst v1  }
0x1e7: {  	v9 =	vld [tilespmem:s15+$0x30];
	v1 =	vmul.f32 $8.000000000e+00, v7;
	[tilespmem:s1+$0x90] =	vst v2  }
0x1e8: {  	[tilespmem:s10+$0xFFFFFF60] =	vst v3;
	v2 =	vmul.f32 $8.000000000e+00, v6;
	v3 =	vld [tilespmem:s0+$0x10]  }
0x1e9: {  	v6 =	vld [tilespmem:s15+$0xFFFFFF70];
	v5 =	vmul.f32 $8.000000000e+00, v5;
	[tilespmem:s1+$0xFFFFFF80] =	vst v1  }
0x1ea: {  	v7 =	vmul.f32 $8.000000000e+00, v8;
	v8 =	vld [tilespmem:s0+$0xFFFFFF90];
	[tilespmem:s1+$0xFFFFFFD0] =	vst v2  }
.Ltmp11:
0x1eb: {  	v10 =	vmul.f32 $8.000000000e+00, v4;
	[tilespmem:s10+$0x70] =	vst v5;
	v1 =	vld [tilespmem:s0+$0x50];
	s0 =	smov.u32 s15;
	(pc) =	sbr.rel @p1 .LBB2_21-.Ltmp11, $4  }
0x1ec: {  	[tilespmem:s10+$0xFFFFFFB0] =	vst v7;
	v9 =	vmul.f32 $8.000000000e+00, v9;
	v4 =	vld [tilespmem:s15+$0x80]  }
0x1ed: {  	v2 =	vld [tilespmem:s15+$0xFFFFFFC0];
	[tilespmem:s10+$0xFFFFFFF0] =	vst v10;
	v10 =	vmul.f32 $8.000000000e+00, v3  }
0x1ee: {  	v7 =	vmul.f32 $8.000000000e+00, v6;
	v5 =	vld [tilespmem:s15+$0x0];
	[tilespmem:s10+$0x30] =	vst v9  }
0x1ef: {  	s15 =	sadd.s32 $0x140, s15;
	v3 =	vld [tilespmem:s0+$0x40];
	v6 =	vmul.f32 $8.000000000e+00, v8;
	[tilespmem:s1+$0x10] =	vst v10  }
0x1f0: {  	[tilespmem:s10+$0xFFFFFF70] =	vst v7  }
0x1f1: {  	v7 =	vld [tilespmem:s0+$0xFFFFFF80];
	v4 =	vmul.f32 $8.000000000e+00, v4  }
0x1f2: {  	v2 =	vmul.f32 $8.000000000e+00, v2  }
0x1f3: {  	v5 =	vmul.f32 $8.000000000e+00, v5;
	[tilespmem:s10+$0x80] =	vst v4  }
0x1f4: {  	[tilespmem:s10+$0xFFFFFFC0] =	vst v2;
	v2 =	vld [tilespmem:s0+$0x90]  }
0x1f5: {  	v3 =	vmul.f32 $8.000000000e+00, v3;
	[tilespmem:s10+$0x0] =	vst v5  }
0x1f6: {  	v4 =	vmul.f32 $8.000000000e+00, v7;
	v7 =	vld [tilespmem:s0+$0x10]  }
0x1f7: {  	v5 =	vld [tilespmem:s0+$0xFFFFFFD0];
	[tilespmem:s10+$0x40] =	vst v3  }
0x1f8: {  	[tilespmem:s10+$0xFFFFFF80] =	vst v4;
	v4 =	vld [tilespmem:s0+$0x50]  }
0x1f9: {  	v3 =	vld [tilespmem:s0+$0xFFFFFF90];
	v2 =	vmul.f32 $8.000000000e+00, v2  }
0x1fa: {  	v1 =	vmul.f32 $8.000000000e+00, v1;
	[tilespmem:s1+$0xFFFFFF90] =	vst v6  }
0x1fb: {  	[tilespmem:s10+$0x90] =	vst v2;
	v2 =	vmul.f32 $8.000000000e+00, v7  }
0x1fc: {  	[tilespmem:s1+$0x50] =	vst v1;
	v1 =	vmul.f32 $8.000000000e+00, v5  }
0x1fd: {  	[tilespmem:s10+$0x10] =	vst v2;
	v2 =	vmul.f32 $8.000000000e+00, v4  }
0x1fe: {  	[tilespmem:s10+$0xFFFFFFD0] =	vst v1;
	v1 =	vmul.f32 $8.000000000e+00, v3  }
0x1ff: {  	[tilespmem:s10+$0x50] =	vst v2  }
0x200: {  	s12 =	simm.s32 $0xAFB0;
	[tilespmem:s10+$0xFFFFFF90] =	vst v1  }
0x201: {  	v1 =	vld [tilespmem:s12+$0xFFFFFFD0]  }
0x202: {  	v2 =	vld [tilespmem:s12+$0xFFFFFF10];
	_ =	sdelay $0x1  }
0x203: {  	v3 =	vld [tilespmem:s12+$0xFFFFFF50]  }
0x204: {  	v4 =	vld [tilespmem:s12+$0xFFFFFF90]  }
0x205: {  	v1 =	vmul.f32 $8.000000000e+00, v1  }
0x206: {  	s1 =	simm.s32 $0x177B0;
	v2 =	vmul.f32 $8.000000000e+00, v2  }
0x207: {  	v5 =	vld [tilespmem:s12+$0xFFFFFED0];
	[tilespmem:s1+$0xFFFFFFD0] =	vst v1  }
0x208: {  	v3 =	vmul.f32 $8.000000000e+00, v3;
	[tilespmem:s1+$0xFFFFFF10] =	vst v2;
	v2 =	vld [tilespmem:s12+$0xFFFFFFE0]  }
0x209: {  	v1 =	vmul.f32 $8.000000000e+00, v4  }
0x20a: {  	[tilespmem:s1+$0xFFFFFF50] =	vst v3;
	v4 =	vld [tilespmem:s12+$0xFFFFFF20]  }
0x20b: {  	v3 =	vld [tilespmem:s12+$0xFFFFFF60];
	[tilespmem:s1+$0xFFFFFF90] =	vst v1  }
0x20c: {  	v5 =	vmul.f32 $8.000000000e+00, v5;
	v1 =	vld [tilespmem:s12+$0xFFFFFFA0]  }
0x20d: {  	v2 =	vmul.f32 $8.000000000e+00, v2  }
0x20e: {  	[tilespmem:s1+$0xFFFFFED0] =	vst v5  }
0x20f: {  	v5 =	vld [tilespmem:s12+$0xFFFFFEE0];
	v4 =	vmul.f32 $8.000000000e+00, v4;
	[tilespmem:s1+$0xFFFFFFE0] =	vst v2  }
0x210: {  	s0 =	simm.s32 $0xB0F0;
	v3 =	vmul.f32 $8.000000000e+00, v3;
	v2 =	vld [tilespmem:s12+$0xFFFFFFF0]  }
0x211: {  	v6 =	vld [tilespmem:s0+$0xFFFFFFD0];
	[tilespmem:s1+$0xFFFFFF20] =	vst v4;
	v1 =	vmul.f32 $8.000000000e+00, v1  }
0x212: {  	[tilespmem:s1+$0xFFFFFF60] =	vst v3;
	v4 =	vld [tilespmem:s12+$0xFFFFFF30]  }
0x213: {  	v3 =	vld [tilespmem:s12+$0xFFFFFF70];
	[tilespmem:s1+$0xFFFFFFA0] =	vst v1  }
0x214: {  	v5 =	vmul.f32 $8.000000000e+00, v5;
	v1 =	vld [tilespmem:s12+$0xFFFFFFB0]  }
0x215: {  	v7 =	vld [tilespmem:s0+$0xFFFFFF10];
	v2 =	vmul.f32 $8.000000000e+00, v2  }
0x216: {  	v6 =	vmul.f32 $8.000000000e+00, v6;
	[tilespmem:s1+$0xFFFFFEE0] =	vst v5;
	v5 =	vld [tilespmem:s0+$0xFFFFFF50]  }
0x217: {  	s10 =	simm.s32 $0x178F0;
	v8 =	vld [tilespmem:s0+$0xFFFFFF90];
	v4 =	vmul.f32 $8.000000000e+00, v4;
	[tilespmem:s1+$0xFFFFFFF0] =	vst v2  }
0x218: {  	[tilespmem:s10+$0xFFFFFFD0] =	vst v6;
	v3 =	vmul.f32 $8.000000000e+00, v3;
	v2 =	vld [tilespmem:s12+$0x0]  }
0x219: {  	[tilespmem:s1+$0xFFFFFF30] =	vst v4;
	v1 =	vmul.f32 $8.000000000e+00, v1;
	v4 =	vld [tilespmem:s0+$0xFFFFFED0]  }
0x21a: {  	[tilespmem:s1+$0xFFFFFF70] =	vst v3;
	v3 =	vmul.f32 $8.000000000e+00, v7;
	v7 =	vld [tilespmem:s12+$0xFFFFFEF0]  }
0x21b: {  	[tilespmem:s1+$0xFFFFFFB0] =	vst v1;
	v1 =	vmul.f32 $8.000000000e+00, v5;
	v5 =	vld [tilespmem:s12+$0xFFFFFF40]  }
0x21c: {  	v6 =	vld [tilespmem:s0+$0xFFFFFFE0];
	[tilespmem:s10+$0xFFFFFF10] =	vst v3;
	v3 =	vmul.f32 $8.000000000e+00, v8  }
0x21d: {  	v8 =	vld [tilespmem:s0+$0xFFFFFF20];
	[tilespmem:s10+$0xFFFFFF50] =	vst v1;
	v1 =	vmul.f32 $8.000000000e+00, v2  }
0x21e: {  	[tilespmem:s10+$0xFFFFFF90] =	vst v3;
	v2 =	vmul.f32 $8.000000000e+00, v4;
	v4 =	vld [tilespmem:s0+$0xFFFFFF60]  }
0x21f: {  	v3 =	vld [tilespmem:s0+$0xFFFFFFA0];
	v7 =	vmul.f32 $8.000000000e+00, v7;
	[tilespmem:s1+$0x0] =	vst v1  }
0x220: {  	[tilespmem:s10+$0xFFFFFED0] =	vst v2;
	v1 =	vmul.f32 $8.000000000e+00, v5;
	v5 =	vld [tilespmem:s12+$0xFFFFFF80]  }
0x221: {  	[tilespmem:s1+$0xFFFFFEF0] =	vst v7;
	v2 =	vmul.f32 $8.000000000e+00, v6;
	v9 =	vld [tilespmem:s0+$0xFFFFFEE0]  }
0x222: {  	v6 =	vmul.f32 $8.000000000e+00, v8;
	v8 =	vld [tilespmem:s12+$0xFFFFFF00];
	[tilespmem:s1+$0xFFFFFF40] =	vst v1  }
0x223: {  	[tilespmem:s10+$0xFFFFFFE0] =	vst v2;
	v1 =	vld [tilespmem:s12+$0xFFFFFFC0];
	v7 =	vmul.f32 $8.000000000e+00, v4  }
0x224: {  	[tilespmem:s10+$0xFFFFFF20] =	vst v6;
	v3 =	vmul.f32 $8.000000000e+00, v3;
	v4 =	vld [tilespmem:s0+$0xFFFFFFF0]  }
0x225: {  	v2 =	vld [tilespmem:s0+$0xFFFFFF30];
	[tilespmem:s10+$0xFFFFFF60] =	vst v7;
	v10 =	vmul.f32 $8.000000000e+00, v5  }
0x226: {  	[tilespmem:s10+$0xFFFFFFA0] =	vst v3;
	v5 =	vld [tilespmem:s0+$0xFFFFFF70];
	v7 =	vmul.f32 $8.000000000e+00, v9  }
0x227: {  	s15 =	simm.s32 $0xB230;
	s12 =	simm.s32 $0x5;
	v3 =	vld [tilespmem:s0+$0xFFFFFFB0];
	v6 =	vmul.f32 $8.000000000e+00, v8;
	[tilespmem:s1+$0xFFFFFF80] =	vst v10  }
.LBB2_23:
0x228: {  	v8 =	vld [tilespmem:s15+$0xFFFFFFD0];
	s12 =	sadd.s32 $0x5, s12;
	[tilespmem:s10+$0xFFFFFEE0] =	vst v7;
	v1 =	vmul.f32 $8.000000000e+00, v1  }
0x229: {  	v7 =	vld [tilespmem:s15+$0xFFFFFF10];
	p1 =	slt.u32 s12, $0x2D;
	v4 =	vmul.f32 $8.000000000e+00, v4;
	[tilespmem:s1+$0xFFFFFF00] =	vst v6  }
0x22a: {  	v6 =	vld [tilespmem:s15+$0xFFFFFF50];
	v2 =	vmul.f32 $8.000000000e+00, v2;
	[tilespmem:s1+$0xFFFFFFC0] =	vst v1;
	s1 =	smov.u32 s10  }
0x22b: {  	v1 =	vld [tilespmem:s15+$0xFFFFFF90];
	v5 =	vmul.f32 $8.000000000e+00, v5;
	[tilespmem:s10+$0xFFFFFFF0] =	vst v4  }
0x22c: {  	[tilespmem:s10+$0xFFFFFF30] =	vst v2;
	v2 =	vmul.f32 $8.000000000e+00, v3;
	v3 =	vld [tilespmem:s0+$0x0]  }
0x22d: {  	v4 =	vld [tilespmem:s15+$0xFFFFFED0];
	v8 =	vmul.f32 $8.000000000e+00, v8;
	[tilespmem:s10+$0xFFFFFF70] =	vst v5  }
0x22e: {  	s10 =	sadd.s32 $0x140, s10;
	v5 =	vmul.f32 $8.000000000e+00, v7;
	v7 =	vld [tilespmem:s0+$0xFFFFFEF0];
	[tilespmem:s1+$0xFFFFFFB0] =	vst v2  }
0x22f: {  	v2 =	vmul.f32 $8.000000000e+00, v6;
	[tilespmem:s10+$0xFFFFFFD0] =	vst v8;
	v6 =	vld [tilespmem:s0+$0xFFFFFF40]  }
0x230: {  	[tilespmem:s10+$0xFFFFFF10] =	vst v5;
	v1 =	vmul.f32 $8.000000000e+00, v1;
	v5 =	vld [tilespmem:s15+$0xFFFFFFE0]  }
0x231: {  	v8 =	vld [tilespmem:s15+$0xFFFFFF20];
	[tilespmem:s10+$0xFFFFFF50] =	vst v2;
	v2 =	vmul.f32 $8.000000000e+00, v3  }
0x232: {  	v3 =	vmul.f32 $8.000000000e+00, v4;
	v4 =	vld [tilespmem:s15+$0xFFFFFF60];
	[tilespmem:s10+$0xFFFFFF90] =	vst v1  }
0x233: {  	v9 =	vld [tilespmem:s15+$0xFFFFFFA0];
	v1 =	vmul.f32 $8.000000000e+00, v7;
	[tilespmem:s1+$0x0] =	vst v2  }
0x234: {  	[tilespmem:s10+$0xFFFFFED0] =	vst v3;
	v2 =	vmul.f32 $8.000000000e+00, v6;
	v3 =	vld [tilespmem:s0+$0xFFFFFF80]  }
0x235: {  	v6 =	vld [tilespmem:s15+$0xFFFFFEE0];
	v5 =	vmul.f32 $8.000000000e+00, v5;
	[tilespmem:s1+$0xFFFFFEF0] =	vst v1  }
0x236: {  	v7 =	vmul.f32 $8.000000000e+00, v8;
	v8 =	vld [tilespmem:s0+$0xFFFFFF00];
	[tilespmem:s1+$0xFFFFFF40] =	vst v2  }
.Ltmp12:
0x237: {  	v10 =	vmul.f32 $8.000000000e+00, v4;
	[tilespmem:s10+$0xFFFFFFE0] =	vst v5;
	v1 =	vld [tilespmem:s0+$0xFFFFFFC0];
	s0 =	smov.u32 s15;
	(pc) =	sbr.rel @p1 .LBB2_23-.Ltmp12, $4  }
0x238: {  	[tilespmem:s10+$0xFFFFFF20] =	vst v7;
	v9 =	vmul.f32 $8.000000000e+00, v9;
	v4 =	vld [tilespmem:s15+$0xFFFFFFF0]  }
0x239: {  	v2 =	vld [tilespmem:s15+$0xFFFFFF30];
	[tilespmem:s10+$0xFFFFFF60] =	vst v10;
	v10 =	vmul.f32 $8.000000000e+00, v3  }
0x23a: {  	v7 =	vmul.f32 $8.000000000e+00, v6;
	v5 =	vld [tilespmem:s15+$0xFFFFFF70];
	[tilespmem:s10+$0xFFFFFFA0] =	vst v9  }
0x23b: {  	s15 =	sadd.s32 $0x140, s15;
	v3 =	vld [tilespmem:s0+$0xFFFFFFB0];
	v6 =	vmul.f32 $8.000000000e+00, v8;
	[tilespmem:s1+$0xFFFFFF80] =	vst v10  }
0x23c: {  	[tilespmem:s10+$0xFFFFFEE0] =	vst v7  }
0x23d: {  	v7 =	vld [tilespmem:s0+$0xFFFFFEF0];
	v4 =	vmul.f32 $8.000000000e+00, v4  }
0x23e: {  	v2 =	vmul.f32 $8.000000000e+00, v2  }
0x23f: {  	v5 =	vmul.f32 $8.000000000e+00, v5;
	[tilespmem:s10+$0xFFFFFFF0] =	vst v4  }
0x240: {  	[tilespmem:s10+$0xFFFFFF30] =	vst v2;
	v2 =	vld [tilespmem:s0+$0x0]  }
0x241: {  	v3 =	vmul.f32 $8.000000000e+00, v3;
	[tilespmem:s10+$0xFFFFFF70] =	vst v5  }
0x242: {  	v4 =	vmul.f32 $8.000000000e+00, v7;
	v7 =	vld [tilespmem:s0+$0xFFFFFF80]  }
0x243: {  	v5 =	vld [tilespmem:s0+$0xFFFFFF40];
	[tilespmem:s10+$0xFFFFFFB0] =	vst v3  }
0x244: {  	[tilespmem:s10+$0xFFFFFEF0] =	vst v4;
	v4 =	vld [tilespmem:s0+$0xFFFFFFC0]  }
0x245: {  	v3 =	vld [tilespmem:s0+$0xFFFFFF00];
	v2 =	vmul.f32 $8.000000000e+00, v2  }
0x246: {  	v1 =	vmul.f32 $8.000000000e+00, v1;
	[tilespmem:s1+$0xFFFFFF00] =	vst v6  }
0x247: {  	[tilespmem:s10+$0x0] =	vst v2;
	v2 =	vmul.f32 $8.000000000e+00, v7  }
0x248: {  	[tilespmem:s1+$0xFFFFFFC0] =	vst v1;
	v1 =	vmul.f32 $8.000000000e+00, v5  }
0x249: {  	[tilespmem:s10+$0xFFFFFF80] =	vst v2;
	v2 =	vmul.f32 $8.000000000e+00, v4  }
0x24a: {  	[tilespmem:s10+$0xFFFFFF40] =	vst v1;
	v1 =	vmul.f32 $8.000000000e+00, v3  }
0x24b: {  	[tilespmem:s10+$0xFFFFFFC0] =	vst v2  }
0x24c: {  	s12 =	simm.s32 $0xBC30;
	[tilespmem:s10+$0xFFFFFF00] =	vst v1  }
0x24d: {  	v1 =	vld [tilespmem:s12+$0xFFFFFFD0]  }
0x24e: {  	v2 =	vld [tilespmem:s12+$0xFFFFFF10]  }
0x24f: {  	v3 =	vld [tilespmem:s12+$0xFFFFFF50]  }
0x250: {  	v4 =	vld [tilespmem:s12+$0xFFFFFF90];
	_ =	sdelay $0x1  }
0x251: {  	v1 =	vmul.f32 $8.000000000e+00, v1  }
0x252: {  	s1 =	simm.s32 $0x18430;
	v5 =	vld [tilespmem:s12+$0xFFFFFED0];
	v2 =	vmul.f32 $8.000000000e+00, v2  }
0x253: {  	v3 =	vmul.f32 $8.000000000e+00, v3;
	[tilespmem:s1+$0xFFFFFFD0] =	vst v1  }
0x254: {  	[tilespmem:s1+$0xFFFFFF10] =	vst v2;
	v1 =	vmul.f32 $8.000000000e+00, v4;
	v2 =	vld [tilespmem:s12+$0xFFFFFFE0]  }
0x255: {  	[tilespmem:s1+$0xFFFFFF50] =	vst v3;
	v4 =	vld [tilespmem:s12+$0xFFFFFF20]  }
0x256: {  	v3 =	vld [tilespmem:s12+$0xFFFFFF60];
	[tilespmem:s1+$0xFFFFFF90] =	vst v1  }
0x257: {  	v1 =	vmul.f32 $8.000000000e+00, v5;
	v5 =	vld [tilespmem:s12+$0xFFFFFFA0];
	_ =	sdelay $0x1  }
0x258: {  	[tilespmem:s1+$0xFFFFFED0] =	vst v1;
	v1 =	vmul.f32 $8.000000000e+00, v2  }
0x259: {  	p2 =	por $0x1, $0x1;
	v2 =	vld [tilespmem:s12+$0xFFFFFEE0];
	v4 =	vmul.f32 $8.000000000e+00, v4  }
.Ltmp13:
0x25a: {  	v3 =	vmul.f32 $8.000000000e+00, v3;
	[tilespmem:s1+$0xFFFFFFE0] =	vst v1;
	(pc) =	sbr.rel @!p2 .LBB2_25-.Ltmp13, $4  }
0x25b: {  	[tilespmem:s1+$0xFFFFFF20] =	vst v4;
	v6 =	vmul.f32 $8.000000000e+00, v5;
	v4 =	vld [tilespmem:s12+$0xFFFFFFF0]  }
0x25c: {  	[tilespmem:s1+$0xFFFFFF60] =	vst v3;
	v1 =	vld [tilespmem:s12+$0xFFFFFF30]  }
0x25d: {  	v5 =	vld [tilespmem:s12+$0xFFFFFF70];
	[tilespmem:s1+$0xFFFFFFA0] =	vst v6  }
0x25e: {  	p1 =	por $0x0, $0x0;
	s10 =	simm.s32 $0xBD70;
	v7 =	vmul.f32 $8.000000000e+00, v2;
	v2 =	vld [tilespmem:s12+$0xFFFFFFB0]  }
0x25f: {  	v3 =	vld [tilespmem:s10+$0xFFFFFFD0]  }
0x260: {  	v6 =	vld [tilespmem:s10+$0xFFFFFF10];
	v4 =	vmul.f32 $8.000000000e+00, v4  }
0x261: {  	[tilespmem:s1+$0xFFFFFEE0] =	vst v7;
	v7 =	vld [tilespmem:s10+$0xFFFFFF50];
	v1 =	vmul.f32 $8.000000000e+00, v1  }
0x262: {  	v8 =	vld [tilespmem:s10+$0xFFFFFF90];
	v5 =	vmul.f32 $8.000000000e+00, v5;
	[tilespmem:s1+$0xFFFFFFF0] =	vst v4  }
0x263: {  	[tilespmem:s1+$0xFFFFFF30] =	vst v1;
	v1 =	vmul.f32 $8.000000000e+00, v2;
	v2 =	vld [tilespmem:s12+$0x0]  }
0x264: {  	v4 =	vld [tilespmem:s10+$0xFFFFFED0];
	v3 =	vmul.f32 $8.000000000e+00, v3;
	[tilespmem:s1+$0xFFFFFF70] =	vst v5  }
0x265: {  	s0 =	simm.s32 $0x18570;
	v5 =	vmul.f32 $8.000000000e+00, v6;
	v6 =	vld [tilespmem:s12+$0xFFFFFEF0];
	[tilespmem:s1+$0xFFFFFFB0] =	vst v1  }
0x266: {  	v1 =	vmul.f32 $8.000000000e+00, v7;
	[tilespmem:s0+$0xFFFFFFD0] =	vst v3;
	v3 =	vld [tilespmem:s12+$0xFFFFFF40]  }
0x267: {  	[tilespmem:s0+$0xFFFFFF10] =	vst v5;
	v5 =	vmul.f32 $8.000000000e+00, v8;
	v7 =	vld [tilespmem:s10+$0xFFFFFFE0]  }
0x268: {  	v8 =	vld [tilespmem:s10+$0xFFFFFF20];
	[tilespmem:s0+$0xFFFFFF50] =	vst v1;
	v1 =	vmul.f32 $8.000000000e+00, v2  }
0x269: {  	v2 =	vmul.f32 $8.000000000e+00, v4;
	v4 =	vld [tilespmem:s10+$0xFFFFFF60];
	[tilespmem:s0+$0xFFFFFF90] =	vst v5  }
0x26a: {  	v5 =	vld [tilespmem:s10+$0xFFFFFFA0];
	v6 =	vmul.f32 $8.000000000e+00, v6;
	[tilespmem:s1+$0x0] =	vst v1  }
0x26b: {  	[tilespmem:s0+$0xFFFFFED0] =	vst v2;
	v2 =	vld [tilespmem:s12+$0xFFFFFF80];
	v1 =	vmul.f32 $8.000000000e+00, v3  }
0x26c: {  	v9 =	vld [tilespmem:s10+$0xFFFFFEE0];
	[tilespmem:s1+$0xFFFFFEF0] =	vst v6;
	v3 =	vmul.f32 $8.000000000e+00, v7  }
0x26d: {  	p4 =	por $0x1, $0x1;
	v6 =	vmul.f32 $8.000000000e+00, v8;
	v8 =	vld [tilespmem:s12+$0xFFFFFF00];
	[tilespmem:s1+$0xFFFFFF40] =	vst v1  }
.Ltmp14:
0x26e: {  	v7 =	vmul.f32 $8.000000000e+00, v4;
	[tilespmem:s0+$0xFFFFFFE0] =	vst v3;
	v3 =	vld [tilespmem:s12+$0xFFFFFFC0];
	(pc) =	sbr.rel @!p4 .LBB2_27-.Ltmp14, $4  }
0x26f: {  	[tilespmem:s0+$0xFFFFFF20] =	vst v6;
	v6 =	vmul.f32 $8.000000000e+00, v5;
	v4 =	vld [tilespmem:s10+$0xFFFFFFF0]  }
0x270: {  	v1 =	vld [tilespmem:s10+$0xFFFFFF30];
	[tilespmem:s0+$0xFFFFFF60] =	vst v7;
	v10 =	vmul.f32 $8.000000000e+00, v2  }
0x271: {  	v5 =	vld [tilespmem:s10+$0xFFFFFF70];
	[tilespmem:s0+$0xFFFFFFA0] =	vst v6;
	v7 =	vmul.f32 $8.000000000e+00, v9  }
0x272: {  	s15 =	simm.s32 $0xBEB0;
	p3 =	por $0x1, $0x1;
	s12 =	simm.s32 $0x5;
	v2 =	vld [tilespmem:s10+$0xFFFFFFB0];
	v6 =	vmul.f32 $8.000000000e+00, v8;
	[tilespmem:s1+$0xFFFFFF80] =	vst v10  }
.LBB2_28:
0x273: {  	v8 =	vld [tilespmem:s15+$0xFFFFFFD0];
	s12 =	sadd.s32 $0x5, s12;
	[tilespmem:s0+$0xFFFFFEE0] =	vst v7;
	v3 =	vmul.f32 $8.000000000e+00, v3  }
0x274: {  	v7 =	vld [tilespmem:s15+$0xFFFFFF10];
	p4 =	slt.u32 s12, $0x2D;
	v4 =	vmul.f32 $8.000000000e+00, v4;
	[tilespmem:s1+$0xFFFFFF00] =	vst v6  }
0x275: {  	v6 =	vld [tilespmem:s15+$0xFFFFFF50];
	v1 =	vmul.f32 $8.000000000e+00, v1;
	[tilespmem:s1+$0xFFFFFFC0] =	vst v3;
	s1 =	smov.u32 s0  }
0x276: {  	v3 =	vld [tilespmem:s15+$0xFFFFFF90];
	v5 =	vmul.f32 $8.000000000e+00, v5;
	[tilespmem:s0+$0xFFFFFFF0] =	vst v4  }
0x277: {  	[tilespmem:s0+$0xFFFFFF30] =	vst v1;
	v1 =	vmul.f32 $8.000000000e+00, v2;
	v2 =	vld [tilespmem:s10+$0x0]  }
0x278: {  	v4 =	vld [tilespmem:s15+$0xFFFFFED0];
	v8 =	vmul.f32 $8.000000000e+00, v8;
	[tilespmem:s0+$0xFFFFFF70] =	vst v5  }
0x279: {  	s0 =	sadd.s32 $0x140, s0;
	v5 =	vmul.f32 $8.000000000e+00, v7;
	v7 =	vld [tilespmem:s10+$0xFFFFFEF0];
	[tilespmem:s1+$0xFFFFFFB0] =	vst v1  }
0x27a: {  	v1 =	vmul.f32 $8.000000000e+00, v6;
	[tilespmem:s0+$0xFFFFFFD0] =	vst v8;
	v6 =	vld [tilespmem:s10+$0xFFFFFF40]  }
0x27b: {  	[tilespmem:s0+$0xFFFFFF10] =	vst v5;
	v3 =	vmul.f32 $8.000000000e+00, v3;
	v5 =	vld [tilespmem:s15+$0xFFFFFFE0]  }
0x27c: {  	v8 =	vld [tilespmem:s15+$0xFFFFFF20];
	[tilespmem:s0+$0xFFFFFF50] =	vst v1;
	v1 =	vmul.f32 $8.000000000e+00, v2  }
0x27d: {  	v2 =	vmul.f32 $8.000000000e+00, v4;
	v4 =	vld [tilespmem:s15+$0xFFFFFF60];
	[tilespmem:s0+$0xFFFFFF90] =	vst v3  }
0x27e: {  	v9 =	vld [tilespmem:s15+$0xFFFFFFA0];
	v3 =	vmul.f32 $8.000000000e+00, v7;
	[tilespmem:s1+$0x0] =	vst v1  }
0x27f: {  	[tilespmem:s0+$0xFFFFFED0] =	vst v2;
	v1 =	vmul.f32 $8.000000000e+00, v6;
	v2 =	vld [tilespmem:s10+$0xFFFFFF80]  }
0x280: {  	v6 =	vld [tilespmem:s15+$0xFFFFFEE0];
	v5 =	vmul.f32 $8.000000000e+00, v5;
	[tilespmem:s1+$0xFFFFFEF0] =	vst v3  }
0x281: {  	v7 =	vmul.f32 $8.000000000e+00, v8;
	v8 =	vld [tilespmem:s10+$0xFFFFFF00];
	[tilespmem:s1+$0xFFFFFF40] =	vst v1  }
.Ltmp15:
0x282: {  	v10 =	vmul.f32 $8.000000000e+00, v4;
	[tilespmem:s0+$0xFFFFFFE0] =	vst v5;
	v3 =	vld [tilespmem:s10+$0xFFFFFFC0];
	s10 =	smov.u32 s15;
	(pc) =	sbr.rel @p4 .LBB2_28-.Ltmp15, $4  }
0x283: {  	[tilespmem:s0+$0xFFFFFF20] =	vst v7;
	v9 =	vmul.f32 $8.000000000e+00, v9;
	v4 =	vld [tilespmem:s15+$0xFFFFFFF0]  }
0x284: {  	v1 =	vld [tilespmem:s15+$0xFFFFFF30];
	[tilespmem:s0+$0xFFFFFF60] =	vst v10;
	v10 =	vmul.f32 $8.000000000e+00, v2  }
0x285: {  	v7 =	vmul.f32 $8.000000000e+00, v6;
	v5 =	vld [tilespmem:s15+$0xFFFFFF70];
	[tilespmem:s0+$0xFFFFFFA0] =	vst v9  }
0x286: {  	s15 =	sadd.s32 $0x140, s15;
	v2 =	vld [tilespmem:s10+$0xFFFFFFB0];
	v6 =	vmul.f32 $8.000000000e+00, v8;
	[tilespmem:s1+$0xFFFFFF80] =	vst v10  }
0x287: {  	s12 =	smov.u32 s10  }
.LBB2_30:
0x288: {  	[tilespmem:s0+$0xFFFFFEE0] =	vst v7  }
0x289: {  	v4 =	vmul.f32 $8.000000000e+00, v4;
	v7 =	vld [tilespmem:s12+$0xFFFFFEF0]  }
0x28a: {  	v1 =	vmul.f32 $8.000000000e+00, v1  }
0x28b: {  	v5 =	vmul.f32 $8.000000000e+00, v5;
	[tilespmem:s0+$0xFFFFFFF0] =	vst v4  }
0x28c: {  	[tilespmem:s0+$0xFFFFFF30] =	vst v1;
	v1 =	vld [tilespmem:s12+$0x0]  }
0x28d: {  	v2 =	vmul.f32 $8.000000000e+00, v2;
	[tilespmem:s0+$0xFFFFFF70] =	vst v5  }
0x28e: {  	v4 =	vmul.f32 $8.000000000e+00, v7;
	v7 =	vld [tilespmem:s12+$0xFFFFFF80]  }
0x28f: {  	v5 =	vld [tilespmem:s12+$0xFFFFFF40];
	[tilespmem:s0+$0xFFFFFFB0] =	vst v2  }
0x290: {  	[tilespmem:s0+$0xFFFFFEF0] =	vst v4;
	v4 =	vld [tilespmem:s12+$0xFFFFFFC0]  }
0x291: {  	v1 =	vmul.f32 $8.000000000e+00, v1;
	v2 =	vld [tilespmem:s12+$0xFFFFFF00]  }
0x292: {  	v3 =	vmul.f32 @p3 $8.000000000e+00, v3;
	[tilespmem:s1+$0xFFFFFF00] =	vst @p3 v6  }
0x293: {  	[tilespmem:s0+$0x0] =	vst v1;
	v1 =	vmul.f32 $8.000000000e+00, v7  }
0x294: {  	[tilespmem:s1+$0xFFFFFFC0] =	vst @p3 v3;
	v3 =	vmul.f32 $8.000000000e+00, v5  }
0x295: {  	[tilespmem:s0+$0xFFFFFF80] =	vst v1;
	v1 =	vmul.f32 $8.000000000e+00, v4  }
0x296: {  	[tilespmem:s0+$0xFFFFFF40] =	vst v3;
	v2 =	vmul.f32 $8.000000000e+00, v2  }
0x297: {  	[tilespmem:s0+$0xFFFFFFC0] =	vst v1  }
0x298: {  	s12 =	simm.s32 $0xC8B0;
	[tilespmem:s0+$0xFFFFFF00] =	vst v2  }
0x299: {  	v1 =	vld [tilespmem:s12+$0xFFFFFFD0]  }
0x29a: {  	v2 =	vld [tilespmem:s12+$0xFFFFFF10]  }
0x29b: {  	v3 =	vld [tilespmem:s12+$0xFFFFFF50]  }
0x29c: {  	v4 =	vld [tilespmem:s12+$0xFFFFFF90];
	_ =	sdelay $0x1  }
0x29d: {  	v1 =	vmul.f32 $8.000000000e+00, v1  }
0x29e: {  	s1 =	simm.s32 $0x190B0;
	v5 =	vld [tilespmem:s12+$0xFFFFFED0];
	v2 =	vmul.f32 $8.000000000e+00, v2  }
0x29f: {  	v3 =	vmul.f32 $8.000000000e+00, v3;
	[tilespmem:s1+$0xFFFFFFD0] =	vst v1  }
0x2a0: {  	[tilespmem:s1+$0xFFFFFF10] =	vst v2;
	v1 =	vmul.f32 $8.000000000e+00, v4;
	v2 =	vld [tilespmem:s12+$0xFFFFFFE0]  }
0x2a1: {  	[tilespmem:s1+$0xFFFFFF50] =	vst v3;
	v4 =	vld [tilespmem:s12+$0xFFFFFF20]  }
0x2a2: {  	v3 =	vld [tilespmem:s12+$0xFFFFFF60];
	[tilespmem:s1+$0xFFFFFF90] =	vst v1  }
0x2a3: {  	v1 =	vmul.f32 $8.000000000e+00, v5;
	v5 =	vld [tilespmem:s12+$0xFFFFFFA0];
	_ =	sdelay $0x1  }
0x2a4: {  	[tilespmem:s1+$0xFFFFFED0] =	vst v1;
	v1 =	vmul.f32 $8.000000000e+00, v2  }
0x2a5: {  	v2 =	vld [tilespmem:s12+$0xFFFFFEE0];
	v4 =	vmul.f32 $8.000000000e+00, v4  }
.Ltmp16:
0x2a6: {  	v3 =	vmul.f32 $8.000000000e+00, v3;
	[tilespmem:s1+$0xFFFFFFE0] =	vst v1;
	(pc) =	sbr.rel @!p2 .LBB2_31-.Ltmp16, $4  }
0x2a7: {  	[tilespmem:s1+$0xFFFFFF20] =	vst v4;
	v6 =	vmul.f32 $8.000000000e+00, v5;
	v5 =	vld [tilespmem:s12+$0xFFFFFFF0]  }
0x2a8: {  	[tilespmem:s1+$0xFFFFFF60] =	vst v3;
	v1 =	vld [tilespmem:s12+$0xFFFFFF30]  }
0x2a9: {  	v4 =	vld [tilespmem:s12+$0xFFFFFF70];
	[tilespmem:s1+$0xFFFFFFA0] =	vst v6  }
0x2aa: {  	s10 =	simm.s32 $0xC9F0;
	v7 =	vmul.f32 $8.000000000e+00, v2;
	v3 =	vld [tilespmem:s12+$0xFFFFFFB0]  }
0x2ab: {  	v2 =	vld [tilespmem:s10+$0xFFFFFFD0]  }
0x2ac: {  	v6 =	vld [tilespmem:s10+$0xFFFFFF10];
	v5 =	vmul.f32 $8.000000000e+00, v5  }
0x2ad: {  	[tilespmem:s1+$0xFFFFFEE0] =	vst v7;
	v7 =	vld [tilespmem:s10+$0xFFFFFF50];
	v1 =	vmul.f32 $8.000000000e+00, v1  }
0x2ae: {  	v8 =	vld [tilespmem:s10+$0xFFFFFF90];
	v4 =	vmul.f32 $8.000000000e+00, v4;
	[tilespmem:s1+$0xFFFFFFF0] =	vst v5  }
0x2af: {  	[tilespmem:s1+$0xFFFFFF30] =	vst v1;
	v1 =	vmul.f32 $8.000000000e+00, v3;
	v3 =	vld [tilespmem:s12+$0x0]  }
0x2b0: {  	v5 =	vld [tilespmem:s10+$0xFFFFFED0];
	v2 =	vmul.f32 $8.000000000e+00, v2;
	[tilespmem:s1+$0xFFFFFF70] =	vst v4  }
0x2b1: {  	s0 =	simm.s32 $0x191F0;
	v4 =	vmul.f32 $8.000000000e+00, v6;
	v6 =	vld [tilespmem:s12+$0xFFFFFEF0];
	[tilespmem:s1+$0xFFFFFFB0] =	vst v1  }
0x2b2: {  	v1 =	vmul.f32 $8.000000000e+00, v7;
	[tilespmem:s0+$0xFFFFFFD0] =	vst v2;
	v2 =	vld [tilespmem:s12+$0xFFFFFF40]  }
0x2b3: {  	[tilespmem:s0+$0xFFFFFF10] =	vst v4;
	v4 =	vmul.f32 $8.000000000e+00, v8;
	v7 =	vld [tilespmem:s10+$0xFFFFFFE0]  }
0x2b4: {  	v8 =	vld [tilespmem:s10+$0xFFFFFF20];
	[tilespmem:s0+$0xFFFFFF50] =	vst v1;
	v1 =	vmul.f32 $8.000000000e+00, v3  }
0x2b5: {  	v3 =	vmul.f32 $8.000000000e+00, v5;
	v5 =	vld [tilespmem:s10+$0xFFFFFF60];
	[tilespmem:s0+$0xFFFFFF90] =	vst v4  }
0x2b6: {  	v4 =	vld [tilespmem:s10+$0xFFFFFFA0];
	v6 =	vmul.f32 $8.000000000e+00, v6;
	[tilespmem:s1+$0x0] =	vst v1  }
0x2b7: {  	[tilespmem:s0+$0xFFFFFED0] =	vst v3;
	v3 =	vld [tilespmem:s12+$0xFFFFFF80];
	v1 =	vmul.f32 $8.000000000e+00, v2  }
0x2b8: {  	v9 =	vld [tilespmem:s10+$0xFFFFFEE0];
	[tilespmem:s1+$0xFFFFFEF0] =	vst v6;
	v2 =	vmul.f32 $8.000000000e+00, v7  }
0x2b9: {  	p2 =	por $0x1, $0x1;
	v6 =	vmul.f32 $8.000000000e+00, v8;
	v8 =	vld [tilespmem:s12+$0xFFFFFF00];
	[tilespmem:s1+$0xFFFFFF40] =	vst v1  }
.Ltmp17:
0x2ba: {  	v7 =	vmul.f32 $8.000000000e+00, v5;
	[tilespmem:s0+$0xFFFFFFE0] =	vst v2;
	v2 =	vld [tilespmem:s12+$0xFFFFFFC0];
	(pc) =	sbr.rel @!p2 .LBB2_33-.Ltmp17, $4  }
0x2bb: {  	[tilespmem:s0+$0xFFFFFF20] =	vst v6;
	v6 =	vmul.f32 $8.000000000e+00, v4;
	v5 =	vld [tilespmem:s10+$0xFFFFFFF0]  }
0x2bc: {  	v1 =	vld [tilespmem:s10+$0xFFFFFF30];
	[tilespmem:s0+$0xFFFFFF60] =	vst v7;
	v10 =	vmul.f32 $8.000000000e+00, v3  }
0x2bd: {  	v4 =	vld [tilespmem:s10+$0xFFFFFF70];
	[tilespmem:s0+$0xFFFFFFA0] =	vst v6;
	v7 =	vmul.f32 $8.000000000e+00, v9  }
0x2be: {  	s15 =	simm.s32 $0xCB30;
	p1 =	por $0x1, $0x1;
	s12 =	simm.s32 $0x5;
	v3 =	vld [tilespmem:s10+$0xFFFFFFB0];
	v6 =	vmul.f32 $8.000000000e+00, v8;
	[tilespmem:s1+$0xFFFFFF80] =	vst v10  }
.LBB2_34:
0x2bf: {  	v8 =	vld [tilespmem:s15+$0xFFFFFFD0];
	s12 =	sadd.s32 $0x5, s12;
	[tilespmem:s0+$0xFFFFFEE0] =	vst v7;
	v2 =	vmul.f32 $8.000000000e+00, v2  }
0x2c0: {  	v7 =	vld [tilespmem:s15+$0xFFFFFF10];
	p2 =	slt.u32 s12, $0x2D;
	v5 =	vmul.f32 $8.000000000e+00, v5;
	[tilespmem:s1+$0xFFFFFF00] =	vst v6  }
0x2c1: {  	v6 =	vld [tilespmem:s15+$0xFFFFFF50];
	v1 =	vmul.f32 $8.000000000e+00, v1;
	[tilespmem:s1+$0xFFFFFFC0] =	vst v2;
	s1 =	smov.u32 s0  }
0x2c2: {  	v2 =	vld [tilespmem:s15+$0xFFFFFF90];
	v4 =	vmul.f32 $8.000000000e+00, v4;
	[tilespmem:s0+$0xFFFFFFF0] =	vst v5  }
0x2c3: {  	[tilespmem:s0+$0xFFFFFF30] =	vst v1;
	v1 =	vmul.f32 $8.000000000e+00, v3;
	v3 =	vld [tilespmem:s10+$0x0]  }
0x2c4: {  	v5 =	vld [tilespmem:s15+$0xFFFFFED0];
	v8 =	vmul.f32 $8.000000000e+00, v8;
	[tilespmem:s0+$0xFFFFFF70] =	vst v4  }
0x2c5: {  	s0 =	sadd.s32 $0x140, s0;
	v4 =	vmul.f32 $8.000000000e+00, v7;
	v7 =	vld [tilespmem:s10+$0xFFFFFEF0];
	[tilespmem:s1+$0xFFFFFFB0] =	vst v1  }
0x2c6: {  	v1 =	vmul.f32 $8.000000000e+00, v6;
	[tilespmem:s0+$0xFFFFFFD0] =	vst v8;
	v6 =	vld [tilespmem:s10+$0xFFFFFF40]  }
0x2c7: {  	[tilespmem:s0+$0xFFFFFF10] =	vst v4;
	v2 =	vmul.f32 $8.000000000e+00, v2;
	v4 =	vld [tilespmem:s15+$0xFFFFFFE0]  }
0x2c8: {  	v8 =	vld [tilespmem:s15+$0xFFFFFF20];
	[tilespmem:s0+$0xFFFFFF50] =	vst v1;
	v1 =	vmul.f32 $8.000000000e+00, v3  }
0x2c9: {  	v3 =	vmul.f32 $8.000000000e+00, v5;
	v5 =	vld [tilespmem:s15+$0xFFFFFF60];
	[tilespmem:s0+$0xFFFFFF90] =	vst v2  }
0x2ca: {  	v9 =	vld [tilespmem:s15+$0xFFFFFFA0];
	v2 =	vmul.f32 $8.000000000e+00, v7;
	[tilespmem:s1+$0x0] =	vst v1  }
0x2cb: {  	[tilespmem:s0+$0xFFFFFED0] =	vst v3;
	v1 =	vmul.f32 $8.000000000e+00, v6;
	v3 =	vld [tilespmem:s10+$0xFFFFFF80]  }
0x2cc: {  	v6 =	vld [tilespmem:s15+$0xFFFFFEE0];
	v4 =	vmul.f32 $8.000000000e+00, v4;
	[tilespmem:s1+$0xFFFFFEF0] =	vst v2  }
0x2cd: {  	v7 =	vmul.f32 $8.000000000e+00, v8;
	v8 =	vld [tilespmem:s10+$0xFFFFFF00];
	[tilespmem:s1+$0xFFFFFF40] =	vst v1  }
.Ltmp18:
0x2ce: {  	v10 =	vmul.f32 $8.000000000e+00, v5;
	[tilespmem:s0+$0xFFFFFFE0] =	vst v4;
	v2 =	vld [tilespmem:s10+$0xFFFFFFC0];
	s10 =	smov.u32 s15;
	(pc) =	sbr.rel @p2 .LBB2_34-.Ltmp18, $4  }
0x2cf: {  	[tilespmem:s0+$0xFFFFFF20] =	vst v7;
	v9 =	vmul.f32 $8.000000000e+00, v9;
	v5 =	vld [tilespmem:s15+$0xFFFFFFF0]  }
0x2d0: {  	v1 =	vld [tilespmem:s15+$0xFFFFFF30];
	[tilespmem:s0+$0xFFFFFF60] =	vst v10;
	v10 =	vmul.f32 $8.000000000e+00, v3  }
0x2d1: {  	v7 =	vmul.f32 $8.000000000e+00, v6;
	v4 =	vld [tilespmem:s15+$0xFFFFFF70];
	[tilespmem:s0+$0xFFFFFFA0] =	vst v9  }
0x2d2: {  	s15 =	sadd.s32 $0x140, s15;
	v3 =	vld [tilespmem:s10+$0xFFFFFFB0];
	v6 =	vmul.f32 $8.000000000e+00, v8;
	[tilespmem:s1+$0xFFFFFF80] =	vst v10  }
0x2d3: {  	s12 =	smov.u32 s10  }
.LBB2_36:
0x2d4: {  	[tilespmem:s0+$0xFFFFFEE0] =	vst v7  }
0x2d5: {  	v5 =	vmul.f32 $8.000000000e+00, v5;
	v7 =	vld [tilespmem:s12+$0xFFFFFEF0]  }
0x2d6: {  	v1 =	vmul.f32 $8.000000000e+00, v1  }
0x2d7: {  	v4 =	vmul.f32 $8.000000000e+00, v4;
	[tilespmem:s0+$0xFFFFFFF0] =	vst v5  }
0x2d8: {  	[tilespmem:s0+$0xFFFFFF30] =	vst v1;
	v1 =	vld [tilespmem:s12+$0x0]  }
0x2d9: {  	v3 =	vmul.f32 $8.000000000e+00, v3;
	[tilespmem:s0+$0xFFFFFF70] =	vst v4  }
0x2da: {  	v5 =	vmul.f32 $8.000000000e+00, v7;
	v7 =	vld [tilespmem:s12+$0xFFFFFF80]  }
0x2db: {  	v4 =	vld [tilespmem:s12+$0xFFFFFF40];
	[tilespmem:s0+$0xFFFFFFB0] =	vst v3  }
0x2dc: {  	[tilespmem:s0+$0xFFFFFEF0] =	vst v5;
	v5 =	vld [tilespmem:s12+$0xFFFFFFC0]  }
0x2dd: {  	v1 =	vmul.f32 $8.000000000e+00, v1;
	v3 =	vld [tilespmem:s12+$0xFFFFFF00]  }
0x2de: {  	v2 =	vmul.f32 @p1 $8.000000000e+00, v2;
	[tilespmem:s1+$0xFFFFFF00] =	vst @p1 v6  }
0x2df: {  	[tilespmem:s0+$0x0] =	vst v1;
	v1 =	vmul.f32 $8.000000000e+00, v7  }
0x2e0: {  	s10 =	sadd.s32 s31, s3;
	[tilespmem:s1+$0xFFFFFFC0] =	vst @p1 v2;
	v2 =	vmul.f32 $8.000000000e+00, v4  }
0x2e1: {  	s1 =	smul.u32 $0x190, s10;
	[tilespmem:s0+$0xFFFFFF80] =	vst v1;
	v1 =	vmul.f32 $8.000000000e+00, v5  }
0x2e2: {  	[tilespmem:s0+$0xFFFFFF40] =	vst v2;
	v2 =	vmul.f32 $8.000000000e+00, v3  }
0x2e3: {  	s31 =	sadd.s32 s2, s1;
	[tilespmem:s0+$0xFFFFFFC0] =	vst v1  }
0x2e4: {  	s12 =	sadd.s32 $0x640, s31;
	[tilespmem:s0+$0xFFFFFF00] =	vst v2  }
0x2e5: {  	[hbm4b:s12+s4] =	stream.linear.scatter [tilespmem:s22], [sflag:$0x6], $0x3200, $0x38;
	[tilespmem:$0x19C00] =	vst v63  }
0x2e6: {  	s10 =	simm.s32 @!p0 $0xA200;
	s1 =	simm.s32 @!p0 $0x32;
	s0 =	sadd.s32 @!p0 $0x460, s30  }
0x2e7: {  	[tilespmem:s10], [sflag:$0x2] =	stream.indirect.gather @!p0 [hbm4b:s5+s1], $0x40, s0, s1, $0xb8;
	[tilespmem:$0x19C00] =	vst v63  }
0x2e8: {  	s0 =	sadd.s32 @!p0 $0x498, s30;
	s10 =	simm.s32 @!p0 $0xAE80  }
0x2e9: {  	[tilespmem:s10], [sflag:$0x2] =	stream.indirect.gather @!p0 [hbm4b:s5+s1], $0x40, s0, s1, $0xb8;
	[tilespmem:$0x19C00] =	vst v63  }
0x2ea: {  	s0 =	sadd.s32 @!p0 $0x4D0, s30;
	s10 =	simm.s32 @!p0 $0xBB00  }
0x2eb: {  	[tilespmem:s10], [sflag:$0x2] =	stream.indirect.gather @!p0 [hbm4b:s5+s1], $0x40, s0, s1, $0xb8;
	[tilespmem:$0x19C00] =	vst v63  }
0x2ec: {  	s0 =	sadd.s32 @!p0 $0x508, s30;
	s10 =	simm.s32 @!p0 $0xC780  }
0x2ed: {  	[tilespmem:s10], [sflag:$0x2] =	stream.indirect.gather @!p0 [hbm4b:s5+s1], $0x40, s0, s1, $0xb8;
	[tilespmem:$0x19C00] =	vst v63  }
0x2ee: {  	_ =	swait.ge [sflag:s23], $0xC80  }
0x2ef: {  	[sflag:s23] =	ssyncset.done $0x0  }
0x2f0: {  	[sflag:s23] =	ssyncadd.s32 $0xFFFFF380  }
0x2f1: {  	_ =	swait.ge [sflag:s23], $0xC80  }
0x2f2: {  	[sflag:s23] =	ssyncset.done $0x0  }
0x2f3: {  	[sflag:s23] =	ssyncadd.s32 $0xFFFFF380  }
0x2f4: {  	_ =	swait.ge [sflag:s23], $0xC80  }
0x2f5: {  	[sflag:s23] =	ssyncset.done $0x0  }
0x2f6: {  	[sflag:s23] =	ssyncadd.s32 $0xFFFFF380  }
0x2f7: {  	_ =	swait.ge [sflag:s23], $0xC80  }
0x2f8: {  	[sflag:s23] =	ssyncset.done $0x0  }
0x2f9: {  	[sflag:s23] =	ssyncadd.s32 $0xFFFFF380  }
0x2fa: {  	_ =	swait.ge [sflag:s24], $0x3200  }
0x2fb: {  	[sflag:s24] =	ssyncset.done $0x0  }
0x2fc: {  	s15 =	simm.s32 $0xD4A0;
	[sflag:s24] =	ssyncadd.s32 $0xFFFFCE00  }
0x2fd: {  	v1 =	vld [tilespmem:s15+$0x60]  }
0x2fe: {  	v2 =	vld [tilespmem:s15+$0xFFFFFFA0];
	_ =	sdelay $0x1  }
0x2ff: {  	v3 =	vld [tilespmem:s15+$0xFFFFFFE0]  }
0x300: {  	v4 =	vld [tilespmem:s15+$0x20]  }
0x301: {  	v1 =	vmul.f32 $8.000000000e+00, v1  }
0x302: {  	s1 =	simm.s32 $0x138A0;
	v2 =	vmul.f32 $8.000000000e+00, v2  }
0x303: {  	v5 =	vld [tilespmem:s15+$0xFFFFFF60];
	[tilespmem:s1+$0x60] =	vst v1  }
0x304: {  	v3 =	vmul.f32 $8.000000000e+00, v3;
	[tilespmem:s1+$0xFFFFFFA0] =	vst v2;
	v2 =	vld [tilespmem:s15+$0x70]  }
0x305: {  	v1 =	vmul.f32 $8.000000000e+00, v4  }
0x306: {  	[tilespmem:s1+$0xFFFFFFE0] =	vst v3;
	v4 =	vld [tilespmem:s15+$0xFFFFFFB0]  }
0x307: {  	v3 =	vld [tilespmem:s15+$0xFFFFFFF0];
	[tilespmem:s1+$0x20] =	vst v1  }
0x308: {  	v5 =	vmul.f32 $8.000000000e+00, v5;
	v1 =	vld [tilespmem:s15+$0x30]  }
0x309: {  	v2 =	vmul.f32 $8.000000000e+00, v2  }
0x30a: {  	[tilespmem:s1+$0xFFFFFF60] =	vst v5  }
0x30b: {  	v5 =	vld [tilespmem:s15+$0xFFFFFF70];
	v4 =	vmul.f32 $8.000000000e+00, v4;
	[tilespmem:s1+$0x70] =	vst v2  }
0x30c: {  	s0 =	simm.s32 $0xD5E0;
	v3 =	vmul.f32 $8.000000000e+00, v3;
	v2 =	vld [tilespmem:s15+$0x80]  }
0x30d: {  	v6 =	vld [tilespmem:s0+$0x60];
	[tilespmem:s1+$0xFFFFFFB0] =	vst v4;
	v1 =	vmul.f32 $8.000000000e+00, v1  }
0x30e: {  	[tilespmem:s1+$0xFFFFFFF0] =	vst v3;
	v4 =	vld [tilespmem:s15+$0xFFFFFFC0]  }
0x30f: {  	v3 =	vld [tilespmem:s15+$0x0];
	[tilespmem:s1+$0x30] =	vst v1  }
0x310: {  	v5 =	vmul.f32 $8.000000000e+00, v5;
	v1 =	vld [tilespmem:s15+$0x40]  }
0x311: {  	v7 =	vld [tilespmem:s0+$0xFFFFFFA0];
	v2 =	vmul.f32 $8.000000000e+00, v2  }
0x312: {  	v6 =	vmul.f32 $8.000000000e+00, v6;
	[tilespmem:s1+$0xFFFFFF70] =	vst v5;
	v5 =	vld [tilespmem:s0+$0xFFFFFFE0]  }
0x313: {  	s10 =	simm.s32 $0x139E0;
	v8 =	vld [tilespmem:s0+$0x20];
	v4 =	vmul.f32 $8.000000000e+00, v4;
	[tilespmem:s1+$0x80] =	vst v2  }
0x314: {  	[tilespmem:s10+$0x60] =	vst v6;
	v3 =	vmul.f32 $8.000000000e+00, v3;
	v2 =	vld [tilespmem:s15+$0x90]  }
0x315: {  	[tilespmem:s1+$0xFFFFFFC0] =	vst v4;
	v1 =	vmul.f32 $8.000000000e+00, v1;
	v4 =	vld [tilespmem:s0+$0xFFFFFF60]  }
0x316: {  	[tilespmem:s1+$0x0] =	vst v3;
	v3 =	vmul.f32 $8.000000000e+00, v7;
	v7 =	vld [tilespmem:s15+$0xFFFFFF80]  }
0x317: {  	[tilespmem:s1+$0x40] =	vst v1;
	v1 =	vmul.f32 $8.000000000e+00, v5;
	v5 =	vld [tilespmem:s15+$0xFFFFFFD0]  }
0x318: {  	v6 =	vld [tilespmem:s0+$0x70];
	[tilespmem:s10+$0xFFFFFFA0] =	vst v3;
	v3 =	vmul.f32 $8.000000000e+00, v8  }
0x319: {  	v8 =	vld [tilespmem:s0+$0xFFFFFFB0];
	[tilespmem:s10+$0xFFFFFFE0] =	vst v1;
	v1 =	vmul.f32 $8.000000000e+00, v2  }
0x31a: {  	[tilespmem:s10+$0x20] =	vst v3;
	v2 =	vmul.f32 $8.000000000e+00, v4;
	v4 =	vld [tilespmem:s0+$0xFFFFFFF0]  }
0x31b: {  	v3 =	vld [tilespmem:s0+$0x30];
	v7 =	vmul.f32 $8.000000000e+00, v7;
	[tilespmem:s1+$0x90] =	vst v1  }
0x31c: {  	[tilespmem:s10+$0xFFFFFF60] =	vst v2;
	v1 =	vmul.f32 $8.000000000e+00, v5;
	v5 =	vld [tilespmem:s15+$0x10]  }
0x31d: {  	[tilespmem:s1+$0xFFFFFF80] =	vst v7;
	v2 =	vmul.f32 $8.000000000e+00, v6;
	v9 =	vld [tilespmem:s0+$0xFFFFFF70]  }
0x31e: {  	v6 =	vmul.f32 $8.000000000e+00, v8;
	v8 =	vld [tilespmem:s15+$0xFFFFFF90];
	[tilespmem:s1+$0xFFFFFFD0] =	vst v1  }
0x31f: {  	[tilespmem:s10+$0x70] =	vst v2;
	v1 =	vld [tilespmem:s15+$0x50];
	v7 =	vmul.f32 $8.000000000e+00, v4  }
0x320: {  	[tilespmem:s10+$0xFFFFFFB0] =	vst v6;
	v3 =	vmul.f32 $8.000000000e+00, v3;
	v4 =	vld [tilespmem:s0+$0x80]  }
0x321: {  	v2 =	vld [tilespmem:s0+$0xFFFFFFC0];
	[tilespmem:s10+$0xFFFFFFF0] =	vst v7;
	v10 =	vmul.f32 $8.000000000e+00, v5  }
0x322: {  	[tilespmem:s10+$0x30] =	vst v3;
	v5 =	vld [tilespmem:s0+$0x0];
	v7 =	vmul.f32 $8.000000000e+00, v9  }
0x323: {  	s12 =	simm.s32 $0x5;
	s15 =	simm.s32 $0xD720;
	v3 =	vld [tilespmem:s0+$0x40];
	v6 =	vmul.f32 $8.000000000e+00, v8;
	[tilespmem:s1+$0x10] =	vst v10  }
.LBB2_37:
0x324: {  	v8 =	vld [tilespmem:s15+$0x60];
	s12 =	sadd.s32 $0x5, s12;
	[tilespmem:s10+$0xFFFFFF70] =	vst v7;
	v1 =	vmul.f32 $8.000000000e+00, v1  }
0x325: {  	v7 =	vld [tilespmem:s15+$0xFFFFFFA0];
	p1 =	slt.u32 s12, $0x2D;
	v4 =	vmul.f32 $8.000000000e+00, v4;
	[tilespmem:s1+$0xFFFFFF90] =	vst v6  }
0x326: {  	v6 =	vld [tilespmem:s15+$0xFFFFFFE0];
	v2 =	vmul.f32 $8.000000000e+00, v2;
	[tilespmem:s1+$0x50] =	vst v1;
	s1 =	smov.u32 s10  }
0x327: {  	v1 =	vld [tilespmem:s15+$0x20];
	v5 =	vmul.f32 $8.000000000e+00, v5;
	[tilespmem:s10+$0x80] =	vst v4  }
0x328: {  	[tilespmem:s10+$0xFFFFFFC0] =	vst v2;
	v2 =	vmul.f32 $8.000000000e+00, v3;
	v3 =	vld [tilespmem:s0+$0x90]  }
0x329: {  	v4 =	vld [tilespmem:s15+$0xFFFFFF60];
	v8 =	vmul.f32 $8.000000000e+00, v8;
	[tilespmem:s10+$0x0] =	vst v5  }
0x32a: {  	s10 =	sadd.s32 $0x140, s10;
	v5 =	vmul.f32 $8.000000000e+00, v7;
	v7 =	vld [tilespmem:s0+$0xFFFFFF80];
	[tilespmem:s1+$0x40] =	vst v2  }
0x32b: {  	v2 =	vmul.f32 $8.000000000e+00, v6;
	[tilespmem:s10+$0x60] =	vst v8;
	v6 =	vld [tilespmem:s0+$0xFFFFFFD0]  }
0x32c: {  	[tilespmem:s10+$0xFFFFFFA0] =	vst v5;
	v1 =	vmul.f32 $8.000000000e+00, v1;
	v5 =	vld [tilespmem:s15+$0x70]  }
0x32d: {  	v8 =	vld [tilespmem:s15+$0xFFFFFFB0];
	[tilespmem:s10+$0xFFFFFFE0] =	vst v2;
	v2 =	vmul.f32 $8.000000000e+00, v3  }
0x32e: {  	v3 =	vmul.f32 $8.000000000e+00, v4;
	v4 =	vld [tilespmem:s15+$0xFFFFFFF0];
	[tilespmem:s10+$0x20] =	vst v1  }
0x32f: {  	v9 =	vld [tilespmem:s15+$0x30];
	v1 =	vmul.f32 $8.000000000e+00, v7;
	[tilespmem:s1+$0x90] =	vst v2  }
0x330: {  	[tilespmem:s10+$0xFFFFFF60] =	vst v3;
	v2 =	vmul.f32 $8.000000000e+00, v6;
	v3 =	vld [tilespmem:s0+$0x10]  }
0x331: {  	v6 =	vld [tilespmem:s15+$0xFFFFFF70];
	v5 =	vmul.f32 $8.000000000e+00, v5;
	[tilespmem:s1+$0xFFFFFF80] =	vst v1  }
0x332: {  	v7 =	vmul.f32 $8.000000000e+00, v8;
	v8 =	vld [tilespmem:s0+$0xFFFFFF90];
	[tilespmem:s1+$0xFFFFFFD0] =	vst v2  }
.Ltmp19:
0x333: {  	v10 =	vmul.f32 $8.000000000e+00, v4;
	[tilespmem:s10+$0x70] =	vst v5;
	v1 =	vld [tilespmem:s0+$0x50];
	s0 =	smov.u32 s15;
	(pc) =	sbr.rel @p1 .LBB2_37-.Ltmp19, $4  }
0x334: {  	[tilespmem:s10+$0xFFFFFFB0] =	vst v7;
	v9 =	vmul.f32 $8.000000000e+00, v9;
	v4 =	vld [tilespmem:s15+$0x80]  }
0x335: {  	v2 =	vld [tilespmem:s15+$0xFFFFFFC0];
	[tilespmem:s10+$0xFFFFFFF0] =	vst v10;
	v10 =	vmul.f32 $8.000000000e+00, v3  }
0x336: {  	v7 =	vmul.f32 $8.000000000e+00, v6;
	v5 =	vld [tilespmem:s15+$0x0];
	[tilespmem:s10+$0x30] =	vst v9  }
0x337: {  	s15 =	sadd.s32 $0x140, s15;
	v3 =	vld [tilespmem:s0+$0x40];
	v6 =	vmul.f32 $8.000000000e+00, v8;
	[tilespmem:s1+$0x10] =	vst v10  }
0x338: {  	[tilespmem:s10+$0xFFFFFF70] =	vst v7  }
0x339: {  	v7 =	vld [tilespmem:s0+$0xFFFFFF80];
	v4 =	vmul.f32 $8.000000000e+00, v4  }
0x33a: {  	v2 =	vmul.f32 $8.000000000e+00, v2  }
0x33b: {  	v5 =	vmul.f32 $8.000000000e+00, v5;
	[tilespmem:s10+$0x80] =	vst v4  }
0x33c: {  	[tilespmem:s10+$0xFFFFFFC0] =	vst v2;
	v2 =	vld [tilespmem:s0+$0x90]  }
0x33d: {  	v3 =	vmul.f32 $8.000000000e+00, v3;
	[tilespmem:s10+$0x0] =	vst v5  }
0x33e: {  	v4 =	vmul.f32 $8.000000000e+00, v7;
	v7 =	vld [tilespmem:s0+$0x10]  }
0x33f: {  	v5 =	vld [tilespmem:s0+$0xFFFFFFD0];
	[tilespmem:s10+$0x40] =	vst v3  }
0x340: {  	[tilespmem:s10+$0xFFFFFF80] =	vst v4;
	v4 =	vld [tilespmem:s0+$0x50]  }
0x341: {  	v3 =	vld [tilespmem:s0+$0xFFFFFF90];
	v2 =	vmul.f32 $8.000000000e+00, v2  }
0x342: {  	v1 =	vmul.f32 $8.000000000e+00, v1;
	[tilespmem:s1+$0xFFFFFF90] =	vst v6  }
0x343: {  	[tilespmem:s10+$0x90] =	vst v2;
	v2 =	vmul.f32 $8.000000000e+00, v7  }
0x344: {  	[tilespmem:s1+$0x50] =	vst v1;
	v1 =	vmul.f32 $8.000000000e+00, v5  }
0x345: {  	[tilespmem:s10+$0x10] =	vst v2;
	v2 =	vmul.f32 $8.000000000e+00, v4  }
0x346: {  	[tilespmem:s10+$0xFFFFFFD0] =	vst v1;
	v1 =	vmul.f32 $8.000000000e+00, v3  }
0x347: {  	[tilespmem:s10+$0x50] =	vst v2  }
0x348: {  	s12 =	simm.s32 $0xE1B0;
	[tilespmem:s10+$0xFFFFFF90] =	vst v1  }
0x349: {  	v1 =	vld [tilespmem:s12+$0xFFFFFFD0]  }
0x34a: {  	v2 =	vld [tilespmem:s12+$0xFFFFFF10];
	_ =	sdelay $0x1  }
0x34b: {  	v3 =	vld [tilespmem:s12+$0xFFFFFF50]  }
0x34c: {  	v4 =	vld [tilespmem:s12+$0xFFFFFF90]  }
0x34d: {  	v1 =	vmul.f32 $8.000000000e+00, v1  }
0x34e: {  	s1 =	simm.s32 $0x145B0;
	v2 =	vmul.f32 $8.000000000e+00, v2  }
0x34f: {  	v5 =	vld [tilespmem:s12+$0xFFFFFED0];
	[tilespmem:s1+$0xFFFFFFD0] =	vst v1  }
0x350: {  	v3 =	vmul.f32 $8.000000000e+00, v3;
	[tilespmem:s1+$0xFFFFFF10] =	vst v2;
	v2 =	vld [tilespmem:s12+$0xFFFFFFE0]  }
0x351: {  	v1 =	vmul.f32 $8.000000000e+00, v4  }
0x352: {  	[tilespmem:s1+$0xFFFFFF50] =	vst v3;
	v4 =	vld [tilespmem:s12+$0xFFFFFF20]  }
0x353: {  	v3 =	vld [tilespmem:s12+$0xFFFFFF60];
	[tilespmem:s1+$0xFFFFFF90] =	vst v1  }
0x354: {  	v5 =	vmul.f32 $8.000000000e+00, v5;
	v1 =	vld [tilespmem:s12+$0xFFFFFFA0]  }
0x355: {  	v2 =	vmul.f32 $8.000000000e+00, v2  }
0x356: {  	[tilespmem:s1+$0xFFFFFED0] =	vst v5  }
0x357: {  	v5 =	vld [tilespmem:s12+$0xFFFFFEE0];
	v4 =	vmul.f32 $8.000000000e+00, v4;
	[tilespmem:s1+$0xFFFFFFE0] =	vst v2  }
0x358: {  	s0 =	simm.s32 $0xE2F0;
	v3 =	vmul.f32 $8.000000000e+00, v3;
	v2 =	vld [tilespmem:s12+$0xFFFFFFF0]  }
0x359: {  	v6 =	vld [tilespmem:s0+$0xFFFFFFD0];
	[tilespmem:s1+$0xFFFFFF20] =	vst v4;
	v1 =	vmul.f32 $8.000000000e+00, v1  }
0x35a: {  	[tilespmem:s1+$0xFFFFFF60] =	vst v3;
	v4 =	vld [tilespmem:s12+$0xFFFFFF30]  }
0x35b: {  	v3 =	vld [tilespmem:s12+$0xFFFFFF70];
	[tilespmem:s1+$0xFFFFFFA0] =	vst v1  }
0x35c: {  	v5 =	vmul.f32 $8.000000000e+00, v5;
	v1 =	vld [tilespmem:s12+$0xFFFFFFB0]  }
0x35d: {  	v7 =	vld [tilespmem:s0+$0xFFFFFF10];
	v2 =	vmul.f32 $8.000000000e+00, v2  }
0x35e: {  	v6 =	vmul.f32 $8.000000000e+00, v6;
	[tilespmem:s1+$0xFFFFFEE0] =	vst v5;
	v5 =	vld [tilespmem:s0+$0xFFFFFF50]  }
0x35f: {  	s10 =	simm.s32 $0x146F0;
	v8 =	vld [tilespmem:s0+$0xFFFFFF90];
	v4 =	vmul.f32 $8.000000000e+00, v4;
	[tilespmem:s1+$0xFFFFFFF0] =	vst v2  }
0x360: {  	[tilespmem:s10+$0xFFFFFFD0] =	vst v6;
	v3 =	vmul.f32 $8.000000000e+00, v3;
	v2 =	vld [tilespmem:s12+$0x0]  }
0x361: {  	[tilespmem:s1+$0xFFFFFF30] =	vst v4;
	v1 =	vmul.f32 $8.000000000e+00, v1;
	v4 =	vld [tilespmem:s0+$0xFFFFFED0]  }
0x362: {  	[tilespmem:s1+$0xFFFFFF70] =	vst v3;
	v3 =	vmul.f32 $8.000000000e+00, v7;
	v7 =	vld [tilespmem:s12+$0xFFFFFEF0]  }
0x363: {  	[tilespmem:s1+$0xFFFFFFB0] =	vst v1;
	v1 =	vmul.f32 $8.000000000e+00, v5;
	v5 =	vld [tilespmem:s12+$0xFFFFFF40]  }
0x364: {  	v6 =	vld [tilespmem:s0+$0xFFFFFFE0];
	[tilespmem:s10+$0xFFFFFF10] =	vst v3;
	v3 =	vmul.f32 $8.000000000e+00, v8  }
0x365: {  	v8 =	vld [tilespmem:s0+$0xFFFFFF20];
	[tilespmem:s10+$0xFFFFFF50] =	vst v1;
	v1 =	vmul.f32 $8.000000000e+00, v2  }
0x366: {  	[tilespmem:s10+$0xFFFFFF90] =	vst v3;
	v2 =	vmul.f32 $8.000000000e+00, v4;
	v4 =	vld [tilespmem:s0+$0xFFFFFF60]  }
0x367: {  	v3 =	vld [tilespmem:s0+$0xFFFFFFA0];
	v7 =	vmul.f32 $8.000000000e+00, v7;
	[tilespmem:s1+$0x0] =	vst v1  }
0x368: {  	[tilespmem:s10+$0xFFFFFED0] =	vst v2;
	v1 =	vmul.f32 $8.000000000e+00, v5;
	v5 =	vld [tilespmem:s12+$0xFFFFFF80]  }
0x369: {  	[tilespmem:s1+$0xFFFFFEF0] =	vst v7;
	v2 =	vmul.f32 $8.000000000e+00, v6;
	v9 =	vld [tilespmem:s0+$0xFFFFFEE0]  }
0x36a: {  	v6 =	vmul.f32 $8.000000000e+00, v8;
	v8 =	vld [tilespmem:s12+$0xFFFFFF00];
	[tilespmem:s1+$0xFFFFFF40] =	vst v1  }
0x36b: {  	[tilespmem:s10+$0xFFFFFFE0] =	vst v2;
	v1 =	vld [tilespmem:s12+$0xFFFFFFC0];
	v7 =	vmul.f32 $8.000000000e+00, v4  }
0x36c: {  	[tilespmem:s10+$0xFFFFFF20] =	vst v6;
	v3 =	vmul.f32 $8.000000000e+00, v3;
	v4 =	vld [tilespmem:s0+$0xFFFFFFF0]  }
0x36d: {  	v2 =	vld [tilespmem:s0+$0xFFFFFF30];
	[tilespmem:s10+$0xFFFFFF60] =	vst v7;
	v10 =	vmul.f32 $8.000000000e+00, v5  }
0x36e: {  	[tilespmem:s10+$0xFFFFFFA0] =	vst v3;
	v5 =	vld [tilespmem:s0+$0xFFFFFF70];
	v7 =	vmul.f32 $8.000000000e+00, v9  }
0x36f: {  	s15 =	simm.s32 $0xE430;
	s12 =	simm.s32 $0x5;
	v3 =	vld [tilespmem:s0+$0xFFFFFFB0];
	v6 =	vmul.f32 $8.000000000e+00, v8;
	[tilespmem:s1+$0xFFFFFF80] =	vst v10  }
.LBB2_39:
0x370: {  	v8 =	vld [tilespmem:s15+$0xFFFFFFD0];
	s12 =	sadd.s32 $0x5, s12;
	[tilespmem:s10+$0xFFFFFEE0] =	vst v7;
	v1 =	vmul.f32 $8.000000000e+00, v1  }
0x371: {  	v7 =	vld [tilespmem:s15+$0xFFFFFF10];
	p1 =	slt.u32 s12, $0x2D;
	v4 =	vmul.f32 $8.000000000e+00, v4;
	[tilespmem:s1+$0xFFFFFF00] =	vst v6  }
0x372: {  	v6 =	vld [tilespmem:s15+$0xFFFFFF50];
	v2 =	vmul.f32 $8.000000000e+00, v2;
	[tilespmem:s1+$0xFFFFFFC0] =	vst v1;
	s1 =	smov.u32 s10  }
0x373: {  	v1 =	vld [tilespmem:s15+$0xFFFFFF90];
	v5 =	vmul.f32 $8.000000000e+00, v5;
	[tilespmem:s10+$0xFFFFFFF0] =	vst v4  }
0x374: {  	[tilespmem:s10+$0xFFFFFF30] =	vst v2;
	v2 =	vmul.f32 $8.000000000e+00, v3;
	v3 =	vld [tilespmem:s0+$0x0]  }
0x375: {  	v4 =	vld [tilespmem:s15+$0xFFFFFED0];
	v8 =	vmul.f32 $8.000000000e+00, v8;
	[tilespmem:s10+$0xFFFFFF70] =	vst v5  }
0x376: {  	s10 =	sadd.s32 $0x140, s10;
	v5 =	vmul.f32 $8.000000000e+00, v7;
	v7 =	vld [tilespmem:s0+$0xFFFFFEF0];
	[tilespmem:s1+$0xFFFFFFB0] =	vst v2  }
0x377: {  	v2 =	vmul.f32 $8.000000000e+00, v6;
	[tilespmem:s10+$0xFFFFFFD0] =	vst v8;
	v6 =	vld [tilespmem:s0+$0xFFFFFF40]  }
0x378: {  	[tilespmem:s10+$0xFFFFFF10] =	vst v5;
	v1 =	vmul.f32 $8.000000000e+00, v1;
	v5 =	vld [tilespmem:s15+$0xFFFFFFE0]  }
0x379: {  	v8 =	vld [tilespmem:s15+$0xFFFFFF20];
	[tilespmem:s10+$0xFFFFFF50] =	vst v2;
	v2 =	vmul.f32 $8.000000000e+00, v3  }
0x37a: {  	v3 =	vmul.f32 $8.000000000e+00, v4;
	v4 =	vld [tilespmem:s15+$0xFFFFFF60];
	[tilespmem:s10+$0xFFFFFF90] =	vst v1  }
0x37b: {  	v9 =	vld [tilespmem:s15+$0xFFFFFFA0];
	v1 =	vmul.f32 $8.000000000e+00, v7;
	[tilespmem:s1+$0x0] =	vst v2  }
0x37c: {  	[tilespmem:s10+$0xFFFFFED0] =	vst v3;
	v2 =	vmul.f32 $8.000000000e+00, v6;
	v3 =	vld [tilespmem:s0+$0xFFFFFF80]  }
0x37d: {  	v6 =	vld [tilespmem:s15+$0xFFFFFEE0];
	v5 =	vmul.f32 $8.000000000e+00, v5;
	[tilespmem:s1+$0xFFFFFEF0] =	vst v1  }
0x37e: {  	v7 =	vmul.f32 $8.000000000e+00, v8;
	v8 =	vld [tilespmem:s0+$0xFFFFFF00];
	[tilespmem:s1+$0xFFFFFF40] =	vst v2  }
.Ltmp20:
0x37f: {  	v10 =	vmul.f32 $8.000000000e+00, v4;
	[tilespmem:s10+$0xFFFFFFE0] =	vst v5;
	v1 =	vld [tilespmem:s0+$0xFFFFFFC0];
	s0 =	smov.u32 s15;
	(pc) =	sbr.rel @p1 .LBB2_39-.Ltmp20, $4  }
0x380: {  	[tilespmem:s10+$0xFFFFFF20] =	vst v7;
	v9 =	vmul.f32 $8.000000000e+00, v9;
	v4 =	vld [tilespmem:s15+$0xFFFFFFF0]  }
0x381: {  	v2 =	vld [tilespmem:s15+$0xFFFFFF30];
	[tilespmem:s10+$0xFFFFFF60] =	vst v10;
	v10 =	vmul.f32 $8.000000000e+00, v3  }
0x382: {  	v7 =	vmul.f32 $8.000000000e+00, v6;
	v5 =	vld [tilespmem:s15+$0xFFFFFF70];
	[tilespmem:s10+$0xFFFFFFA0] =	vst v9  }
0x383: {  	s15 =	sadd.s32 $0x140, s15;
	v3 =	vld [tilespmem:s0+$0xFFFFFFB0];
	v6 =	vmul.f32 $8.000000000e+00, v8;
	[tilespmem:s1+$0xFFFFFF80] =	vst v10  }
0x384: {  	[tilespmem:s10+$0xFFFFFEE0] =	vst v7  }
0x385: {  	v7 =	vld [tilespmem:s0+$0xFFFFFEF0];
	v4 =	vmul.f32 $8.000000000e+00, v4  }
0x386: {  	v2 =	vmul.f32 $8.000000000e+00, v2  }
0x387: {  	v5 =	vmul.f32 $8.000000000e+00, v5;
	[tilespmem:s10+$0xFFFFFFF0] =	vst v4  }
0x388: {  	[tilespmem:s10+$0xFFFFFF30] =	vst v2;
	v2 =	vld [tilespmem:s0+$0x0]  }
0x389: {  	v3 =	vmul.f32 $8.000000000e+00, v3;
	[tilespmem:s10+$0xFFFFFF70] =	vst v5  }
0x38a: {  	v4 =	vmul.f32 $8.000000000e+00, v7;
	v7 =	vld [tilespmem:s0+$0xFFFFFF80]  }
0x38b: {  	v5 =	vld [tilespmem:s0+$0xFFFFFF40];
	[tilespmem:s10+$0xFFFFFFB0] =	vst v3  }
0x38c: {  	[tilespmem:s10+$0xFFFFFEF0] =	vst v4;
	v4 =	vld [tilespmem:s0+$0xFFFFFFC0]  }
0x38d: {  	v3 =	vld [tilespmem:s0+$0xFFFFFF00];
	v2 =	vmul.f32 $8.000000000e+00, v2  }
0x38e: {  	v1 =	vmul.f32 $8.000000000e+00, v1;
	[tilespmem:s1+$0xFFFFFF00] =	vst v6  }
0x38f: {  	[tilespmem:s10+$0x0] =	vst v2;
	v2 =	vmul.f32 $8.000000000e+00, v7  }
0x390: {  	[tilespmem:s1+$0xFFFFFFC0] =	vst v1;
	v1 =	vmul.f32 $8.000000000e+00, v5  }
0x391: {  	[tilespmem:s10+$0xFFFFFF80] =	vst v2;
	v2 =	vmul.f32 $8.000000000e+00, v4  }
0x392: {  	[tilespmem:s10+$0xFFFFFF40] =	vst v1;
	v1 =	vmul.f32 $8.000000000e+00, v3  }
0x393: {  	[tilespmem:s10+$0xFFFFFFC0] =	vst v2  }
0x394: {  	s12 =	simm.s32 $0xEE30;
	[tilespmem:s10+$0xFFFFFF00] =	vst v1  }
0x395: {  	v1 =	vld [tilespmem:s12+$0xFFFFFFD0]  }
0x396: {  	v2 =	vld [tilespmem:s12+$0xFFFFFF10]  }
0x397: {  	v3 =	vld [tilespmem:s12+$0xFFFFFF50]  }
0x398: {  	v4 =	vld [tilespmem:s12+$0xFFFFFF90];
	_ =	sdelay $0x1  }
0x399: {  	v1 =	vmul.f32 $8.000000000e+00, v1  }
0x39a: {  	s1 =	simm.s32 $0x15230;
	v5 =	vld [tilespmem:s12+$0xFFFFFED0];
	v2 =	vmul.f32 $8.000000000e+00, v2  }
0x39b: {  	v3 =	vmul.f32 $8.000000000e+00, v3;
	[tilespmem:s1+$0xFFFFFFD0] =	vst v1  }
0x39c: {  	[tilespmem:s1+$0xFFFFFF10] =	vst v2;
	v1 =	vmul.f32 $8.000000000e+00, v4;
	v2 =	vld [tilespmem:s12+$0xFFFFFFE0]  }
0x39d: {  	[tilespmem:s1+$0xFFFFFF50] =	vst v3;
	v4 =	vld [tilespmem:s12+$0xFFFFFF20]  }
0x39e: {  	v3 =	vld [tilespmem:s12+$0xFFFFFF60];
	[tilespmem:s1+$0xFFFFFF90] =	vst v1  }
0x39f: {  	v1 =	vmul.f32 $8.000000000e+00, v5;
	v5 =	vld [tilespmem:s12+$0xFFFFFFA0];
	_ =	sdelay $0x1  }
0x3a0: {  	[tilespmem:s1+$0xFFFFFED0] =	vst v1;
	v1 =	vmul.f32 $8.000000000e+00, v2  }
0x3a1: {  	p2 =	por $0x1, $0x1;
	v2 =	vld [tilespmem:s12+$0xFFFFFEE0];
	v4 =	vmul.f32 $8.000000000e+00, v4  }
.Ltmp21:
0x3a2: {  	v3 =	vmul.f32 $8.000000000e+00, v3;
	[tilespmem:s1+$0xFFFFFFE0] =	vst v1;
	(pc) =	sbr.rel @!p2 .LBB2_41-.Ltmp21, $4  }
0x3a3: {  	[tilespmem:s1+$0xFFFFFF20] =	vst v4;
	v6 =	vmul.f32 $8.000000000e+00, v5;
	v4 =	vld [tilespmem:s12+$0xFFFFFFF0]  }
0x3a4: {  	[tilespmem:s1+$0xFFFFFF60] =	vst v3;
	v1 =	vld [tilespmem:s12+$0xFFFFFF30]  }
0x3a5: {  	v5 =	vld [tilespmem:s12+$0xFFFFFF70];
	[tilespmem:s1+$0xFFFFFFA0] =	vst v6  }
0x3a6: {  	p1 =	por $0x0, $0x0;
	s10 =	simm.s32 $0xEF70;
	v7 =	vmul.f32 $8.000000000e+00, v2;
	v2 =	vld [tilespmem:s12+$0xFFFFFFB0]  }
0x3a7: {  	v3 =	vld [tilespmem:s10+$0xFFFFFFD0]  }
0x3a8: {  	v6 =	vld [tilespmem:s10+$0xFFFFFF10];
	v4 =	vmul.f32 $8.000000000e+00, v4  }
0x3a9: {  	[tilespmem:s1+$0xFFFFFEE0] =	vst v7;
	v7 =	vld [tilespmem:s10+$0xFFFFFF50];
	v1 =	vmul.f32 $8.000000000e+00, v1  }
0x3aa: {  	v8 =	vld [tilespmem:s10+$0xFFFFFF90];
	v5 =	vmul.f32 $8.000000000e+00, v5;
	[tilespmem:s1+$0xFFFFFFF0] =	vst v4  }
0x3ab: {  	[tilespmem:s1+$0xFFFFFF30] =	vst v1;
	v1 =	vmul.f32 $8.000000000e+00, v2;
	v2 =	vld [tilespmem:s12+$0x0]  }
0x3ac: {  	v4 =	vld [tilespmem:s10+$0xFFFFFED0];
	v3 =	vmul.f32 $8.000000000e+00, v3;
	[tilespmem:s1+$0xFFFFFF70] =	vst v5  }
0x3ad: {  	s0 =	simm.s32 $0x15370;
	v5 =	vmul.f32 $8.000000000e+00, v6;
	v6 =	vld [tilespmem:s12+$0xFFFFFEF0];
	[tilespmem:s1+$0xFFFFFFB0] =	vst v1  }
0x3ae: {  	v1 =	vmul.f32 $8.000000000e+00, v7;
	[tilespmem:s0+$0xFFFFFFD0] =	vst v3;
	v3 =	vld [tilespmem:s12+$0xFFFFFF40]  }
0x3af: {  	[tilespmem:s0+$0xFFFFFF10] =	vst v5;
	v5 =	vmul.f32 $8.000000000e+00, v8;
	v7 =	vld [tilespmem:s10+$0xFFFFFFE0]  }
0x3b0: {  	v8 =	vld [tilespmem:s10+$0xFFFFFF20];
	[tilespmem:s0+$0xFFFFFF50] =	vst v1;
	v1 =	vmul.f32 $8.000000000e+00, v2  }
0x3b1: {  	v2 =	vmul.f32 $8.000000000e+00, v4;
	v4 =	vld [tilespmem:s10+$0xFFFFFF60];
	[tilespmem:s0+$0xFFFFFF90] =	vst v5  }
0x3b2: {  	v5 =	vld [tilespmem:s10+$0xFFFFFFA0];
	v6 =	vmul.f32 $8.000000000e+00, v6;
	[tilespmem:s1+$0x0] =	vst v1  }
0x3b3: {  	[tilespmem:s0+$0xFFFFFED0] =	vst v2;
	v2 =	vld [tilespmem:s12+$0xFFFFFF80];
	v1 =	vmul.f32 $8.000000000e+00, v3  }
0x3b4: {  	v9 =	vld [tilespmem:s10+$0xFFFFFEE0];
	[tilespmem:s1+$0xFFFFFEF0] =	vst v6;
	v3 =	vmul.f32 $8.000000000e+00, v7  }
0x3b5: {  	p4 =	por $0x1, $0x1;
	v6 =	vmul.f32 $8.000000000e+00, v8;
	v8 =	vld [tilespmem:s12+$0xFFFFFF00];
	[tilespmem:s1+$0xFFFFFF40] =	vst v1  }
.Ltmp22:
0x3b6: {  	v7 =	vmul.f32 $8.000000000e+00, v4;
	[tilespmem:s0+$0xFFFFFFE0] =	vst v3;
	v3 =	vld [tilespmem:s12+$0xFFFFFFC0];
	(pc) =	sbr.rel @!p4 .LBB2_43-.Ltmp22, $4  }
0x3b7: {  	[tilespmem:s0+$0xFFFFFF20] =	vst v6;
	v6 =	vmul.f32 $8.000000000e+00, v5;
	v4 =	vld [tilespmem:s10+$0xFFFFFFF0]  }
0x3b8: {  	v1 =	vld [tilespmem:s10+$0xFFFFFF30];
	[tilespmem:s0+$0xFFFFFF60] =	vst v7;
	v10 =	vmul.f32 $8.000000000e+00, v2  }
0x3b9: {  	v5 =	vld [tilespmem:s10+$0xFFFFFF70];
	[tilespmem:s0+$0xFFFFFFA0] =	vst v6;
	v7 =	vmul.f32 $8.000000000e+00, v9  }
0x3ba: {  	s15 =	simm.s32 $0xF0B0;
	p3 =	por $0x1, $0x1;
	s12 =	simm.s32 $0x5;
	v2 =	vld [tilespmem:s10+$0xFFFFFFB0];
	v6 =	vmul.f32 $8.000000000e+00, v8;
	[tilespmem:s1+$0xFFFFFF80] =	vst v10  }
.LBB2_44:
0x3bb: {  	v8 =	vld [tilespmem:s15+$0xFFFFFFD0];
	s12 =	sadd.s32 $0x5, s12;
	[tilespmem:s0+$0xFFFFFEE0] =	vst v7;
	v3 =	vmul.f32 $8.000000000e+00, v3  }
0x3bc: {  	v7 =	vld [tilespmem:s15+$0xFFFFFF10];
	p4 =	slt.u32 s12, $0x2D;
	v4 =	vmul.f32 $8.000000000e+00, v4;
	[tilespmem:s1+$0xFFFFFF00] =	vst v6  }
0x3bd: {  	v6 =	vld [tilespmem:s15+$0xFFFFFF50];
	v1 =	vmul.f32 $8.000000000e+00, v1;
	[tilespmem:s1+$0xFFFFFFC0] =	vst v3;
	s1 =	smov.u32 s0  }
0x3be: {  	v3 =	vld [tilespmem:s15+$0xFFFFFF90];
	v5 =	vmul.f32 $8.000000000e+00, v5;
	[tilespmem:s0+$0xFFFFFFF0] =	vst v4  }
0x3bf: {  	[tilespmem:s0+$0xFFFFFF30] =	vst v1;
	v1 =	vmul.f32 $8.000000000e+00, v2;
	v2 =	vld [tilespmem:s10+$0x0]  }
0x3c0: {  	v4 =	vld [tilespmem:s15+$0xFFFFFED0];
	v8 =	vmul.f32 $8.000000000e+00, v8;
	[tilespmem:s0+$0xFFFFFF70] =	vst v5  }
0x3c1: {  	s0 =	sadd.s32 $0x140, s0;
	v5 =	vmul.f32 $8.000000000e+00, v7;
	v7 =	vld [tilespmem:s10+$0xFFFFFEF0];
	[tilespmem:s1+$0xFFFFFFB0] =	vst v1  }
0x3c2: {  	v1 =	vmul.f32 $8.000000000e+00, v6;
	[tilespmem:s0+$0xFFFFFFD0] =	vst v8;
	v6 =	vld [tilespmem:s10+$0xFFFFFF40]  }
0x3c3: {  	[tilespmem:s0+$0xFFFFFF10] =	vst v5;
	v3 =	vmul.f32 $8.000000000e+00, v3;
	v5 =	vld [tilespmem:s15+$0xFFFFFFE0]  }
0x3c4: {  	v8 =	vld [tilespmem:s15+$0xFFFFFF20];
	[tilespmem:s0+$0xFFFFFF50] =	vst v1;
	v1 =	vmul.f32 $8.000000000e+00, v2  }
0x3c5: {  	v2 =	vmul.f32 $8.000000000e+00, v4;
	v4 =	vld [tilespmem:s15+$0xFFFFFF60];
	[tilespmem:s0+$0xFFFFFF90] =	vst v3  }
0x3c6: {  	v9 =	vld [tilespmem:s15+$0xFFFFFFA0];
	v3 =	vmul.f32 $8.000000000e+00, v7;
	[tilespmem:s1+$0x0] =	vst v1  }
0x3c7: {  	[tilespmem:s0+$0xFFFFFED0] =	vst v2;
	v1 =	vmul.f32 $8.000000000e+00, v6;
	v2 =	vld [tilespmem:s10+$0xFFFFFF80]  }
0x3c8: {  	v6 =	vld [tilespmem:s15+$0xFFFFFEE0];
	v5 =	vmul.f32 $8.000000000e+00, v5;
	[tilespmem:s1+$0xFFFFFEF0] =	vst v3  }
0x3c9: {  	v7 =	vmul.f32 $8.000000000e+00, v8;
	v8 =	vld [tilespmem:s10+$0xFFFFFF00];
	[tilespmem:s1+$0xFFFFFF40] =	vst v1  }
.Ltmp23:
0x3ca: {  	v10 =	vmul.f32 $8.000000000e+00, v4;
	[tilespmem:s0+$0xFFFFFFE0] =	vst v5;
	v3 =	vld [tilespmem:s10+$0xFFFFFFC0];
	s10 =	smov.u32 s15;
	(pc) =	sbr.rel @p4 .LBB2_44-.Ltmp23, $4  }
0x3cb: {  	[tilespmem:s0+$0xFFFFFF20] =	vst v7;
	v9 =	vmul.f32 $8.000000000e+00, v9;
	v4 =	vld [tilespmem:s15+$0xFFFFFFF0]  }
0x3cc: {  	v1 =	vld [tilespmem:s15+$0xFFFFFF30];
	[tilespmem:s0+$0xFFFFFF60] =	vst v10;
	v10 =	vmul.f32 $8.000000000e+00, v2  }
0x3cd: {  	v7 =	vmul.f32 $8.000000000e+00, v6;
	v5 =	vld [tilespmem:s15+$0xFFFFFF70];
	[tilespmem:s0+$0xFFFFFFA0] =	vst v9  }
0x3ce: {  	s15 =	sadd.s32 $0x140, s15;
	v2 =	vld [tilespmem:s10+$0xFFFFFFB0];
	v6 =	vmul.f32 $8.000000000e+00, v8;
	[tilespmem:s1+$0xFFFFFF80] =	vst v10  }
0x3cf: {  	s12 =	smov.u32 s10  }
.LBB2_46:
0x3d0: {  	[tilespmem:s0+$0xFFFFFEE0] =	vst v7  }
0x3d1: {  	v4 =	vmul.f32 $8.000000000e+00, v4;
	v7 =	vld [tilespmem:s12+$0xFFFFFEF0]  }
0x3d2: {  	v1 =	vmul.f32 $8.000000000e+00, v1  }
0x3d3: {  	v5 =	vmul.f32 $8.000000000e+00, v5;
	[tilespmem:s0+$0xFFFFFFF0] =	vst v4  }
0x3d4: {  	[tilespmem:s0+$0xFFFFFF30] =	vst v1;
	v1 =	vld [tilespmem:s12+$0x0]  }
0x3d5: {  	v2 =	vmul.f32 $8.000000000e+00, v2;
	[tilespmem:s0+$0xFFFFFF70] =	vst v5  }
0x3d6: {  	v4 =	vmul.f32 $8.000000000e+00, v7;
	v7 =	vld [tilespmem:s12+$0xFFFFFF80]  }
0x3d7: {  	v5 =	vld [tilespmem:s12+$0xFFFFFF40];
	[tilespmem:s0+$0xFFFFFFB0] =	vst v2  }
0x3d8: {  	[tilespmem:s0+$0xFFFFFEF0] =	vst v4;
	v4 =	vld [tilespmem:s12+$0xFFFFFFC0]  }
0x3d9: {  	v1 =	vmul.f32 $8.000000000e+00, v1;
	v2 =	vld [tilespmem:s12+$0xFFFFFF00]  }
0x3da: {  	v3 =	vmul.f32 @p3 $8.000000000e+00, v3;
	[tilespmem:s1+$0xFFFFFF00] =	vst @p3 v6  }
0x3db: {  	[tilespmem:s0+$0x0] =	vst v1;
	v1 =	vmul.f32 $8.000000000e+00, v7  }
0x3dc: {  	[tilespmem:s1+$0xFFFFFFC0] =	vst @p3 v3;
	v3 =	vmul.f32 $8.000000000e+00, v5  }
0x3dd: {  	[tilespmem:s0+$0xFFFFFF80] =	vst v1;
	v1 =	vmul.f32 $8.000000000e+00, v4  }
0x3de: {  	[tilespmem:s0+$0xFFFFFF40] =	vst v3;
	v2 =	vmul.f32 $8.000000000e+00, v2  }
0x3df: {  	[tilespmem:s0+$0xFFFFFFC0] =	vst v1  }
0x3e0: {  	s12 =	simm.s32 $0xFAB0;
	[tilespmem:s0+$0xFFFFFF00] =	vst v2  }
0x3e1: {  	v1 =	vld [tilespmem:s12+$0xFFFFFFD0]  }
0x3e2: {  	v2 =	vld [tilespmem:s12+$0xFFFFFF10]  }
0x3e3: {  	v3 =	vld [tilespmem:s12+$0xFFFFFF50]  }
0x3e4: {  	v4 =	vld [tilespmem:s12+$0xFFFFFF90];
	_ =	sdelay $0x1  }
0x3e5: {  	v1 =	vmul.f32 $8.000000000e+00, v1  }
0x3e6: {  	s1 =	simm.s32 $0x15EB0;
	v5 =	vld [tilespmem:s12+$0xFFFFFED0];
	v2 =	vmul.f32 $8.000000000e+00, v2  }
0x3e7: {  	v3 =	vmul.f32 $8.000000000e+00, v3;
	[tilespmem:s1+$0xFFFFFFD0] =	vst v1  }
0x3e8: {  	[tilespmem:s1+$0xFFFFFF10] =	vst v2;
	v1 =	vmul.f32 $8.000000000e+00, v4;
	v2 =	vld [tilespmem:s12+$0xFFFFFFE0]  }
0x3e9: {  	[tilespmem:s1+$0xFFFFFF50] =	vst v3;
	v4 =	vld [tilespmem:s12+$0xFFFFFF20]  }
0x3ea: {  	v3 =	vld [tilespmem:s12+$0xFFFFFF60];
	[tilespmem:s1+$0xFFFFFF90] =	vst v1  }
0x3eb: {  	v1 =	vmul.f32 $8.000000000e+00, v5;
	v5 =	vld [tilespmem:s12+$0xFFFFFFA0];
	_ =	sdelay $0x1  }
0x3ec: {  	[tilespmem:s1+$0xFFFFFED0] =	vst v1;
	v1 =	vmul.f32 $8.000000000e+00, v2  }
0x3ed: {  	v2 =	vld [tilespmem:s12+$0xFFFFFEE0];
	v4 =	vmul.f32 $8.000000000e+00, v4  }
.Ltmp24:
0x3ee: {  	v3 =	vmul.f32 $8.000000000e+00, v3;
	[tilespmem:s1+$0xFFFFFFE0] =	vst v1;
	(pc) =	sbr.rel @!p2 .LBB2_47-.Ltmp24, $4  }
0x3ef: {  	[tilespmem:s1+$0xFFFFFF20] =	vst v4;
	v6 =	vmul.f32 $8.000000000e+00, v5;
	v5 =	vld [tilespmem:s12+$0xFFFFFFF0]  }
0x3f0: {  	[tilespmem:s1+$0xFFFFFF60] =	vst v3;
	v1 =	vld [tilespmem:s12+$0xFFFFFF30]  }
0x3f1: {  	v4 =	vld [tilespmem:s12+$0xFFFFFF70];
	[tilespmem:s1+$0xFFFFFFA0] =	vst v6  }
0x3f2: {  	s10 =	simm.s32 $0xFBF0;
	v7 =	vmul.f32 $8.000000000e+00, v2;
	v3 =	vld [tilespmem:s12+$0xFFFFFFB0]  }
0x3f3: {  	v2 =	vld [tilespmem:s10+$0xFFFFFFD0]  }
0x3f4: {  	v6 =	vld [tilespmem:s10+$0xFFFFFF10];
	v5 =	vmul.f32 $8.000000000e+00, v5  }
0x3f5: {  	[tilespmem:s1+$0xFFFFFEE0] =	vst v7;
	v7 =	vld [tilespmem:s10+$0xFFFFFF50];
	v1 =	vmul.f32 $8.000000000e+00, v1  }
0x3f6: {  	v8 =	vld [tilespmem:s10+$0xFFFFFF90];
	v4 =	vmul.f32 $8.000000000e+00, v4;
	[tilespmem:s1+$0xFFFFFFF0] =	vst v5  }
0x3f7: {  	[tilespmem:s1+$0xFFFFFF30] =	vst v1;
	v1 =	vmul.f32 $8.000000000e+00, v3;
	v3 =	vld [tilespmem:s12+$0x0]  }
0x3f8: {  	v5 =	vld [tilespmem:s10+$0xFFFFFED0];
	v2 =	vmul.f32 $8.000000000e+00, v2;
	[tilespmem:s1+$0xFFFFFF70] =	vst v4  }
0x3f9: {  	s0 =	simm.s32 $0x15FF0;
	v4 =	vmul.f32 $8.000000000e+00, v6;
	v6 =	vld [tilespmem:s12+$0xFFFFFEF0];
	[tilespmem:s1+$0xFFFFFFB0] =	vst v1  }
0x3fa: {  	v1 =	vmul.f32 $8.000000000e+00, v7;
	[tilespmem:s0+$0xFFFFFFD0] =	vst v2;
	v2 =	vld [tilespmem:s12+$0xFFFFFF40]  }
0x3fb: {  	[tilespmem:s0+$0xFFFFFF10] =	vst v4;
	v4 =	vmul.f32 $8.000000000e+00, v8;
	v7 =	vld [tilespmem:s10+$0xFFFFFFE0]  }
0x3fc: {  	v8 =	vld [tilespmem:s10+$0xFFFFFF20];
	[tilespmem:s0+$0xFFFFFF50] =	vst v1;
	v1 =	vmul.f32 $8.000000000e+00, v3  }
0x3fd: {  	v3 =	vmul.f32 $8.000000000e+00, v5;
	v5 =	vld [tilespmem:s10+$0xFFFFFF60];
	[tilespmem:s0+$0xFFFFFF90] =	vst v4  }
0x3fe: {  	v4 =	vld [tilespmem:s10+$0xFFFFFFA0];
	v6 =	vmul.f32 $8.000000000e+00, v6;
	[tilespmem:s1+$0x0] =	vst v1  }
0x3ff: {  	[tilespmem:s0+$0xFFFFFED0] =	vst v3;
	v3 =	vld [tilespmem:s12+$0xFFFFFF80];
	v1 =	vmul.f32 $8.000000000e+00, v2  }
0x400: {  	v9 =	vld [tilespmem:s10+$0xFFFFFEE0];
	[tilespmem:s1+$0xFFFFFEF0] =	vst v6;
	v2 =	vmul.f32 $8.000000000e+00, v7  }
0x401: {  	p2 =	por $0x1, $0x1;
	v6 =	vmul.f32 $8.000000000e+00, v8;
	v8 =	vld [tilespmem:s12+$0xFFFFFF00];
	[tilespmem:s1+$0xFFFFFF40] =	vst v1  }
.Ltmp25:
0x402: {  	v7 =	vmul.f32 $8.000000000e+00, v5;
	[tilespmem:s0+$0xFFFFFFE0] =	vst v2;
	v2 =	vld [tilespmem:s12+$0xFFFFFFC0];
	(pc) =	sbr.rel @!p2 .LBB2_49-.Ltmp25, $4  }
0x403: {  	[tilespmem:s0+$0xFFFFFF20] =	vst v6;
	v6 =	vmul.f32 $8.000000000e+00, v4;
	v5 =	vld [tilespmem:s10+$0xFFFFFFF0]  }
0x404: {  	v1 =	vld [tilespmem:s10+$0xFFFFFF30];
	[tilespmem:s0+$0xFFFFFF60] =	vst v7;
	v10 =	vmul.f32 $8.000000000e+00, v3  }
0x405: {  	v4 =	vld [tilespmem:s10+$0xFFFFFF70];
	[tilespmem:s0+$0xFFFFFFA0] =	vst v6;
	v7 =	vmul.f32 $8.000000000e+00, v9  }
0x406: {  	s15 =	simm.s32 $0xFD30;
	p1 =	por $0x1, $0x1;
	s12 =	simm.s32 $0x5;
	v3 =	vld [tilespmem:s10+$0xFFFFFFB0];
	v6 =	vmul.f32 $8.000000000e+00, v8;
	[tilespmem:s1+$0xFFFFFF80] =	vst v10  }
.LBB2_50:
0x407: {  	v8 =	vld [tilespmem:s15+$0xFFFFFFD0];
	s12 =	sadd.s32 $0x5, s12;
	[tilespmem:s0+$0xFFFFFEE0] =	vst v7;
	v2 =	vmul.f32 $8.000000000e+00, v2  }
0x408: {  	v7 =	vld [tilespmem:s15+$0xFFFFFF10];
	p2 =	slt.u32 s12, $0x2D;
	v5 =	vmul.f32 $8.000000000e+00, v5;
	[tilespmem:s1+$0xFFFFFF00] =	vst v6  }
0x409: {  	v6 =	vld [tilespmem:s15+$0xFFFFFF50];
	v1 =	vmul.f32 $8.000000000e+00, v1;
	[tilespmem:s1+$0xFFFFFFC0] =	vst v2;
	s1 =	smov.u32 s0  }
0x40a: {  	v2 =	vld [tilespmem:s15+$0xFFFFFF90];
	v4 =	vmul.f32 $8.000000000e+00, v4;
	[tilespmem:s0+$0xFFFFFFF0] =	vst v5  }
0x40b: {  	[tilespmem:s0+$0xFFFFFF30] =	vst v1;
	v1 =	vmul.f32 $8.000000000e+00, v3;
	v3 =	vld [tilespmem:s10+$0x0]  }
0x40c: {  	v5 =	vld [tilespmem:s15+$0xFFFFFED0];
	v8 =	vmul.f32 $8.000000000e+00, v8;
	[tilespmem:s0+$0xFFFFFF70] =	vst v4  }
0x40d: {  	s0 =	sadd.s32 $0x140, s0;
	v4 =	vmul.f32 $8.000000000e+00, v7;
	v7 =	vld [tilespmem:s10+$0xFFFFFEF0];
	[tilespmem:s1+$0xFFFFFFB0] =	vst v1  }
0x40e: {  	v1 =	vmul.f32 $8.000000000e+00, v6;
	[tilespmem:s0+$0xFFFFFFD0] =	vst v8;
	v6 =	vld [tilespmem:s10+$0xFFFFFF40]  }
0x40f: {  	[tilespmem:s0+$0xFFFFFF10] =	vst v4;
	v2 =	vmul.f32 $8.000000000e+00, v2;
	v4 =	vld [tilespmem:s15+$0xFFFFFFE0]  }
0x410: {  	v8 =	vld [tilespmem:s15+$0xFFFFFF20];
	[tilespmem:s0+$0xFFFFFF50] =	vst v1;
	v1 =	vmul.f32 $8.000000000e+00, v3  }
0x411: {  	v3 =	vmul.f32 $8.000000000e+00, v5;
	v5 =	vld [tilespmem:s15+$0xFFFFFF60];
	[tilespmem:s0+$0xFFFFFF90] =	vst v2  }
0x412: {  	v9 =	vld [tilespmem:s15+$0xFFFFFFA0];
	v2 =	vmul.f32 $8.000000000e+00, v7;
	[tilespmem:s1+$0x0] =	vst v1  }
0x413: {  	[tilespmem:s0+$0xFFFFFED0] =	vst v3;
	v1 =	vmul.f32 $8.000000000e+00, v6;
	v3 =	vld [tilespmem:s10+$0xFFFFFF80]  }
0x414: {  	v6 =	vld [tilespmem:s15+$0xFFFFFEE0];
	v4 =	vmul.f32 $8.000000000e+00, v4;
	[tilespmem:s1+$0xFFFFFEF0] =	vst v2  }
0x415: {  	v7 =	vmul.f32 $8.000000000e+00, v8;
	v8 =	vld [tilespmem:s10+$0xFFFFFF00];
	[tilespmem:s1+$0xFFFFFF40] =	vst v1  }
.Ltmp26:
0x416: {  	v10 =	vmul.f32 $8.000000000e+00, v5;
	[tilespmem:s0+$0xFFFFFFE0] =	vst v4;
	v2 =	vld [tilespmem:s10+$0xFFFFFFC0];
	s10 =	smov.u32 s15;
	(pc) =	sbr.rel @p2 .LBB2_50-.Ltmp26, $4  }
0x417: {  	[tilespmem:s0+$0xFFFFFF20] =	vst v7;
	v9 =	vmul.f32 $8.000000000e+00, v9;
	v5 =	vld [tilespmem:s15+$0xFFFFFFF0]  }
0x418: {  	v1 =	vld [tilespmem:s15+$0xFFFFFF30];
	[tilespmem:s0+$0xFFFFFF60] =	vst v10;
	v10 =	vmul.f32 $8.000000000e+00, v3  }
0x419: {  	v7 =	vmul.f32 $8.000000000e+00, v6;
	v4 =	vld [tilespmem:s15+$0xFFFFFF70];
	[tilespmem:s0+$0xFFFFFFA0] =	vst v9  }
0x41a: {  	s15 =	sadd.s32 $0x140, s15;
	v3 =	vld [tilespmem:s10+$0xFFFFFFB0];
	v6 =	vmul.f32 $8.000000000e+00, v8;
	[tilespmem:s1+$0xFFFFFF80] =	vst v10  }
0x41b: {  	s12 =	smov.u32 s10  }
.LBB2_52:
0x41c: {  	[tilespmem:s0+$0xFFFFFEE0] =	vst v7  }
0x41d: {  	v5 =	vmul.f32 $8.000000000e+00, v5;
	v7 =	vld [tilespmem:s12+$0xFFFFFEF0]  }
0x41e: {  	v1 =	vmul.f32 $8.000000000e+00, v1  }
0x41f: {  	v4 =	vmul.f32 $8.000000000e+00, v4;
	[tilespmem:s0+$0xFFFFFFF0] =	vst v5  }
0x420: {  	[tilespmem:s0+$0xFFFFFF30] =	vst v1;
	v1 =	vld [tilespmem:s12+$0x0]  }
0x421: {  	v3 =	vmul.f32 $8.000000000e+00, v3;
	[tilespmem:s0+$0xFFFFFF70] =	vst v4  }
0x422: {  	v5 =	vmul.f32 $8.000000000e+00, v7;
	v7 =	vld [tilespmem:s12+$0xFFFFFF80]  }
0x423: {  	v4 =	vld [tilespmem:s12+$0xFFFFFF40];
	[tilespmem:s0+$0xFFFFFFB0] =	vst v3  }
0x424: {  	[tilespmem:s0+$0xFFFFFEF0] =	vst v5;
	v5 =	vld [tilespmem:s12+$0xFFFFFFC0]  }
0x425: {  	v1 =	vmul.f32 $8.000000000e+00, v1;
	v3 =	vld [tilespmem:s12+$0xFFFFFF00]  }
0x426: {  	v2 =	vmul.f32 @p1 $8.000000000e+00, v2;
	[tilespmem:s1+$0xFFFFFF00] =	vst @p1 v6  }
0x427: {  	[tilespmem:s0+$0x0] =	vst v1;
	v1 =	vmul.f32 $8.000000000e+00, v7  }
0x428: {  	[tilespmem:s1+$0xFFFFFFC0] =	vst @p1 v2;
	v2 =	vmul.f32 $8.000000000e+00, v4  }
0x429: {  	[tilespmem:s0+$0xFFFFFF80] =	vst v1;
	v1 =	vmul.f32 $8.000000000e+00, v5  }
0x42a: {  	[tilespmem:s0+$0xFFFFFF40] =	vst v2;
	v2 =	vmul.f32 $8.000000000e+00, v3  }
0x42b: {  	[tilespmem:s0+$0xFFFFFFC0] =	vst v1  }
0x42c: {  	s15 =	sadd.s32 $0xC80, s31;
	[tilespmem:s0+$0xFFFFFF00] =	vst v2  }
0x42d: {  	[hbm4b:s15+s4] =	stream.linear.scatter [tilespmem:s20], [sflag:$0x5], $0x3200, $0x38;
	[tilespmem:$0x19C00] =	vst v63  }
0x42e: {  	s10 =	simm.s32 @!p0 $0xD400;
	s1 =	simm.s32 @!p0 $0x32;
	s0 =	sadd.s32 @!p0 $0x540, s30  }
0x42f: {  	[tilespmem:s10], [sflag:$0x3] =	stream.indirect.gather @!p0 [hbm4b:s5+s1], $0x40, s0, s1, $0xb8;
	[tilespmem:$0x19C00] =	vst v63  }
0x430: {  	s0 =	sadd.s32 @!p0 $0x578, s30;
	s10 =	simm.s32 @!p0 $0xE080  }
0x431: {  	[tilespmem:s10], [sflag:$0x3] =	stream.indirect.gather @!p0 [hbm4b:s5+s1], $0x40, s0, s1, $0xb8;
	[tilespmem:$0x19C00] =	vst v63  }
0x432: {  	s0 =	sadd.s32 @!p0 $0x5B0, s30;
	s10 =	simm.s32 @!p0 $0xED00  }
0x433: {  	[tilespmem:s10], [sflag:$0x3] =	stream.indirect.gather @!p0 [hbm4b:s5+s1], $0x40, s0, s1, $0xb8;
	[tilespmem:$0x19C00] =	vst v63  }
0x434: {  	s0 =	sadd.s32 @!p0 $0x5E8, s30;
	s10 =	simm.s32 @!p0 $0xF980  }
0x435: {  	[tilespmem:s10], [sflag:$0x3] =	stream.indirect.gather @!p0 [hbm4b:s5+s1], $0x40, s0, s1, $0xb8;
	[tilespmem:$0x19C00] =	vst v63  }
0x436: {  	_ =	swait.ge [sflag:s25], $0xC80  }
0x437: {  	[sflag:s25] =	ssyncset.done $0x0  }
0x438: {  	[sflag:s25] =	ssyncadd.s32 $0xFFFFF380  }
0x439: {  	_ =	swait.ge [sflag:s25], $0xC80  }
0x43a: {  	[sflag:s25] =	ssyncset.done $0x0  }
0x43b: {  	[sflag:s25] =	ssyncadd.s32 $0xFFFFF380  }
0x43c: {  	_ =	swait.ge [sflag:s25], $0xC80  }
0x43d: {  	[sflag:s25] =	ssyncset.done $0x0  }
0x43e: {  	[sflag:s25] =	ssyncadd.s32 $0xFFFFF380  }
0x43f: {  	_ =	swait.ge [sflag:s25], $0xC80  }
0x440: {  	[sflag:s25] =	ssyncset.done $0x0  }
0x441: {  	[sflag:s25] =	ssyncadd.s32 $0xFFFFF380  }
0x442: {  	_ =	swait.ge [sflag:s26], $0x3200  }
0x443: {  	[sflag:s26] =	ssyncset.done $0x0  }
0x444: {  	s30 =	simm.s32 $0x106A0;
	[sflag:s26] =	ssyncadd.s32 $0xFFFFCE00  }
0x445: {  	v1 =	vld [tilespmem:s30+$0x60]  }
0x446: {  	v2 =	vld [tilespmem:s30+$0xFFFFFFA0];
	_ =	sdelay $0x1  }
0x447: {  	v3 =	vld [tilespmem:s30+$0xFFFFFFE0]  }
0x448: {  	v4 =	vld [tilespmem:s30+$0x20]  }
0x449: {  	v1 =	vmul.f32 $8.000000000e+00, v1  }
0x44a: {  	s1 =	simm.s32 $0x16AA0;
	v2 =	vmul.f32 $8.000000000e+00, v2  }
0x44b: {  	v5 =	vld [tilespmem:s30+$0xFFFFFF60];
	[tilespmem:s1+$0x60] =	vst v1  }
0x44c: {  	v3 =	vmul.f32 $8.000000000e+00, v3;
	[tilespmem:s1+$0xFFFFFFA0] =	vst v2;
	v2 =	vld [tilespmem:s30+$0x70]  }
0x44d: {  	v1 =	vmul.f32 $8.000000000e+00, v4  }
0x44e: {  	[tilespmem:s1+$0xFFFFFFE0] =	vst v3;
	v4 =	vld [tilespmem:s30+$0xFFFFFFB0]  }
0x44f: {  	v3 =	vld [tilespmem:s30+$0xFFFFFFF0];
	[tilespmem:s1+$0x20] =	vst v1  }
0x450: {  	v5 =	vmul.f32 $8.000000000e+00, v5;
	v1 =	vld [tilespmem:s30+$0x30]  }
0x451: {  	v2 =	vmul.f32 $8.000000000e+00, v2  }
0x452: {  	[tilespmem:s1+$0xFFFFFF60] =	vst v5  }
0x453: {  	v5 =	vld [tilespmem:s30+$0xFFFFFF70];
	v4 =	vmul.f32 $8.000000000e+00, v4;
	[tilespmem:s1+$0x70] =	vst v2  }
0x454: {  	s0 =	simm.s32 $0x107E0;
	v3 =	vmul.f32 $8.000000000e+00, v3;
	v2 =	vld [tilespmem:s30+$0x80]  }
0x455: {  	v6 =	vld [tilespmem:s0+$0x60];
	[tilespmem:s1+$0xFFFFFFB0] =	vst v4;
	v1 =	vmul.f32 $8.000000000e+00, v1  }
0x456: {  	[tilespmem:s1+$0xFFFFFFF0] =	vst v3;
	v4 =	vld [tilespmem:s30+$0xFFFFFFC0]  }
0x457: {  	v3 =	vld [tilespmem:s30+$0x0];
	[tilespmem:s1+$0x30] =	vst v1  }
0x458: {  	v5 =	vmul.f32 $8.000000000e+00, v5;
	v1 =	vld [tilespmem:s30+$0x40]  }
0x459: {  	v7 =	vld [tilespmem:s0+$0xFFFFFFA0];
	v2 =	vmul.f32 $8.000000000e+00, v2  }
0x45a: {  	v6 =	vmul.f32 $8.000000000e+00, v6;
	[tilespmem:s1+$0xFFFFFF70] =	vst v5;
	v5 =	vld [tilespmem:s0+$0xFFFFFFE0]  }
0x45b: {  	s10 =	simm.s32 $0x16BE0;
	v8 =	vld [tilespmem:s0+$0x20];
	v4 =	vmul.f32 $8.000000000e+00, v4;
	[tilespmem:s1+$0x80] =	vst v2  }
0x45c: {  	[tilespmem:s10+$0x60] =	vst v6;
	v3 =	vmul.f32 $8.000000000e+00, v3;
	v2 =	vld [tilespmem:s30+$0x90]  }
0x45d: {  	[tilespmem:s1+$0xFFFFFFC0] =	vst v4;
	v1 =	vmul.f32 $8.000000000e+00, v1;
	v4 =	vld [tilespmem:s0+$0xFFFFFF60]  }
0x45e: {  	[tilespmem:s1+$0x0] =	vst v3;
	v3 =	vmul.f32 $8.000000000e+00, v7;
	v7 =	vld [tilespmem:s30+$0xFFFFFF80]  }
0x45f: {  	[tilespmem:s1+$0x40] =	vst v1;
	v1 =	vmul.f32 $8.000000000e+00, v5;
	v5 =	vld [tilespmem:s30+$0xFFFFFFD0]  }
0x460: {  	v6 =	vld [tilespmem:s0+$0x70];
	[tilespmem:s10+$0xFFFFFFA0] =	vst v3;
	v3 =	vmul.f32 $8.000000000e+00, v8  }
0x461: {  	v8 =	vld [tilespmem:s0+$0xFFFFFFB0];
	[tilespmem:s10+$0xFFFFFFE0] =	vst v1;
	v1 =	vmul.f32 $8.000000000e+00, v2  }
0x462: {  	[tilespmem:s10+$0x20] =	vst v3;
	v2 =	vmul.f32 $8.000000000e+00, v4;
	v4 =	vld [tilespmem:s0+$0xFFFFFFF0]  }
0x463: {  	v3 =	vld [tilespmem:s0+$0x30];
	v7 =	vmul.f32 $8.000000000e+00, v7;
	[tilespmem:s1+$0x90] =	vst v1  }
0x464: {  	[tilespmem:s10+$0xFFFFFF60] =	vst v2;
	v1 =	vmul.f32 $8.000000000e+00, v5;
	v5 =	vld [tilespmem:s30+$0x10]  }
0x465: {  	[tilespmem:s1+$0xFFFFFF80] =	vst v7;
	v2 =	vmul.f32 $8.000000000e+00, v6;
	v9 =	vld [tilespmem:s0+$0xFFFFFF70]  }
0x466: {  	v6 =	vmul.f32 $8.000000000e+00, v8;
	v8 =	vld [tilespmem:s30+$0xFFFFFF90];
	[tilespmem:s1+$0xFFFFFFD0] =	vst v1  }
0x467: {  	[tilespmem:s10+$0x70] =	vst v2;
	v1 =	vld [tilespmem:s30+$0x50];
	v7 =	vmul.f32 $8.000000000e+00, v4  }
0x468: {  	[tilespmem:s10+$0xFFFFFFB0] =	vst v6;
	v3 =	vmul.f32 $8.000000000e+00, v3;
	v4 =	vld [tilespmem:s0+$0x80]  }
0x469: {  	v2 =	vld [tilespmem:s0+$0xFFFFFFC0];
	[tilespmem:s10+$0xFFFFFFF0] =	vst v7;
	v10 =	vmul.f32 $8.000000000e+00, v5  }
0x46a: {  	[tilespmem:s10+$0x30] =	vst v3;
	v5 =	vld [tilespmem:s0+$0x0];
	v7 =	vmul.f32 $8.000000000e+00, v9  }
0x46b: {  	s12 =	simm.s32 $0x5;
	s15 =	simm.s32 $0x10920;
	v3 =	vld [tilespmem:s0+$0x40];
	v6 =	vmul.f32 $8.000000000e+00, v8;
	[tilespmem:s1+$0x10] =	vst v10  }
.LBB2_53:
0x46c: {  	v8 =	vld [tilespmem:s15+$0x60];
	s12 =	sadd.s32 $0x5, s12;
	[tilespmem:s10+$0xFFFFFF70] =	vst v7;
	v1 =	vmul.f32 $8.000000000e+00, v1  }
0x46d: {  	v7 =	vld [tilespmem:s15+$0xFFFFFFA0];
	p1 =	slt.u32 s12, $0x2D;
	v4 =	vmul.f32 $8.000000000e+00, v4;
	[tilespmem:s1+$0xFFFFFF90] =	vst v6  }
0x46e: {  	v6 =	vld [tilespmem:s15+$0xFFFFFFE0];
	v2 =	vmul.f32 $8.000000000e+00, v2;
	[tilespmem:s1+$0x50] =	vst v1;
	s1 =	smov.u32 s10  }
0x46f: {  	v1 =	vld [tilespmem:s15+$0x20];
	v5 =	vmul.f32 $8.000000000e+00, v5;
	[tilespmem:s10+$0x80] =	vst v4  }
0x470: {  	[tilespmem:s10+$0xFFFFFFC0] =	vst v2;
	v2 =	vmul.f32 $8.000000000e+00, v3;
	v3 =	vld [tilespmem:s0+$0x90]  }
0x471: {  	v4 =	vld [tilespmem:s15+$0xFFFFFF60];
	v8 =	vmul.f32 $8.000000000e+00, v8;
	[tilespmem:s10+$0x0] =	vst v5  }
0x472: {  	s10 =	sadd.s32 $0x140, s10;
	v5 =	vmul.f32 $8.000000000e+00, v7;
	v7 =	vld [tilespmem:s0+$0xFFFFFF80];
	[tilespmem:s1+$0x40] =	vst v2  }
0x473: {  	v2 =	vmul.f32 $8.000000000e+00, v6;
	[tilespmem:s10+$0x60] =	vst v8;
	v6 =	vld [tilespmem:s0+$0xFFFFFFD0]  }
0x474: {  	[tilespmem:s10+$0xFFFFFFA0] =	vst v5;
	v1 =	vmul.f32 $8.000000000e+00, v1;
	v5 =	vld [tilespmem:s15+$0x70]  }
0x475: {  	v8 =	vld [tilespmem:s15+$0xFFFFFFB0];
	[tilespmem:s10+$0xFFFFFFE0] =	vst v2;
	v2 =	vmul.f32 $8.000000000e+00, v3  }
0x476: {  	v3 =	vmul.f32 $8.000000000e+00, v4;
	v4 =	vld [tilespmem:s15+$0xFFFFFFF0];
	[tilespmem:s10+$0x20] =	vst v1  }
0x477: {  	v9 =	vld [tilespmem:s15+$0x30];
	v1 =	vmul.f32 $8.000000000e+00, v7;
	[tilespmem:s1+$0x90] =	vst v2  }
0x478: {  	[tilespmem:s10+$0xFFFFFF60] =	vst v3;
	v2 =	vmul.f32 $8.000000000e+00, v6;
	v3 =	vld [tilespmem:s0+$0x10]  }
0x479: {  	v6 =	vld [tilespmem:s15+$0xFFFFFF70];
	v5 =	vmul.f32 $8.000000000e+00, v5;
	[tilespmem:s1+$0xFFFFFF80] =	vst v1  }
0x47a: {  	v7 =	vmul.f32 $8.000000000e+00, v8;
	v8 =	vld [tilespmem:s0+$0xFFFFFF90];
	[tilespmem:s1+$0xFFFFFFD0] =	vst v2  }
.Ltmp27:
0x47b: {  	v10 =	vmul.f32 $8.000000000e+00, v4;
	[tilespmem:s10+$0x70] =	vst v5;
	v1 =	vld [tilespmem:s0+$0x50];
	s0 =	smov.u32 s15;
	(pc) =	sbr.rel @p1 .LBB2_53-.Ltmp27, $4  }
0x47c: {  	[tilespmem:s10+$0xFFFFFFB0] =	vst v7;
	v9 =	vmul.f32 $8.000000000e+00, v9;
	v4 =	vld [tilespmem:s15+$0x80]  }
0x47d: {  	v2 =	vld [tilespmem:s15+$0xFFFFFFC0];
	[tilespmem:s10+$0xFFFFFFF0] =	vst v10;
	v10 =	vmul.f32 $8.000000000e+00, v3  }
0x47e: {  	v7 =	vmul.f32 $8.000000000e+00, v6;
	v5 =	vld [tilespmem:s15+$0x0];
	[tilespmem:s10+$0x30] =	vst v9  }
0x47f: {  	s15 =	sadd.s32 $0x140, s15;
	v3 =	vld [tilespmem:s0+$0x40];
	v6 =	vmul.f32 $8.000000000e+00, v8;
	[tilespmem:s1+$0x10] =	vst v10  }
0x480: {  	[tilespmem:s10+$0xFFFFFF70] =	vst v7  }
0x481: {  	v7 =	vld [tilespmem:s0+$0xFFFFFF80];
	v4 =	vmul.f32 $8.000000000e+00, v4  }
0x482: {  	v2 =	vmul.f32 $8.000000000e+00, v2  }
0x483: {  	v5 =	vmul.f32 $8.000000000e+00, v5;
	[tilespmem:s10+$0x80] =	vst v4  }
0x484: {  	[tilespmem:s10+$0xFFFFFFC0] =	vst v2;
	v2 =	vld [tilespmem:s0+$0x90]  }
0x485: {  	v3 =	vmul.f32 $8.000000000e+00, v3;
	[tilespmem:s10+$0x0] =	vst v5  }
0x486: {  	v4 =	vmul.f32 $8.000000000e+00, v7;
	v7 =	vld [tilespmem:s0+$0x10]  }
0x487: {  	v5 =	vld [tilespmem:s0+$0xFFFFFFD0];
	[tilespmem:s10+$0x40] =	vst v3  }
0x488: {  	[tilespmem:s10+$0xFFFFFF80] =	vst v4;
	v4 =	vld [tilespmem:s0+$0x50]  }
0x489: {  	v3 =	vld [tilespmem:s0+$0xFFFFFF90];
	v2 =	vmul.f32 $8.000000000e+00, v2  }
0x48a: {  	v1 =	vmul.f32 $8.000000000e+00, v1;
	[tilespmem:s1+$0xFFFFFF90] =	vst v6  }
0x48b: {  	[tilespmem:s10+$0x90] =	vst v2;
	v2 =	vmul.f32 $8.000000000e+00, v7  }
0x48c: {  	[tilespmem:s1+$0x50] =	vst v1;
	v1 =	vmul.f32 $8.000000000e+00, v5  }
0x48d: {  	[tilespmem:s10+$0x10] =	vst v2;
	v2 =	vmul.f32 $8.000000000e+00, v4  }
0x48e: {  	[tilespmem:s10+$0xFFFFFFD0] =	vst v1;
	v1 =	vmul.f32 $8.000000000e+00, v3  }
0x48f: {  	[tilespmem:s10+$0x50] =	vst v2  }
0x490: {  	s12 =	simm.s32 $0x113B0;
	[tilespmem:s10+$0xFFFFFF90] =	vst v1  }
0x491: {  	v1 =	vld [tilespmem:s12+$0xFFFFFFD0]  }
0x492: {  	v2 =	vld [tilespmem:s12+$0xFFFFFF10];
	_ =	sdelay $0x1  }
0x493: {  	v3 =	vld [tilespmem:s12+$0xFFFFFF50]  }
0x494: {  	v4 =	vld [tilespmem:s12+$0xFFFFFF90]  }
0x495: {  	v1 =	vmul.f32 $8.000000000e+00, v1  }
0x496: {  	s1 =	simm.s32 $0x177B0;
	v2 =	vmul.f32 $8.000000000e+00, v2  }
0x497: {  	v5 =	vld [tilespmem:s12+$0xFFFFFED0];
	[tilespmem:s1+$0xFFFFFFD0] =	vst v1  }
0x498: {  	v3 =	vmul.f32 $8.000000000e+00, v3;
	[tilespmem:s1+$0xFFFFFF10] =	vst v2;
	v2 =	vld [tilespmem:s12+$0xFFFFFFE0]  }
0x499: {  	v1 =	vmul.f32 $8.000000000e+00, v4  }
0x49a: {  	[tilespmem:s1+$0xFFFFFF50] =	vst v3;
	v4 =	vld [tilespmem:s12+$0xFFFFFF20]  }
0x49b: {  	v3 =	vld [tilespmem:s12+$0xFFFFFF60];
	[tilespmem:s1+$0xFFFFFF90] =	vst v1  }
0x49c: {  	v5 =	vmul.f32 $8.000000000e+00, v5;
	v1 =	vld [tilespmem:s12+$0xFFFFFFA0]  }
0x49d: {  	v2 =	vmul.f32 $8.000000000e+00, v2  }
0x49e: {  	[tilespmem:s1+$0xFFFFFED0] =	vst v5  }
0x49f: {  	v5 =	vld [tilespmem:s12+$0xFFFFFEE0];
	v4 =	vmul.f32 $8.000000000e+00, v4;
	[tilespmem:s1+$0xFFFFFFE0] =	vst v2  }
0x4a0: {  	s0 =	simm.s32 $0x114F0;
	v3 =	vmul.f32 $8.000000000e+00, v3;
	v2 =	vld [tilespmem:s12+$0xFFFFFFF0]  }
0x4a1: {  	v6 =	vld [tilespmem:s0+$0xFFFFFFD0];
	[tilespmem:s1+$0xFFFFFF20] =	vst v4;
	v1 =	vmul.f32 $8.000000000e+00, v1  }
0x4a2: {  	[tilespmem:s1+$0xFFFFFF60] =	vst v3;
	v4 =	vld [tilespmem:s12+$0xFFFFFF30]  }
0x4a3: {  	v3 =	vld [tilespmem:s12+$0xFFFFFF70];
	[tilespmem:s1+$0xFFFFFFA0] =	vst v1  }
0x4a4: {  	v5 =	vmul.f32 $8.000000000e+00, v5;
	v1 =	vld [tilespmem:s12+$0xFFFFFFB0]  }
0x4a5: {  	v7 =	vld [tilespmem:s0+$0xFFFFFF10];
	v2 =	vmul.f32 $8.000000000e+00, v2  }
0x4a6: {  	v6 =	vmul.f32 $8.000000000e+00, v6;
	[tilespmem:s1+$0xFFFFFEE0] =	vst v5;
	v5 =	vld [tilespmem:s0+$0xFFFFFF50]  }
0x4a7: {  	s10 =	simm.s32 $0x178F0;
	v8 =	vld [tilespmem:s0+$0xFFFFFF90];
	v4 =	vmul.f32 $8.000000000e+00, v4;
	[tilespmem:s1+$0xFFFFFFF0] =	vst v2  }
0x4a8: {  	[tilespmem:s10+$0xFFFFFFD0] =	vst v6;
	v3 =	vmul.f32 $8.000000000e+00, v3;
	v2 =	vld [tilespmem:s12+$0x0]  }
0x4a9: {  	[tilespmem:s1+$0xFFFFFF30] =	vst v4;
	v1 =	vmul.f32 $8.000000000e+00, v1;
	v4 =	vld [tilespmem:s0+$0xFFFFFED0]  }
0x4aa: {  	[tilespmem:s1+$0xFFFFFF70] =	vst v3;
	v3 =	vmul.f32 $8.000000000e+00, v7;
	v7 =	vld [tilespmem:s12+$0xFFFFFEF0]  }
0x4ab: {  	[tilespmem:s1+$0xFFFFFFB0] =	vst v1;
	v1 =	vmul.f32 $8.000000000e+00, v5;
	v5 =	vld [tilespmem:s12+$0xFFFFFF40]  }
0x4ac: {  	v6 =	vld [tilespmem:s0+$0xFFFFFFE0];
	[tilespmem:s10+$0xFFFFFF10] =	vst v3;
	v3 =	vmul.f32 $8.000000000e+00, v8  }
0x4ad: {  	v8 =	vld [tilespmem:s0+$0xFFFFFF20];
	[tilespmem:s10+$0xFFFFFF50] =	vst v1;
	v1 =	vmul.f32 $8.000000000e+00, v2  }
0x4ae: {  	[tilespmem:s10+$0xFFFFFF90] =	vst v3;
	v2 =	vmul.f32 $8.000000000e+00, v4;
	v4 =	vld [tilespmem:s0+$0xFFFFFF60]  }
0x4af: {  	v3 =	vld [tilespmem:s0+$0xFFFFFFA0];
	v7 =	vmul.f32 $8.000000000e+00, v7;
	[tilespmem:s1+$0x0] =	vst v1  }
0x4b0: {  	[tilespmem:s10+$0xFFFFFED0] =	vst v2;
	v1 =	vmul.f32 $8.000000000e+00, v5;
	v5 =	vld [tilespmem:s12+$0xFFFFFF80]  }
0x4b1: {  	[tilespmem:s1+$0xFFFFFEF0] =	vst v7;
	v2 =	vmul.f32 $8.000000000e+00, v6;
	v9 =	vld [tilespmem:s0+$0xFFFFFEE0]  }
0x4b2: {  	v6 =	vmul.f32 $8.000000000e+00, v8;
	v8 =	vld [tilespmem:s12+$0xFFFFFF00];
	[tilespmem:s1+$0xFFFFFF40] =	vst v1  }
0x4b3: {  	[tilespmem:s10+$0xFFFFFFE0] =	vst v2;
	v1 =	vld [tilespmem:s12+$0xFFFFFFC0];
	v7 =	vmul.f32 $8.000000000e+00, v4  }
0x4b4: {  	[tilespmem:s10+$0xFFFFFF20] =	vst v6;
	v3 =	vmul.f32 $8.000000000e+00, v3;
	v4 =	vld [tilespmem:s0+$0xFFFFFFF0]  }
0x4b5: {  	v2 =	vld [tilespmem:s0+$0xFFFFFF30];
	[tilespmem:s10+$0xFFFFFF60] =	vst v7;
	v10 =	vmul.f32 $8.000000000e+00, v5  }
0x4b6: {  	[tilespmem:s10+$0xFFFFFFA0] =	vst v3;
	v5 =	vld [tilespmem:s0+$0xFFFFFF70];
	v7 =	vmul.f32 $8.000000000e+00, v9  }
0x4b7: {  	s15 =	simm.s32 $0x11630;
	s12 =	simm.s32 $0x5;
	v3 =	vld [tilespmem:s0+$0xFFFFFFB0];
	v6 =	vmul.f32 $8.000000000e+00, v8;
	[tilespmem:s1+$0xFFFFFF80] =	vst v10  }
.LBB2_55:
0x4b8: {  	v8 =	vld [tilespmem:s15+$0xFFFFFFD0];
	s12 =	sadd.s32 $0x5, s12;
	[tilespmem:s10+$0xFFFFFEE0] =	vst v7;
	v1 =	vmul.f32 $8.000000000e+00, v1  }
0x4b9: {  	v7 =	vld [tilespmem:s15+$0xFFFFFF10];
	p1 =	slt.u32 s12, $0x2D;
	v4 =	vmul.f32 $8.000000000e+00, v4;
	[tilespmem:s1+$0xFFFFFF00] =	vst v6  }
0x4ba: {  	v6 =	vld [tilespmem:s15+$0xFFFFFF50];
	v2 =	vmul.f32 $8.000000000e+00, v2;
	[tilespmem:s1+$0xFFFFFFC0] =	vst v1;
	s1 =	smov.u32 s10  }
0x4bb: {  	v1 =	vld [tilespmem:s15+$0xFFFFFF90];
	v5 =	vmul.f32 $8.000000000e+00, v5;
	[tilespmem:s10+$0xFFFFFFF0] =	vst v4  }
0x4bc: {  	[tilespmem:s10+$0xFFFFFF30] =	vst v2;
	v2 =	vmul.f32 $8.000000000e+00, v3;
	v3 =	vld [tilespmem:s0+$0x0]  }
0x4bd: {  	v4 =	vld [tilespmem:s15+$0xFFFFFED0];
	v8 =	vmul.f32 $8.000000000e+00, v8;
	[tilespmem:s10+$0xFFFFFF70] =	vst v5  }
0x4be: {  	s10 =	sadd.s32 $0x140, s10;
	v5 =	vmul.f32 $8.000000000e+00, v7;
	v7 =	vld [tilespmem:s0+$0xFFFFFEF0];
	[tilespmem:s1+$0xFFFFFFB0] =	vst v2  }
0x4bf: {  	v2 =	vmul.f32 $8.000000000e+00, v6;
	[tilespmem:s10+$0xFFFFFFD0] =	vst v8;
	v6 =	vld [tilespmem:s0+$0xFFFFFF40]  }
0x4c0: {  	[tilespmem:s10+$0xFFFFFF10] =	vst v5;
	v1 =	vmul.f32 $8.000000000e+00, v1;
	v5 =	vld [tilespmem:s15+$0xFFFFFFE0]  }
0x4c1: {  	v8 =	vld [tilespmem:s15+$0xFFFFFF20];
	[tilespmem:s10+$0xFFFFFF50] =	vst v2;
	v2 =	vmul.f32 $8.000000000e+00, v3  }
0x4c2: {  	v3 =	vmul.f32 $8.000000000e+00, v4;
	v4 =	vld [tilespmem:s15+$0xFFFFFF60];
	[tilespmem:s10+$0xFFFFFF90] =	vst v1  }
0x4c3: {  	v9 =	vld [tilespmem:s15+$0xFFFFFFA0];
	v1 =	vmul.f32 $8.000000000e+00, v7;
	[tilespmem:s1+$0x0] =	vst v2  }
0x4c4: {  	[tilespmem:s10+$0xFFFFFED0] =	vst v3;
	v2 =	vmul.f32 $8.000000000e+00, v6;
	v3 =	vld [tilespmem:s0+$0xFFFFFF80]  }
0x4c5: {  	v6 =	vld [tilespmem:s15+$0xFFFFFEE0];
	v5 =	vmul.f32 $8.000000000e+00, v5;
	[tilespmem:s1+$0xFFFFFEF0] =	vst v1  }
0x4c6: {  	v7 =	vmul.f32 $8.000000000e+00, v8;
	v8 =	vld [tilespmem:s0+$0xFFFFFF00];
	[tilespmem:s1+$0xFFFFFF40] =	vst v2  }
.Ltmp28:
0x4c7: {  	v10 =	vmul.f32 $8.000000000e+00, v4;
	[tilespmem:s10+$0xFFFFFFE0] =	vst v5;
	v1 =	vld [tilespmem:s0+$0xFFFFFFC0];
	s0 =	smov.u32 s15;
	(pc) =	sbr.rel @p1 .LBB2_55-.Ltmp28, $4  }
0x4c8: {  	[tilespmem:s10+$0xFFFFFF20] =	vst v7;
	v9 =	vmul.f32 $8.000000000e+00, v9;
	v4 =	vld [tilespmem:s15+$0xFFFFFFF0]  }
0x4c9: {  	v2 =	vld [tilespmem:s15+$0xFFFFFF30];
	[tilespmem:s10+$0xFFFFFF60] =	vst v10;
	v10 =	vmul.f32 $8.000000000e+00, v3  }
0x4ca: {  	v7 =	vmul.f32 $8.000000000e+00, v6;
	v5 =	vld [tilespmem:s15+$0xFFFFFF70];
	[tilespmem:s10+$0xFFFFFFA0] =	vst v9  }
0x4cb: {  	s15 =	sadd.s32 $0x140, s15;
	v3 =	vld [tilespmem:s0+$0xFFFFFFB0];
	v6 =	vmul.f32 $8.000000000e+00, v8;
	[tilespmem:s1+$0xFFFFFF80] =	vst v10  }
0x4cc: {  	[tilespmem:s10+$0xFFFFFEE0] =	vst v7  }
0x4cd: {  	v7 =	vld [tilespmem:s0+$0xFFFFFEF0];
	v4 =	vmul.f32 $8.000000000e+00, v4  }
0x4ce: {  	v2 =	vmul.f32 $8.000000000e+00, v2  }
0x4cf: {  	v5 =	vmul.f32 $8.000000000e+00, v5;
	[tilespmem:s10+$0xFFFFFFF0] =	vst v4  }
0x4d0: {  	[tilespmem:s10+$0xFFFFFF30] =	vst v2;
	v2 =	vld [tilespmem:s0+$0x0]  }
0x4d1: {  	v3 =	vmul.f32 $8.000000000e+00, v3;
	[tilespmem:s10+$0xFFFFFF70] =	vst v5  }
0x4d2: {  	v4 =	vmul.f32 $8.000000000e+00, v7;
	v7 =	vld [tilespmem:s0+$0xFFFFFF80]  }
0x4d3: {  	v5 =	vld [tilespmem:s0+$0xFFFFFF40];
	[tilespmem:s10+$0xFFFFFFB0] =	vst v3  }
0x4d4: {  	[tilespmem:s10+$0xFFFFFEF0] =	vst v4;
	v4 =	vld [tilespmem:s0+$0xFFFFFFC0]  }
0x4d5: {  	v3 =	vld [tilespmem:s0+$0xFFFFFF00];
	v2 =	vmul.f32 $8.000000000e+00, v2  }
0x4d6: {  	v1 =	vmul.f32 $8.000000000e+00, v1;
	[tilespmem:s1+$0xFFFFFF00] =	vst v6  }
0x4d7: {  	[tilespmem:s10+$0x0] =	vst v2;
	v2 =	vmul.f32 $8.000000000e+00, v7  }
0x4d8: {  	[tilespmem:s1+$0xFFFFFFC0] =	vst v1;
	v1 =	vmul.f32 $8.000000000e+00, v5  }
0x4d9: {  	[tilespmem:s10+$0xFFFFFF80] =	vst v2;
	v2 =	vmul.f32 $8.000000000e+00, v4  }
0x4da: {  	[tilespmem:s10+$0xFFFFFF40] =	vst v1;
	v1 =	vmul.f32 $8.000000000e+00, v3  }
0x4db: {  	[tilespmem:s10+$0xFFFFFFC0] =	vst v2  }
0x4dc: {  	s12 =	simm.s32 $0x12030;
	[tilespmem:s10+$0xFFFFFF00] =	vst v1  }
0x4dd: {  	v1 =	vld [tilespmem:s12+$0xFFFFFFD0]  }
0x4de: {  	v2 =	vld [tilespmem:s12+$0xFFFFFF10]  }
0x4df: {  	v3 =	vld [tilespmem:s12+$0xFFFFFF50]  }
0x4e0: {  	v4 =	vld [tilespmem:s12+$0xFFFFFF90];
	_ =	sdelay $0x1  }
0x4e1: {  	v1 =	vmul.f32 $8.000000000e+00, v1  }
0x4e2: {  	s1 =	simm.s32 $0x18430;
	v5 =	vld [tilespmem:s12+$0xFFFFFED0];
	v2 =	vmul.f32 $8.000000000e+00, v2  }
0x4e3: {  	v3 =	vmul.f32 $8.000000000e+00, v3;
	[tilespmem:s1+$0xFFFFFFD0] =	vst v1  }
0x4e4: {  	[tilespmem:s1+$0xFFFFFF10] =	vst v2;
	v1 =	vmul.f32 $8.000000000e+00, v4;
	v2 =	vld [tilespmem:s12+$0xFFFFFFE0]  }
0x4e5: {  	[tilespmem:s1+$0xFFFFFF50] =	vst v3;
	v4 =	vld [tilespmem:s12+$0xFFFFFF20]  }
0x4e6: {  	v3 =	vld [tilespmem:s12+$0xFFFFFF60];
	[tilespmem:s1+$0xFFFFFF90] =	vst v1  }
0x4e7: {  	v1 =	vmul.f32 $8.000000000e+00, v5;
	v5 =	vld [tilespmem:s12+$0xFFFFFFA0];
	_ =	sdelay $0x1  }
0x4e8: {  	[tilespmem:s1+$0xFFFFFED0] =	vst v1;
	v1 =	vmul.f32 $8.000000000e+00, v2  }
0x4e9: {  	p2 =	por $0x1, $0x1;
	v2 =	vld [tilespmem:s12+$0xFFFFFEE0];
	v4 =	vmul.f32 $8.000000000e+00, v4  }
.Ltmp29:
0x4ea: {  	v3 =	vmul.f32 $8.000000000e+00, v3;
	[tilespmem:s1+$0xFFFFFFE0] =	vst v1;
	(pc) =	sbr.rel @!p2 .LBB2_57-.Ltmp29, $4  }
0x4eb: {  	[tilespmem:s1+$0xFFFFFF20] =	vst v4;
	v6 =	vmul.f32 $8.000000000e+00, v5;
	v4 =	vld [tilespmem:s12+$0xFFFFFFF0]  }
0x4ec: {  	[tilespmem:s1+$0xFFFFFF60] =	vst v3;
	v1 =	vld [tilespmem:s12+$0xFFFFFF30]  }
0x4ed: {  	v5 =	vld [tilespmem:s12+$0xFFFFFF70];
	[tilespmem:s1+$0xFFFFFFA0] =	vst v6  }
0x4ee: {  	p1 =	por $0x0, $0x0;
	s10 =	simm.s32 $0x12170;
	v7 =	vmul.f32 $8.000000000e+00, v2;
	v2 =	vld [tilespmem:s12+$0xFFFFFFB0]  }
0x4ef: {  	v3 =	vld [tilespmem:s10+$0xFFFFFFD0]  }
0x4f0: {  	v6 =	vld [tilespmem:s10+$0xFFFFFF10];
	v4 =	vmul.f32 $8.000000000e+00, v4  }
0x4f1: {  	[tilespmem:s1+$0xFFFFFEE0] =	vst v7;
	v7 =	vld [tilespmem:s10+$0xFFFFFF50];
	v1 =	vmul.f32 $8.000000000e+00, v1  }
0x4f2: {  	v8 =	vld [tilespmem:s10+$0xFFFFFF90];
	v5 =	vmul.f32 $8.000000000e+00, v5;
	[tilespmem:s1+$0xFFFFFFF0] =	vst v4  }
0x4f3: {  	[tilespmem:s1+$0xFFFFFF30] =	vst v1;
	v1 =	vmul.f32 $8.000000000e+00, v2;
	v2 =	vld [tilespmem:s12+$0x0]  }
0x4f4: {  	v4 =	vld [tilespmem:s10+$0xFFFFFED0];
	v3 =	vmul.f32 $8.000000000e+00, v3;
	[tilespmem:s1+$0xFFFFFF70] =	vst v5  }
0x4f5: {  	s0 =	simm.s32 $0x18570;
	v5 =	vmul.f32 $8.000000000e+00, v6;
	v6 =	vld [tilespmem:s12+$0xFFFFFEF0];
	[tilespmem:s1+$0xFFFFFFB0] =	vst v1  }
0x4f6: {  	v1 =	vmul.f32 $8.000000000e+00, v7;
	[tilespmem:s0+$0xFFFFFFD0] =	vst v3;
	v3 =	vld [tilespmem:s12+$0xFFFFFF40]  }
0x4f7: {  	[tilespmem:s0+$0xFFFFFF10] =	vst v5;
	v5 =	vmul.f32 $8.000000000e+00, v8;
	v7 =	vld [tilespmem:s10+$0xFFFFFFE0]  }
0x4f8: {  	v8 =	vld [tilespmem:s10+$0xFFFFFF20];
	[tilespmem:s0+$0xFFFFFF50] =	vst v1;
	v1 =	vmul.f32 $8.000000000e+00, v2  }
0x4f9: {  	v2 =	vmul.f32 $8.000000000e+00, v4;
	v4 =	vld [tilespmem:s10+$0xFFFFFF60];
	[tilespmem:s0+$0xFFFFFF90] =	vst v5  }
0x4fa: {  	v5 =	vld [tilespmem:s10+$0xFFFFFFA0];
	v6 =	vmul.f32 $8.000000000e+00, v6;
	[tilespmem:s1+$0x0] =	vst v1  }
0x4fb: {  	[tilespmem:s0+$0xFFFFFED0] =	vst v2;
	v2 =	vld [tilespmem:s12+$0xFFFFFF80];
	v1 =	vmul.f32 $8.000000000e+00, v3  }
0x4fc: {  	v9 =	vld [tilespmem:s10+$0xFFFFFEE0];
	[tilespmem:s1+$0xFFFFFEF0] =	vst v6;
	v3 =	vmul.f32 $8.000000000e+00, v7  }
0x4fd: {  	p4 =	por $0x1, $0x1;
	v6 =	vmul.f32 $8.000000000e+00, v8;
	v8 =	vld [tilespmem:s12+$0xFFFFFF00];
	[tilespmem:s1+$0xFFFFFF40] =	vst v1  }
.Ltmp30:
0x4fe: {  	v7 =	vmul.f32 $8.000000000e+00, v4;
	[tilespmem:s0+$0xFFFFFFE0] =	vst v3;
	v3 =	vld [tilespmem:s12+$0xFFFFFFC0];
	(pc) =	sbr.rel @!p4 .LBB2_59-.Ltmp30, $4  }
0x4ff: {  	[tilespmem:s0+$0xFFFFFF20] =	vst v6;
	v6 =	vmul.f32 $8.000000000e+00, v5;
	v4 =	vld [tilespmem:s10+$0xFFFFFFF0]  }
0x500: {  	v1 =	vld [tilespmem:s10+$0xFFFFFF30];
	[tilespmem:s0+$0xFFFFFF60] =	vst v7;
	v10 =	vmul.f32 $8.000000000e+00, v2  }
0x501: {  	v5 =	vld [tilespmem:s10+$0xFFFFFF70];
	[tilespmem:s0+$0xFFFFFFA0] =	vst v6;
	v7 =	vmul.f32 $8.000000000e+00, v9  }
0x502: {  	s15 =	simm.s32 $0x122B0;
	p3 =	por $0x1, $0x1;
	s12 =	simm.s32 $0x5;
	v2 =	vld [tilespmem:s10+$0xFFFFFFB0];
	v6 =	vmul.f32 $8.000000000e+00, v8;
	[tilespmem:s1+$0xFFFFFF80] =	vst v10  }
.LBB2_60:
0x503: {  	v8 =	vld [tilespmem:s15+$0xFFFFFFD0];
	s12 =	sadd.s32 $0x5, s12;
	[tilespmem:s0+$0xFFFFFEE0] =	vst v7;
	v3 =	vmul.f32 $8.000000000e+00, v3  }
0x504: {  	v7 =	vld [tilespmem:s15+$0xFFFFFF10];
	p4 =	slt.u32 s12, $0x2D;
	v4 =	vmul.f32 $8.000000000e+00, v4;
	[tilespmem:s1+$0xFFFFFF00] =	vst v6  }
0x505: {  	v6 =	vld [tilespmem:s15+$0xFFFFFF50];
	v1 =	vmul.f32 $8.000000000e+00, v1;
	[tilespmem:s1+$0xFFFFFFC0] =	vst v3;
	s1 =	smov.u32 s0  }
0x506: {  	v3 =	vld [tilespmem:s15+$0xFFFFFF90];
	v5 =	vmul.f32 $8.000000000e+00, v5;
	[tilespmem:s0+$0xFFFFFFF0] =	vst v4  }
0x507: {  	[tilespmem:s0+$0xFFFFFF30] =	vst v1;
	v1 =	vmul.f32 $8.000000000e+00, v2;
	v2 =	vld [tilespmem:s10+$0x0]  }
0x508: {  	v4 =	vld [tilespmem:s15+$0xFFFFFED0];
	v8 =	vmul.f32 $8.000000000e+00, v8;
	[tilespmem:s0+$0xFFFFFF70] =	vst v5  }
0x509: {  	s0 =	sadd.s32 $0x140, s0;
	v5 =	vmul.f32 $8.000000000e+00, v7;
	v7 =	vld [tilespmem:s10+$0xFFFFFEF0];
	[tilespmem:s1+$0xFFFFFFB0] =	vst v1  }
0x50a: {  	v1 =	vmul.f32 $8.000000000e+00, v6;
	[tilespmem:s0+$0xFFFFFFD0] =	vst v8;
	v6 =	vld [tilespmem:s10+$0xFFFFFF40]  }
0x50b: {  	[tilespmem:s0+$0xFFFFFF10] =	vst v5;
	v3 =	vmul.f32 $8.000000000e+00, v3;
	v5 =	vld [tilespmem:s15+$0xFFFFFFE0]  }
0x50c: {  	v8 =	vld [tilespmem:s15+$0xFFFFFF20];
	[tilespmem:s0+$0xFFFFFF50] =	vst v1;
	v1 =	vmul.f32 $8.000000000e+00, v2  }
0x50d: {  	v2 =	vmul.f32 $8.000000000e+00, v4;
	v4 =	vld [tilespmem:s15+$0xFFFFFF60];
	[tilespmem:s0+$0xFFFFFF90] =	vst v3  }
0x50e: {  	v9 =	vld [tilespmem:s15+$0xFFFFFFA0];
	v3 =	vmul.f32 $8.000000000e+00, v7;
	[tilespmem:s1+$0x0] =	vst v1  }
0x50f: {  	[tilespmem:s0+$0xFFFFFED0] =	vst v2;
	v1 =	vmul.f32 $8.000000000e+00, v6;
	v2 =	vld [tilespmem:s10+$0xFFFFFF80]  }
0x510: {  	v6 =	vld [tilespmem:s15+$0xFFFFFEE0];
	v5 =	vmul.f32 $8.000000000e+00, v5;
	[tilespmem:s1+$0xFFFFFEF0] =	vst v3  }
0x511: {  	v7 =	vmul.f32 $8.000000000e+00, v8;
	v8 =	vld [tilespmem:s10+$0xFFFFFF00];
	[tilespmem:s1+$0xFFFFFF40] =	vst v1  }
.Ltmp31:
0x512: {  	v10 =	vmul.f32 $8.000000000e+00, v4;
	[tilespmem:s0+$0xFFFFFFE0] =	vst v5;
	v3 =	vld [tilespmem:s10+$0xFFFFFFC0];
	s10 =	smov.u32 s15;
	(pc) =	sbr.rel @p4 .LBB2_60-.Ltmp31, $4  }
0x513: {  	[tilespmem:s0+$0xFFFFFF20] =	vst v7;
	v9 =	vmul.f32 $8.000000000e+00, v9;
	v4 =	vld [tilespmem:s15+$0xFFFFFFF0]  }
0x514: {  	v1 =	vld [tilespmem:s15+$0xFFFFFF30];
	[tilespmem:s0+$0xFFFFFF60] =	vst v10;
	v10 =	vmul.f32 $8.000000000e+00, v2  }
0x515: {  	v7 =	vmul.f32 $8.000000000e+00, v6;
	v5 =	vld [tilespmem:s15+$0xFFFFFF70];
	[tilespmem:s0+$0xFFFFFFA0] =	vst v9  }
0x516: {  	s15 =	sadd.s32 $0x140, s15;
	v2 =	vld [tilespmem:s10+$0xFFFFFFB0];
	v6 =	vmul.f32 $8.000000000e+00, v8;
	[tilespmem:s1+$0xFFFFFF80] =	vst v10  }
0x517: {  	s12 =	smov.u32 s10  }
.LBB2_62:
0x518: {  	[tilespmem:s0+$0xFFFFFEE0] =	vst v7  }
0x519: {  	v4 =	vmul.f32 $8.000000000e+00, v4;
	v7 =	vld [tilespmem:s12+$0xFFFFFEF0]  }
0x51a: {  	v1 =	vmul.f32 $8.000000000e+00, v1  }
0x51b: {  	v5 =	vmul.f32 $8.000000000e+00, v5;
	[tilespmem:s0+$0xFFFFFFF0] =	vst v4  }
0x51c: {  	[tilespmem:s0+$0xFFFFFF30] =	vst v1;
	v1 =	vld [tilespmem:s12+$0x0]  }
0x51d: {  	v2 =	vmul.f32 $8.000000000e+00, v2;
	[tilespmem:s0+$0xFFFFFF70] =	vst v5  }
0x51e: {  	v4 =	vmul.f32 $8.000000000e+00, v7;
	v7 =	vld [tilespmem:s12+$0xFFFFFF80]  }
0x51f: {  	v5 =	vld [tilespmem:s12+$0xFFFFFF40];
	[tilespmem:s0+$0xFFFFFFB0] =	vst v2  }
0x520: {  	[tilespmem:s0+$0xFFFFFEF0] =	vst v4;
	v4 =	vld [tilespmem:s12+$0xFFFFFFC0]  }
0x521: {  	v1 =	vmul.f32 $8.000000000e+00, v1;
	v2 =	vld [tilespmem:s12+$0xFFFFFF00]  }
0x522: {  	v3 =	vmul.f32 @p3 $8.000000000e+00, v3;
	[tilespmem:s1+$0xFFFFFF00] =	vst @p3 v6  }
0x523: {  	[tilespmem:s0+$0x0] =	vst v1;
	v1 =	vmul.f32 $8.000000000e+00, v7  }
0x524: {  	[tilespmem:s1+$0xFFFFFFC0] =	vst @p3 v3;
	v3 =	vmul.f32 $8.000000000e+00, v5  }
0x525: {  	[tilespmem:s0+$0xFFFFFF80] =	vst v1;
	v1 =	vmul.f32 $8.000000000e+00, v4  }
0x526: {  	[tilespmem:s0+$0xFFFFFF40] =	vst v3;
	v2 =	vmul.f32 $8.000000000e+00, v2  }
0x527: {  	[tilespmem:s0+$0xFFFFFFC0] =	vst v1  }
0x528: {  	s12 =	simm.s32 $0x12CB0;
	[tilespmem:s0+$0xFFFFFF00] =	vst v2  }
0x529: {  	v1 =	vld [tilespmem:s12+$0xFFFFFFD0]  }
0x52a: {  	v2 =	vld [tilespmem:s12+$0xFFFFFF10]  }
0x52b: {  	v3 =	vld [tilespmem:s12+$0xFFFFFF50]  }
0x52c: {  	v4 =	vld [tilespmem:s12+$0xFFFFFF90];
	_ =	sdelay $0x1  }
0x52d: {  	v1 =	vmul.f32 $8.000000000e+00, v1  }
0x52e: {  	s1 =	simm.s32 $0x190B0;
	v5 =	vld [tilespmem:s12+$0xFFFFFED0];
	v2 =	vmul.f32 $8.000000000e+00, v2  }
0x52f: {  	v3 =	vmul.f32 $8.000000000e+00, v3;
	[tilespmem:s1+$0xFFFFFFD0] =	vst v1  }
0x530: {  	[tilespmem:s1+$0xFFFFFF10] =	vst v2;
	v1 =	vmul.f32 $8.000000000e+00, v4;
	v2 =	vld [tilespmem:s12+$0xFFFFFFE0]  }
0x531: {  	[tilespmem:s1+$0xFFFFFF50] =	vst v3;
	v4 =	vld [tilespmem:s12+$0xFFFFFF20]  }
0x532: {  	v3 =	vld [tilespmem:s12+$0xFFFFFF60];
	[tilespmem:s1+$0xFFFFFF90] =	vst v1  }
0x533: {  	v1 =	vmul.f32 $8.000000000e+00, v5;
	v5 =	vld [tilespmem:s12+$0xFFFFFFA0];
	_ =	sdelay $0x1  }
0x534: {  	[tilespmem:s1+$0xFFFFFED0] =	vst v1;
	v1 =	vmul.f32 $8.000000000e+00, v2  }
0x535: {  	v2 =	vld [tilespmem:s12+$0xFFFFFEE0];
	v4 =	vmul.f32 $8.000000000e+00, v4  }
.Ltmp32:
0x536: {  	v3 =	vmul.f32 $8.000000000e+00, v3;
	[tilespmem:s1+$0xFFFFFFE0] =	vst v1;
	(pc) =	sbr.rel @!p2 .LBB2_63-.Ltmp32, $4  }
0x537: {  	[tilespmem:s1+$0xFFFFFF20] =	vst v4;
	v6 =	vmul.f32 $8.000000000e+00, v5;
	v5 =	vld [tilespmem:s12+$0xFFFFFFF0]  }
0x538: {  	[tilespmem:s1+$0xFFFFFF60] =	vst v3;
	v1 =	vld [tilespmem:s12+$0xFFFFFF30]  }
0x539: {  	v4 =	vld [tilespmem:s12+$0xFFFFFF70];
	[tilespmem:s1+$0xFFFFFFA0] =	vst v6  }
0x53a: {  	s10 =	simm.s32 $0x12DF0;
	v7 =	vmul.f32 $8.000000000e+00, v2;
	v3 =	vld [tilespmem:s12+$0xFFFFFFB0]  }
0x53b: {  	v2 =	vld [tilespmem:s10+$0xFFFFFFD0]  }
0x53c: {  	v6 =	vld [tilespmem:s10+$0xFFFFFF10];
	v5 =	vmul.f32 $8.000000000e+00, v5  }
0x53d: {  	[tilespmem:s1+$0xFFFFFEE0] =	vst v7;
	v7 =	vld [tilespmem:s10+$0xFFFFFF50];
	v1 =	vmul.f32 $8.000000000e+00, v1  }
0x53e: {  	v8 =	vld [tilespmem:s10+$0xFFFFFF90];
	v4 =	vmul.f32 $8.000000000e+00, v4;
	[tilespmem:s1+$0xFFFFFFF0] =	vst v5  }
0x53f: {  	[tilespmem:s1+$0xFFFFFF30] =	vst v1;
	v1 =	vmul.f32 $8.000000000e+00, v3;
	v3 =	vld [tilespmem:s12+$0x0]  }
0x540: {  	v5 =	vld [tilespmem:s10+$0xFFFFFED0];
	v2 =	vmul.f32 $8.000000000e+00, v2;
	[tilespmem:s1+$0xFFFFFF70] =	vst v4  }
0x541: {  	s0 =	simm.s32 $0x191F0;
	v4 =	vmul.f32 $8.000000000e+00, v6;
	v6 =	vld [tilespmem:s12+$0xFFFFFEF0];
	[tilespmem:s1+$0xFFFFFFB0] =	vst v1  }
0x542: {  	v1 =	vmul.f32 $8.000000000e+00, v7;
	[tilespmem:s0+$0xFFFFFFD0] =	vst v2;
	v2 =	vld [tilespmem:s12+$0xFFFFFF40]  }
0x543: {  	[tilespmem:s0+$0xFFFFFF10] =	vst v4;
	v4 =	vmul.f32 $8.000000000e+00, v8;
	v7 =	vld [tilespmem:s10+$0xFFFFFFE0]  }
0x544: {  	v8 =	vld [tilespmem:s10+$0xFFFFFF20];
	[tilespmem:s0+$0xFFFFFF50] =	vst v1;
	v1 =	vmul.f32 $8.000000000e+00, v3  }
0x545: {  	v3 =	vmul.f32 $8.000000000e+00, v5;
	v5 =	vld [tilespmem:s10+$0xFFFFFF60];
	[tilespmem:s0+$0xFFFFFF90] =	vst v4  }
0x546: {  	v4 =	vld [tilespmem:s10+$0xFFFFFFA0];
	v6 =	vmul.f32 $8.000000000e+00, v6;
	[tilespmem:s1+$0x0] =	vst v1  }
0x547: {  	[tilespmem:s0+$0xFFFFFED0] =	vst v3;
	v3 =	vld [tilespmem:s12+$0xFFFFFF80];
	v1 =	vmul.f32 $8.000000000e+00, v2  }
0x548: {  	v9 =	vld [tilespmem:s10+$0xFFFFFEE0];
	[tilespmem:s1+$0xFFFFFEF0] =	vst v6;
	v2 =	vmul.f32 $8.000000000e+00, v7  }
0x549: {  	p2 =	por $0x1, $0x1;
	v6 =	vmul.f32 $8.000000000e+00, v8;
	v8 =	vld [tilespmem:s12+$0xFFFFFF00];
	[tilespmem:s1+$0xFFFFFF40] =	vst v1  }
.Ltmp33:
0x54a: {  	v7 =	vmul.f32 $8.000000000e+00, v5;
	[tilespmem:s0+$0xFFFFFFE0] =	vst v2;
	v2 =	vld [tilespmem:s12+$0xFFFFFFC0];
	(pc) =	sbr.rel @!p2 .LBB2_65-.Ltmp33, $4  }
0x54b: {  	[tilespmem:s0+$0xFFFFFF20] =	vst v6;
	v6 =	vmul.f32 $8.000000000e+00, v4;
	v5 =	vld [tilespmem:s10+$0xFFFFFFF0]  }
0x54c: {  	v1 =	vld [tilespmem:s10+$0xFFFFFF30];
	[tilespmem:s0+$0xFFFFFF60] =	vst v7;
	v10 =	vmul.f32 $8.000000000e+00, v3  }
0x54d: {  	v4 =	vld [tilespmem:s10+$0xFFFFFF70];
	[tilespmem:s0+$0xFFFFFFA0] =	vst v6;
	v7 =	vmul.f32 $8.000000000e+00, v9  }
0x54e: {  	s15 =	simm.s32 $0x12F30;
	p1 =	por $0x1, $0x1;
	s12 =	simm.s32 $0x5;
	v3 =	vld [tilespmem:s10+$0xFFFFFFB0];
	v6 =	vmul.f32 $8.000000000e+00, v8;
	[tilespmem:s1+$0xFFFFFF80] =	vst v10  }
.LBB2_66:
0x54f: {  	v8 =	vld [tilespmem:s15+$0xFFFFFFD0];
	s12 =	sadd.s32 $0x5, s12;
	[tilespmem:s0+$0xFFFFFEE0] =	vst v7;
	v2 =	vmul.f32 $8.000000000e+00, v2  }
0x550: {  	v7 =	vld [tilespmem:s15+$0xFFFFFF10];
	p2 =	slt.u32 s12, $0x2D;
	v5 =	vmul.f32 $8.000000000e+00, v5;
	[tilespmem:s1+$0xFFFFFF00] =	vst v6  }
0x551: {  	v6 =	vld [tilespmem:s15+$0xFFFFFF50];
	v1 =	vmul.f32 $8.000000000e+00, v1;
	[tilespmem:s1+$0xFFFFFFC0] =	vst v2;
	s1 =	smov.u32 s0  }
0x552: {  	v2 =	vld [tilespmem:s15+$0xFFFFFF90];
	v4 =	vmul.f32 $8.000000000e+00, v4;
	[tilespmem:s0+$0xFFFFFFF0] =	vst v5  }
0x553: {  	[tilespmem:s0+$0xFFFFFF30] =	vst v1;
	v1 =	vmul.f32 $8.000000000e+00, v3;
	v3 =	vld [tilespmem:s10+$0x0]  }
0x554: {  	v5 =	vld [tilespmem:s15+$0xFFFFFED0];
	v8 =	vmul.f32 $8.000000000e+00, v8;
	[tilespmem:s0+$0xFFFFFF70] =	vst v4  }
0x555: {  	s0 =	sadd.s32 $0x140, s0;
	v4 =	vmul.f32 $8.000000000e+00, v7;
	v7 =	vld [tilespmem:s10+$0xFFFFFEF0];
	[tilespmem:s1+$0xFFFFFFB0] =	vst v1  }
0x556: {  	v1 =	vmul.f32 $8.000000000e+00, v6;
	[tilespmem:s0+$0xFFFFFFD0] =	vst v8;
	v6 =	vld [tilespmem:s10+$0xFFFFFF40]  }
0x557: {  	[tilespmem:s0+$0xFFFFFF10] =	vst v4;
	v2 =	vmul.f32 $8.000000000e+00, v2;
	v4 =	vld [tilespmem:s15+$0xFFFFFFE0]  }
0x558: {  	v8 =	vld [tilespmem:s15+$0xFFFFFF20];
	[tilespmem:s0+$0xFFFFFF50] =	vst v1;
	v1 =	vmul.f32 $8.000000000e+00, v3  }
0x559: {  	v3 =	vmul.f32 $8.000000000e+00, v5;
	v5 =	vld [tilespmem:s15+$0xFFFFFF60];
	[tilespmem:s0+$0xFFFFFF90] =	vst v2  }
0x55a: {  	v9 =	vld [tilespmem:s15+$0xFFFFFFA0];
	v2 =	vmul.f32 $8.000000000e+00, v7;
	[tilespmem:s1+$0x0] =	vst v1  }
0x55b: {  	[tilespmem:s0+$0xFFFFFED0] =	vst v3;
	v1 =	vmul.f32 $8.000000000e+00, v6;
	v3 =	vld [tilespmem:s10+$0xFFFFFF80]  }
0x55c: {  	v6 =	vld [tilespmem:s15+$0xFFFFFEE0];
	v4 =	vmul.f32 $8.000000000e+00, v4;
	[tilespmem:s1+$0xFFFFFEF0] =	vst v2  }
0x55d: {  	v7 =	vmul.f32 $8.000000000e+00, v8;
	v8 =	vld [tilespmem:s10+$0xFFFFFF00];
	[tilespmem:s1+$0xFFFFFF40] =	vst v1  }
.Ltmp34:
0x55e: {  	v10 =	vmul.f32 $8.000000000e+00, v5;
	[tilespmem:s0+$0xFFFFFFE0] =	vst v4;
	v2 =	vld [tilespmem:s10+$0xFFFFFFC0];
	s10 =	smov.u32 s15;
	(pc) =	sbr.rel @p2 .LBB2_66-.Ltmp34, $4  }
0x55f: {  	[tilespmem:s0+$0xFFFFFF20] =	vst v7;
	v9 =	vmul.f32 $8.000000000e+00, v9;
	v5 =	vld [tilespmem:s15+$0xFFFFFFF0]  }
0x560: {  	v1 =	vld [tilespmem:s15+$0xFFFFFF30];
	[tilespmem:s0+$0xFFFFFF60] =	vst v10;
	v10 =	vmul.f32 $8.000000000e+00, v3  }
0x561: {  	v7 =	vmul.f32 $8.000000000e+00, v6;
	v4 =	vld [tilespmem:s15+$0xFFFFFF70];
	[tilespmem:s0+$0xFFFFFFA0] =	vst v9  }
0x562: {  	s15 =	sadd.s32 $0x140, s15;
	v3 =	vld [tilespmem:s10+$0xFFFFFFB0];
	v6 =	vmul.f32 $8.000000000e+00, v8;
	[tilespmem:s1+$0xFFFFFF80] =	vst v10  }
0x563: {  	s12 =	smov.u32 s10  }
.LBB2_68:
0x564: {  	[tilespmem:s0+$0xFFFFFEE0] =	vst v7  }
0x565: {  	v5 =	vmul.f32 $8.000000000e+00, v5;
	v7 =	vld [tilespmem:s12+$0xFFFFFEF0]  }
0x566: {  	v1 =	vmul.f32 $8.000000000e+00, v1  }
0x567: {  	v4 =	vmul.f32 $8.000000000e+00, v4;
	[tilespmem:s0+$0xFFFFFFF0] =	vst v5  }
0x568: {  	[tilespmem:s0+$0xFFFFFF30] =	vst v1;
	v1 =	vld [tilespmem:s12+$0x0]  }
0x569: {  	v3 =	vmul.f32 $8.000000000e+00, v3;
	[tilespmem:s0+$0xFFFFFF70] =	vst v4  }
0x56a: {  	v62 =	vld [tilespmem:s12+$0xFFFFFF80];
	v60 =	vmul.f32 $8.000000000e+00, v7  }
0x56b: {  	v61 =	vld [tilespmem:s12+$0xFFFFFF40];
	[tilespmem:s0+$0xFFFFFFB0] =	vst v3  }
0x56c: {  	v63 =	vld [tilespmem:s12+$0xFFFFFFC0];
	[tilespmem:s0+$0xFFFFFEF0] =	vst v60  }
0x56d: {  	v1 =	vmul.f32 $8.000000000e+00, v1;
	v3 =	vld [tilespmem:s12+$0xFFFFFF00]  }
0x56e: {  	v2 =	vmul.f32 @p1 $8.000000000e+00, v2;
	[tilespmem:s1+$0xFFFFFF00] =	vst @p1 v6  }
0x56f: {  	[tilespmem:s0+$0x0] =	vst v1;
	v1 =	vmul.f32 $8.000000000e+00, v62  }
0x570: {  	[tilespmem:s1+$0xFFFFFFC0] =	vst @p1 v2;
	v2 =	vmul.f32 $8.000000000e+00, v61  }
.Ltmp35:
0x571: {  	[tilespmem:s0+$0xFFFFFF80] =	vst v1;
	v1 =	vmul.f32 $8.000000000e+00, v63;
	(pc) =	sbr.rel @p0 .LBB2_70-.Ltmp35, $4  }
0x572: {  	[tilespmem:s0+$0xFFFFFF40] =	vst v2;
	v2 =	vmul.f32 $8.000000000e+00, v3  }
0x573: {  	[tilespmem:s0+$0xFFFFFFC0] =	vst v1  }
0x574: {  	s31 =	sadd.s32 $0x12C0, s31;
	[tilespmem:s0+$0xFFFFFF00] =	vst v2  }
0x575: {  	[hbm4b:s31+s4] =	stream.linear.scatter [tilespmem:s22], [sflag:$0x6], $0x3200, $0x38;
	[tilespmem:$0x19C00] =	vst v63  }
0x576: {  	s0 =	smul.u32 $0xE00, s29;
	_ =	sdelay $0x1  }
0x577: {  	s0 =	sshra.s32 s0, $0x2  }
0x578: {  	s1 =	sadd.s32 $0x620, s0  }
0x579: {  	[tilespmem:s11], [sflag:$0x4] =	stream.indirect.gather [hbm4b:s5+s9], $0x40, s1, s9, $0xb8;
	[tilespmem:$0x19C00] =	vst v63  }
0x57a: {  	s30 =	sadd.s32 $0x658, s0  }
0x57b: {  	[tilespmem:s14], [sflag:$0x4] =	stream.indirect.gather [hbm4b:s5+s9], $0x40, s30, s9, $0xb8;
	[tilespmem:$0x19C00] =	vst v63  }
.Ltmp36:
0x57c: {  	_ = 	snop;
	(pc) =	sbr.rel .LBB2_4-.Ltmp36, $4  }
0x57d: {  	s31 =	sadd.s32 $0x690, s0  }
0x57e: {  	[tilespmem:s16], [sflag:$0x4] =	stream.indirect.gather [hbm4b:s5+s9], $0x40, s31, s9, $0xb8;
	[tilespmem:$0x19C00] =	vst v63  }
0x57f: {  	s29 =	sadd.s32 $0x1, s29;
	s0 =	sadd.s32 $0x6C8, s0  }
0x580: {  	[tilespmem:s18], [sflag:$0x4] =	stream.indirect.gather [hbm4b:s5+s9], $0x40, s0, s9, $0xb8;
	[tilespmem:$0x19C00] =	vst v63  }
.LBB2_9:
.Ltmp37:
0x581: {  	(pc) =	sbr.rel .LBB2_14-.Ltmp37, $2  }
0x582: {  	_ =	sdelay $0x2  }
0x583: {  	s0 =	simm.s32 $0x15230;
	p3 =	por $0x0, $0x0  }
.LBB2_15:
.Ltmp38:
0x584: {  	(pc) =	sbr.rel .LBB2_20-.Ltmp38, $2  }
0x585: {  	_ =	sdelay $0x2  }
0x586: {  	s30 =	simm.s32 $0x15EB0  }
.LBB2_25:
.Ltmp39:
0x587: {  	(pc) =	sbr.rel .LBB2_30-.Ltmp39, $2  }
0x588: {  	_ =	sdelay $0x2  }
0x589: {  	s0 =	simm.s32 $0x18430;
	p3 =	por $0x0, $0x0  }
.LBB2_31:
.Ltmp40:
0x58a: {  	(pc) =	sbr.rel .LBB2_36-.Ltmp40, $2  }
0x58b: {  	_ =	sdelay $0x2  }
0x58c: {  	s0 =	simm.s32 $0x190B0  }
.LBB2_41:
.Ltmp41:
0x58d: {  	(pc) =	sbr.rel .LBB2_46-.Ltmp41, $2  }
0x58e: {  	_ =	sdelay $0x2  }
0x58f: {  	s0 =	simm.s32 $0x15230;
	p3 =	por $0x0, $0x0  }
.LBB2_47:
.Ltmp42:
0x590: {  	(pc) =	sbr.rel .LBB2_52-.Ltmp42, $2  }
0x591: {  	_ =	sdelay $0x2  }
0x592: {  	s0 =	simm.s32 $0x15EB0  }
.LBB2_57:
.Ltmp43:
0x593: {  	(pc) =	sbr.rel .LBB2_62-.Ltmp43, $2  }
0x594: {  	_ =	sdelay $0x2  }
0x595: {  	s0 =	simm.s32 $0x18430;
	p3 =	por $0x0, $0x0  }
.LBB2_63:
.Ltmp44:
0x596: {  	(pc) =	sbr.rel .LBB2_68-.Ltmp44, $2  }
0x597: {  	_ =	sdelay $0x2  }
0x598: {  	s0 =	simm.s32 $0x190B0  }
.LBB2_11:
.Ltmp45:
0x599: {  	(pc) =	sbr.rel .LBB2_14-.Ltmp45, $2  }
0x59a: {  	_ =	sdelay $0x2  }
0x59b: {  	s10 =	simm.s32 $0x8B70  }
.LBB2_17:
.Ltmp46:
0x59c: {  	(pc) =	sbr.rel .LBB2_20-.Ltmp46, $2  }
0x59d: {  	_ =	sdelay $0x2  }
0x59e: {  	s10 =	simm.s32 $0x97F0  }
.LBB2_27:
.Ltmp47:
0x59f: {  	(pc) =	sbr.rel .LBB2_30-.Ltmp47, $2  }
0x5a0: {  	_ =	sdelay $0x2  }
0x5a1: {  	s12 =	simm.s32 $0xBD70  }
.LBB2_33:
.Ltmp48:
0x5a2: {  	(pc) =	sbr.rel .LBB2_36-.Ltmp48, $2  }
0x5a3: {  	_ =	sdelay $0x2  }
0x5a4: {  	s12 =	simm.s32 $0xC9F0  }
.LBB2_43:
.Ltmp49:
0x5a5: {  	(pc) =	sbr.rel .LBB2_46-.Ltmp49, $2  }
0x5a6: {  	_ =	sdelay $0x2  }
0x5a7: {  	s12 =	simm.s32 $0xEF70  }
.LBB2_49:
.Ltmp50:
0x5a8: {  	(pc) =	sbr.rel .LBB2_52-.Ltmp50, $2  }
0x5a9: {  	_ =	sdelay $0x2  }
0x5aa: {  	s12 =	simm.s32 $0xFBF0  }
.LBB2_59:
.Ltmp51:
0x5ab: {  	(pc) =	sbr.rel .LBB2_62-.Ltmp51, $2  }
0x5ac: {  	_ =	sdelay $0x2  }
0x5ad: {  	s12 =	simm.s32 $0x12170  }
.LBB2_65:
.Ltmp52:
0x5ae: {  	(pc) =	sbr.rel .LBB2_68-.Ltmp52, $2  }
0x5af: {  	_ =	sdelay $0x2  }
0x5b0: {  	s12 =	simm.s32 $0x12DF0  }
.LBB2_71:
0x5b1: {  	_ =	sfence.sel $0x180000  }
0x5b2: {  	[bflag:$0x0] =	sbarrier.arrive $0xFFFF  }
0x5b3: {  	_ =	strace $0x9000004A  }
0x5b4: {  	s0 =	stileid.u32;
	[bflag:$0x2] =	sbarrier.arrive $0xFFFF  }
0x5b5: {  	p0 =	sne.s32 s0, $0x0;
	s0 =	rddreg [dreg:$0x2]  }
0x5b6: {  	s0 =	sadd.s32 @!p0 $0x100000, s0  }
0x5b7: {  	[sflag:s0] =	ssyncadd.tile.s32 @!p0 $0x1;
	_ =	shalt  }
.Lfunc_end2:
_tile_overlayer_lowered:
.L_overlay_start_2:
0x5b8: {  	(tag) =	ssettag $0x2  }
0x5b9: {  	s0 =	rddreg [dreg:$0x0];
	s2 =	stileid.u32  }
0x5ba: {  	s1 =	rddreg [dreg:$0x1];
	p0 =	sne.s32 s2, $0x0  }
0x5bb: {  	s3 =	rddreg [dreg:$0x2];
	[bflag:$0x3] =	sbarrier.arrive $0xFFFF;
	s2 =	simm.s32 @!p0 $0x1C07  }
0x5bc: {  	[timem:s3], [sflag:s2] =	dma.local @!p0 [hbm:s0], s1  }
0x5bd: {  	s0 =	simm.s32 @!p0 $0x7  }
0x5be: {  	_ =	swait.ge @!p0 [sflag:s0], s1  }
0x5bf: {  	s1 =	ssub.s32 @!p0 $0x0, s1;
	[sflag:s0] =	ssyncset.done @!p0 $0x0  }
0x5c0: {  	[sflag:s0] =	ssyncadd.s32 @!p0 s1  }
0x5c1: {  	[bflag:$0x3] =	sbarrier.arrive $0xFFFF  }
0x5c2: {  	_ =	shalt  }

// kernel: sparse-core-data-format-call.1.cloned.1.call-start
scs
called_computation.1_lowered:
.L_overlay_start_0:
0x0: {  	s2 =	sld [smem:$0x3FD9]  }
0x1: {  	s3 =	sld [smem:$0x3FFE];
	_ =	sdelay $0x1  }
0x2: {  	s1 =	srdreg.scid  }
0x3: {  	s0 =	sand.u32 $0x1, s1  }
0x4: {  	s18 =	sshll.u32 s0, $0xA;
	s2 =	sadd.s32 s3, s2  }
0x5: {  	s2 =	sadd.s32 s2, s18  }
0x6: {  	[smem:$0x3FC6] =	sst s2  }
0x7: {  	_ = 	snop  }
0x8: {  	s2 =	sld [smem:$0x3FC8];
	(tm) =	ssettm $0x1  }
0x9: {  	s19 =	sld [smem:$0x3FFB];
	_ =	sdelay $0x3  }
0xa: {  	_ =	strace s19  }
0xb: {  	s3 =	sld [smem:$0x3FFC];
	_ =	sdelay $0x3  }
0xc: {  	_ =	strace s3  }
0xd: {  	s3 =	sld [smem:$0x3FFD];
	_ =	sdelay $0x3  }
0xe: {  	_ =	strace s3  }
0xf: {  	_ =	strace $0x8FFFFFFF  }
0x10: {  	s20 =	sld [smem:$0x3FDB];
	_ =	sdelay $0x1  }
0x11: {  	s4 =	simm.s32 $_scs_section_size  }
0x12: {  	s5 =	simm.s32 $_size__tile_overlayer_lowered;
	s6 =	simm.s32 $_tile_overlayer_lowered  }
0x13: {  	s23 =	simm.s32 $0x1BFF;
	s22 =	sshll.u32 s6, $0x1;
	s3 =	sadd.s32 s4, s20  }
0x14: {  	s7 =	simm.s32 $0x0;
	s21 =	sshll.u32 s5, $0x1;
	s5 =	sadd.s32 s22, s3  }
0x15: {  	[timem:s7], [sflag:s23] =	dma.local [hbm:s5], s21  }
0x16: {  	_ =	swait.ge [sflag:s23], s21  }
0x17: {  	s4 =	ssub.s32 $0x0, s21;
	[sflag:s23] =	ssyncset.done $0x0  }
0x18: {  	[sflag:s23] =	ssyncadd.s32 s4;
	_ =	sdelay $0x1  }
0x19: {  	s24 =	simm.s32 $0x1B8B  }
0x1a: {  	_ =	swait.ge [sflag:s24], $0x1  }
0x1b: {  	[sflag:s24] =	ssyncset.done $0x0  }
0x1c: {  	s26 =	simm.s32 $0x1B8E;
	s25 =	sld [smem:$0x3FFE];
	[sflag:s24] =	ssyncadd.s32 $0xFFFFFFFF  }
0x1d: {  	s27 =	simm.s32 $execute0_lowered;
	[smem:$0x3FD2] =	sst s26  }
0x1e: {  	s5 =	sshll.u32 s27, $0x1;
	_ =	strace $0x80000046;
	[dreg:$0x1] =	wrdreg $0xFFFFFFFF  }
0x1f: {  	s28 =	simm.s32 $_size_execute0_lowered;
	s3 =	sadd.s32 s3, s5;
	[dreg:$0x0] =	wrdreg $0x0  }
0x20: {  	s5 =	sshll.u32 s28, $0x1;
	[dreg:$0x2] =	wrdreg s3  }
0x21: {  	[dreg:$0x3] =	wrdreg s5  }
0x22: {  	[dreg:$0x4] =	wrdreg $0xC0  }
0x23: {  	_ =	task [dreg:s7], $0x5FFFF  }
0x24: {  	[dreg:$0x1] =	wrdreg $0xFFFFFFFF  }
0x25: {  	[dreg:$0x0] =	wrdreg $0x60  }
0x26: {  	[dreg:$0x2] =	wrdreg s2  }
0x27: {  	[dreg:$0x3] =	wrdreg s25  }
0x28: {  	[dreg:$0x4] =	wrdreg $0x9  }
0x29: {  	_ =	task.clear_ibuf [dreg:s7], $0x5FFFF;
	_ =	strace $0x90000046  }
0x2a: {  	s29 =	simm.s32 $0x9;
	_ =	strace $0x80000048  }
0x2b: {  	_ =	swait.ge [sflag:s29], $0x1  }
0x2c: {  	[sflag:s29] =	ssyncadd.s32 $0xFFFFFFFF  }
0x2d: {  	_ =	strace $0x90000048  }
0x2e: {  	_ =	sfence  }
0x2f: {  	s30 =	sld [smem:$0x0];
	_ =	sdelay $0x2  }
0x30: {  	s31 =	sshll.u32 s1, $0xD;
	s1 =	sshrl.u32 s1, $0x2  }
0x31: {  	s3 =	sand.u32 $0x4000, s31;
	s1 =	sadd.s32 s1, s30  }
0x32: {  	s0 =	sor.u32 s3, s0;
	s1 =	sshll.u32 s1, $0x11  }
0x33: {  	s0 =	sor.u32 s1, s0  }
0x34: {  	s0 =	sadd.s32 $0x8F2B, s0  }
0x35: {  	[sflag:s0] =	ssyncadd.remote.s32 $0x1  }
0x36: {  	_ =	sfence.sel $0xFFFF  }
0x37: {  	[dreg:$0x0] =	wrdreg $0xFFFFFFFF;
	(pc) =	sbr.abs _section_cstart, $3  }
0x38: {  	[dreg:$0x1] =	wrdreg $0xFFFFFFFF  }
0x39: {  	_ =	task.clear_ibuf [dreg:s7], $0x2FFFF;
	_ =	strace $0x9FFFFFFF  }
0x3a: {  	(tm) =	ssettm $0x7FFFFFFF  }
0x3b: {  	_ =	shalt  }
tec
execute0_lowered:
.L_overlay_start_1:
0x0: {  	(tag) =	ssettag $0x1  }
0x1: {  	s0 =	srdreg.scid;
	s2 =	rddreg [dreg:$0x0]  }
0x2: {  	s5 =	rddreg [dreg:$0x1];
	s1 =	stileid.u32  }
0x3: {  	s4 =	simm.s32 $0x1;
	s6 =	simm.s32 $0x2;
	s15 =	simm.s32 $0x0  }
0x4: {  	p0 =	por $0x0, $0x0;
	s8 =	simm.s32 $0x80;
	s0 =	sshll.u32 s0, $0x4  }
0x5: {  	s14 =	simm.s32 $0x0;
	s9 =	simm.s32 $0x0;
	s3 =	sand.u32 $0x10, s0  }
.Ltmp0:
0x6: {  	s10 =	simm.s32 $0x0;
	s3 =	sor.u32 s1, s3;
	(pc) =	sbr.rel .LBB1_1-.Ltmp0, $4  }
0x7: {  	s0 =	rddreg [dreg:$0x2];
	_ =	strace $0x80000047;
	s3 =	sshll.u32 s3, $0x7  }
0x8: {  	s12 =	simm.s32 $0x0;
	[sflag:s4] =	ssyncpa.u1 $0x0;
	s7 =	ssub.s32 $0xF4200, s3  }
0x9: {  	s13 =	simm.s32 $0x0;
	[sflag:s6] =	ssyncpa.u1 $0x0;
	s6 =	sshrl.u32 s7, $0xC  }
0xa: {  	s5 =	sadd.s32 $0xE00, s5;
	s11 =	smov.u32 s3;
	s7 =	sadd.s32 $0x2, s6  }
.LBB1_5:
0xb: {  	p1 =	slt.u32 s13, $0x2  }
0xc: {  	s17 =	smov.u32 s15;
	p2 =	sgt.s32 @!p1 s15, $0xF41C0;
	s16 =	sshra.s32 @!p1 s15, $0x1F  }
0xd: {  	p3 =	sgt.s32 @!p1 s14, $0x40;
	s18 =	sshra.s32 @!p1 s14, $0x1F;
	p2 =	por !p2, p1  }
0xe: {  	s15 =	sand.u32 @!p1 s16, s15;
	p3 =	por !p3, p1;
	s16 =	smov.u32 s14  }
0xf: {  	s14 =	sand.u32 @!p1 s18, s14;
	s17 =	simm.s32 @p2 $0xF41C0;
	s16 =	simm.s32 @p3 $0x40  }
0x10: {  	s15 =	ssub.s32 @!p1 s17, s15;
	s14 =	ssub.s32 @!p1 s16, s14  }
0x11: {  	s18 =	smov.u32 s12;
	s16 =	sadd.s32 @!p1 $0xFFF0BE40, s15;
	s17 =	sadd.s32 @!p1 $0xFFFFFFC0, s14  }
0x12: {  	s15 =	ssub.s32 @!p1 $0xF4240, s15;
	p2 =	sgt.s32 @!p1 s16, $0x7F;
	p3 =	sgt.s32 @!p1 s17, $0x3F  }
0x13: {  	s14 =	ssub.s32 @!p1 $0x80, s14;
	p2 =	por !p2, p1;
	p3 =	por !p3, p1  }
0x14: {  	s16 =	sadd.s32 $0x1000, s11;
	s15 =	simm.s32 @!p2 $0x0;
	s14 =	simm.s32 @!p3 $0x0  }
0x15: {  	p2 =	sgt.s32 s16, $0xF423F;
	s14 =	smul.u32 @!p1 s14, s15;
	s15 =	sadd.s32 $0x40, s12  }
0x16: {  	s18 =	smov.u32 @p2 s15  }
0x17: {  	s16 =	smov.u32 @p2 s3;
	p2 =	sgt.s32 s18, $0x3F  }
0x18: {  	s18 =	simm.s32 @p2 $0x0;
	p2 =	sne.s32 s13, s7  }
.Ltmp1:
0x19: {  	p0 =	por !p0, !p0;
	s17 =	simm.s32 @!p1 $0x2;
	(pc) =	sbr.rel @!p2 .LBB1_6-.Ltmp1, $4  }
0x1a: {  	s15 =	smov.u32 s9;
	s9 =	smov.u32 s11;
	s14 =	sand.u32 @!p1 $0x3FFFFFFF, s14  }
0x1b: {  	s11 =	smov.u32 s16;
	_ =	swait.ge @!p1 [sflag:s17], s14;
	s19 =	ssub.s32 @!p1 $0x0, s14  }
0x1c: {  	s14 =	smov.u32 s10;
	s13 =	sadd.s32 $0x1, s13;
	[sflag:s17] =	ssyncset.done @!p1 $0x0  }
0x1d: {  	s10 =	smov.u32 s12;
	s12 =	smov.u32 s18;
	[sflag:s17] =	ssyncadd.s32 @!p1 s19  }
.LBB1_1:
0x1e: {  	p1 =	sgt.u32 s13, s6  }
0x1f: {  	s16 =	sshrl.u32 @!p1 s12, $0x3  }
0x20: {  	s17 =	sshll.u32 @!p1 s11, $0x3;
	s16 =	smul.u32 @!p1 $0x7A1400, s16  }
0x21: {  	s18 =	sshll.u32 @!p1 s12, $0x7;
	s17 =	sand.u32 @!p1 $0xFFFFFC00, s17  }
0x22: {  	s16 =	sadd.s32 @!p1 s16, s17;
	s17 =	sand.u32 @!p1 $0x380, s18  }
0x23: {  	s18 =	sand.u32 @!p1 $0x7F, s11;
	s16 =	sor.u32 @!p1 s17, s16  }
0x24: {  	s17 =	sor.u32 @!p1 s18, s16  }
0x25: {  	s18 =	smulhi.u32 @!p1 $0x218D6287, s17;
	_ =	sdelay $0x1  }
0x26: {  	s16 =	smulhi.u32 @!p1 $0x218D6287, s16;
	s18 =	sshrl.u32 @!p1 s18, $0x11  }
0x27: {  	s18 =	smul.u32 @!p1 $0xF4280, s18  }
0x28: {  	s19 =	sxor.u32 @!p1 $0xFFFFFFFF, s13;
	s16 =	sshrl.u32 @!p1 s16, $0x11  }
0x29: {  	s19 =	sshll.u32 @!p1 s19, $0xD;
	s16 =	sand.u32 @!p1 $0x3F, s16;
	s17 =	ssub.s32 @!p1 s17, s18  }
0x2a: {  	s16 =	smul.u32 @!p1 $0x1E850, s16;
	s18 =	sshrl.u32 @!p1 s17, $0x3;
	s17 =	sand.u32 @!p1 $0x7, s17  }
0x2b: {  	s19 =	sand.u32 @!p1 $0x2000, s19;
	s18 =	sadd.s32 @!p1 s2, s18;
	s17 =	sshll.u32 @!p1 s17, $0x12  }
0x2c: {  	s16 =	sadd.s32 @!p1 s16, s18;
	s17 =	sor.u32 @!p1 $0x400, s17;
	s18 =	simm.s32 @!p1 $0x7A1400  }
0x2d: {  	[tilespmem:s19], [sflag:$0x1] =	stream.strided.gather @!p1 [hbm4b:s16+s17], $0x2000, s18, s17, $0x38;
	[tilespmem:$0x8100] =	vst v63  }
0x2e: {  	p1 =	seq.s32 s13, $0x0  }
0x2f: {  	p2 =	sge.u32 @!p1 s13, s7  }
0x30: {  	p1 =	por p1, p2  }
.Ltmp2:
0x31: {  	_ = 	snop;
	(pc) =	sbr.rel @p1 .LBB1_5-.Ltmp2, $1  }
0x32: {  	_ =	sdelay $0x3  }
0x33: {  	s16 =	simm.s32 $0x1  }
0x34: {  	_ =	swait.ge [sflag:s4], $0x2000;
	s16 =	simm.s32 @!p0 $0x0  }
0x35: {  	[sflag:s4] =	ssyncset.done $0x0;
	s17 =	sshll.u32 s16, $0xD  }
0x36: {  	[sflag:s4] =	ssyncadd.s32 $0xFFFFE000;
	s17 =	sor.u32 $0x40, s17  }
0x37: {  	s16 =	smul.u32 $0x8200, s16;
	v0 =	vld [tilespmem:s17+$0x30]  }
0x38: {  	v1 =	vld [tilespmem:s17+$0xFFFFFFD0]  }
0x39: {  	s16 =	sshrl.u32 s16, $0x2;
	v5 =	vld [tilespmem:s17+$0xFFFFFFE0]  }
0x3a: {  	v6 =	vld [tilespmem:s17+$0xFFFFFFF0];
	s19 =	sor.u32 $0x4000, s16  }
0x3b: {  	s31 =	sand.u32 $0x1, s13;
	v4 =	vld [tilespmem:s17+$0x0];
	s18 =	sadd.s32 $0x0, s19  }
0x3c: {  	v3 =	vld [tilespmem:s17+$0x10];
	s16 =	smul.u32 $0x8200, s31;
	[tilespmem:s18+$0x1C70 ss:$0x41] =	vst.msk $0xffff, v0  }
0x3d: {  	v2 =	vld [tilespmem:s17+$0x20];
	[tilespmem:s18+$0x410 ss:$0x41] =	vst.msk $0xffff, v1  }
0x3e: {  	s16 =	sshrl.u32 s16, $0x2;
	v1 =	vld [tilespmem:s17+$0xFFFFFFC0];
	[tilespmem:s18+$0x820 ss:$0x41] =	vst.msk $0xffff, v5;
	s17 =	sadd.s32 $0x80, s17  }
0x3f: {  	s20 =	simm.s32 $0x4;
	s21 =	simm.s32 $0x8;
	s16 =	sor.u32 $0x4000, s16;
	[tilespmem:s18+$0xC30 ss:$0x41] =	vst.msk $0xffff, v6;
	v0 =	vld [tilespmem:s17+$0x30]  }
.LBB1_3:
0x40: {  	p1 =	sne.s32 s21, $0xFC;
	v5 =	vld [tilespmem:s17+$0xFFFFFFD0];
	[tilespmem:s18+$0x1040 ss:$0x41] =	vst.msk $0xffff, v4  }
0x41: {  	v6 =	vld [tilespmem:s17+$0xFFFFFFE0];
	[tilespmem:s18+$0x1450 ss:$0x41] =	vst.msk $0xffff, v3  }
0x42: {  	s22 =	sshra.s32 s20, $0x2;
	s20 =	smov.u32 s21;
	v7 =	vld [tilespmem:s17+$0xFFFFFFF0];
	[tilespmem:s18+$0x1860 ss:$0x41] =	vst.msk $0xffff, v2  }
.Ltmp3:
0x43: {  	v4 =	vld [tilespmem:s17+$0x0];
	[tilespmem:s18+$0x0 ss:$0x41] =	vst.msk $0xffff, v1;
	s18 =	sadd.s32 s22, s19;
	(pc) =	sbr.rel @p1 .LBB1_3-.Ltmp3, $4  }
0x44: {  	v3 =	vld [tilespmem:s17+$0x10];
	[tilespmem:s18+$0x1C70 ss:$0x41] =	vst.msk $0xffff, v0  }
0x45: {  	[tilespmem:s18+$0x410 ss:$0x41] =	vst.msk $0xffff, v5;
	v2 =	vld [tilespmem:s17+$0x20]  }
0x46: {  	v1 =	vld [tilespmem:s17+$0xFFFFFFC0];
	[tilespmem:s18+$0x820 ss:$0x41] =	vst.msk $0xffff, v6;
	s17 =	sadd.s32 $0x80, s17  }
0x47: {  	s21 =	sadd.s32 $0x4, s21;
	v0 =	vld [tilespmem:s17+$0x30];
	[tilespmem:s18+$0xC30 ss:$0x41] =	vst.msk $0xffff, v7  }
0x48: {  	s21 =	sshll.u32 s9, $0x7;
	s22 =	sshll.u32 s10, $0x3;
	s20 =	sshra.s32 s20, $0x2  }
0x49: {  	p1 =	sgt.s32 s9, $0xF41C0;
	s30 =	sshra.s32 s9, $0x1F;
	s25 =	sshra.s32 s10, $0x1F  }
0x4a: {  	v5 =	vld [tilespmem:s17+$0xFFFFFFD0];
	s28 =	sshrl.u32 s10, $0x3;
	s23 =	sand.u32 $0xFFFFFC00, s21;
	s22 =	sand.u32 $0xFFFFFC00, s22  }
0x4b: {  	[tilespmem:s18+$0x1040 ss:$0x41] =	vst.msk $0xffff, v4;
	v58 =	vld [tilespmem:s17+$0xFFFFFFE0];
	s21 =	sand.u32 $0x380, s21;
	s19 =	sadd.s32 s20, s19;
	s22 =	sadd.s32 s22, s23  }
0x4c: {  	v59 =	vld [tilespmem:s17+$0xFFFFFFF0];
	[tilespmem:s18+$0x1450 ss:$0x41] =	vst.msk $0xffff, v3;
	s29 =	sor.u32 s21, s22;
	s21 =	smov.u32 s9;
	s22 =	sand.u32 s30, s9  }
0x4d: {  	v60 =	vld [tilespmem:s17+$0x0];
	[tilespmem:s18+$0x1860 ss:$0x41] =	vst.msk $0xffff, v2;
	s30 =	sand.u32 $0x7, s10;
	s20 =	sshrl.u32 s29, $0x7;
	s21 =	simm.s32 @!p1 $0xF41C0  }
0x4e: {  	v61 =	vld [tilespmem:s17+$0x10];
	[tilespmem:s18+$0x0 ss:$0x41] =	vst.msk $0xffff, v1;
	p1 =	sgt.s32 s10, $0x40;
	s24 =	ssub.s32 s21, s22;
	s21 =	smov.u32 s10  }
0x4f: {  	v62 =	vld [tilespmem:s17+$0x20];
	[tilespmem:s19+$0x1C70 ss:$0x41] =	vst.msk $0xffff, v0;
	s31 =	smulhi.u32 $0x218DEF5, s20;
	s22 =	sand.u32 s25, s10;
	s21 =	simm.s32 @!p1 $0x40  }
0x50: {  	v63 =	vld [tilespmem:s17+$0xFFFFFFC0];
	[tilespmem:s19+$0x410 ss:$0x41] =	vst.msk $0xffff, v5;
	s26 =	sadd.s32 $0xFFF0BE40, s24;
	s17 =	ssub.s32 $0xF4240, s24;
	s21 =	ssub.s32 s21, s22  }
0x51: {  	[tilespmem:s19+$0x820 ss:$0x41] =	vst.msk $0xffff, v58;
	s23 =	sshrl.u32 s31, $0xD;
	p1 =	sgt.s32 s26, $0x7F;
	s27 =	sadd.s32 $0xFFFFFFC0, s21  }
0x52: {  	[tilespmem:s19+$0xC30 ss:$0x41] =	vst.msk $0xffff, v59;
	s23 =	smul.u32 $0xF4240, s23;
	s18 =	ssub.s32 $0x80, s21;
	p2 =	sgt.s32 s27, $0x3F  }
.Ltmp4:
0x53: {  	[tilespmem:s19+$0x1040 ss:$0x41] =	vst.msk $0xffff, v60;
	s17 =	simm.s32 @p1 $0x0;
	s18 =	simm.s32 @p2 $0x0;
	(pc) =	sbr.rel .LBB1_5-.Ltmp4, $4  }
0x54: {  	s29 =	sand.u32 $0xF, s28;
	[tilespmem:s19+$0x1450 ss:$0x41] =	vst.msk $0xffff, v61;
	s20 =	ssub.s32 s20, s23;
	s17 =	smul.u32 s18, s17  }
0x55: {  	[tilespmem:s19+$0x1860 ss:$0x41] =	vst.msk $0xffff, v62;
	s21 =	sshll.u32 s30, $0x12;
	s20 =	sshll.u32 s20, $0x4;
	s18 =	sadd.s32 s5, s29  }
0x56: {  	[tilespmem:s19+$0x0 ss:$0x41] =	vst.msk $0xffff, v63;
	s31 =	sor.u32 $0x40, s21;
	s18 =	sadd.s32 s20, s18;
	s17 =	sand.u32 $0x3FFFFFFF, s17  }
0x57: {  	[hbm4b:s18+s31] =	stream.strided.scatter [tilespmem:s16], [sflag:$0x2], s17, s8, s31, $0x18;
	[tilespmem:$0x8100] =	vst v63  }
.LBB1_6:
0x58: {  	_ =	sfence.sel $0x180000  }
0x59: {  	s2 =	simm.s32 $0x1;
	[bflag:$0x0] =	sbarrier.arrive $0xFFFF  }
0x5a: {  	s31 =	simm.s32 $0x2;
	[sflag:s2] =	ssyncpa.u1 $0x1  }
0x5b: {  	[sflag:s31] =	ssyncpa.u1 $0x1  }
0x5c: {  	p0 =	sne.s32 s1, $0x0;
	_ =	strace $0x90000047  }
0x5d: {  	s0 =	sadd.s32 @!p0 $0x100000, s0;
	[bflag:$0x2] =	sbarrier.arrive $0xFFFF  }
0x5e: {  	[sflag:s0] =	ssyncadd.tile.s32 @!p0 $0x1;
	_ =	shalt  }
.Lfunc_end1:
_tile_overlayer_lowered:
.L_overlay_start_2:
0x5f: {  	(tag) =	ssettag $0x2  }
0x60: {  	s0 =	rddreg [dreg:$0x0];
	s2 =	stileid.u32  }
0x61: {  	s1 =	rddreg [dreg:$0x1];
	p0 =	sne.s32 s2, $0x0  }
0x62: {  	s3 =	rddreg [dreg:$0x2];
	[bflag:$0x3] =	sbarrier.arrive $0xFFFF;
	s2 =	simm.s32 @!p0 $0x1C01  }
0x63: {  	[timem:s3], [sflag:s2] =	dma.local @!p0 [hbm:s0], s1  }
0x64: {  	s0 =	simm.s32 @!p0 $0x1  }
0x65: {  	_ =	swait.ge @!p0 [sflag:s0], s1  }
0x66: {  	s1 =	ssub.s32 @!p0 $0x0, s1;
	[sflag:s0] =	ssyncset.done @!p0 $0x0  }
0x67: {  	[sflag:s0] =	ssyncadd.s32 @!p0 s1  }
0x68: {  	[bflag:$0x3] =	sbarrier.arrive $0xFFFF  }
0x69: {  	_ =	shalt  }

// kernel: sparse-core-data-format-call.cloned.1.call-start
scs
called_computation_lowered:
.L_overlay_start_0:
0x0: {  	s2 =	sld [smem:$0x3FD9]  }
0x1: {  	s3 =	sld [smem:$0x3FFE];
	_ =	sdelay $0x1  }
0x2: {  	s1 =	srdreg.scid  }
0x3: {  	s0 =	sand.u32 $0x1, s1  }
0x4: {  	s18 =	sshll.u32 s0, $0xA;
	s2 =	sadd.s32 s3, s2  }
0x5: {  	s2 =	sadd.s32 s2, s18  }
0x6: {  	[smem:$0x3FC6] =	sst s2  }
0x7: {  	_ = 	snop  }
0x8: {  	s2 =	sld [smem:$0x3FD0];
	(tm) =	ssettm $0x1  }
0x9: {  	s19 =	sld [smem:$0x3FFB];
	_ =	sdelay $0x3  }
0xa: {  	_ =	strace s19  }
0xb: {  	s3 =	sld [smem:$0x3FFC];
	_ =	sdelay $0x3  }
0xc: {  	_ =	strace s3  }
0xd: {  	s3 =	sld [smem:$0x3FFD];
	_ =	sdelay $0x3  }
0xe: {  	_ =	strace s3  }
0xf: {  	_ =	strace $0x8FFFFFFF  }
0x10: {  	s20 =	sld [smem:$0x3FDB];
	_ =	sdelay $0x1  }
0x11: {  	s4 =	simm.s32 $_scs_section_size  }
0x12: {  	s5 =	simm.s32 $_size__tile_overlayer_lowered;
	s6 =	simm.s32 $_tile_overlayer_lowered  }
0x13: {  	s23 =	simm.s32 $0x1BFF;
	s22 =	sshll.u32 s6, $0x1;
	s3 =	sadd.s32 s4, s20  }
0x14: {  	s7 =	simm.s32 $0x0;
	s21 =	sshll.u32 s5, $0x1;
	s5 =	sadd.s32 s22, s3  }
0x15: {  	[timem:s7], [sflag:s23] =	dma.local [hbm:s5], s21  }
0x16: {  	_ =	swait.ge [sflag:s23], s21  }
0x17: {  	s4 =	ssub.s32 $0x0, s21;
	[sflag:s23] =	ssyncset.done $0x0  }
0x18: {  	[sflag:s23] =	ssyncadd.s32 s4;
	_ =	sdelay $0x1  }
0x19: {  	s24 =	simm.s32 $0x1B8B  }
0x1a: {  	_ =	swait.ge [sflag:s24], $0x1  }
0x1b: {  	[sflag:s24] =	ssyncset.done $0x0  }
0x1c: {  	s26 =	simm.s32 $0x1B8E;
	s25 =	sld [smem:$0x3FFE];
	[sflag:s24] =	ssyncadd.s32 $0xFFFFFFFF  }
0x1d: {  	s27 =	simm.s32 $execute0_lowered;
	[smem:$0x3FD2] =	sst s26  }
0x1e: {  	s5 =	sshll.u32 s27, $0x1;
	_ =	strace $0x8000004C;
	[dreg:$0x1] =	wrdreg $0xFFFFFFFF  }
0x1f: {  	s28 =	simm.s32 $_size_execute0_lowered;
	s3 =	sadd.s32 s3, s5;
	[dreg:$0x0] =	wrdreg $0x0  }
0x20: {  	s5 =	sshll.u32 s28, $0x1;
	[dreg:$0x2] =	wrdreg s3  }
0x21: {  	[dreg:$0x3] =	wrdreg s5  }
0x22: {  	[dreg:$0x4] =	wrdreg $0xC0  }
0x23: {  	_ =	task [dreg:s7], $0x5FFFF  }
0x24: {  	[dreg:$0x1] =	wrdreg $0xFFFFFFFF  }
0x25: {  	[dreg:$0x0] =	wrdreg $0x60  }
0x26: {  	[dreg:$0x2] =	wrdreg s25  }
0x27: {  	[dreg:$0x3] =	wrdreg s2  }
0x28: {  	[dreg:$0x4] =	wrdreg $0x9  }
0x29: {  	_ =	task.clear_ibuf [dreg:s7], $0x5FFFF;
	_ =	strace $0x9000004C  }
0x2a: {  	s29 =	simm.s32 $0x9;
	_ =	strace $0x8000004E  }
0x2b: {  	_ =	swait.ge [sflag:s29], $0x1  }
0x2c: {  	[sflag:s29] =	ssyncadd.s32 $0xFFFFFFFF  }
0x2d: {  	_ =	strace $0x9000004E  }
0x2e: {  	_ =	sfence  }
0x2f: {  	s30 =	sld [smem:$0x0];
	_ =	sdelay $0x2  }
0x30: {  	s31 =	sshll.u32 s1, $0xD;
	s1 =	sshrl.u32 s1, $0x2  }
0x31: {  	s3 =	sand.u32 $0x4000, s31;
	s1 =	sadd.s32 s1, s30  }
0x32: {  	s0 =	sor.u32 s3, s0;
	s1 =	sshll.u32 s1, $0x11  }
0x33: {  	s0 =	sor.u32 s1, s0  }
0x34: {  	s0 =	sadd.s32 $0x8F2B, s0  }
0x35: {  	[sflag:s0] =	ssyncadd.remote.s32 $0x1  }
0x36: {  	_ =	sfence.sel $0xFFFF  }
0x37: {  	[dreg:$0x0] =	wrdreg $0xFFFFFFFF;
	(pc) =	sbr.abs _section_cstart, $3  }
0x38: {  	[dreg:$0x1] =	wrdreg $0xFFFFFFFF  }
0x39: {  	_ =	task.clear_ibuf [dreg:s7], $0x2FFFF;
	_ =	strace $0x9FFFFFFF  }
0x3a: {  	(tm) =	ssettm $0x7FFFFFFF  }
0x3b: {  	_ =	shalt  }
tec
execute0_lowered:
.L_overlay_start_1:
0x0: {  	(tag) =	ssettag $0x1  }
0x1: {  	s0 =	srdreg.scid  }
0x2: {  	s1 =	sshll.u32 s0, $0x4  }
0x3: {  	s0 =	stileid.u32;
	s1 =	sand.u32 $0x10, s1  }
0x4: {  	s1 =	sor.u32 s0, s1  }
0x5: {  	s6 =	rddreg [dreg:$0x0];
	s4 =	simm.s32 $0x1;
	s2 =	sshll.u32 s1, $0x7  }
0x6: {  	s7 =	simm.s32 $0x2;
	s12 =	simm.s32 $0x0;
	s1 =	ssub.s32 $0x4000, s2  }
0x7: {  	s8 =	simm.s32 $0x20000;
	s13 =	simm.s32 $0x0;
	s3 =	sand.u32 $0xF80, s1  }
0x8: {  	s9 =	simm.s32 $0x0;
	s5 =	sshrl.u32 s1, $0xC;
	p0 =	sne.s32 s3, $0x0  }
.Ltmp0:
0x9: {  	s1 =	rddreg [dreg:$0x2];
	s4 =	simm.s32 @!p0 $0x0;
	(pc) =	sbr.rel .LBB1_1-.Ltmp0, $4  }
0xa: {  	s11 =	simm.s32 $0x0;
	s3 =	rddreg [dreg:$0x1];
	s5 =	sadd.s32 s4, s5  }
0xb: {  	_ =	strace $0x8000004D;
	s4 =	simm.s32 $0x1;
	s5 =	smul.u32 $0x32, s5  }
0xc: {  	s6 =	sadd.s32 $0xE00, s6;
	s10 =	smov.u32 s2;
	[sflag:s4] =	ssyncpa.u1 $0x0  }
0xd: {  	p0 =	por $0x0, $0x0;
	[sflag:s7] =	ssyncpa.u1 $0x0;
	s7 =	sor.u32 $0x1, s5  }
.LBB1_4:
0xe: {  	s16 =	sshll.u32 s13, $0x3;
	s17 =	sand.u32 $0x78, s13  }
0xf: {  	s30 =	sand.u32 $0x1F800, s13;
	s12 =	sshll.u32 s12, $0x11;
	s16 =	sand.u32 $0x3C00, s16  }
0x10: {  	[tilespmem:s15+$0x810 ss:$0x81] =	vst.msk $0xffff, v2;
	s31 =	sand.u32 $0x7, s13;
	s16 =	sor.u32 s17, s16;
	s17 =	sadd.s32 s3, s30  }
0x11: {  	[tilespmem:s15+$0x1020 ss:$0x81] =	vst.msk $0xffff, v0;
	s13 =	sshll.u32 s31, $0x12;
	s12 =	sadd.s32 s12, s17;
	s16 =	sshrl.u32 s16, $0x3  }
0x12: {  	[tilespmem:s15+$0x0 ss:$0x81] =	vst.msk $0xffff, v1;
	s13 =	sor.u32 $0x400, s13;
	s12 =	sadd.s32 s16, s12  }
0x13: {  	[hbm4b:s12+s13] =	stream.strided.scatter [tilespmem:s14], [sflag:$0x2], $0x2000, s8, s13, $0x20;
	[tilespmem:$0x8080] =	vst v63  }
.LBB1_5:
0x14: {  	s14 =	sadd.s32 $0x1, s9  }
0x15: {  	s12 =	sadd.s32 $0x1000, s10;
	s16 =	smov.u32 s10;
	p2 =	sgt.s32 s14, $0x31  }
0x16: {  	s16 =	smov.u32 @p2 s12  }
0x17: {  	s14 =	simm.s32 @p2 $0x0;
	p2 =	sgt.s32 s16, $0x3FFF  }
0x18: {  	s16 =	smov.u32 @p2 s2;
	p2 =	sne.s32 s11, s7  }
.Ltmp1:
0x19: {  	p1 =	slt.u32 s11, $0x2;
	(pc) =	sbr.rel @!p2 .LBB1_6-.Ltmp1, $4  }
0x1a: {  	s15 =	simm.s32 @!p1 $0x2  }
0x1b: {  	s13 =	smov.u32 s10;
	p0 =	por !p0, !p0;
	_ =	swait.ge @!p1 [sflag:s15], $0x2000  }
0x1c: {  	s12 =	smov.u32 s9;
	[sflag:s15] =	ssyncset.done @!p1 $0x0;
	s9 =	smov.u32 s14  }
0x1d: {  	s11 =	sadd.s32 $0x1, s11;
	[sflag:s15] =	ssyncadd.s32 @!p1 $0xFFFFE000;
	s10 =	smov.u32 s16  }
.LBB1_1:
0x1e: {  	p1 =	sge.u32 s11, s5  }
0x1f: {  	s14 =	sand.u32 @!p1 $0x1FFFFFF, s9  }
0x20: {  	s15 =	smulhi.u32 @!p1 $0x4924925, s14;
	_ =	sdelay $0x1  }
0x21: {  	s15 =	smul.u32 @!p1 $0x38, s15  }
0x22: {  	s16 =	sxor.u32 @!p1 $0xFFFFFFFF, s11;
	s17 =	smul.u32 @!p1 $0x380, s10  }
0x23: {  	s31 =	sadd.s32 $0xFFFFFFFF, s11;
	s16 =	sshll.u32 @!p1 s16, $0xD;
	s14 =	ssub.s32 @!p1 s14, s15  }
0x24: {  	s15 =	sand.u32 @!p1 $0x2000, s16;
	s16 =	sadd.s32 @!p1 s6, s17;
	s14 =	sshll.u32 @!p1 s14, $0x4  }
0x25: {  	s17 =	simm.s32 @!p1 $0x1C00;
	s14 =	sadd.s32 @!p1 s14, s16;
	s16 =	simm.s32 @!p1 $0x40  }
0x26: {  	[tilespmem:s15], [sflag:$0x1] =	stream.strided.gather @!p1 [hbm4b:s14+s16], $0x2000, s17, s16, $0x38;
	[tilespmem:$0x8080] =	vst v63  }
0x27: {  	p1 =	sge.u32 s31, s5  }
.Ltmp2:
0x28: {  	_ = 	snop;
	(pc) =	sbr.rel @p1 .LBB1_5-.Ltmp2, $1  }
0x29: {  	_ =	sdelay $0x3  }
0x2a: {  	s14 =	simm.s32 $0x1  }
0x2b: {  	_ =	swait.ge [sflag:s4], $0x2000;
	s14 =	simm.s32 @!p0 $0x0  }
0x2c: {  	[sflag:s4] =	ssyncset.done $0x0;
	s15 =	sshll.u32 s14, $0xD  }
0x2d: {  	[sflag:s4] =	ssyncadd.s32 $0xFFFFE000;
	s18 =	sor.u32 $0x20, s15  }
0x2e: {  	s14 =	smul.u32 $0x8100, s14;
	v3 =	vld [tilespmem:s18+$0x10]  }
0x2f: {  	s30 =	sand.u32 $0x1, s11;
	v2 =	vld [tilespmem:s18+$0xFFFFFFF0]  }
0x30: {  	s15 =	smul.u32 $0x8100, s30;
	s14 =	sshrl.u32 s14, $0x2;
	v0 =	vld [tilespmem:s18+$0x0]  }
0x31: {  	v1 =	vld [tilespmem:s18+$0xFFFFFFE0];
	s16 =	sor.u32 $0x4000, s14  }
0x32: {  	s31 =	sshrl.u32 s15, $0x2;
	s15 =	sadd.s32 $0x0, s16  }
0x33: {  	s17 =	simm.s32 $0x4;
	s18 =	sadd.s32 $0x40, s18;
	s14 =	sor.u32 $0x4000, s31;
	[tilespmem:s15+$0x1830 ss:$0x81] =	vst.msk $0xffff, v3  }
.LBB1_3:
0x34: {  	v3 =	vld [tilespmem:s18+$0x10];
	p1 =	sne.s32 s17, $0x1FC;
	[tilespmem:s15+$0x810 ss:$0x81] =	vst.msk $0xffff, v2;
	s19 =	smov.u32 s17;
	s17 =	sadd.s32 $0x4, s17  }
.Ltmp3:
0x35: {  	v2 =	vld [tilespmem:s18+$0xFFFFFFF0];
	[tilespmem:s15+$0x1020 ss:$0x81] =	vst.msk $0xffff, v0;
	(pc) =	sbr.rel @p1 .LBB1_3-.Ltmp3, $4  }
0x36: {  	v0 =	vld [tilespmem:s18+$0x0];
	[tilespmem:s15+$0x0 ss:$0x81] =	vst.msk $0xffff, v1  }
0x37: {  	s15 =	sshra.s32 s19, $0x2;
	v1 =	vld [tilespmem:s18+$0xFFFFFFE0]  }
0x38: {  	s15 =	sadd.s32 s15, s16  }
0x39: {  	s18 =	sadd.s32 $0x40, s18;
	[tilespmem:s15+$0x1830 ss:$0x81] =	vst.msk $0xffff, v3  }
.Ltmp4:
0x3a: {  	_ = 	snop;
	(pc) =	sbr.rel .LBB1_4-.Ltmp4, $1  }
0x3b: {  	_ =	sdelay $0x3  }
.LBB1_6:
0x3c: {  	_ =	sfence.sel $0x180000  }
0x3d: {  	s2 =	simm.s32 $0x1;
	[bflag:$0x0] =	sbarrier.arrive $0xFFFF  }
0x3e: {  	s31 =	simm.s32 $0x2;
	[sflag:s2] =	ssyncpa.u1 $0x1  }
0x3f: {  	[sflag:s31] =	ssyncpa.u1 $0x1  }
0x40: {  	p0 =	sne.s32 s0, $0x0;
	_ =	strace $0x9000004D  }
0x41: {  	s0 =	sadd.s32 @!p0 $0x100000, s1;
	[bflag:$0x2] =	sbarrier.arrive $0xFFFF  }
0x42: {  	[sflag:s0] =	ssyncadd.tile.s32 @!p0 $0x1;
	_ =	shalt  }
.Lfunc_end1:
_tile_overlayer_lowered:
.L_overlay_start_2:
0x43: {  	(tag) =	ssettag $0x2  }
0x44: {  	s0 =	rddreg [dreg:$0x0];
	s2 =	stileid.u32  }
0x45: {  	s1 =	rddreg [dreg:$0x1];
	p0 =	sne.s32 s2, $0x0  }
0x46: {  	s3 =	rddreg [dreg:$0x2];
	[bflag:$0x3] =	sbarrier.arrive $0xFFFF;
	s2 =	simm.s32 @!p0 $0x1C01  }
0x47: {  	[timem:s3], [sflag:s2] =	dma.local @!p0 [hbm:s0], s1  }
0x48: {  	s0 =	simm.s32 @!p0 $0x1  }
0x49: {  	_ =	swait.ge @!p0 [sflag:s0], s1  }
0x4a: {  	s1 =	ssub.s32 @!p0 $0x0, s1;
	[sflag:s0] =	ssyncset.done @!p0 $0x0  }
0x4b: {  	[sflag:s0] =	ssyncadd.s32 @!p0 s1  }
0x4c: {  	[bflag:$0x3] =	sbarrier.arrive $0xFFFF  }
0x4d: {  	_ =	shalt  }

</sc_bundles>
